<compile_context>
chip_gen: v7x
topology: tpu7x:2x2x1
jax: 0.10.2.dev20260603
libtpu: 0.0.44.dev20260713+nightly
codegen_flags: <defaults>
</compile_context>

<pallas_src>
import functools

import jax
import jax.numpy as jnp
from jax import lax
from jax.experimental import pallas as pl
from jax.experimental.pallas import tpu as pltpu
from jax.experimental.pallas import tpu_sc as plsc

N = 10000
E = 320000
DF = 128
DE = 64
NG = 64
DT = 10
DH = 4 * DE

GROUP = 200
EDGES_PER_TILE = E // 32
GROUPS_PER_TILE = EDGES_PER_TILE // GROUP
NROWS_TILE = N // 16

_sc_params = pltpu.CompilerParams(use_tc_tiling_on_sc=False)


def _fill3d(ref, rows, cols, value):
    vals = jnp.full((16,), value, jnp.float32)

    def body(i, carry):
        for k in range(cols // 16):
            ref[0, i, pl.ds(k * 16, 16)] = vals
        return carry

    lax.fori_loop(0, rows, body, 0, unroll=False)


def _zero_slice(zrows_ref, dst_sh, base, total):
    off = 0
    while off < total:
        n = min(GROUP, total - off)
        pltpu.sync_copy(zrows_ref.at[0, pl.ds(0, n)],
                        dst_sh.at[0, pl.ds(base + off, n)])
        off += n


@functools.lru_cache(maxsize=None)
def _build_sc_kernels():
  mesh = plsc.VectorSubcoreMesh(core_axis_name="c", subcore_axis_name="s",
                                num_cores=2, num_subcores=16)

  @functools.partial(
    pl.kernel,
    out_type=jax.ShapeDtypeStruct((2, N, 16), jnp.float32),
    mesh=mesh,
    compiler_params=_sc_params,
    scratch_types=[
        pltpu.VMEM((1, GROUP, 16), jnp.float32),
        pltpu.VMEM((GROUPS_PER_TILE, 1, GROUP), jnp.int32),
        pltpu.VMEM_SHARED((1, N, 16), jnp.float32),
    ],
)
  def _deg_call(dst_hbm, out_hbm, ones_b, didx, degw_sh):
      c = lax.axis_index("c")
      s = lax.axis_index("s")
      w = c * 16 + s
      _fill3d(ones_b, GROUP, 16, 0.0)
      _zero_slice(ones_b, degw_sh, s * NROWS_TILE, NROWS_TILE)
      _fill3d(ones_b, GROUP, 16, 1.0)
      pltpu.sync_copy(dst_hbm.at[pl.ds(w * GROUPS_PER_TILE, GROUPS_PER_TILE)], didx)
      plsc.subcore_barrier()

      def body(g, carry):
          pltpu.sync_copy(ones_b, degw_sh.at[didx.at[g]], add=True)
          return carry

      lax.fori_loop(0, GROUPS_PER_TILE, body, 0, unroll=False)
      plsc.subcore_barrier()
      sl = pl.ds(s * NROWS_TILE, NROWS_TILE)
      pltpu.sync_copy(degw_sh.at[0, sl], out_hbm.at[c, sl])


  @functools.partial(
      pl.kernel,
      out_type=jax.ShapeDtypeStruct((2, N, DE), jnp.float32),
      mesh=mesh,
      compiler_params=_sc_params,
      scratch_types=[
          pltpu.VMEM((2, 1, GROUP, DE), jnp.float32),
          pltpu.VMEM((GROUPS_PER_TILE, 1, GROUP), jnp.int32),
          pltpu.VMEM((GROUPS_PER_TILE, 1, GROUP), jnp.int32),
          pltpu.VMEM_SHARED((1, N, DE), jnp.float32),
          pltpu.VMEM_SHARED((1, N, DE), jnp.float32),
          pltpu.SemaphoreType.DMA,
          pltpu.SemaphoreType.DMA,
          pltpu.SemaphoreType.DMA,
          pltpu.SemaphoreType.DMA,
      ],
  )
  def _agg_call(h_hbm, src_hbm, dst_hbm, out_hbm, rows, sidx, didx, agg_sh,
                hst_sh, gsem0, gsem1, ssem0, ssem1):
      c = lax.axis_index("c")
      s = lax.axis_index("s")
      w = c * 16 + s
      gsems = (gsem0, gsem1)
      ssems = (ssem0, ssem1)
      hsl = pl.ds(s * NROWS_TILE, NROWS_TILE)
      pltpu.sync_copy(h_hbm.at[0, hsl], hst_sh.at[0, hsl])
      _fill3d(rows.at[0], GROUP, DE, 0.0)
      _zero_slice(rows.at[0], agg_sh, s * NROWS_TILE, NROWS_TILE)
      pltpu.sync_copy(src_hbm.at[pl.ds(w * GROUPS_PER_TILE, GROUPS_PER_TILE)], sidx)
      pltpu.sync_copy(dst_hbm.at[pl.ds(w * GROUPS_PER_TILE, GROUPS_PER_TILE)], didx)
      plsc.subcore_barrier()

      def pair_body(i, carry):
          for b in range(2):
              g = 2 * i + b

              @pl.when(g >= 2)
              def _():
                  pltpu.make_async_copy(
                      rows.at[b], agg_sh.at[didx.at[g - 2]], ssems[b]).wait()

              pltpu.async_copy(hst_sh.at[sidx.at[g]], rows.at[b], gsems[b]).wait()
              pltpu.async_copy(rows.at[b], agg_sh.at[didx.at[g]], ssems[b],
                               add=True)
          return carry

      lax.fori_loop(0, GROUPS_PER_TILE // 2, pair_body, 0, unroll=False)
      for b in range(2):
          pltpu.make_async_copy(
              rows.at[b],
              agg_sh.at[didx.at[GROUPS_PER_TILE - 2 + b]], ssems[b]).wait()
      plsc.subcore_barrier()
      sl = pl.ds(s * NROWS_TILE, NROWS_TILE)
      pltpu.sync_copy(agg_sh.at[0, sl], out_hbm.at[c, sl])

  return _deg_call, _agg_call


BLK = 1000


def _prep_body(deg_ref, x_ref, w_ref, dinv_ref, hhat_ref):
    deg = deg_ref[0, :, 0] + deg_ref[1, :, 0] + 1.0
    dinv = lax.rsqrt(deg)[:, None]
    dinv64 = jnp.broadcast_to(dinv, (BLK, DE))
    dinv_ref[...] = dinv64
    h0 = jnp.dot(x_ref[...], w_ref[...], preferred_element_type=jnp.float32)
    hhat_ref[...] = dinv64 * h0


_prep = pl.pallas_call(
    _prep_body,
    grid=(N // BLK,),
    in_specs=[
        pl.BlockSpec((2, BLK, 16), lambda i: (0, i, 0)),
        pl.BlockSpec((BLK, DF), lambda i: (i, 0)),
        pl.BlockSpec((DF, DE), lambda i: (0, 0)),
    ],
    out_specs=[
        pl.BlockSpec((BLK, DE), lambda i: (i, 0)),
        pl.BlockSpec((BLK, DE), lambda i: (i, 0)),
    ],
    out_shape=[
        jax.ShapeDtypeStruct((N, DE), jnp.float32),
        jax.ShapeDtypeStruct((N, DE), jnp.float32),
    ],
)


def _layer_body(aggp_ref, hhat_ref, dinv_ref, b_ref, fmw_ref, fmb_ref,
                wn_ref, hnew_ref, hhatn_ref):
    agg = aggp_ref[0] + aggp_ref[1] + hhat_ref[...]
    conv = dinv_ref[...] * agg + b_ref[...]
    hnew = jnp.maximum(
        jnp.dot(conv, fmw_ref[...], preferred_element_type=jnp.float32)
        + fmb_ref[...], 0.0)
    hnew_ref[...] = hnew
    if wn_ref is not None:
        hhatn_ref[...] = dinv_ref[...] * jnp.dot(
            hnew, wn_ref[...], preferred_element_type=jnp.float32)


def _make_layer(with_next):
    in_specs = [
        pl.BlockSpec((2, BLK, DE), lambda i: (0, i, 0)),
        pl.BlockSpec((BLK, DE), lambda i: (i, 0)),
        pl.BlockSpec((BLK, DE), lambda i: (i, 0)),
        pl.BlockSpec((1, DE), lambda i: (0, 0)),
        pl.BlockSpec((DE, DE), lambda i: (0, 0)),
        pl.BlockSpec((1, DE), lambda i: (0, 0)),
    ]
    out_specs = [pl.BlockSpec((BLK, DE), lambda i: (i, 0))]
    out_shape = [jax.ShapeDtypeStruct((N, DE), jnp.float32)]
    if with_next:
        in_specs.append(pl.BlockSpec((DE, DE), lambda i: (0, 0)))
        out_specs.append(pl.BlockSpec((BLK, DE), lambda i: (i, 0)))
        out_shape.append(jax.ShapeDtypeStruct((N, DE), jnp.float32))
        body = _layer_body
    else:
        def body(aggp, hhat, dinv, b, fmw, fmb, hnew):
            _layer_body(aggp, hhat, dinv, b, fmw, fmb, None, hnew, None)
    return pl.pallas_call(
        body, grid=(N // BLK,), in_specs=in_specs, out_specs=out_specs,
        out_shape=out_shape)


_layer_mid = _make_layer(True)
_layer_last = _make_layer(False)


def _pool_body(h0_ref, h1_ref, h2_ref, h3_ref, batch_ref, out_ref):
    g0 = batch_ref[0, 0]
    g1 = batch_ref[BLK - 1, 0]
    ids = batch_ref[...]
    hc = jnp.concatenate(
        [h0_ref[...], h1_ref[...], h2_ref[...], h3_ref[...]], axis=1)
    gid2d = lax.broadcasted_iota(jnp.int32, (NG, DH), 0)

    def body(g, acc):
        masked = jnp.where(ids == g, hc, 0.0)
        colmax = jnp.max(masked, axis=0)[None, :]
        return jnp.where(gid2d == g, jnp.maximum(acc, colmax), acc)

    acc = lax.fori_loop(g0, g1 + 1, body, jnp.zeros((NG, DH), jnp.float32))
    out_ref[0] = acc


_pool = pl.pallas_call(
    _pool_body,
    grid=(N // BLK,),
    in_specs=[
        pl.BlockSpec((BLK, DE), lambda i: (i, 0)),
        pl.BlockSpec((BLK, DE), lambda i: (i, 0)),
        pl.BlockSpec((BLK, DE), lambda i: (i, 0)),
        pl.BlockSpec((BLK, DE), lambda i: (i, 0)),
        pl.BlockSpec((BLK, 1), lambda i: (i, 0)),
    ],
    out_specs=pl.BlockSpec((1, NG, DH), lambda i: (i, 0, 0)),
    out_shape=jax.ShapeDtypeStruct((N // BLK, NG, DH), jnp.float32),
)


def _final_body(pooledp_ref, w1_ref, b1_ref, w2_ref, b2_ref, out_ref):
    pooled = jnp.max(pooledp_ref[...], axis=0)
    z = jnp.maximum(
        jnp.dot(pooled, w1_ref[...], preferred_element_type=jnp.float32)
        + b1_ref[...], 0.0)
    out_ref[...] = jnp.dot(z, w2_ref[...],
                           preferred_element_type=jnp.float32) + b2_ref[...]


_final = pl.pallas_call(
    _final_body,
    out_shape=jax.ShapeDtypeStruct((NG, 128), jnp.float32),
)


def kernel(x, edge_index, batch, conv0_w, conv0_b, conv1_w, conv1_b,
           conv2_w, conv2_b, conv3_w, conv3_b, fc_max_w, fc_max_b,
           fc1_w, fc1_b, fc2_w, fc2_b):
    src_p = edge_index[0].reshape(E // GROUP, 1, GROUP)
    dst_p = edge_index[1].reshape(E // GROUP, 1, GROUP)

    _deg_call, _agg_call = _build_sc_kernels()
    deg_p = _deg_call(dst_p)
    dinv64, hhat = _prep(deg_p, x, conv0_w)

    conv_b = [conv0_b, conv1_b, conv2_b, conv3_b]
    next_w = [conv1_w, conv2_w, conv3_w]
    fmb = fc_max_b.reshape(1, DE)
    hs = []
    for l in range(4):
        aggp = _agg_call(hhat.reshape(1, N, DE), src_p, dst_p)
        bl = conv_b[l].reshape(1, DE)
        if l < 3:
            hnew, hhat = _layer_mid(aggp, hhat, dinv64, bl, fc_max_w, fmb,
                                    next_w[l])
        else:
            (hnew,) = _layer_last(aggp, hhat, dinv64, bl, fc_max_w, fmb)
        hs.append(hnew)

    pooledp = _pool(hs[0], hs[1], hs[2], hs[3],
                    batch.reshape(N, 1))

    w2 = jnp.pad(fc2_w, ((0, 0), (0, 128 - DT)))
    b2 = jnp.pad(fc2_b, (0, 128 - DT)).reshape(1, 128)
    out = _final(pooledp, fc1_w, fc1_b.reshape(1, DE), w2, b2)
    return out[:, :DT]

# --- scband reference (transcript-rebuilt; emitter-appended) ---
"""Pipeline reference for scband-gcn-79989470921103 (READ-ONLY COPY).

The authoritative reference and input builder live on the scoring server;
editing this copy changes nothing except your own understanding.
"""

import jax, jax.numpy as jnp
import numpy as np

N = 10000
E = 320000
DF = 128
DE = 64
NG = 64
DT = 10
NUM_LAYERS = 4


def setup_inputs(seed: int = 0) -> dict:
    key = jax.random.key(seed)
    ks = jax.random.split(key, 32)
    inp = {}
    inp['x'] = jax.random.normal(ks[0], (N, DF), dtype=jnp.float32)
    inp['edge_index'] = jax.random.randint(ks[1], (2, E), 0, N, dtype=jnp.int32)
    inp['batch'] = jnp.sort(jax.random.randint(ks[2], (N,), 0, NG, dtype=jnp.int32))
    # GCNConv layer weights
    dims_in = [DF, DE, DE, DE]
    for i in range(NUM_LAYERS):
        di = dims_in[i]
        inp['conv%d_w' % i] = jax.random.normal(ks[3 + 2 * i], (di, DE), dtype=jnp.float32) / np.sqrt(di)
        inp['conv%d_b' % i] = jnp.zeros((DE,), dtype=jnp.float32)
    inp['fc_max_w'] = jax.random.normal(ks[12], (DE, DE), dtype=jnp.float32) / np.sqrt(DE)
    inp['fc_max_b'] = jnp.zeros((DE,), dtype=jnp.float32)
    inp['fc1_w'] = jax.random.normal(ks[13], (NUM_LAYERS * DE, DE), dtype=jnp.float32) / np.sqrt(NUM_LAYERS * DE)
    inp['fc1_b'] = jnp.zeros((DE,), dtype=jnp.float32)
    inp['fc2_w'] = jax.random.normal(ks[14], (DE, DT), dtype=jnp.float32) / np.sqrt(DE)
    inp['fc2_b'] = jnp.zeros((DT,), dtype=jnp.float32)
    return inp


def gcn_conv(x, src, dst, W, b):
    # PyG-style GCNConv: add self-loops, symmetric normalization, scatter-add aggregation
    loop = jnp.arange(N, dtype=src.dtype)
    src_full = jnp.concatenate([src, loop])
    dst_full = jnp.concatenate([dst, loop])
    ones = jnp.ones((src_full.shape[0],), dtype=x.dtype)
    deg = jax.ops.segment_sum(ones, dst_full, num_segments=N)
    dinv = jnp.where(deg > 0, deg ** -0.5, 0.0)
    norm = dinv[src_full] * dinv[dst_full]
    h = x @ W
    msg = h[src_full] * norm[:, None]
    out = jax.ops.segment_sum(msg, dst_full, num_segments=N)
    return out + b


def reference(x, edge_index, batch, conv0_w, conv0_b, conv1_w, conv1_b, conv2_w, conv2_b, conv3_w, conv3_b, fc_max_w, fc_max_b, fc1_w, fc1_b, fc2_w, fc2_b):
    src = edge_index[0]
    dst = edge_index[1]
    conv_params = [(conv0_w, conv0_b), (conv1_w, conv1_b), (conv2_w, conv2_b), (conv3_w, conv3_b)]
    h = x
    x_all = []
    for (W, b) in conv_params:
        h = gcn_conv(h, src, dst, W, b)
        h = jax.nn.relu(h @ fc_max_w + fc_max_b)
        x_all.append(h)
    hcat = jnp.concatenate(x_all, axis=1)
    pooled = jax.ops.segment_max(hcat, batch, num_segments=NG)
    z = jax.nn.relu(pooled @ fc1_w + fc1_b)
    out = z @ fc2_w + fc2_b
    return out

if __name__ == "__main__":
    import jax
    _d = setup_inputs()
    print(jax.jit(kernel)(*tuple(_d.values())))

</pallas_src>

<mosaic_0001>
#map = affine_map<(d0, d1) -> (0, 0, 0)>
module attributes {stable_mosaic.version = 14 : i64} {
  func.func @_deg_call(%arg0: i32, %arg1: i32, %arg2: memref<1600x1x200xi32, #tpu.memory_space<hbm>>, %arg3: memref<2x10000x16xf32, #tpu.memory_space<hbm>>, %arg4: memref<1x200x16xf32, #tpu.memory_space<vmem>>, %arg5: memref<50x1x200xi32, #tpu.memory_space<vmem>>, %arg6: memref<1x10000x16xf32, #tpu.memory_space<vmem_shared>>) attributes {dimension_semantics = [#tpu.dimension_semantics<core_parallel>, #tpu.dimension_semantics<subcore_parallel>], iteration_bounds = array<i64: 2, 16>, scalar_prefetch = 0 : i64, scratch_operands = 3 : i64, tpu.core_type = #tpu.core_type<sc_vector_subcore>, window_params = [{transform_indices = #map}, {transform_indices = #map}]} {
    %mul3A = arith.constant 16 : i32
    %mul3A_0 = arith.muli %arg0, %mul3A : i32
    %add3A = arith.addi %mul3A_0, %arg1 : i32
    %broadcast_in_dim3A = arith.constant 0.000000e+00 : f32
    %broadcast_in_dim3A_1 = vector.broadcast %broadcast_in_dim3A : f32 to vector<16xf32>
    %scan3A = arith.constant 0 : i32
    %scan3A_2 = arith.constant 0 : i32
    %scan3A_3 = arith.constant 200 : i32
    %scan3A_4 = arith.addi %scan3A_2, %scan3A_3 : i32
    %scan3A_5 = arith.constant 1 : i32
    scf.for %scan3A_44 = %scan3A_2 to %scan3A_4 step %scan3A_5  : i32 {
      %swap3A = arith.constant 0 : i32
      %swap3A_45 = arith.index_cast %swap3A : i32 to index
      %swap3A_46 = arith.index_cast %scan3A_44 : i32 to index
      %swap3A_47 = arith.constant 0 : index
      %swap3A_48 = tpu.vector_load %arg4[%swap3A_45, %swap3A_46, %swap3A_47] {strides = array<i32>} : memref<1x200x16xf32, #tpu.memory_space<vmem>>, vector<1x1x16xf32>,
      %swap3A_49 = vector.shape_cast %swap3A_48 : vector<1x1x16xf32> to vector<16xf32>
      %swap3A_50 = vector.shape_cast %broadcast_in_dim3A_1 : vector<16xf32> to vector<1x1x16xf32>
      tpu.vector_store %arg4[%swap3A_45, %swap3A_46, %swap3A_47], %swap3A_50 {strides = array<i32>} : memref<1x200x16xf32, #tpu.memory_space<vmem>>, vector<1x1x16xf32>,
    }
    %scan3A_6 = arith.constant 200 : i32
    %mul3A_7 = arith.constant 625 : i32
    %mul3A_8 = arith.muli %arg1, %mul3A_7 : i32
    %add3A_9 = arith.constant 0 : i32
    %add3A_10 = arith.addi %mul3A_8, %add3A_9 : i32
    %run_scoped3A = arith.constant 0 : i32
    %run_scoped3A_11 = arith.constant 0 : i32
    "tpu.region"() ({
      %run_scoped3A_44 = tpu.sem_alloc : memref<!tpu.dma_semaphore, #tpu.memory_space<semaphore_mem>>
      %dma_start3A = arith.constant 0 : i32
      %dma_start3A_45 = arith.constant 0 : i32
      %dma_start3A_46 = tpu.memref_slice %arg4[%run_scoped3A, %dma_start3A, %dma_start3A_45] : memref<1x200x16xf32, #tpu.memory_space<vmem>> -> memref<1x200x16xf32, #tpu.memory_space<vmem>>
      %dma_start3A_47 = tpu.memref_squeeze %dma_start3A_46 : memref<1x200x16xf32, #tpu.memory_space<vmem>> -> memref<200x16xf32, #tpu.memory_space<vmem>>
      %dma_start3A_48 = arith.constant 0 : i32
      %dma_start3A_49 = tpu.memref_slice %arg6[%run_scoped3A_11, %add3A_10, %dma_start3A_48] : memref<1x10000x16xf32, #tpu.memory_space<vmem_shared>> -> memref<1x200x16xf32, #tpu.memory_space<vmem_shared>>
      %dma_start3A_50 = tpu.memref_squeeze %dma_start3A_49 : memref<1x200x16xf32, #tpu.memory_space<vmem_shared>> -> memref<200x16xf32, #tpu.memory_space<vmem_shared>>
      %dma_start3A_51 = arith.constant 0 : i32
      %dma_start3A_52 = tpu.memref_slice %arg6[%run_scoped3A_11, %add3A_10, %dma_start3A_51] : memref<1x10000x16xf32, #tpu.memory_space<vmem_shared>> -> memref<1x200x16xf32, #tpu.memory_space<vmem_shared>>
      %dma_start3A_53 = tpu.memref_squeeze %dma_start3A_52 : memref<1x200x16xf32, #tpu.memory_space<vmem_shared>> -> memref<200x16xf32, #tpu.memory_space<vmem_shared>>
      %dma_start3A_54 = arith.constant 0 : i32
      %dma_start3A_55 = arith.constant 0 : i32
      %dma_start3A_56 = tpu.memref_slice %arg4[%run_scoped3A, %dma_start3A_54, %dma_start3A_55] : memref<1x200x16xf32, #tpu.memory_space<vmem>> -> memref<1x200x16xf32, #tpu.memory_space<vmem>>
      %dma_start3A_57 = tpu.memref_squeeze %dma_start3A_56 : memref<1x200x16xf32, #tpu.memory_space<vmem>> -> memref<200x16xf32, #tpu.memory_space<vmem>>
      tpu.enqueue_dma source(%dma_start3A_57 : memref<200x16xf32, #tpu.memory_space<vmem>>) target(%dma_start3A_53 : memref<200x16xf32, #tpu.memory_space<vmem_shared>>) target_semaphore(%run_scoped3A_44 : memref<!tpu.dma_semaphore, #tpu.memory_space<semaphore_mem>>)
      %dma_wait3A = arith.constant 0 : i32
      %dma_wait3A_58 = arith.constant 0 : i32
      %dma_wait3A_59 = tpu.memref_slice %arg4[%run_scoped3A, %dma_wait3A, %dma_wait3A_58] : memref<1x200x16xf32, #tpu.memory_space<vmem>> -> memref<1x200x16xf32, #tpu.memory_space<vmem>>
      %dma_wait3A_60 = tpu.memref_squeeze %dma_wait3A_59 : memref<1x200x16xf32, #tpu.memory_space<vmem>> -> memref<200x16xf32, #tpu.memory_space<vmem>>
      %dma_wait3A_61 = arith.constant 0 : i32
      %dma_wait3A_62 = tpu.memref_slice %arg6[%run_scoped3A_11, %add3A_10, %dma_wait3A_61] : memref<1x10000x16xf32, #tpu.memory_space<vmem_shared>> -> memref<1x200x16xf32, #tpu.memory_space<vmem_shared>>
      %dma_wait3A_63 = tpu.memref_squeeze %dma_wait3A_62 : memref<1x200x16xf32, #tpu.memory_space<vmem_shared>> -> memref<200x16xf32, #tpu.memory_space<vmem_shared>>
      %dma_wait3A_64 = arith.constant 0 : i32
      %dma_wait3A_65 = tpu.memref_slice %arg6[%run_scoped3A_11, %add3A_10, %dma_wait3A_64] : memref<1x10000x16xf32, #tpu.memory_space<vmem_shared>> -> memref<1x200x16xf32, #tpu.memory_space<vmem_shared>>
      %dma_wait3A_66 = tpu.memref_squeeze %dma_wait3A_65 : memref<1x200x16xf32, #tpu.memory_space<vmem_shared>> -> memref<200x16xf32, #tpu.memory_space<vmem_shared>>
      %dma_wait3A_67 = arith.constant 0 : i32
      %dma_wait3A_68 = arith.constant 0 : i32
      %dma_wait3A_69 = tpu.memref_slice %arg4[%run_scoped3A, %dma_wait3A_67, %dma_wait3A_68] : memref<1x200x16xf32, #tpu.memory_space<vmem>> -> memref<1x200x16xf32, #tpu.memory_space<vmem>>
      %dma_wait3A_70 = tpu.memref_squeeze %dma_wait3A_69 : memref<1x200x16xf32, #tpu.memory_space<vmem>> -> memref<200x16xf32, #tpu.memory_space<vmem>>
      tpu.wait_dma2 semaphore(%run_scoped3A_44 : memref<!tpu.dma_semaphore, #tpu.memory_space<semaphore_mem>>) src(%dma_wait3A_70 : memref<200x16xf32, #tpu.memory_space<vmem>>) dst(%dma_wait3A_66 : memref<200x16xf32, #tpu.memory_space<vmem_shared>>)
      tpu.yield
    }) : () -> ()
    %add3A_12 = arith.constant 200 : i32
    %add3A_13 = arith.addi %mul3A_8, %add3A_12 : i32
    %run_scoped3A_14 = arith.constant 0 : i32
    %run_scoped3A_15 = arith.constant 0 : i32
    "tpu.region"() ({
      %run_scoped3A_44 = tpu.sem_alloc : memref<!tpu.dma_semaphore, #tpu.memory_space<semaphore_mem>>
      %dma_start3A = arith.constant 0 : i32
      %dma_start3A_45 = arith.constant 0 : i32
      %dma_start3A_46 = tpu.memref_slice %arg4[%run_scoped3A_14, %dma_start3A, %dma_start3A_45] : memref<1x200x16xf32, #tpu.memory_space<vmem>> -> memref<1x200x16xf32, #tpu.memory_space<vmem>>
      %dma_start3A_47 = tpu.memref_squeeze %dma_start3A_46 : memref<1x200x16xf32, #tpu.memory_space<vmem>> -> memref<200x16xf32, #tpu.memory_space<vmem>>
      %dma_start3A_48 = arith.constant 0 : i32
      %dma_start3A_49 = tpu.memref_slice %arg6[%run_scoped3A_15, %add3A_13, %dma_start3A_48] : memref<1x10000x16xf32, #tpu.memory_space<vmem_shared>> -> memref<1x200x16xf32, #tpu.memory_space<vmem_shared>>
      %dma_start3A_50 = tpu.memref_squeeze %dma_start3A_49 : memref<1x200x16xf32, #tpu.memory_space<vmem_shared>> -> memref<200x16xf32, #tpu.memory_space<vmem_shared>>
      %dma_start3A_51 = arith.constant 0 : i32
      %dma_start3A_52 = tpu.memref_slice %arg6[%run_scoped3A_15, %add3A_13, %dma_start3A_51] : memref<1x10000x16xf32, #tpu.memory_space<vmem_shared>> -> memref<1x200x16xf32, #tpu.memory_space<vmem_shared>>
      %dma_start3A_53 = tpu.memref_squeeze %dma_start3A_52 : memref<1x200x16xf32, #tpu.memory_space<vmem_shared>> -> memref<200x16xf32, #tpu.memory_space<vmem_shared>>
      %dma_start3A_54 = arith.constant 0 : i32
      %dma_start3A_55 = arith.constant 0 : i32
      %dma_start3A_56 = tpu.memref_slice %arg4[%run_scoped3A_14, %dma_start3A_54, %dma_start3A_55] : memref<1x200x16xf32, #tpu.memory_space<vmem>> -> memref<1x200x16xf32, #tpu.memory_space<vmem>>
      %dma_start3A_57 = tpu.memref_squeeze %dma_start3A_56 : memref<1x200x16xf32, #tpu.memory_space<vmem>> -> memref<200x16xf32, #tpu.memory_space<vmem>>
      tpu.enqueue_dma source(%dma_start3A_57 : memref<200x16xf32, #tpu.memory_space<vmem>>) target(%dma_start3A_53 : memref<200x16xf32, #tpu.memory_space<vmem_shared>>) target_semaphore(%run_scoped3A_44 : memref<!tpu.dma_semaphore, #tpu.memory_space<semaphore_mem>>)
      %dma_wait3A = arith.constant 0 : i32
      %dma_wait3A_58 = arith.constant 0 : i32
      %dma_wait3A_59 = tpu.memref_slice %arg4[%run_scoped3A_14, %dma_wait3A, %dma_wait3A_58] : memref<1x200x16xf32, #tpu.memory_space<vmem>> -> memref<1x200x16xf32, #tpu.memory_space<vmem>>
      %dma_wait3A_60 = tpu.memref_squeeze %dma_wait3A_59 : memref<1x200x16xf32, #tpu.memory_space<vmem>> -> memref<200x16xf32, #tpu.memory_space<vmem>>
      %dma_wait3A_61 = arith.constant 0 : i32
      %dma_wait3A_62 = tpu.memref_slice %arg6[%run_scoped3A_15, %add3A_13, %dma_wait3A_61] : memref<1x10000x16xf32, #tpu.memory_space<vmem_shared>> -> memref<1x200x16xf32, #tpu.memory_space<vmem_shared>>
      %dma_wait3A_63 = tpu.memref_squeeze %dma_wait3A_62 : memref<1x200x16xf32, #tpu.memory_space<vmem_shared>> -> memref<200x16xf32, #tpu.memory_space<vmem_shared>>
      %dma_wait3A_64 = arith.constant 0 : i32
      %dma_wait3A_65 = tpu.memref_slice %arg6[%run_scoped3A_15, %add3A_13, %dma_wait3A_64] : memref<1x10000x16xf32, #tpu.memory_space<vmem_shared>> -> memref<1x200x16xf32, #tpu.memory_space<vmem_shared>>
      %dma_wait3A_66 = tpu.memref_squeeze %dma_wait3A_65 : memref<1x200x16xf32, #tpu.memory_space<vmem_shared>> -> memref<200x16xf32, #tpu.memory_space<vmem_shared>>
      %dma_wait3A_67 = arith.constant 0 : i32
      %dma_wait3A_68 = arith.constant 0 : i32
      %dma_wait3A_69 = tpu.memref_slice %arg4[%run_scoped3A_14, %dma_wait3A_67, %dma_wait3A_68] : memref<1x200x16xf32, #tpu.memory_space<vmem>> -> memref<1x200x16xf32, #tpu.memory_space<vmem>>
      %dma_wait3A_70 = tpu.memref_squeeze %dma_wait3A_69 : memref<1x200x16xf32, #tpu.memory_space<vmem>> -> memref<200x16xf32, #tpu.memory_space<vmem>>
      tpu.wait_dma2 semaphore(%run_scoped3A_44 : memref<!tpu.dma_semaphore, #tpu.memory_space<semaphore_mem>>) src(%dma_wait3A_70 : memref<200x16xf32, #tpu.memory_space<vmem>>) dst(%dma_wait3A_66 : memref<200x16xf32, #tpu.memory_space<vmem_shared>>)
      tpu.yield
    }) : () -> ()
    %add3A_16 = arith.constant 400 : i32
    %add3A_17 = arith.addi %mul3A_8, %add3A_16 : i32
    %run_scoped3A_18 = arith.constant 0 : i32
    %run_scoped3A_19 = arith.constant 0 : i32
    "tpu.region"() ({
      %run_scoped3A_44 = tpu.sem_alloc : memref<!tpu.dma_semaphore, #tpu.memory_space<semaphore_mem>>
      %dma_start3A = arith.constant 0 : i32
      %dma_start3A_45 = arith.constant 0 : i32
      %dma_start3A_46 = tpu.memref_slice %arg4[%run_scoped3A_18, %dma_start3A, %dma_start3A_45] : memref<1x200x16xf32, #tpu.memory_space<vmem>> -> memref<1x200x16xf32, #tpu.memory_space<vmem>>
      %dma_start3A_47 = tpu.memref_squeeze %dma_start3A_46 : memref<1x200x16xf32, #tpu.memory_space<vmem>> -> memref<200x16xf32, #tpu.memory_space<vmem>>
      %dma_start3A_48 = arith.constant 0 : i32
      %dma_start3A_49 = tpu.memref_slice %arg6[%run_scoped3A_19, %add3A_17, %dma_start3A_48] : memref<1x10000x16xf32, #tpu.memory_space<vmem_shared>> -> memref<1x200x16xf32, #tpu.memory_space<vmem_shared>>
      %dma_start3A_50 = tpu.memref_squeeze %dma_start3A_49 : memref<1x200x16xf32, #tpu.memory_space<vmem_shared>> -> memref<200x16xf32, #tpu.memory_space<vmem_shared>>
      %dma_start3A_51 = arith.constant 0 : i32
      %dma_start3A_52 = tpu.memref_slice %arg6[%run_scoped3A_19, %add3A_17, %dma_start3A_51] : memref<1x10000x16xf32, #tpu.memory_space<vmem_shared>> -> memref<1x200x16xf32, #tpu.memory_space<vmem_shared>>
      %dma_start3A_53 = tpu.memref_squeeze %dma_start3A_52 : memref<1x200x16xf32, #tpu.memory_space<vmem_shared>> -> memref<200x16xf32, #tpu.memory_space<vmem_shared>>
      %dma_start3A_54 = arith.constant 0 : i32
      %dma_start3A_55 = arith.constant 0 : i32
      %dma_start3A_56 = tpu.memref_slice %arg4[%run_scoped3A_18, %dma_start3A_54, %dma_start3A_55] : memref<1x200x16xf32, #tpu.memory_space<vmem>> -> memref<1x200x16xf32, #tpu.memory_space<vmem>>
      %dma_start3A_57 = tpu.memref_squeeze %dma_start3A_56 : memref<1x200x16xf32, #tpu.memory_space<vmem>> -> memref<200x16xf32, #tpu.memory_space<vmem>>
      tpu.enqueue_dma source(%dma_start3A_57 : memref<200x16xf32, #tpu.memory_space<vmem>>) target(%dma_start3A_53 : memref<200x16xf32, #tpu.memory_space<vmem_shared>>) target_semaphore(%run_scoped3A_44 : memref<!tpu.dma_semaphore, #tpu.memory_space<semaphore_mem>>)
      %dma_wait3A = arith.constant 0 : i32
      %dma_wait3A_58 = arith.constant 0 : i32
      %dma_wait3A_59 = tpu.memref_slice %arg4[%run_scoped3A_18, %dma_wait3A, %dma_wait3A_58] : memref<1x200x16xf32, #tpu.memory_space<vmem>> -> memref<1x200x16xf32, #tpu.memory_space<vmem>>
      %dma_wait3A_60 = tpu.memref_squeeze %dma_wait3A_59 : memref<1x200x16xf32, #tpu.memory_space<vmem>> -> memref<200x16xf32, #tpu.memory_space<vmem>>
      %dma_wait3A_61 = arith.constant 0 : i32
      %dma_wait3A_62 = tpu.memref_slice %arg6[%run_scoped3A_19, %add3A_17, %dma_wait3A_61] : memref<1x10000x16xf32, #tpu.memory_space<vmem_shared>> -> memref<1x200x16xf32, #tpu.memory_space<vmem_shared>>
      %dma_wait3A_63 = tpu.memref_squeeze %dma_wait3A_62 : memref<1x200x16xf32, #tpu.memory_space<vmem_shared>> -> memref<200x16xf32, #tpu.memory_space<vmem_shared>>
      %dma_wait3A_64 = arith.constant 0 : i32
      %dma_wait3A_65 = tpu.memref_slice %arg6[%run_scoped3A_19, %add3A_17, %dma_wait3A_64] : memref<1x10000x16xf32, #tpu.memory_space<vmem_shared>> -> memref<1x200x16xf32, #tpu.memory_space<vmem_shared>>
      %dma_wait3A_66 = tpu.memref_squeeze %dma_wait3A_65 : memref<1x200x16xf32, #tpu.memory_space<vmem_shared>> -> memref<200x16xf32, #tpu.memory_space<vmem_shared>>
      %dma_wait3A_67 = arith.constant 0 : i32
      %dma_wait3A_68 = arith.constant 0 : i32
      %dma_wait3A_69 = tpu.memref_slice %arg4[%run_scoped3A_18, %dma_wait3A_67, %dma_wait3A_68] : memref<1x200x16xf32, #tpu.memory_space<vmem>> -> memref<1x200x16xf32, #tpu.memory_space<vmem>>
      %dma_wait3A_70 = tpu.memref_squeeze %dma_wait3A_69 : memref<1x200x16xf32, #tpu.memory_space<vmem>> -> memref<200x16xf32, #tpu.memory_space<vmem>>
      tpu.wait_dma2 semaphore(%run_scoped3A_44 : memref<!tpu.dma_semaphore, #tpu.memory_space<semaphore_mem>>) src(%dma_wait3A_70 : memref<200x16xf32, #tpu.memory_space<vmem>>) dst(%dma_wait3A_66 : memref<200x16xf32, #tpu.memory_space<vmem_shared>>)
      tpu.yield
    }) : () -> ()
    %add3A_20 = arith.constant 600 : i32
    %add3A_21 = arith.addi %mul3A_8, %add3A_20 : i32
    %run_scoped3A_22 = arith.constant 0 : i32
    %run_scoped3A_23 = arith.constant 0 : i32
    "tpu.region"() ({
      %run_scoped3A_44 = tpu.sem_alloc : memref<!tpu.dma_semaphore, #tpu.memory_space<semaphore_mem>>
      %dma_start3A = arith.constant 0 : i32
      %dma_start3A_45 = arith.constant 0 : i32
      %dma_start3A_46 = tpu.memref_slice %arg4[%run_scoped3A_22, %dma_start3A, %dma_start3A_45] : memref<1x200x16xf32, #tpu.memory_space<vmem>> -> memref<1x25x16xf32, #tpu.memory_space<vmem>>
      %dma_start3A_47 = tpu.memref_squeeze %dma_start3A_46 : memref<1x25x16xf32, #tpu.memory_space<vmem>> -> memref<25x16xf32, #tpu.memory_space<vmem>>
      %dma_start3A_48 = arith.constant 0 : i32
      %dma_start3A_49 = tpu.memref_slice %arg6[%run_scoped3A_23, %add3A_21, %dma_start3A_48] : memref<1x10000x16xf32, #tpu.memory_space<vmem_shared>> -> memref<1x25x16xf32, #tpu.memory_space<vmem_shared>>
      %dma_start3A_50 = tpu.memref_squeeze %dma_start3A_49 : memref<1x25x16xf32, #tpu.memory_space<vmem_shared>> -> memref<25x16xf32, #tpu.memory_space<vmem_shared>>
      %dma_start3A_51 = arith.constant 0 : i32
      %dma_start3A_52 = tpu.memref_slice %arg6[%run_scoped3A_23, %add3A_21, %dma_start3A_51] : memref<1x10000x16xf32, #tpu.memory_space<vmem_shared>> -> memref<1x25x16xf32, #tpu.memory_space<vmem_shared>>
      %dma_start3A_53 = tpu.memref_squeeze %dma_start3A_52 : memref<1x25x16xf32, #tpu.memory_space<vmem_shared>> -> memref<25x16xf32, #tpu.memory_space<vmem_shared>>
      %dma_start3A_54 = arith.constant 0 : i32
      %dma_start3A_55 = arith.constant 0 : i32
      %dma_start3A_56 = tpu.memref_slice %arg4[%run_scoped3A_22, %dma_start3A_54, %dma_start3A_55] : memref<1x200x16xf32, #tpu.memory_space<vmem>> -> memref<1x25x16xf32, #tpu.memory_space<vmem>>
      %dma_start3A_57 = tpu.memref_squeeze %dma_start3A_56 : memref<1x25x16xf32, #tpu.memory_space<vmem>> -> memref<25x16xf32, #tpu.memory_space<vmem>>
      tpu.enqueue_dma source(%dma_start3A_57 : memref<25x16xf32, #tpu.memory_space<vmem>>) target(%dma_start3A_53 : memref<25x16xf32, #tpu.memory_space<vmem_shared>>) target_semaphore(%run_scoped3A_44 : memref<!tpu.dma_semaphore, #tpu.memory_space<semaphore_mem>>)
      %dma_wait3A = arith.constant 0 : i32
      %dma_wait3A_58 = arith.constant 0 : i32
      %dma_wait3A_59 = tpu.memref_slice %arg4[%run_scoped3A_22, %dma_wait3A, %dma_wait3A_58] : memref<1x200x16xf32, #tpu.memory_space<vmem>> -> memref<1x25x16xf32, #tpu.memory_space<vmem>>
      %dma_wait3A_60 = tpu.memref_squeeze %dma_wait3A_59 : memref<1x25x16xf32, #tpu.memory_space<vmem>> -> memref<25x16xf32, #tpu.memory_space<vmem>>
      %dma_wait3A_61 = arith.constant 0 : i32
      %dma_wait3A_62 = tpu.memref_slice %arg6[%run_scoped3A_23, %add3A_21, %dma_wait3A_61] : memref<1x10000x16xf32, #tpu.memory_space<vmem_shared>> -> memref<1x25x16xf32, #tpu.memory_space<vmem_shared>>
      %dma_wait3A_63 = tpu.memref_squeeze %dma_wait3A_62 : memref<1x25x16xf32, #tpu.memory_space<vmem_shared>> -> memref<25x16xf32, #tpu.memory_space<vmem_shared>>
      %dma_wait3A_64 = arith.constant 0 : i32
      %dma_wait3A_65 = tpu.memref_slice %arg6[%run_scoped3A_23, %add3A_21, %dma_wait3A_64] : memref<1x10000x16xf32, #tpu.memory_space<vmem_shared>> -> memref<1x25x16xf32, #tpu.memory_space<vmem_shared>>
      %dma_wait3A_66 = tpu.memref_squeeze %dma_wait3A_65 : memref<1x25x16xf32, #tpu.memory_space<vmem_shared>> -> memref<25x16xf32, #tpu.memory_space<vmem_shared>>
      %dma_wait3A_67 = arith.constant 0 : i32
      %dma_wait3A_68 = arith.constant 0 : i32
      %dma_wait3A_69 = tpu.memref_slice %arg4[%run_scoped3A_22, %dma_wait3A_67, %dma_wait3A_68] : memref<1x200x16xf32, #tpu.memory_space<vmem>> -> memref<1x25x16xf32, #tpu.memory_space<vmem>>
      %dma_wait3A_70 = tpu.memref_squeeze %dma_wait3A_69 : memref<1x25x16xf32, #tpu.memory_space<vmem>> -> memref<25x16xf32, #tpu.memory_space<vmem>>
      tpu.wait_dma2 semaphore(%run_scoped3A_44 : memref<!tpu.dma_semaphore, #tpu.memory_space<semaphore_mem>>) src(%dma_wait3A_70 : memref<25x16xf32, #tpu.memory_space<vmem>>) dst(%dma_wait3A_66 : memref<25x16xf32, #tpu.memory_space<vmem_shared>>)
      tpu.yield
    }) : () -> ()
    %broadcast_in_dim3A_24 = arith.constant 1.000000e+00 : f32
    %broadcast_in_dim3A_25 = vector.broadcast %broadcast_in_dim3A_24 : f32 to vector<16xf32>
    %scan3A_26 = arith.constant 0 : i32
    %scan3A_27 = arith.constant 0 : i32
    %scan3A_28 = arith.constant 200 : i32
    %scan3A_29 = arith.addi %scan3A_27, %scan3A_28 : i32
    %scan3A_30 = arith.constant 1 : i32
    scf.for %scan3A_44 = %scan3A_27 to %scan3A_29 step %scan3A_30  : i32 {
      %swap3A = arith.constant 0 : i32
      %swap3A_45 = arith.index_cast %swap3A : i32 to index
      %swap3A_46 = arith.index_cast %scan3A_44 : i32 to index
      %swap3A_47 = arith.constant 0 : index
      %swap3A_48 = tpu.vector_load %arg4[%swap3A_45, %swap3A_46, %swap3A_47] {strides = array<i32>} : memref<1x200x16xf32, #tpu.memory_space<vmem>>, vector<1x1x16xf32>,
      %swap3A_49 = vector.shape_cast %swap3A_48 : vector<1x1x16xf32> to vector<16xf32>
      %swap3A_50 = vector.shape_cast %broadcast_in_dim3A_25 : vector<16xf32> to vector<1x1x16xf32>
      tpu.vector_store %arg4[%swap3A_45, %swap3A_46, %swap3A_47], %swap3A_50 {strides = array<i32>} : memref<1x200x16xf32, #tpu.memory_space<vmem>>, vector<1x1x16xf32>,
    }
    %scan3A_31 = arith.constant 200 : i32
    %mul3A_32 = arith.constant 50 : i32
    %mul3A_33 = arith.muli %add3A, %mul3A_32 : i32
    "tpu.region"() ({
      %run_scoped3A_44 = tpu.sem_alloc : memref<!tpu.dma_semaphore, #tpu.memory_space<semaphore_mem>>
      %dma_start3A = arith.constant 0 : i32
      %dma_start3A_45 = arith.constant 0 : i32
      %dma_start3A_46 = tpu.memref_slice %arg2[%mul3A_33, %dma_start3A, %dma_start3A_45] : memref<1600x1x200xi32, #tpu.memory_space<hbm>> -> memref<50x1x200xi32, #tpu.memory_space<hbm>>
      %dma_start3A_47 = arith.constant 0 : i32
      %dma_start3A_48 = arith.constant 0 : i32
      %dma_start3A_49 = tpu.memref_slice %arg2[%mul3A_33, %dma_start3A_47, %dma_start3A_48] : memref<1600x1x200xi32, #tpu.memory_space<hbm>> -> memref<50x1x200xi32, #tpu.memory_space<hbm>>
      tpu.enqueue_dma source(%dma_start3A_49 : memref<50x1x200xi32, #tpu.memory_space<hbm>>) target(%arg5 : memref<50x1x200xi32, #tpu.memory_space<vmem>>) target_semaphore(%run_scoped3A_44 : memref<!tpu.dma_semaphore, #tpu.memory_space<semaphore_mem>>)
      %dma_wait3A = arith.constant 0 : i32
      %dma_wait3A_50 = arith.constant 0 : i32
      %dma_wait3A_51 = tpu.memref_slice %arg2[%mul3A_33, %dma_wait3A, %dma_wait3A_50] : memref<1600x1x200xi32, #tpu.memory_space<hbm>> -> memref<50x1x200xi32, #tpu.memory_space<hbm>>
      %dma_wait3A_52 = arith.constant 0 : i32
      %dma_wait3A_53 = arith.constant 0 : i32
      %dma_wait3A_54 = tpu.memref_slice %arg2[%mul3A_33, %dma_wait3A_52, %dma_wait3A_53] : memref<1600x1x200xi32, #tpu.memory_space<hbm>> -> memref<50x1x200xi32, #tpu.memory_space<hbm>>
      tpu.wait_dma2 semaphore(%run_scoped3A_44 : memref<!tpu.dma_semaphore, #tpu.memory_space<semaphore_mem>>) src(%dma_wait3A_54 : memref<50x1x200xi32, #tpu.memory_space<hbm>>) dst(%arg5 : memref<50x1x200xi32, #tpu.memory_space<vmem>>)
      tpu.yield
    }) : () -> ()
    %barrier3A = arith.constant 0 : index
    tpu.barrier barrier_id(%barrier3A)
    %scan3A_34 = arith.constant 0 : i32
    %scan3A_35 = arith.constant 0 : i32
    %scan3A_36 = arith.constant 50 : i32
    %scan3A_37 = arith.addi %scan3A_35, %scan3A_36 : i32
    %scan3A_38 = arith.constant 1 : i32
    scf.for %scan3A_44 = %scan3A_35 to %scan3A_37 step %scan3A_38  : i32 {
      "tpu.region"() ({
        %run_scoped3A_45 = tpu.sem_alloc : memref<!tpu.dma_semaphore, #tpu.memory_space<semaphore_mem>>
        %dma_start3A = arith.constant 0 : i32
        %dma_start3A_46 = arith.constant 0 : i32
        %dma_start3A_47 = tpu.memref_slice %arg5[%scan3A_44, %dma_start3A, %dma_start3A_46] : memref<50x1x200xi32, #tpu.memory_space<vmem>> -> memref<1x1x200xi32, #tpu.memory_space<vmem>>
        %dma_start3A_48 = tpu.memref_squeeze %dma_start3A_47 : memref<1x1x200xi32, #tpu.memory_space<vmem>> -> memref<1x200xi32, #tpu.memory_space<vmem>>
        %dma_start3A_49 = arith.constant 0 : i32
        %dma_start3A_50 = arith.constant 0 : i32
        %dma_start3A_51 = arith.constant 0 : i32
        %dma_start3A_52 = tpu.memref_slice %arg6[%dma_start3A_49, %dma_start3A_50, %dma_start3A_51] : memref<1x10000x16xf32, #tpu.memory_space<vmem_shared>> -> memref<1x10000x16xf32, #tpu.memory_space<vmem_shared>>
        tpu.enqueue_indirect_dma source(%arg4 : memref<1x200x16xf32, #tpu.memory_space<vmem>>) target(%dma_start3A_52 : memref<1x10000x16xf32, #tpu.memory_space<vmem_shared>>) offsets(%dma_start3A_48 : memref<1x200xi32, #tpu.memory_space<vmem>>) semaphore(%run_scoped3A_45 : memref<!tpu.dma_semaphore, #tpu.memory_space<semaphore_mem>>) {add = true}
        %dma_wait3A = arith.constant 0 : i32
        %dma_wait3A_53 = arith.constant 0 : i32
        %dma_wait3A_54 = tpu.memref_slice %arg5[%scan3A_44, %dma_wait3A, %dma_wait3A_53] : memref<50x1x200xi32, #tpu.memory_space<vmem>> -> memref<1x1x200xi32, #tpu.memory_space<vmem>>
        %dma_wait3A_55 = tpu.memref_squeeze %dma_wait3A_54 : memref<1x1x200xi32, #tpu.memory_space<vmem>> -> memref<1x200xi32, #tpu.memory_space<vmem>>
        %dma_wait3A_56 = arith.constant 0 : i32
        %dma_wait3A_57 = arith.constant 0 : i32
        %dma_wait3A_58 = arith.constant 0 : i32
        %dma_wait3A_59 = tpu.memref_slice %arg6[%dma_wait3A_56, %dma_wait3A_57, %dma_wait3A_58] : memref<1x10000x16xf32, #tpu.memory_space<vmem_shared>> -> memref<1x10000x16xf32, #tpu.memory_space<vmem_shared>>
        tpu.wait_indirect_dma semaphore(%run_scoped3A_45 : memref<!tpu.dma_semaphore, #tpu.memory_space<semaphore_mem>>) src(%arg4 : memref<1x200x16xf32, #tpu.memory_space<vmem>>) dst(%dma_wait3A_59 : memref<1x10000x16xf32, #tpu.memory_space<vmem_shared>>)
        tpu.yield
      }) : () -> ()
    }
    %scan3A_39 = arith.constant 50 : i32
    %barrier3A_40 = arith.constant 0 : index
    tpu.barrier barrier_id(%barrier3A_40)
    %mul3A_41 = arith.constant 625 : i32
    %mul3A_42 = arith.muli %arg1, %mul3A_41 : i32
    %run_scoped3A_43 = arith.constant 0 : i32
    "tpu.region"() ({
      %run_scoped3A_44 = tpu.sem_alloc : memref<!tpu.dma_semaphore, #tpu.memory_space<semaphore_mem>>
      %dma_start3A = arith.constant 0 : i32
      %dma_start3A_45 = tpu.memref_slice %arg3[%arg0, %mul3A_42, %dma_start3A] : memref<2x10000x16xf32, #tpu.memory_space<hbm>> -> memref<1x625x16xf32, #tpu.memory_space<hbm>>
      %dma_start3A_46 = tpu.memref_squeeze %dma_start3A_45 : memref<1x625x16xf32, #tpu.memory_space<hbm>> -> memref<625x16xf32, #tpu.memory_space<hbm>>
      %dma_start3A_47 = arith.constant 0 : i32
      %dma_start3A_48 = tpu.memref_slice %arg6[%run_scoped3A_43, %mul3A_42, %dma_start3A_47] : memref<1x10000x16xf32, #tpu.memory_space<vmem_shared>> -> memref<1x625x16xf32, #tpu.memory_space<vmem_shared>>
      %dma_start3A_49 = tpu.memref_squeeze %dma_start3A_48 : memref<1x625x16xf32, #tpu.memory_space<vmem_shared>> -> memref<625x16xf32, #tpu.memory_space<vmem_shared>>
      tpu.enqueue_dma source(%dma_start3A_49 : memref<625x16xf32, #tpu.memory_space<vmem_shared>>) target(%dma_start3A_46 : memref<625x16xf32, #tpu.memory_space<hbm>>) target_semaphore(%run_scoped3A_44 : memref<!tpu.dma_semaphore, #tpu.memory_space<semaphore_mem>>)
      %dma_wait3A = arith.constant 0 : i32
      %dma_wait3A_50 = tpu.memref_slice %arg3[%arg0, %mul3A_42, %dma_wait3A] : memref<2x10000x16xf32, #tpu.memory_space<hbm>> -> memref<1x625x16xf32, #tpu.memory_space<hbm>>
      %dma_wait3A_51 = tpu.memref_squeeze %dma_wait3A_50 : memref<1x625x16xf32, #tpu.memory_space<hbm>> -> memref<625x16xf32, #tpu.memory_space<hbm>>
      %dma_wait3A_52 = arith.constant 0 : i32
      %dma_wait3A_53 = tpu.memref_slice %arg6[%run_scoped3A_43, %mul3A_42, %dma_wait3A_52] : memref<1x10000x16xf32, #tpu.memory_space<vmem_shared>> -> memref<1x625x16xf32, #tpu.memory_space<vmem_shared>>
      %dma_wait3A_54 = tpu.memref_squeeze %dma_wait3A_53 : memref<1x625x16xf32, #tpu.memory_space<vmem_shared>> -> memref<625x16xf32, #tpu.memory_space<vmem_shared>>
      tpu.wait_dma2 semaphore(%run_scoped3A_44 : memref<!tpu.dma_semaphore, #tpu.memory_space<semaphore_mem>>) src(%dma_wait3A_54 : memref<625x16xf32, #tpu.memory_space<vmem_shared>>) dst(%dma_wait3A_51 : memref<625x16xf32, #tpu.memory_space<hbm>>)
      tpu.yield
    }) : () -> ()
    return
  }
}

#map = affine_map<(d0, d1) -> (0, 0, 0)>
module attributes {stable_mosaic.version = 14 : i64} {
  func.func @_agg_call(%arg0: i32, %arg1: i32, %arg2: memref<1x10000x64xf32, #tpu.memory_space<hbm>>, %arg3: memref<1600x1x200xi32, #tpu.memory_space<hbm>>, %arg4: memref<1600x1x200xi32, #tpu.memory_space<hbm>>, %arg5: memref<2x10000x64xf32, #tpu.memory_space<hbm>>, %arg6: memref<2x1x200x64xf32, #tpu.memory_space<vmem>>, %arg7: memref<50x1x200xi32, #tpu.memory_space<vmem>>, %arg8: memref<50x1x200xi32, #tpu.memory_space<vmem>>, %arg9: memref<1x10000x64xf32, #tpu.memory_space<vmem_shared>>, %arg10: memref<1x10000x64xf32, #tpu.memory_space<vmem_shared>>, %arg11: memref<!tpu.dma_semaphore, #tpu.memory_space<semaphore_mem>>, %arg12: memref<!tpu.dma_semaphore, #tpu.memory_space<semaphore_mem>>, %arg13: memref<!tpu.dma_semaphore, #tpu.memory_space<semaphore_mem>>, %arg14: memref<!tpu.dma_semaphore, #tpu.memory_space<semaphore_mem>>) attributes {dimension_semantics = [#tpu.dimension_semantics<core_parallel>, #tpu.dimension_semantics<subcore_parallel>], iteration_bounds = array<i64: 2, 16>, scalar_prefetch = 0 : i64, scratch_operands = 9 : i64, tpu.core_type = #tpu.core_type<sc_vector_subcore>, window_params = [{transform_indices = #map}, {transform_indices = #map}, {transform_indices = #map}, {transform_indices = #map}]} {
    %mul3A = arith.constant 16 : i32
    %mul3A_0 = arith.muli %arg0, %mul3A : i32
    %add3A = arith.addi %mul3A_0, %arg1 : i32
    %mul3A_1 = arith.constant 625 : i32
    %mul3A_2 = arith.muli %arg1, %mul3A_1 : i32
    %run_scoped3A = arith.constant 0 : i32
    %run_scoped3A_3 = arith.constant 0 : i32
    "tpu.region"() ({
      %run_scoped3A_76 = tpu.sem_alloc : memref<!tpu.dma_semaphore, #tpu.memory_space<semaphore_mem>>
      %dma_start3A = arith.constant 0 : i32
      %dma_start3A_77 = tpu.memref_slice %arg10[%run_scoped3A_3, %mul3A_2, %dma_start3A] : memref<1x10000x64xf32, #tpu.memory_space<vmem_shared>> -> memref<1x625x64xf32, #tpu.memory_space<vmem_shared>>
      %dma_start3A_78 = tpu.memref_squeeze %dma_start3A_77 : memref<1x625x64xf32, #tpu.memory_space<vmem_shared>> -> memref<625x64xf32, #tpu.memory_space<vmem_shared>>
      %dma_start3A_79 = arith.constant 0 : i32
      %dma_start3A_80 = tpu.memref_slice %arg2[%run_scoped3A, %mul3A_2, %dma_start3A_79] : memref<1x10000x64xf32, #tpu.memory_space<hbm>> -> memref<1x625x64xf32, #tpu.memory_space<hbm>>
      %dma_start3A_81 = tpu.memref_squeeze %dma_start3A_80 : memref<1x625x64xf32, #tpu.memory_space<hbm>> -> memref<625x64xf32, #tpu.memory_space<hbm>>
      tpu.enqueue_dma source(%dma_start3A_81 : memref<625x64xf32, #tpu.memory_space<hbm>>) target(%dma_start3A_78 : memref<625x64xf32, #tpu.memory_space<vmem_shared>>) target_semaphore(%run_scoped3A_76 : memref<!tpu.dma_semaphore, #tpu.memory_space<semaphore_mem>>)
      %dma_wait3A_82 = arith.constant 0 : i32
      %dma_wait3A_83 = tpu.memref_slice %arg10[%run_scoped3A_3, %mul3A_2, %dma_wait3A_82] : memref<1x10000x64xf32, #tpu.memory_space<vmem_shared>> -> memref<1x625x64xf32, #tpu.memory_space<vmem_shared>>
      %dma_wait3A_84 = tpu.memref_squeeze %dma_wait3A_83 : memref<1x625x64xf32, #tpu.memory_space<vmem_shared>> -> memref<625x64xf32, #tpu.memory_space<vmem_shared>>
      %dma_wait3A_85 = arith.constant 0 : i32
      %dma_wait3A_86 = tpu.memref_slice %arg2[%run_scoped3A, %mul3A_2, %dma_wait3A_85] : memref<1x10000x64xf32, #tpu.memory_space<hbm>> -> memref<1x625x64xf32, #tpu.memory_space<hbm>>
      %dma_wait3A_87 = tpu.memref_squeeze %dma_wait3A_86 : memref<1x625x64xf32, #tpu.memory_space<hbm>> -> memref<625x64xf32, #tpu.memory_space<hbm>>
      tpu.wait_dma2 semaphore(%run_scoped3A_76 : memref<!tpu.dma_semaphore, #tpu.memory_space<semaphore_mem>>) src(%dma_wait3A_87 : memref<625x64xf32, #tpu.memory_space<hbm>>) dst(%dma_wait3A_84 : memref<625x64xf32, #tpu.memory_space<vmem_shared>>)
      tpu.yield
    }) : () -> ()
    %broadcast_in_dim3A = arith.constant 0.000000e+00 : f32
    %broadcast_in_dim3A_4 = vector.broadcast %broadcast_in_dim3A : f32 to vector<16xf32>
    %scan3A = arith.constant 0 : i32
    %scan3A_5 = arith.constant 0 : i32
    %scan3A_6 = arith.constant 0 : i32
    %scan3A_7 = arith.constant 200 : i32
    %scan3A_8 = arith.addi %scan3A_6, %scan3A_7 : i32
    %scan3A_9 = arith.constant 1 : i32
    scf.for %scan3A_76 = %scan3A_6 to %scan3A_8 step %scan3A_9  : i32 {
      %swap3A = arith.constant 0 : i32
      %swap3A_77 = arith.constant 0 : i32
      %swap3A_78 = arith.constant 0 : i32
      %swap3A_79 = arith.constant 0 : i32
      %swap3A_80 = tpu.memref_slice %arg6[%scan3A_5, %swap3A_77, %swap3A_78, %swap3A_79] : memref<2x1x200x64xf32, #tpu.memory_space<vmem>> -> memref<1x1x200x64xf32, #tpu.memory_space<vmem>>
      %swap3A_81 = tpu.memref_squeeze %swap3A_80 : memref<1x1x200x64xf32, #tpu.memory_space<vmem>> -> memref<1x200x64xf32, #tpu.memory_space<vmem>>
      %swap3A_82 = arith.index_cast %swap3A : i32 to index
      %swap3A_83 = arith.index_cast %scan3A_76 : i32 to index
      %swap3A_84 = arith.constant 0 : index
      %swap3A_85 = tpu.vector_load %swap3A_81[%swap3A_82, %swap3A_83, %swap3A_84] {strides = array<i32>} : memref<1x200x64xf32, #tpu.memory_space<vmem>>, vector<1x1x16xf32>,
      %swap3A_86 = vector.shape_cast %swap3A_85 : vector<1x1x16xf32> to vector<16xf32>
      %swap3A_87 = vector.shape_cast %broadcast_in_dim3A_4 : vector<16xf32> to vector<1x1x16xf32>
      tpu.vector_store %swap3A_81[%swap3A_82, %swap3A_83, %swap3A_84], %swap3A_87 {strides = array<i32>} : memref<1x200x64xf32, #tpu.memory_space<vmem>>, vector<1x1x16xf32>,
      %swap3A_88 = arith.constant 0 : i32
      %swap3A_89 = arith.constant 0 : i32
      %swap3A_90 = arith.constant 0 : i32
      %swap3A_91 = arith.constant 0 : i32
      %swap3A_92 = tpu.memref_slice %arg6[%scan3A_5, %swap3A_89, %swap3A_90, %swap3A_91] : memref<2x1x200x64xf32, #tpu.memory_space<vmem>> -> memref<1x1x200x64xf32, #tpu.memory_space<vmem>>
      %swap3A_93 = tpu.memref_squeeze %swap3A_92 : memref<1x1x200x64xf32, #tpu.memory_space<vmem>> -> memref<1x200x64xf32, #tpu.memory_space<vmem>>
      %swap3A_94 = arith.index_cast %swap3A_88 : i32 to index
      %swap3A_95 = arith.index_cast %scan3A_76 : i32 to index
      %swap3A_96 = arith.constant 16 : index
      %swap3A_97 = tpu.vector_load %swap3A_93[%swap3A_94, %swap3A_95, %swap3A_96] {strides = array<i32>} : memref<1x200x64xf32, #tpu.memory_space<vmem>>, vector<1x1x16xf32>,
      %swap3A_98 = vector.shape_cast %swap3A_97 : vector<1x1x16xf32> to vector<16xf32>
      %swap3A_99 = vector.shape_cast %broadcast_in_dim3A_4 : vector<16xf32> to vector<1x1x16xf32>
      tpu.vector_store %swap3A_93[%swap3A_94, %swap3A_95, %swap3A_96], %swap3A_99 {strides = array<i32>} : memref<1x200x64xf32, #tpu.memory_space<vmem>>, vector<1x1x16xf32>,
      %swap3A_100 = arith.constant 0 : i32
      %swap3A_101 = arith.constant 0 : i32
      %swap3A_102 = arith.constant 0 : i32
      %swap3A_103 = arith.constant 0 : i32
      %swap3A_104 = tpu.memref_slice %arg6[%scan3A_5, %swap3A_101, %swap3A_102, %swap3A_103] : memref<2x1x200x64xf32, #tpu.memory_space<vmem>> -> memref<1x1x200x64xf32, #tpu.memory_space<vmem>>
      %swap3A_105 = tpu.memref_squeeze %swap3A_104 : memref<1x1x200x64xf32, #tpu.memory_space<vmem>> -> memref<1x200x64xf32, #tpu.memory_space<vmem>>
      %swap3A_106 = arith.index_cast %swap3A_100 : i32 to index
      %swap3A_107 = arith.index_cast %scan3A_76 : i32 to index
      %swap3A_108 = arith.constant 32 : index
      %swap3A_109 = tpu.vector_load %swap3A_105[%swap3A_106, %swap3A_107, %swap3A_108] {strides = array<i32>} : memref<1x200x64xf32, #tpu.memory_space<vmem>>, vector<1x1x16xf32>,
      %swap3A_110 = vector.shape_cast %swap3A_109 : vector<1x1x16xf32> to vector<16xf32>
      %swap3A_111 = vector.shape_cast %broadcast_in_dim3A_4 : vector<16xf32> to vector<1x1x16xf32>
      tpu.vector_store %swap3A_105[%swap3A_106, %swap3A_107, %swap3A_108], %swap3A_111 {strides = array<i32>} : memref<1x200x64xf32, #tpu.memory_space<vmem>>, vector<1x1x16xf32>,
      %swap3A_112 = arith.constant 0 : i32
      %swap3A_113 = arith.constant 0 : i32
      %swap3A_114 = arith.constant 0 : i32
      %swap3A_115 = arith.constant 0 : i32
      %swap3A_116 = tpu.memref_slice %arg6[%scan3A_5, %swap3A_113, %swap3A_114, %swap3A_115] : memref<2x1x200x64xf32, #tpu.memory_space<vmem>> -> memref<1x1x200x64xf32, #tpu.memory_space<vmem>>
      %swap3A_117 = tpu.memref_squeeze %swap3A_116 : memref<1x1x200x64xf32, #tpu.memory_space<vmem>> -> memref<1x200x64xf32, #tpu.memory_space<vmem>>
      %swap3A_118 = arith.index_cast %swap3A_112 : i32 to index
      %swap3A_119 = arith.index_cast %scan3A_76 : i32 to index
      %swap3A_120 = arith.constant 48 : index
      %swap3A_121 = tpu.vector_load %swap3A_117[%swap3A_118, %swap3A_119, %swap3A_120] {strides = array<i32>} : memref<1x200x64xf32, #tpu.memory_space<vmem>>, vector<1x1x16xf32>,
      %swap3A_122 = vector.shape_cast %swap3A_121 : vector<1x1x16xf32> to vector<16xf32>
      %swap3A_123 = vector.shape_cast %broadcast_in_dim3A_4 : vector<16xf32> to vector<1x1x16xf32>
      tpu.vector_store %swap3A_117[%swap3A_118, %swap3A_119, %swap3A_120], %swap3A_123 {strides = array<i32>} : memref<1x200x64xf32, #tpu.memory_space<vmem>>, vector<1x1x16xf32>,
    }
    %scan3A_10 = arith.constant 200 : i32
    %mul3A_11 = arith.constant 625 : i32
    %mul3A_12 = arith.muli %arg1, %mul3A_11 : i32
    %add3A_13 = arith.constant 0 : i32
    %add3A_14 = arith.addi %mul3A_12, %add3A_13 : i32
    %run_scoped3A_15 = arith.constant 0 : i32
    %run_scoped3A_16 = arith.constant 0 : i32
    %run_scoped3A_17 = arith.constant 0 : i32
    "tpu.region"() ({
      %run_scoped3A_76 = tpu.sem_alloc : memref<!tpu.dma_semaphore, #tpu.memory_space<semaphore_mem>>
      %dma_start3A = arith.constant 0 : i32
      %dma_start3A_77 = arith.constant 0 : i32
      %dma_start3A_78 = arith.constant 0 : i32
      %dma_start3A_79 = tpu.memref_slice %arg6[%run_scoped3A_15, %dma_start3A, %dma_start3A_77, %dma_start3A_78] : memref<2x1x200x64xf32, #tpu.memory_space<vmem>> -> memref<1x1x200x64xf32, #tpu.memory_space<vmem>>
      %dma_start3A_80 = tpu.memref_squeeze %dma_start3A_79 : memref<1x1x200x64xf32, #tpu.memory_space<vmem>> -> memref<1x200x64xf32, #tpu.memory_space<vmem>>
      %dma_start3A_81 = arith.constant 0 : i32
      %dma_start3A_82 = arith.constant 0 : i32
      %dma_start3A_83 = tpu.memref_slice %dma_start3A_80[%run_scoped3A_16, %dma_start3A_81, %dma_start3A_82] : memref<1x200x64xf32, #tpu.memory_space<vmem>> -> memref<1x200x64xf32, #tpu.memory_space<vmem>>
      %dma_start3A_84 = tpu.memref_squeeze %dma_start3A_83 : memref<1x200x64xf32, #tpu.memory_space<vmem>> -> memref<200x64xf32, #tpu.memory_space<vmem>>
      %dma_start3A_85 = arith.constant 0 : i32
      %dma_start3A_86 = tpu.memref_slice %arg9[%run_scoped3A_17, %add3A_14, %dma_start3A_85] : memref<1x10000x64xf32, #tpu.memory_space<vmem_shared>> -> memref<1x200x64xf32, #tpu.memory_space<vmem_shared>>
      %dma_start3A_87 = tpu.memref_squeeze %dma_start3A_86 : memref<1x200x64xf32, #tpu.memory_space<vmem_shared>> -> memref<200x64xf32, #tpu.memory_space<vmem_shared>>
      %dma_start3A_88 = arith.constant 0 : i32
      %dma_start3A_89 = tpu.memref_slice %arg9[%run_scoped3A_17, %add3A_14, %dma_start3A_88] : memref<1x10000x64xf32, #tpu.memory_space<vmem_shared>> -> memref<1x200x64xf32, #tpu.memory_space<vmem_shared>>
      %dma_start3A_90 = tpu.memref_squeeze %dma_start3A_89 : memref<1x200x64xf32, #tpu.memory_space<vmem_shared>> -> memref<200x64xf32, #tpu.memory_space<vmem_shared>>
      %dma_start3A_91 = arith.constant 0 : i32
      %dma_start3A_92 = arith.constant 0 : i32
      %dma_start3A_93 = arith.constant 0 : i32
      %dma_start3A_94 = tpu.memref_slice %arg6[%run_scoped3A_15, %dma_start3A_91, %dma_start3A_92, %dma_start3A_93] : memref<2x1x200x64xf32, #tpu.memory_space<vmem>> -> memref<1x1x200x64xf32, #tpu.memory_space<vmem>>
      %dma_start3A_95 = tpu.memref_squeeze %dma_start3A_94 : memref<1x1x200x64xf32, #tpu.memory_space<vmem>> -> memref<1x200x64xf32, #tpu.memory_space<vmem>>
      %dma_start3A_96 = arith.constant 0 : i32
      %dma_start3A_97 = arith.constant 0 : i32
      %dma_start3A_98 = tpu.memref_slice %dma_start3A_95[%run_scoped3A_16, %dma_start3A_96, %dma_start3A_97] : memref<1x200x64xf32, #tpu.memory_space<vmem>> -> memref<1x200x64xf32, #tpu.memory_space<vmem>>
      %dma_start3A_99 = tpu.memref_squeeze %dma_start3A_98 : memref<1x200x64xf32, #tpu.memory_space<vmem>> -> memref<200x64xf32, #tpu.memory_space<vmem>>
      tpu.enqueue_dma source(%dma_start3A_99 : memref<200x64xf32, #tpu.memory_space<vmem>>) target(%dma_start3A_90 : memref<200x64xf32, #tpu.memory_space<vmem_shared>>) target_semaphore(%run_scoped3A_76 : memref<!tpu.dma_semaphore, #tpu.memory_space<semaphore_mem>>)
      %dma_wait3A_100 = arith.constant 0 : i32
      %dma_wait3A_101 = arith.constant 0 : i32
      %dma_wait3A_102 = arith.constant 0 : i32
      %dma_wait3A_103 = tpu.memref_slice %arg6[%run_scoped3A_15, %dma_wait3A_100, %dma_wait3A_101, %dma_wait3A_102] : memref<2x1x200x64xf32, #tpu.memory_space<vmem>> -> memref<1x1x200x64xf32, #tpu.memory_space<vmem>>
      %dma_wait3A_104 = tpu.memref_squeeze %dma_wait3A_103 : memref<1x1x200x64xf32, #tpu.memory_space<vmem>> -> memref<1x200x64xf32, #tpu.memory_space<vmem>>
      %dma_wait3A_105 = arith.constant 0 : i32
      %dma_wait3A_106 = arith.constant 0 : i32
      %dma_wait3A_107 = tpu.memref_slice %dma_wait3A_104[%run_scoped3A_16, %dma_wait3A_105, %dma_wait3A_106] : memref<1x200x64xf32, #tpu.memory_space<vmem>> -> memref<1x200x64xf32, #tpu.memory_space<vmem>>
      %dma_wait3A_108 = tpu.memref_squeeze %dma_wait3A_107 : memref<1x200x64xf32, #tpu.memory_space<vmem>> -> memref<200x64xf32, #tpu.memory_space<vmem>>
      %dma_wait3A_109 = arith.constant 0 : i32
      %dma_wait3A_110 = tpu.memref_slice %arg9[%run_scoped3A_17, %add3A_14, %dma_wait3A_109] : memref<1x10000x64xf32, #tpu.memory_space<vmem_shared>> -> memref<1x200x64xf32, #tpu.memory_space<vmem_shared>>
      %dma_wait3A_111 = tpu.memref_squeeze %dma_wait3A_110 : memref<1x200x64xf32, #tpu.memory_space<vmem_shared>> -> memref<200x64xf32, #tpu.memory_space<vmem_shared>>
      %dma_wait3A_112 = arith.constant 0 : i32
      %dma_wait3A_113 = tpu.memref_slice %arg9[%run_scoped3A_17, %add3A_14, %dma_wait3A_112] : memref<1x10000x64xf32, #tpu.memory_space<vmem_shared>> -> memref<1x200x64xf32, #tpu.memory_space<vmem_shared>>
      %dma_wait3A_114 = tpu.memref_squeeze %dma_wait3A_113 : memref<1x200x64xf32, #tpu.memory_space<vmem_shared>> -> memref<200x64xf32, #tpu.memory_space<vmem_shared>>
      %dma_wait3A_115 = arith.constant 0 : i32
      %dma_wait3A_116 = arith.constant 0 : i32
      %dma_wait3A_117 = arith.constant 0 : i32
      %dma_wait3A_118 = tpu.memref_slice %arg6[%run_scoped3A_15, %dma_wait3A_115, %dma_wait3A_116, %dma_wait3A_117] : memref<2x1x200x64xf32, #tpu.memory_space<vmem>> -> memref<1x1x200x64xf32, #tpu.memory_space<vmem>>
      %dma_wait3A_119 = tpu.memref_squeeze %dma_wait3A_118 : memref<1x1x200x64xf32, #tpu.memory_space<vmem>> -> memref<1x200x64xf32, #tpu.memory_space<vmem>>
      %dma_wait3A_120 = arith.constant 0 : i32
      %dma_wait3A_121 = arith.constant 0 : i32
      %dma_wait3A_122 = tpu.memref_slice %dma_wait3A_119[%run_scoped3A_16, %dma_wait3A_120, %dma_wait3A_121] : memref<1x200x64xf32, #tpu.memory_space<vmem>> -> memref<1x200x64xf32, #tpu.memory_space<vmem>>
      %dma_wait3A_123 = tpu.memref_squeeze %dma_wait3A_122 : memref<1x200x64xf32, #tpu.memory_space<vmem>> -> memref<200x64xf32, #tpu.memory_space<vmem>>
      tpu.wait_dma2 semaphore(%run_scoped3A_76 : memref<!tpu.dma_semaphore, #tpu.memory_space<semaphore_mem>>) src(%dma_wait3A_123 : memref<200x64xf32, #tpu.memory_space<vmem>>) dst(%dma_wait3A_114 : memref<200x64xf32, #tpu.memory_space<vmem_shared>>)
      tpu.yield
    }) : () -> ()
    %add3A_18 = arith.constant 200 : i32
    %add3A_19 = arith.addi %mul3A_12, %add3A_18 : i32
    %run_scoped3A_20 = arith.constant 0 : i32
    %run_scoped3A_21 = arith.constant 0 : i32
    %run_scoped3A_22 = arith.constant 0 : i32
    "tpu.region"() ({
      %run_scoped3A_76 = tpu.sem_alloc : memref<!tpu.dma_semaphore, #tpu.memory_space<semaphore_mem>>
      %dma_start3A = arith.constant 0 : i32
      %dma_start3A_77 = arith.constant 0 : i32
      %dma_start3A_78 = arith.constant 0 : i32
      %dma_start3A_79 = tpu.memref_slice %arg6[%run_scoped3A_20, %dma_start3A, %dma_start3A_77, %dma_start3A_78] : memref<2x1x200x64xf32, #tpu.memory_space<vmem>> -> memref<1x1x200x64xf32, #tpu.memory_space<vmem>>
      %dma_start3A_80 = tpu.memref_squeeze %dma_start3A_79 : memref<1x1x200x64xf32, #tpu.memory_space<vmem>> -> memref<1x200x64xf32, #tpu.memory_space<vmem>>
      %dma_start3A_81 = arith.constant 0 : i32
      %dma_start3A_82 = arith.constant 0 : i32
      %dma_start3A_83 = tpu.memref_slice %dma_start3A_80[%run_scoped3A_21, %dma_start3A_81, %dma_start3A_82] : memref<1x200x64xf32, #tpu.memory_space<vmem>> -> memref<1x200x64xf32, #tpu.memory_space<vmem>>
      %dma_start3A_84 = tpu.memref_squeeze %dma_start3A_83 : memref<1x200x64xf32, #tpu.memory_space<vmem>> -> memref<200x64xf32, #tpu.memory_space<vmem>>
      %dma_start3A_85 = arith.constant 0 : i32
      %dma_start3A_86 = tpu.memref_slice %arg9[%run_scoped3A_22, %add3A_19, %dma_start3A_85] : memref<1x10000x64xf32, #tpu.memory_space<vmem_shared>> -> memref<1x200x64xf32, #tpu.memory_space<vmem_shared>>
      %dma_start3A_87 = tpu.memref_squeeze %dma_start3A_86 : memref<1x200x64xf32, #tpu.memory_space<vmem_shared>> -> memref<200x64xf32, #tpu.memory_space<vmem_shared>>
      %dma_start3A_88 = arith.constant 0 : i32
      %dma_start3A_89 = tpu.memref_slice %arg9[%run_scoped3A_22, %add3A_19, %dma_start3A_88] : memref<1x10000x64xf32, #tpu.memory_space<vmem_shared>> -> memref<1x200x64xf32, #tpu.memory_space<vmem_shared>>
      %dma_start3A_90 = tpu.memref_squeeze %dma_start3A_89 : memref<1x200x64xf32, #tpu.memory_space<vmem_shared>> -> memref<200x64xf32, #tpu.memory_space<vmem_shared>>
      %dma_start3A_91 = arith.constant 0 : i32
      %dma_start3A_92 = arith.constant 0 : i32
      %dma_start3A_93 = arith.constant 0 : i32
      %dma_start3A_94 = tpu.memref_slice %arg6[%run_scoped3A_20, %dma_start3A_91, %dma_start3A_92, %dma_start3A_93] : memref<2x1x200x64xf32, #tpu.memory_space<vmem>> -> memref<1x1x200x64xf32, #tpu.memory_space<vmem>>
      %dma_start3A_95 = tpu.memref_squeeze %dma_start3A_94 : memref<1x1x200x64xf32, #tpu.memory_space<vmem>> -> memref<1x200x64xf32, #tpu.memory_space<vmem>>
      %dma_start3A_96 = arith.constant 0 : i32
      %dma_start3A_97 = arith.constant 0 : i32
      %dma_start3A_98 = tpu.memref_slice %dma_start3A_95[%run_scoped3A_21, %dma_start3A_96, %dma_start3A_97] : memref<1x200x64xf32, #tpu.memory_space<vmem>> -> memref<1x200x64xf32, #tpu.memory_space<vmem>>
      %dma_start3A_99 = tpu.memref_squeeze %dma_start3A_98 : memref<1x200x64xf32, #tpu.memory_space<vmem>> -> memref<200x64xf32, #tpu.memory_space<vmem>>
      tpu.enqueue_dma source(%dma_start3A_99 : memref<200x64xf32, #tpu.memory_space<vmem>>) target(%dma_start3A_90 : memref<200x64xf32, #tpu.memory_space<vmem_shared>>) target_semaphore(%run_scoped3A_76 : memref<!tpu.dma_semaphore, #tpu.memory_space<semaphore_mem>>)
      %dma_wait3A_100 = arith.constant 0 : i32
      %dma_wait3A_101 = arith.constant 0 : i32
      %dma_wait3A_102 = arith.constant 0 : i32
      %dma_wait3A_103 = tpu.memref_slice %arg6[%run_scoped3A_20, %dma_wait3A_100, %dma_wait3A_101, %dma_wait3A_102] : memref<2x1x200x64xf32, #tpu.memory_space<vmem>> -> memref<1x1x200x64xf32, #tpu.memory_space<vmem>>
      %dma_wait3A_104 = tpu.memref_squeeze %dma_wait3A_103 : memref<1x1x200x64xf32, #tpu.memory_space<vmem>> -> memref<1x200x64xf32, #tpu.memory_space<vmem>>
      %dma_wait3A_105 = arith.constant 0 : i32
      %dma_wait3A_106 = arith.constant 0 : i32
      %dma_wait3A_107 = tpu.memref_slice %dma_wait3A_104[%run_scoped3A_21, %dma_wait3A_105, %dma_wait3A_106] : memref<1x200x64xf32, #tpu.memory_space<vmem>> -> memref<1x200x64xf32, #tpu.memory_space<vmem>>
      %dma_wait3A_108 = tpu.memref_squeeze %dma_wait3A_107 : memref<1x200x64xf32, #tpu.memory_space<vmem>> -> memref<200x64xf32, #tpu.memory_space<vmem>>
      %dma_wait3A_109 = arith.constant 0 : i32
      %dma_wait3A_110 = tpu.memref_slice %arg9[%run_scoped3A_22, %add3A_19, %dma_wait3A_109] : memref<1x10000x64xf32, #tpu.memory_space<vmem_shared>> -> memref<1x200x64xf32, #tpu.memory_space<vmem_shared>>
      %dma_wait3A_111 = tpu.memref_squeeze %dma_wait3A_110 : memref<1x200x64xf32, #tpu.memory_space<vmem_shared>> -> memref<200x64xf32, #tpu.memory_space<vmem_shared>>
      %dma_wait3A_112 = arith.constant 0 : i32
      %dma_wait3A_113 = tpu.memref_slice %arg9[%run_scoped3A_22, %add3A_19, %dma_wait3A_112] : memref<1x10000x64xf32, #tpu.memory_space<vmem_shared>> -> memref<1x200x64xf32, #tpu.memory_space<vmem_shared>>
      %dma_wait3A_114 = tpu.memref_squeeze %dma_wait3A_113 : memref<1x200x64xf32, #tpu.memory_space<vmem_shared>> -> memref<200x64xf32, #tpu.memory_space<vmem_shared>>
      %dma_wait3A_115 = arith.constant 0 : i32
      %dma_wait3A_116 = arith.constant 0 : i32
      %dma_wait3A_117 = arith.constant 0 : i32
      %dma_wait3A_118 = tpu.memref_slice %arg6[%run_scoped3A_20, %dma_wait3A_115, %dma_wait3A_116, %dma_wait3A_117] : memref<2x1x200x64xf32, #tpu.memory_space<vmem>> -> memref<1x1x200x64xf32, #tpu.memory_space<vmem>>
      %dma_wait3A_119 = tpu.memref_squeeze %dma_wait3A_118 : memref<1x1x200x64xf32, #tpu.memory_space<vmem>> -> memref<1x200x64xf32, #tpu.memory_space<vmem>>
      %dma_wait3A_120 = arith.constant 0 : i32
      %dma_wait3A_121 = arith.constant 0 : i32
      %dma_wait3A_122 = tpu.memref_slice %dma_wait3A_119[%run_scoped3A_21, %dma_wait3A_120, %dma_wait3A_121] : memref<1x200x64xf32, #tpu.memory_space<vmem>> -> memref<1x200x64xf32, #tpu.memory_space<vmem>>
      %dma_wait3A_123 = tpu.memref_squeeze %dma_wait3A_122 : memref<1x200x64xf32, #tpu.memory_space<vmem>> -> memref<200x64xf32, #tpu.memory_space<vmem>>
      tpu.wait_dma2 semaphore(%run_scoped3A_76 : memref<!tpu.dma_semaphore, #tpu.memory_space<semaphore_mem>>) src(%dma_wait3A_123 : memref<200x64xf32, #tpu.memory_space<vmem>>) dst(%dma_wait3A_114 : memref<200x64xf32, #tpu.memory_space<vmem_shared>>)
      tpu.yield
    }) : () -> ()
    %add3A_23 = arith.constant 400 : i32
    %add3A_24 = arith.addi %mul3A_12, %add3A_23 : i32
    %run_scoped3A_25 = arith.constant 0 : i32
    %run_scoped3A_26 = arith.constant 0 : i32
    %run_scoped3A_27 = arith.constant 0 : i32
    "tpu.region"() ({
      %run_scoped3A_76 = tpu.sem_alloc : memref<!tpu.dma_semaphore, #tpu.memory_space<semaphore_mem>>
      %dma_start3A = arith.constant 0 : i32
      %dma_start3A_77 = arith.constant 0 : i32
      %dma_start3A_78 = arith.constant 0 : i32
      %dma_start3A_79 = tpu.memref_slice %arg6[%run_scoped3A_25, %dma_start3A, %dma_start3A_77, %dma_start3A_78] : memref<2x1x200x64xf32, #tpu.memory_space<vmem>> -> memref<1x1x200x64xf32, #tpu.memory_space<vmem>>
      %dma_start3A_80 = tpu.memref_squeeze %dma_start3A_79 : memref<1x1x200x64xf32, #tpu.memory_space<vmem>> -> memref<1x200x64xf32, #tpu.memory_space<vmem>>
      %dma_start3A_81 = arith.constant 0 : i32
      %dma_start3A_82 = arith.constant 0 : i32
      %dma_start3A_83 = tpu.memref_slice %dma_start3A_80[%run_scoped3A_26, %dma_start3A_81, %dma_start3A_82] : memref<1x200x64xf32, #tpu.memory_space<vmem>> -> memref<1x200x64xf32, #tpu.memory_space<vmem>>
      %dma_start3A_84 = tpu.memref_squeeze %dma_start3A_83 : memref<1x200x64xf32, #tpu.memory_space<vmem>> -> memref<200x64xf32, #tpu.memory_space<vmem>>
      %dma_start3A_85 = arith.constant 0 : i32
      %dma_start3A_86 = tpu.memref_slice %arg9[%run_scoped3A_27, %add3A_24, %dma_start3A_85] : memref<1x10000x64xf32, #tpu.memory_space<vmem_shared>> -> memref<1x200x64xf32, #tpu.memory_space<vmem_shared>>
      %dma_start3A_87 = tpu.memref_squeeze %dma_start3A_86 : memref<1x200x64xf32, #tpu.memory_space<vmem_shared>> -> memref<200x64xf32, #tpu.memory_space<vmem_shared>>
      %dma_start3A_88 = arith.constant 0 : i32
      %dma_start3A_89 = tpu.memref_slice %arg9[%run_scoped3A_27, %add3A_24, %dma_start3A_88] : memref<1x10000x64xf32, #tpu.memory_space<vmem_shared>> -> memref<1x200x64xf32, #tpu.memory_space<vmem_shared>>
      %dma_start3A_90 = tpu.memref_squeeze %dma_start3A_89 : memref<1x200x64xf32, #tpu.memory_space<vmem_shared>> -> memref<200x64xf32, #tpu.memory_space<vmem_shared>>
      %dma_start3A_91 = arith.constant 0 : i32
      %dma_start3A_92 = arith.constant 0 : i32
      %dma_start3A_93 = arith.constant 0 : i32
      %dma_start3A_94 = tpu.memref_slice %arg6[%run_scoped3A_25, %dma_start3A_91, %dma_start3A_92, %dma_start3A_93] : memref<2x1x200x64xf32, #tpu.memory_space<vmem>> -> memref<1x1x200x64xf32, #tpu.memory_space<vmem>>
      %dma_start3A_95 = tpu.memref_squeeze %dma_start3A_94 : memref<1x1x200x64xf32, #tpu.memory_space<vmem>> -> memref<1x200x64xf32, #tpu.memory_space<vmem>>
      %dma_start3A_96 = arith.constant 0 : i32
      %dma_start3A_97 = arith.constant 0 : i32
      %dma_start3A_98 = tpu.memref_slice %dma_start3A_95[%run_scoped3A_26, %dma_start3A_96, %dma_start3A_97] : memref<1x200x64xf32, #tpu.memory_space<vmem>> -> memref<1x200x64xf32, #tpu.memory_space<vmem>>
      %dma_start3A_99 = tpu.memref_squeeze %dma_start3A_98 : memref<1x200x64xf32, #tpu.memory_space<vmem>> -> memref<200x64xf32, #tpu.memory_space<vmem>>
      tpu.enqueue_dma source(%dma_start3A_99 : memref<200x64xf32, #tpu.memory_space<vmem>>) target(%dma_start3A_90 : memref<200x64xf32, #tpu.memory_space<vmem_shared>>) target_semaphore(%run_scoped3A_76 : memref<!tpu.dma_semaphore, #tpu.memory_space<semaphore_mem>>)
      %dma_wait3A_100 = arith.constant 0 : i32
      %dma_wait3A_101 = arith.constant 0 : i32
      %dma_wait3A_102 = arith.constant 0 : i32
      %dma_wait3A_103 = tpu.memref_slice %arg6[%run_scoped3A_25, %dma_wait3A_100, %dma_wait3A_101, %dma_wait3A_102] : memref<2x1x200x64xf32, #tpu.memory_space<vmem>> -> memref<1x1x200x64xf32, #tpu.memory_space<vmem>>
      %dma_wait3A_104 = tpu.memref_squeeze %dma_wait3A_103 : memref<1x1x200x64xf32, #tpu.memory_space<vmem>> -> memref<1x200x64xf32, #tpu.memory_space<vmem>>
      %dma_wait3A_105 = arith.constant 0 : i32
      %dma_wait3A_106 = arith.constant 0 : i32
      %dma_wait3A_107 = tpu.memref_slice %dma_wait3A_104[%run_scoped3A_26, %dma_wait3A_105, %dma_wait3A_106] : memref<1x200x64xf32, #tpu.memory_space<vmem>> -> memref<1x200x64xf32, #tpu.memory_space<vmem>>
      %dma_wait3A_108 = tpu.memref_squeeze %dma_wait3A_107 : memref<1x200x64xf32, #tpu.memory_space<vmem>> -> memref<200x64xf32, #tpu.memory_space<vmem>>
      %dma_wait3A_109 = arith.constant 0 : i32
      %dma_wait3A_110 = tpu.memref_slice %arg9[%run_scoped3A_27, %add3A_24, %dma_wait3A_109] : memref<1x10000x64xf32, #tpu.memory_space<vmem_shared>> -> memref<1x200x64xf32, #tpu.memory_space<vmem_shared>>
      %dma_wait3A_111 = tpu.memref_squeeze %dma_wait3A_110 : memref<1x200x64xf32, #tpu.memory_space<vmem_shared>> -> memref<200x64xf32, #tpu.memory_space<vmem_shared>>
      %dma_wait3A_112 = arith.constant 0 : i32
      %dma_wait3A_113 = tpu.memref_slice %arg9[%run_scoped3A_27, %add3A_24, %dma_wait3A_112] : memref<1x10000x64xf32, #tpu.memory_space<vmem_shared>> -> memref<1x200x64xf32, #tpu.memory_space<vmem_shared>>
      %dma_wait3A_114 = tpu.memref_squeeze %dma_wait3A_113 : memref<1x200x64xf32, #tpu.memory_space<vmem_shared>> -> memref<200x64xf32, #tpu.memory_space<vmem_shared>>
      %dma_wait3A_115 = arith.constant 0 : i32
      %dma_wait3A_116 = arith.constant 0 : i32
      %dma_wait3A_117 = arith.constant 0 : i32
      %dma_wait3A_118 = tpu.memref_slice %arg6[%run_scoped3A_25, %dma_wait3A_115, %dma_wait3A_116, %dma_wait3A_117] : memref<2x1x200x64xf32, #tpu.memory_space<vmem>> -> memref<1x1x200x64xf32, #tpu.memory_space<vmem>>
      %dma_wait3A_119 = tpu.memref_squeeze %dma_wait3A_118 : memref<1x1x200x64xf32, #tpu.memory_space<vmem>> -> memref<1x200x64xf32, #tpu.memory_space<vmem>>
      %dma_wait3A_120 = arith.constant 0 : i32
      %dma_wait3A_121 = arith.constant 0 : i32
      %dma_wait3A_122 = tpu.memref_slice %dma_wait3A_119[%run_scoped3A_26, %dma_wait3A_120, %dma_wait3A_121] : memref<1x200x64xf32, #tpu.memory_space<vmem>> -> memref<1x200x64xf32, #tpu.memory_space<vmem>>
      %dma_wait3A_123 = tpu.memref_squeeze %dma_wait3A_122 : memref<1x200x64xf32, #tpu.memory_space<vmem>> -> memref<200x64xf32, #tpu.memory_space<vmem>>
      tpu.wait_dma2 semaphore(%run_scoped3A_76 : memref<!tpu.dma_semaphore, #tpu.memory_space<semaphore_mem>>) src(%dma_wait3A_123 : memref<200x64xf32, #tpu.memory_space<vmem>>) dst(%dma_wait3A_114 : memref<200x64xf32, #tpu.memory_space<vmem_shared>>)
      tpu.yield
    }) : () -> ()
    %add3A_28 = arith.constant 600 : i32
    %add3A_29 = arith.addi %mul3A_12, %add3A_28 : i32
    %run_scoped3A_30 = arith.constant 0 : i32
    %run_scoped3A_31 = arith.constant 0 : i32
    %run_scoped3A_32 = arith.constant 0 : i32
    "tpu.region"() ({
      %run_scoped3A_76 = tpu.sem_alloc : memref<!tpu.dma_semaphore, #tpu.memory_space<semaphore_mem>>
      %dma_start3A = arith.constant 0 : i32
      %dma_start3A_77 = arith.constant 0 : i32
      %dma_start3A_78 = arith.constant 0 : i32
      %dma_start3A_79 = tpu.memref_slice %arg6[%run_scoped3A_30, %dma_start3A, %dma_start3A_77, %dma_start3A_78] : memref<2x1x200x64xf32, #tpu.memory_space<vmem>> -> memref<1x1x200x64xf32, #tpu.memory_space<vmem>>
      %dma_start3A_80 = tpu.memref_squeeze %dma_start3A_79 : memref<1x1x200x64xf32, #tpu.memory_space<vmem>> -> memref<1x200x64xf32, #tpu.memory_space<vmem>>
      %dma_start3A_81 = arith.constant 0 : i32
      %dma_start3A_82 = arith.constant 0 : i32
      %dma_start3A_83 = tpu.memref_slice %dma_start3A_80[%run_scoped3A_31, %dma_start3A_81, %dma_start3A_82] : memref<1x200x64xf32, #tpu.memory_space<vmem>> -> memref<1x25x64xf32, #tpu.memory_space<vmem>>
      %dma_start3A_84 = tpu.memref_squeeze %dma_start3A_83 : memref<1x25x64xf32, #tpu.memory_space<vmem>> -> memref<25x64xf32, #tpu.memory_space<vmem>>
      %dma_start3A_85 = arith.constant 0 : i32
      %dma_start3A_86 = tpu.memref_slice %arg9[%run_scoped3A_32, %add3A_29, %dma_start3A_85] : memref<1x10000x64xf32, #tpu.memory_space<vmem_shared>> -> memref<1x25x64xf32, #tpu.memory_space<vmem_shared>>
      %dma_start3A_87 = tpu.memref_squeeze %dma_start3A_86 : memref<1x25x64xf32, #tpu.memory_space<vmem_shared>> -> memref<25x64xf32, #tpu.memory_space<vmem_shared>>
      %dma_start3A_88 = arith.constant 0 : i32
      %dma_start3A_89 = tpu.memref_slice %arg9[%run_scoped3A_32, %add3A_29, %dma_start3A_88] : memref<1x10000x64xf32, #tpu.memory_space<vmem_shared>> -> memref<1x25x64xf32, #tpu.memory_space<vmem_shared>>
      %dma_start3A_90 = tpu.memref_squeeze %dma_start3A_89 : memref<1x25x64xf32, #tpu.memory_space<vmem_shared>> -> memref<25x64xf32, #tpu.memory_space<vmem_shared>>
      %dma_start3A_91 = arith.constant 0 : i32
      %dma_start3A_92 = arith.constant 0 : i32
      %dma_start3A_93 = arith.constant 0 : i32
      %dma_start3A_94 = tpu.memref_slice %arg6[%run_scoped3A_30, %dma_start3A_91, %dma_start3A_92, %dma_start3A_93] : memref<2x1x200x64xf32, #tpu.memory_space<vmem>> -> memref<1x1x200x64xf32, #tpu.memory_space<vmem>>
      %dma_start3A_95 = tpu.memref_squeeze %dma_start3A_94 : memref<1x1x200x64xf32, #tpu.memory_space<vmem>> -> memref<1x200x64xf32, #tpu.memory_space<vmem>>
      %dma_start3A_96 = arith.constant 0 : i32
      %dma_start3A_97 = arith.constant 0 : i32
      %dma_start3A_98 = tpu.memref_slice %dma_start3A_95[%run_scoped3A_31, %dma_start3A_96, %dma_start3A_97] : memref<1x200x64xf32, #tpu.memory_space<vmem>> -> memref<1x25x64xf32, #tpu.memory_space<vmem>>
      %dma_start3A_99 = tpu.memref_squeeze %dma_start3A_98 : memref<1x25x64xf32, #tpu.memory_space<vmem>> -> memref<25x64xf32, #tpu.memory_space<vmem>>
      tpu.enqueue_dma source(%dma_start3A_99 : memref<25x64xf32, #tpu.memory_space<vmem>>) target(%dma_start3A_90 : memref<25x64xf32, #tpu.memory_space<vmem_shared>>) target_semaphore(%run_scoped3A_76 : memref<!tpu.dma_semaphore, #tpu.memory_space<semaphore_mem>>)
      %dma_wait3A_100 = arith.constant 0 : i32
      %dma_wait3A_101 = arith.constant 0 : i32
      %dma_wait3A_102 = arith.constant 0 : i32
      %dma_wait3A_103 = tpu.memref_slice %arg6[%run_scoped3A_30, %dma_wait3A_100, %dma_wait3A_101, %dma_wait3A_102] : memref<2x1x200x64xf32, #tpu.memory_space<vmem>> -> memref<1x1x200x64xf32, #tpu.memory_space<vmem>>
      %dma_wait3A_104 = tpu.memref_squeeze %dma_wait3A_103 : memref<1x1x200x64xf32, #tpu.memory_space<vmem>> -> memref<1x200x64xf32, #tpu.memory_space<vmem>>
      %dma_wait3A_105 = arith.constant 0 : i32
      %dma_wait3A_106 = arith.constant 0 : i32
      %dma_wait3A_107 = tpu.memref_slice %dma_wait3A_104[%run_scoped3A_31, %dma_wait3A_105, %dma_wait3A_106] : memref<1x200x64xf32, #tpu.memory_space<vmem>> -> memref<1x25x64xf32, #tpu.memory_space<vmem>>
      %dma_wait3A_108 = tpu.memref_squeeze %dma_wait3A_107 : memref<1x25x64xf32, #tpu.memory_space<vmem>> -> memref<25x64xf32, #tpu.memory_space<vmem>>
      %dma_wait3A_109 = arith.constant 0 : i32
      %dma_wait3A_110 = tpu.memref_slice %arg9[%run_scoped3A_32, %add3A_29, %dma_wait3A_109] : memref<1x10000x64xf32, #tpu.memory_space<vmem_shared>> -> memref<1x25x64xf32, #tpu.memory_space<vmem_shared>>
      %dma_wait3A_111 = tpu.memref_squeeze %dma_wait3A_110 : memref<1x25x64xf32, #tpu.memory_space<vmem_shared>> -> memref<25x64xf32, #tpu.memory_space<vmem_shared>>
      %dma_wait3A_112 = arith.constant 0 : i32
      %dma_wait3A_113 = tpu.memref_slice %arg9[%run_scoped3A_32, %add3A_29, %dma_wait3A_112] : memref<1x10000x64xf32, #tpu.memory_space<vmem_shared>> -> memref<1x25x64xf32, #tpu.memory_space<vmem_shared>>
      %dma_wait3A_114 = tpu.memref_squeeze %dma_wait3A_113 : memref<1x25x64xf32, #tpu.memory_space<vmem_shared>> -> memref<25x64xf32, #tpu.memory_space<vmem_shared>>
      %dma_wait3A_115 = arith.constant 0 : i32
      %dma_wait3A_116 = arith.constant 0 : i32
      %dma_wait3A_117 = arith.constant 0 : i32
      %dma_wait3A_118 = tpu.memref_slice %arg6[%run_scoped3A_30, %dma_wait3A_115, %dma_wait3A_116, %dma_wait3A_117] : memref<2x1x200x64xf32, #tpu.memory_space<vmem>> -> memref<1x1x200x64xf32, #tpu.memory_space<vmem>>
      %dma_wait3A_119 = tpu.memref_squeeze %dma_wait3A_118 : memref<1x1x200x64xf32, #tpu.memory_space<vmem>> -> memref<1x200x64xf32, #tpu.memory_space<vmem>>
      %dma_wait3A_120 = arith.constant 0 : i32
      %dma_wait3A_121 = arith.constant 0 : i32
      %dma_wait3A_122 = tpu.memref_slice %dma_wait3A_119[%run_scoped3A_31, %dma_wait3A_120, %dma_wait3A_121] : memref<1x200x64xf32, #tpu.memory_space<vmem>> -> memref<1x25x64xf32, #tpu.memory_space<vmem>>
      %dma_wait3A_123 = tpu.memref_squeeze %dma_wait3A_122 : memref<1x25x64xf32, #tpu.memory_space<vmem>> -> memref<25x64xf32, #tpu.memory_space<vmem>>
      tpu.wait_dma2 semaphore(%run_scoped3A_76 : memref<!tpu.dma_semaphore, #tpu.memory_space<semaphore_mem>>) src(%dma_wait3A_123 : memref<25x64xf32, #tpu.memory_space<vmem>>) dst(%dma_wait3A_114 : memref<25x64xf32, #tpu.memory_space<vmem_shared>>)
      tpu.yield
    }) : () -> ()
    %mul3A_33 = arith.constant 50 : i32
    %mul3A_34 = arith.muli %add3A, %mul3A_33 : i32
    "tpu.region"() ({
      %run_scoped3A_76 = tpu.sem_alloc : memref<!tpu.dma_semaphore, #tpu.memory_space<semaphore_mem>>
      %dma_start3A = arith.constant 0 : i32
      %dma_start3A_77 = arith.constant 0 : i32
      %dma_start3A_78 = tpu.memref_slice %arg3[%mul3A_34, %dma_start3A, %dma_start3A_77] : memref<1600x1x200xi32, #tpu.memory_space<hbm>> -> memref<50x1x200xi32, #tpu.memory_space<hbm>>
      %dma_start3A_79 = arith.constant 0 : i32
      %dma_start3A_80 = arith.constant 0 : i32
      %dma_start3A_81 = tpu.memref_slice %arg3[%mul3A_34, %dma_start3A_79, %dma_start3A_80] : memref<1600x1x200xi32, #tpu.memory_space<hbm>> -> memref<50x1x200xi32, #tpu.memory_space<hbm>>
      tpu.enqueue_dma source(%dma_start3A_81 : memref<50x1x200xi32, #tpu.memory_space<hbm>>) target(%arg7 : memref<50x1x200xi32, #tpu.memory_space<vmem>>) target_semaphore(%run_scoped3A_76 : memref<!tpu.dma_semaphore, #tpu.memory_space<semaphore_mem>>)
      %dma_wait3A_82 = arith.constant 0 : i32
      %dma_wait3A_83 = arith.constant 0 : i32
      %dma_wait3A_84 = tpu.memref_slice %arg3[%mul3A_34, %dma_wait3A_82, %dma_wait3A_83] : memref<1600x1x200xi32, #tpu.memory_space<hbm>> -> memref<50x1x200xi32, #tpu.memory_space<hbm>>
      %dma_wait3A_85 = arith.constant 0 : i32
      %dma_wait3A_86 = arith.constant 0 : i32
      %dma_wait3A_87 = tpu.memref_slice %arg3[%mul3A_34, %dma_wait3A_85, %dma_wait3A_86] : memref<1600x1x200xi32, #tpu.memory_space<hbm>> -> memref<50x1x200xi32, #tpu.memory_space<hbm>>
      tpu.wait_dma2 semaphore(%run_scoped3A_76 : memref<!tpu.dma_semaphore, #tpu.memory_space<semaphore_mem>>) src(%dma_wait3A_87 : memref<50x1x200xi32, #tpu.memory_space<hbm>>) dst(%arg7 : memref<50x1x200xi32, #tpu.memory_space<vmem>>)
      tpu.yield
    }) : () -> ()
    %mul3A_35 = arith.constant 50 : i32
    %mul3A_36 = arith.muli %add3A, %mul3A_35 : i32
    "tpu.region"() ({
      %run_scoped3A_76 = tpu.sem_alloc : memref<!tpu.dma_semaphore, #tpu.memory_space<semaphore_mem>>
      %dma_start3A = arith.constant 0 : i32
      %dma_start3A_77 = arith.constant 0 : i32
      %dma_start3A_78 = tpu.memref_slice %arg4[%mul3A_36, %dma_start3A, %dma_start3A_77] : memref<1600x1x200xi32, #tpu.memory_space<hbm>> -> memref<50x1x200xi32, #tpu.memory_space<hbm>>
      %dma_start3A_79 = arith.constant 0 : i32
      %dma_start3A_80 = arith.constant 0 : i32
      %dma_start3A_81 = tpu.memref_slice %arg4[%mul3A_36, %dma_start3A_79, %dma_start3A_80] : memref<1600x1x200xi32, #tpu.memory_space<hbm>> -> memref<50x1x200xi32, #tpu.memory_space<hbm>>
      tpu.enqueue_dma source(%dma_start3A_81 : memref<50x1x200xi32, #tpu.memory_space<hbm>>) target(%arg8 : memref<50x1x200xi32, #tpu.memory_space<vmem>>) target_semaphore(%run_scoped3A_76 : memref<!tpu.dma_semaphore, #tpu.memory_space<semaphore_mem>>)
      %dma_wait3A_82 = arith.constant 0 : i32
      %dma_wait3A_83 = arith.constant 0 : i32
      %dma_wait3A_84 = tpu.memref_slice %arg4[%mul3A_36, %dma_wait3A_82, %dma_wait3A_83] : memref<1600x1x200xi32, #tpu.memory_space<hbm>> -> memref<50x1x200xi32, #tpu.memory_space<hbm>>
      %dma_wait3A_85 = arith.constant 0 : i32
      %dma_wait3A_86 = arith.constant 0 : i32
      %dma_wait3A_87 = tpu.memref_slice %arg4[%mul3A_36, %dma_wait3A_85, %dma_wait3A_86] : memref<1600x1x200xi32, #tpu.memory_space<hbm>> -> memref<50x1x200xi32, #tpu.memory_space<hbm>>
      tpu.wait_dma2 semaphore(%run_scoped3A_76 : memref<!tpu.dma_semaphore, #tpu.memory_space<semaphore_mem>>) src(%dma_wait3A_87 : memref<50x1x200xi32, #tpu.memory_space<hbm>>) dst(%arg8 : memref<50x1x200xi32, #tpu.memory_space<vmem>>)
      tpu.yield
    }) : () -> ()
    %barrier3A = arith.constant 0 : index
    tpu.barrier barrier_id(%barrier3A)
    %scan3A_37 = arith.constant 0 : i32
    %scan3A_38 = arith.constant 0 : i32
    %scan3A_39 = arith.constant 25 : i32
    %scan3A_40 = arith.addi %scan3A_38, %scan3A_39 : i32
    %scan3A_41 = arith.constant 1 : i32
    scf.for %scan3A_76 = %scan3A_38 to %scan3A_40 step %scan3A_41  : i32 {
      %mul3A_77 = arith.constant 2 : i32
      %mul3A_78 = arith.muli %mul3A_77, %scan3A_76 : i32
      %add3A_79 = arith.constant 0 : i32
      %add3A_80 = arith.addi %mul3A_78, %add3A_79 : i32
      %ge3A = arith.constant 2 : i32
      %ge3A_81 = arith.cmpi sge, %add3A_80, %ge3A : i32
      %convert_element_type3A = arith.extui %ge3A_81 : i1 to i32
      %cond3A = arith.constant 0 : i32
      %cond3A_82 = arith.cmpi ne, %convert_element_type3A, %cond3A : i32
      scf.if %cond3A_82 {
        %sub3A = arith.constant 2 : i32
        %sub3A_175 = arith.subi %add3A_80, %sub3A : i32
        %dma_wait3A_176 = arith.constant 0 : i32
        %dma_wait3A_177 = arith.constant 0 : i32
        %dma_wait3A_178 = arith.constant 0 : i32
        %dma_wait3A_179 = arith.constant 0 : i32
        %dma_wait3A_180 = tpu.memref_slice %arg6[%dma_wait3A_176, %dma_wait3A_177, %dma_wait3A_178, %dma_wait3A_179] : memref<2x1x200x64xf32, #tpu.memory_space<vmem>> -> memref<1x1x200x64xf32, #tpu.memory_space<vmem>>
        %dma_wait3A_181 = tpu.memref_squeeze %dma_wait3A_180 : memref<1x1x200x64xf32, #tpu.memory_space<vmem>> -> memref<1x200x64xf32, #tpu.memory_space<vmem>>
        %dma_wait3A_182 = arith.constant 0 : i32
        %dma_wait3A_183 = arith.constant 0 : i32
        %dma_wait3A_184 = tpu.memref_slice %arg8[%sub3A_175, %dma_wait3A_182, %dma_wait3A_183] : memref<50x1x200xi32, #tpu.memory_space<vmem>> -> memref<1x1x200xi32, #tpu.memory_space<vmem>>
        %dma_wait3A_185 = tpu.memref_squeeze %dma_wait3A_184 : memref<1x1x200xi32, #tpu.memory_space<vmem>> -> memref<1x200xi32, #tpu.memory_space<vmem>>
        %dma_wait3A_186 = arith.constant 0 : i32
        %dma_wait3A_187 = arith.constant 0 : i32
        %dma_wait3A_188 = arith.constant 0 : i32
        %dma_wait3A_189 = tpu.memref_slice %arg9[%dma_wait3A_186, %dma_wait3A_187, %dma_wait3A_188] : memref<1x10000x64xf32, #tpu.memory_space<vmem_shared>> -> memref<1x10000x64xf32, #tpu.memory_space<vmem_shared>>
        tpu.wait_indirect_dma semaphore(%arg13 : memref<!tpu.dma_semaphore, #tpu.memory_space<semaphore_mem>>) src(%dma_wait3A_181 : memref<1x200x64xf32, #tpu.memory_space<vmem>>) dst(%dma_wait3A_189 : memref<1x10000x64xf32, #tpu.memory_space<vmem_shared>>)
      } else {
      }
      %dma_start3A = arith.constant 0 : i32
      %dma_start3A_83 = arith.constant 0 : i32
      %dma_start3A_84 = arith.constant 0 : i32
      %dma_start3A_85 = arith.constant 0 : i32
      %dma_start3A_86 = tpu.memref_slice %arg6[%dma_start3A, %dma_start3A_83, %dma_start3A_84, %dma_start3A_85] : memref<2x1x200x64xf32, #tpu.memory_space<vmem>> -> memref<1x1x200x64xf32, #tpu.memory_space<vmem>>
      %dma_start3A_87 = tpu.memref_squeeze %dma_start3A_86 : memref<1x1x200x64xf32, #tpu.memory_space<vmem>> -> memref<1x200x64xf32, #tpu.memory_space<vmem>>
      %dma_start3A_88 = arith.constant 0 : i32
      %dma_start3A_89 = arith.constant 0 : i32
      %dma_start3A_90 = tpu.memref_slice %arg7[%add3A_80, %dma_start3A_88, %dma_start3A_89] : memref<50x1x200xi32, #tpu.memory_space<vmem>> -> memref<1x1x200xi32, #tpu.memory_space<vmem>>
      %dma_start3A_91 = tpu.memref_squeeze %dma_start3A_90 : memref<1x1x200xi32, #tpu.memory_space<vmem>> -> memref<1x200xi32, #tpu.memory_space<vmem>>
      %dma_start3A_92 = arith.constant 0 : i32
      %dma_start3A_93 = arith.constant 0 : i32
      %dma_start3A_94 = arith.constant 0 : i32
      %dma_start3A_95 = tpu.memref_slice %arg10[%dma_start3A_92, %dma_start3A_93, %dma_start3A_94] : memref<1x10000x64xf32, #tpu.memory_space<vmem_shared>> -> memref<1x10000x64xf32, #tpu.memory_space<vmem_shared>>
      tpu.enqueue_indirect_dma source(%dma_start3A_95 : memref<1x10000x64xf32, #tpu.memory_space<vmem_shared>>) target(%dma_start3A_87 : memref<1x200x64xf32, #tpu.memory_space<vmem>>) offsets(%dma_start3A_91 : memref<1x200xi32, #tpu.memory_space<vmem>>) semaphore(%arg11 : memref<!tpu.dma_semaphore, #tpu.memory_space<semaphore_mem>>)
      %dma_wait3A_96 = arith.constant 0 : i32
      %dma_wait3A_97 = arith.constant 0 : i32
      %dma_wait3A_98 = arith.constant 0 : i32
      %dma_wait3A_99 = arith.constant 0 : i32
      %dma_wait3A_100 = tpu.memref_slice %arg6[%dma_wait3A_96, %dma_wait3A_97, %dma_wait3A_98, %dma_wait3A_99] : memref<2x1x200x64xf32, #tpu.memory_space<vmem>> -> memref<1x1x200x64xf32, #tpu.memory_space<vmem>>
      %dma_wait3A_101 = tpu.memref_squeeze %dma_wait3A_100 : memref<1x1x200x64xf32, #tpu.memory_space<vmem>> -> memref<1x200x64xf32, #tpu.memory_space<vmem>>
      %dma_wait3A_102 = arith.constant 0 : i32
      %dma_wait3A_103 = arith.constant 0 : i32
      %dma_wait3A_104 = tpu.memref_slice %arg7[%add3A_80, %dma_wait3A_102, %dma_wait3A_103] : memref<50x1x200xi32, #tpu.memory_space<vmem>> -> memref<1x1x200xi32, #tpu.memory_space<vmem>>
      %dma_wait3A_105 = tpu.memref_squeeze %dma_wait3A_104 : memref<1x1x200xi32, #tpu.memory_space<vmem>> -> memref<1x200xi32, #tpu.memory_space<vmem>>
      %dma_wait3A_106 = arith.constant 0 : i32
      %dma_wait3A_107 = arith.constant 0 : i32
      %dma_wait3A_108 = arith.constant 0 : i32
      %dma_wait3A_109 = tpu.memref_slice %arg10[%dma_wait3A_106, %dma_wait3A_107, %dma_wait3A_108] : memref<1x10000x64xf32, #tpu.memory_space<vmem_shared>> -> memref<1x10000x64xf32, #tpu.memory_space<vmem_shared>>
      tpu.wait_indirect_dma semaphore(%arg11 : memref<!tpu.dma_semaphore, #tpu.memory_space<semaphore_mem>>) src(%dma_wait3A_109 : memref<1x10000x64xf32, #tpu.memory_space<vmem_shared>>) dst(%dma_wait3A_101 : memref<1x200x64xf32, #tpu.memory_space<vmem>>)
      %dma_start3A_110 = arith.constant 0 : i32
      %dma_start3A_111 = arith.constant 0 : i32
      %dma_start3A_112 = arith.constant 0 : i32
      %dma_start3A_113 = arith.constant 0 : i32
      %dma_start3A_114 = tpu.memref_slice %arg6[%dma_start3A_110, %dma_start3A_111, %dma_start3A_112, %dma_start3A_113] : memref<2x1x200x64xf32, #tpu.memory_space<vmem>> -> memref<1x1x200x64xf32, #tpu.memory_space<vmem>>
      %dma_start3A_115 = tpu.memref_squeeze %dma_start3A_114 : memref<1x1x200x64xf32, #tpu.memory_space<vmem>> -> memref<1x200x64xf32, #tpu.memory_space<vmem>>
      %dma_start3A_116 = arith.constant 0 : i32
      %dma_start3A_117 = arith.constant 0 : i32
      %dma_start3A_118 = tpu.memref_slice %arg8[%add3A_80, %dma_start3A_116, %dma_start3A_117] : memref<50x1x200xi32, #tpu.memory_space<vmem>> -> memref<1x1x200xi32, #tpu.memory_space<vmem>>
      %dma_start3A_119 = tpu.memref_squeeze %dma_start3A_118 : memref<1x1x200xi32, #tpu.memory_space<vmem>> -> memref<1x200xi32, #tpu.memory_space<vmem>>
      %dma_start3A_120 = arith.constant 0 : i32
      %dma_start3A_121 = arith.constant 0 : i32
      %dma_start3A_122 = arith.constant 0 : i32
      %dma_start3A_123 = tpu.memref_slice %arg9[%dma_start3A_120, %dma_start3A_121, %dma_start3A_122] : memref<1x10000x64xf32, #tpu.memory_space<vmem_shared>> -> memref<1x10000x64xf32, #tpu.memory_space<vmem_shared>>
      tpu.enqueue_indirect_dma source(%dma_start3A_115 : memref<1x200x64xf32, #tpu.memory_space<vmem>>) target(%dma_start3A_123 : memref<1x10000x64xf32, #tpu.memory_space<vmem_shared>>) offsets(%dma_start3A_119 : memref<1x200xi32, #tpu.memory_space<vmem>>) semaphore(%arg13 : memref<!tpu.dma_semaphore, #tpu.memory_space<semaphore_mem>>) {add = true}
      %mul3A_124 = arith.constant 2 : i32
      %mul3A_125 = arith.muli %mul3A_124, %scan3A_76 : i32
      %add3A_126 = arith.constant 1 : i32
      %add3A_127 = arith.addi %mul3A_125, %add3A_126 : i32
      %ge3A_128 = arith.constant 2 : i32
      %ge3A_129 = arith.cmpi sge, %add3A_127, %ge3A_128 : i32
      %convert_element_type3A_130 = arith.extui %ge3A_129 : i1 to i32
      %cond3A_131 = arith.constant 0 : i32
      %cond3A_132 = arith.cmpi ne, %convert_element_type3A_130, %cond3A_131 : i32
      scf.if %cond3A_132 {
        %sub3A = arith.constant 2 : i32
        %sub3A_175 = arith.subi %add3A_127, %sub3A : i32
        %dma_wait3A_176 = arith.constant 1 : i32
        %dma_wait3A_177 = arith.constant 0 : i32
        %dma_wait3A_178 = arith.constant 0 : i32
        %dma_wait3A_179 = arith.constant 0 : i32
        %dma_wait3A_180 = tpu.memref_slice %arg6[%dma_wait3A_176, %dma_wait3A_177, %dma_wait3A_178, %dma_wait3A_179] : memref<2x1x200x64xf32, #tpu.memory_space<vmem>> -> memref<1x1x200x64xf32, #tpu.memory_space<vmem>>
        %dma_wait3A_181 = tpu.memref_squeeze %dma_wait3A_180 : memref<1x1x200x64xf32, #tpu.memory_space<vmem>> -> memref<1x200x64xf32, #tpu.memory_space<vmem>>
        %dma_wait3A_182 = arith.constant 0 : i32
        %dma_wait3A_183 = arith.constant 0 : i32
        %dma_wait3A_184 = tpu.memref_slice %arg8[%sub3A_175, %dma_wait3A_182, %dma_wait3A_183] : memref<50x1x200xi32, #tpu.memory_space<vmem>> -> memref<1x1x200xi32, #tpu.memory_space<vmem>>
        %dma_wait3A_185 = tpu.memref_squeeze %dma_wait3A_184 : memref<1x1x200xi32, #tpu.memory_space<vmem>> -> memref<1x200xi32, #tpu.memory_space<vmem>>
        %dma_wait3A_186 = arith.constant 0 : i32
        %dma_wait3A_187 = arith.constant 0 : i32
        %dma_wait3A_188 = arith.constant 0 : i32
        %dma_wait3A_189 = tpu.memref_slice %arg9[%dma_wait3A_186, %dma_wait3A_187, %dma_wait3A_188] : memref<1x10000x64xf32, #tpu.memory_space<vmem_shared>> -> memref<1x10000x64xf32, #tpu.memory_space<vmem_shared>>
        tpu.wait_indirect_dma semaphore(%arg14 : memref<!tpu.dma_semaphore, #tpu.memory_space<semaphore_mem>>) src(%dma_wait3A_181 : memref<1x200x64xf32, #tpu.memory_space<vmem>>) dst(%dma_wait3A_189 : memref<1x10000x64xf32, #tpu.memory_space<vmem_shared>>)
      } else {
      }
      %dma_start3A_133 = arith.constant 1 : i32
      %dma_start3A_134 = arith.constant 0 : i32
      %dma_start3A_135 = arith.constant 0 : i32
      %dma_start3A_136 = arith.constant 0 : i32
      %dma_start3A_137 = tpu.memref_slice %arg6[%dma_start3A_133, %dma_start3A_134, %dma_start3A_135, %dma_start3A_136] : memref<2x1x200x64xf32, #tpu.memory_space<vmem>> -> memref<1x1x200x64xf32, #tpu.memory_space<vmem>>
      %dma_start3A_138 = tpu.memref_squeeze %dma_start3A_137 : memref<1x1x200x64xf32, #tpu.memory_space<vmem>> -> memref<1x200x64xf32, #tpu.memory_space<vmem>>
      %dma_start3A_139 = arith.constant 0 : i32
      %dma_start3A_140 = arith.constant 0 : i32
      %dma_start3A_141 = tpu.memref_slice %arg7[%add3A_127, %dma_start3A_139, %dma_start3A_140] : memref<50x1x200xi32, #tpu.memory_space<vmem>> -> memref<1x1x200xi32, #tpu.memory_space<vmem>>
      %dma_start3A_142 = tpu.memref_squeeze %dma_start3A_141 : memref<1x1x200xi32, #tpu.memory_space<vmem>> -> memref<1x200xi32, #tpu.memory_space<vmem>>
      %dma_start3A_143 = arith.constant 0 : i32
      %dma_start3A_144 = arith.constant 0 : i32
      %dma_start3A_145 = arith.constant 0 : i32
      %dma_start3A_146 = tpu.memref_slice %arg10[%dma_start3A_143, %dma_start3A_144, %dma_start3A_145] : memref<1x10000x64xf32, #tpu.memory_space<vmem_shared>> -> memref<1x10000x64xf32, #tpu.memory_space<vmem_shared>>
      tpu.enqueue_indirect_dma source(%dma_start3A_146 : memref<1x10000x64xf32, #tpu.memory_space<vmem_shared>>) target(%dma_start3A_138 : memref<1x200x64xf32, #tpu.memory_space<vmem>>) offsets(%dma_start3A_142 : memref<1x200xi32, #tpu.memory_space<vmem>>) semaphore(%arg12 : memref<!tpu.dma_semaphore, #tpu.memory_space<semaphore_mem>>)
      %dma_wait3A_147 = arith.constant 1 : i32
      %dma_wait3A_148 = arith.constant 0 : i32
      %dma_wait3A_149 = arith.constant 0 : i32
      %dma_wait3A_150 = arith.constant 0 : i32
      %dma_wait3A_151 = tpu.memref_slice %arg6[%dma_wait3A_147, %dma_wait3A_148, %dma_wait3A_149, %dma_wait3A_150] : memref<2x1x200x64xf32, #tpu.memory_space<vmem>> -> memref<1x1x200x64xf32, #tpu.memory_space<vmem>>
      %dma_wait3A_152 = tpu.memref_squeeze %dma_wait3A_151 : memref<1x1x200x64xf32, #tpu.memory_space<vmem>> -> memref<1x200x64xf32, #tpu.memory_space<vmem>>
      %dma_wait3A_153 = arith.constant 0 : i32
      %dma_wait3A_154 = arith.constant 0 : i32
      %dma_wait3A_155 = tpu.memref_slice %arg7[%add3A_127, %dma_wait3A_153, %dma_wait3A_154] : memref<50x1x200xi32, #tpu.memory_space<vmem>> -> memref<1x1x200xi32, #tpu.memory_space<vmem>>
      %dma_wait3A_156 = tpu.memref_squeeze %dma_wait3A_155 : memref<1x1x200xi32, #tpu.memory_space<vmem>> -> memref<1x200xi32, #tpu.memory_space<vmem>>
      %dma_wait3A_157 = arith.constant 0 : i32
      %dma_wait3A_158 = arith.constant 0 : i32
      %dma_wait3A_159 = arith.constant 0 : i32
      %dma_wait3A_160 = tpu.memref_slice %arg10[%dma_wait3A_157, %dma_wait3A_158, %dma_wait3A_159] : memref<1x10000x64xf32, #tpu.memory_space<vmem_shared>> -> memref<1x10000x64xf32, #tpu.memory_space<vmem_shared>>
      tpu.wait_indirect_dma semaphore(%arg12 : memref<!tpu.dma_semaphore, #tpu.memory_space<semaphore_mem>>) src(%dma_wait3A_160 : memref<1x10000x64xf32, #tpu.memory_space<vmem_shared>>) dst(%dma_wait3A_152 : memref<1x200x64xf32, #tpu.memory_space<vmem>>)
      %dma_start3A_161 = arith.constant 1 : i32
      %dma_start3A_162 = arith.constant 0 : i32
      %dma_start3A_163 = arith.constant 0 : i32
      %dma_start3A_164 = arith.constant 0 : i32
      %dma_start3A_165 = tpu.memref_slice %arg6[%dma_start3A_161, %dma_start3A_162, %dma_start3A_163, %dma_start3A_164] : memref<2x1x200x64xf32, #tpu.memory_space<vmem>> -> memref<1x1x200x64xf32, #tpu.memory_space<vmem>>
      %dma_start3A_166 = tpu.memref_squeeze %dma_start3A_165 : memref<1x1x200x64xf32, #tpu.memory_space<vmem>> -> memref<1x200x64xf32, #tpu.memory_space<vmem>>
      %dma_start3A_167 = arith.constant 0 : i32
      %dma_start3A_168 = arith.constant 0 : i32
      %dma_start3A_169 = tpu.memref_slice %arg8[%add3A_127, %dma_start3A_167, %dma_start3A_168] : memref<50x1x200xi32, #tpu.memory_space<vmem>> -> memref<1x1x200xi32, #tpu.memory_space<vmem>>
      %dma_start3A_170 = tpu.memref_squeeze %dma_start3A_169 : memref<1x1x200xi32, #tpu.memory_space<vmem>> -> memref<1x200xi32, #tpu.memory_space<vmem>>
      %dma_start3A_171 = arith.constant 0 : i32
      %dma_start3A_172 = arith.constant 0 : i32
      %dma_start3A_173 = arith.constant 0 : i32
      %dma_start3A_174 = tpu.memref_slice %arg9[%dma_start3A_171, %dma_start3A_172, %dma_start3A_173] : memref<1x10000x64xf32, #tpu.memory_space<vmem_shared>> -> memref<1x10000x64xf32, #tpu.memory_space<vmem_shared>>
      tpu.enqueue_indirect_dma source(%dma_start3A_166 : memref<1x200x64xf32, #tpu.memory_space<vmem>>) target(%dma_start3A_174 : memref<1x10000x64xf32, #tpu.memory_space<vmem_shared>>) offsets(%dma_start3A_170 : memref<1x200xi32, #tpu.memory_space<vmem>>) semaphore(%arg14 : memref<!tpu.dma_semaphore, #tpu.memory_space<semaphore_mem>>) {add = true}
    }
    %scan3A_42 = arith.constant 25 : i32
    %dma_wait3A = arith.constant 0 : i32
    %dma_wait3A_43 = arith.constant 48 : i32
    %dma_wait3A_44 = arith.constant 0 : i32
    %dma_wait3A_45 = arith.constant 0 : i32
    %dma_wait3A_46 = arith.constant 0 : i32
    %dma_wait3A_47 = tpu.memref_slice %arg6[%dma_wait3A, %dma_wait3A_44, %dma_wait3A_45, %dma_wait3A_46] : memref<2x1x200x64xf32, #tpu.memory_space<vmem>> -> memref<1x1x200x64xf32, #tpu.memory_space<vmem>>
    %dma_wait3A_48 = tpu.memref_squeeze %dma_wait3A_47 : memref<1x1x200x64xf32, #tpu.memory_space<vmem>> -> memref<1x200x64xf32, #tpu.memory_space<vmem>>
    %dma_wait3A_49 = arith.constant 0 : i32
    %dma_wait3A_50 = arith.constant 0 : i32
    %dma_wait3A_51 = tpu.memref_slice %arg8[%dma_wait3A_43, %dma_wait3A_49, %dma_wait3A_50] : memref<50x1x200xi32, #tpu.memory_space<vmem>> -> memref<1x1x200xi32, #tpu.memory_space<vmem>>
    %dma_wait3A_52 = tpu.memref_squeeze %dma_wait3A_51 : memref<1x1x200xi32, #tpu.memory_space<vmem>> -> memref<1x200xi32, #tpu.memory_space<vmem>>
    %dma_wait3A_53 = arith.constant 0 : i32
    %dma_wait3A_54 = arith.constant 0 : i32
    %dma_wait3A_55 = arith.constant 0 : i32
    %dma_wait3A_56 = tpu.memref_slice %arg9[%dma_wait3A_53, %dma_wait3A_54, %dma_wait3A_55] : memref<1x10000x64xf32, #tpu.memory_space<vmem_shared>> -> memref<1x10000x64xf32, #tpu.memory_space<vmem_shared>>
    tpu.wait_indirect_dma semaphore(%arg13 : memref<!tpu.dma_semaphore, #tpu.memory_space<semaphore_mem>>) src(%dma_wait3A_48 : memref<1x200x64xf32, #tpu.memory_space<vmem>>) dst(%dma_wait3A_56 : memref<1x10000x64xf32, #tpu.memory_space<vmem_shared>>)
    %dma_wait3A_57 = arith.constant 1 : i32
    %dma_wait3A_58 = arith.constant 49 : i32
    %dma_wait3A_59 = arith.constant 0 : i32
    %dma_wait3A_60 = arith.constant 0 : i32
    %dma_wait3A_61 = arith.constant 0 : i32
    %dma_wait3A_62 = tpu.memref_slice %arg6[%dma_wait3A_57, %dma_wait3A_59, %dma_wait3A_60, %dma_wait3A_61] : memref<2x1x200x64xf32, #tpu.memory_space<vmem>> -> memref<1x1x200x64xf32, #tpu.memory_space<vmem>>
    %dma_wait3A_63 = tpu.memref_squeeze %dma_wait3A_62 : memref<1x1x200x64xf32, #tpu.memory_space<vmem>> -> memref<1x200x64xf32, #tpu.memory_space<vmem>>
    %dma_wait3A_64 = arith.constant 0 : i32
    %dma_wait3A_65 = arith.constant 0 : i32
    %dma_wait3A_66 = tpu.memref_slice %arg8[%dma_wait3A_58, %dma_wait3A_64, %dma_wait3A_65] : memref<50x1x200xi32, #tpu.memory_space<vmem>> -> memref<1x1x200xi32, #tpu.memory_space<vmem>>
    %dma_wait3A_67 = tpu.memref_squeeze %dma_wait3A_66 : memref<1x1x200xi32, #tpu.memory_space<vmem>> -> memref<1x200xi32, #tpu.memory_space<vmem>>
    %dma_wait3A_68 = arith.constant 0 : i32
    %dma_wait3A_69 = arith.constant 0 : i32
    %dma_wait3A_70 = arith.constant 0 : i32
    %dma_wait3A_71 = tpu.memref_slice %arg9[%dma_wait3A_68, %dma_wait3A_69, %dma_wait3A_70] : memref<1x10000x64xf32, #tpu.memory_space<vmem_shared>> -> memref<1x10000x64xf32, #tpu.memory_space<vmem_shared>>
    tpu.wait_indirect_dma semaphore(%arg14 : memref<!tpu.dma_semaphore, #tpu.memory_space<semaphore_mem>>) src(%dma_wait3A_63 : memref<1x200x64xf32, #tpu.memory_space<vmem>>) dst(%dma_wait3A_71 : memref<1x10000x64xf32, #tpu.memory_space<vmem_shared>>)
    %barrier3A_72 = arith.constant 0 : index
    tpu.barrier barrier_id(%barrier3A_72)
    %mul3A_73 = arith.constant 625 : i32
    %mul3A_74 = arith.muli %arg1, %mul3A_73 : i32
    %run_scoped3A_75 = arith.constant 0 : i32
    "tpu.region"() ({
      %run_scoped3A_76 = tpu.sem_alloc : memref<!tpu.dma_semaphore, #tpu.memory_space<semaphore_mem>>
      %dma_start3A = arith.constant 0 : i32
      %dma_start3A_77 = tpu.memref_slice %arg5[%arg0, %mul3A_74, %dma_start3A] : memref<2x10000x64xf32, #tpu.memory_space<hbm>> -> memref<1x625x64xf32, #tpu.memory_space<hbm>>
      %dma_start3A_78 = tpu.memref_squeeze %dma_start3A_77 : memref<1x625x64xf32, #tpu.memory_space<hbm>> -> memref<625x64xf32, #tpu.memory_space<hbm>>
      %dma_start3A_79 = arith.constant 0 : i32
      %dma_start3A_80 = tpu.memref_slice %arg9[%run_scoped3A_75, %mul3A_74, %dma_start3A_79] : memref<1x10000x64xf32, #tpu.memory_space<vmem_shared>> -> memref<1x625x64xf32, #tpu.memory_space<vmem_shared>>
      %dma_start3A_81 = tpu.memref_squeeze %dma_start3A_80 : memref<1x625x64xf32, #tpu.memory_space<vmem_shared>> -> memref<625x64xf32, #tpu.memory_space<vmem_shared>>
      tpu.enqueue_dma source(%dma_start3A_81 : memref<625x64xf32, #tpu.memory_space<vmem_shared>>) target(%dma_start3A_78 : memref<625x64xf32, #tpu.memory_space<hbm>>) target_semaphore(%run_scoped3A_76 : memref<!tpu.dma_semaphore, #tpu.memory_space<semaphore_mem>>)
      %dma_wait3A_82 = arith.constant 0 : i32
      %dma_wait3A_83 = tpu.memref_slice %arg5[%arg0, %mul3A_74, %dma_wait3A_82] : memref<2x10000x64xf32, #tpu.memory_space<hbm>> -> memref<1x625x64xf32, #tpu.memory_space<hbm>>
      %dma_wait3A_84 = tpu.memref_squeeze %dma_wait3A_83 : memref<1x625x64xf32, #tpu.memory_space<hbm>> -> memref<625x64xf32, #tpu.memory_space<hbm>>
      %dma_wait3A_85 = arith.constant 0 : i32
      %dma_wait3A_86 = tpu.memref_slice %arg9[%run_scoped3A_75, %mul3A_74, %dma_wait3A_85] : memref<1x10000x64xf32, #tpu.memory_space<vmem_shared>> -> memref<1x625x64xf32, #tpu.memory_space<vmem_shared>>
      %dma_wait3A_87 = tpu.memref_squeeze %dma_wait3A_86 : memref<1x625x64xf32, #tpu.memory_space<vmem_shared>> -> memref<625x64xf32, #tpu.memory_space<vmem_shared>>
      tpu.wait_dma2 semaphore(%run_scoped3A_76 : memref<!tpu.dma_semaphore, #tpu.memory_space<semaphore_mem>>) src(%dma_wait3A_87 : memref<625x64xf32, #tpu.memory_space<vmem_shared>>) dst(%dma_wait3A_84 : memref<625x64xf32, #tpu.memory_space<hbm>>)
      tpu.yield
    }) : () -> ()
    return
  }
}

#map = affine_map<(d0, d1) -> (0, 0, 0)>
module attributes {stable_mosaic.version = 14 : i64} {
  func.func @_agg_call(%arg0: i32, %arg1: i32, %arg2: memref<1x10000x64xf32, #tpu.memory_space<hbm>>, %arg3: memref<1600x1x200xi32, #tpu.memory_space<hbm>>, %arg4: memref<1600x1x200xi32, #tpu.memory_space<hbm>>, %arg5: memref<2x10000x64xf32, #tpu.memory_space<hbm>>, %arg6: memref<2x1x200x64xf32, #tpu.memory_space<vmem>>, %arg7: memref<50x1x200xi32, #tpu.memory_space<vmem>>, %arg8: memref<50x1x200xi32, #tpu.memory_space<vmem>>, %arg9: memref<1x10000x64xf32, #tpu.memory_space<vmem_shared>>, %arg10: memref<1x10000x64xf32, #tpu.memory_space<vmem_shared>>, %arg11: memref<!tpu.dma_semaphore, #tpu.memory_space<semaphore_mem>>, %arg12: memref<!tpu.dma_semaphore, #tpu.memory_space<semaphore_mem>>, %arg13: memref<!tpu.dma_semaphore, #tpu.memory_space<semaphore_mem>>, %arg14: memref<!tpu.dma_semaphore, #tpu.memory_space<semaphore_mem>>) attributes {dimension_semantics = [#tpu.dimension_semantics<core_parallel>, #tpu.dimension_semantics<subcore_parallel>], iteration_bounds = array<i64: 2, 16>, scalar_prefetch = 0 : i64, scratch_operands = 9 : i64, tpu.core_type = #tpu.core_type<sc_vector_subcore>, window_params = [{transform_indices = #map}, {transform_indices = #map}, {transform_indices = #map}, {transform_indices = #map}]} {
    %mul3A = arith.constant 16 : i32
    %mul3A_0 = arith.muli %arg0, %mul3A : i32
    %add3A = arith.addi %mul3A_0, %arg1 : i32
    %mul3A_1 = arith.constant 625 : i32
    %mul3A_2 = arith.muli %arg1, %mul3A_1 : i32
    %run_scoped3A = arith.constant 0 : i32
    %run_scoped3A_3 = arith.constant 0 : i32
    "tpu.region"() ({
      %run_scoped3A_76 = tpu.sem_alloc : memref<!tpu.dma_semaphore, #tpu.memory_space<semaphore_mem>>
      %dma_start3A = arith.constant 0 : i32
      %dma_start3A_77 = tpu.memref_slice %arg10[%run_scoped3A_3, %mul3A_2, %dma_start3A] : memref<1x10000x64xf32, #tpu.memory_space<vmem_shared>> -> memref<1x625x64xf32, #tpu.memory_space<vmem_shared>>
      %dma_start3A_78 = tpu.memref_squeeze %dma_start3A_77 : memref<1x625x64xf32, #tpu.memory_space<vmem_shared>> -> memref<625x64xf32, #tpu.memory_space<vmem_shared>>
      %dma_start3A_79 = arith.constant 0 : i32
      %dma_start3A_80 = tpu.memref_slice %arg2[%run_scoped3A, %mul3A_2, %dma_start3A_79] : memref<1x10000x64xf32, #tpu.memory_space<hbm>> -> memref<1x625x64xf32, #tpu.memory_space<hbm>>
      %dma_start3A_81 = tpu.memref_squeeze %dma_start3A_80 : memref<1x625x64xf32, #tpu.memory_space<hbm>> -> memref<625x64xf32, #tpu.memory_space<hbm>>
      tpu.enqueue_dma source(%dma_start3A_81 : memref<625x64xf32, #tpu.memory_space<hbm>>) target(%dma_start3A_78 : memref<625x64xf32, #tpu.memory_space<vmem_shared>>) target_semaphore(%run_scoped3A_76 : memref<!tpu.dma_semaphore, #tpu.memory_space<semaphore_mem>>)
      %dma_wait3A_82 = arith.constant 0 : i32
      %dma_wait3A_83 = tpu.memref_slice %arg10[%run_scoped3A_3, %mul3A_2, %dma_wait3A_82] : memref<1x10000x64xf32, #tpu.memory_space<vmem_shared>> -> memref<1x625x64xf32, #tpu.memory_space<vmem_shared>>
      %dma_wait3A_84 = tpu.memref_squeeze %dma_wait3A_83 : memref<1x625x64xf32, #tpu.memory_space<vmem_shared>> -> memref<625x64xf32, #tpu.memory_space<vmem_shared>>
      %dma_wait3A_85 = arith.constant 0 : i32
      %dma_wait3A_86 = tpu.memref_slice %arg2[%run_scoped3A, %mul3A_2, %dma_wait3A_85] : memref<1x10000x64xf32, #tpu.memory_space<hbm>> -> memref<1x625x64xf32, #tpu.memory_space<hbm>>
      %dma_wait3A_87 = tpu.memref_squeeze %dma_wait3A_86 : memref<1x625x64xf32, #tpu.memory_space<hbm>> -> memref<625x64xf32, #tpu.memory_space<hbm>>
      tpu.wait_dma2 semaphore(%run_scoped3A_76 : memref<!tpu.dma_semaphore, #tpu.memory_space<semaphore_mem>>) src(%dma_wait3A_87 : memref<625x64xf32, #tpu.memory_space<hbm>>) dst(%dma_wait3A_84 : memref<625x64xf32, #tpu.memory_space<vmem_shared>>)
      tpu.yield
    }) : () -> ()
    %broadcast_in_dim3A = arith.constant 0.000000e+00 : f32
    %broadcast_in_dim3A_4 = vector.broadcast %broadcast_in_dim3A : f32 to vector<16xf32>
    %scan3A = arith.constant 0 : i32
    %scan3A_5 = arith.constant 0 : i32
    %scan3A_6 = arith.constant 0 : i32
    %scan3A_7 = arith.constant 200 : i32
    %scan3A_8 = arith.addi %scan3A_6, %scan3A_7 : i32
    %scan3A_9 = arith.constant 1 : i32
    scf.for %scan3A_76 = %scan3A_6 to %scan3A_8 step %scan3A_9  : i32 {
      %swap3A = arith.constant 0 : i32
      %swap3A_77 = arith.constant 0 : i32
      %swap3A_78 = arith.constant 0 : i32
      %swap3A_79 = arith.constant 0 : i32
      %swap3A_80 = tpu.memref_slice %arg6[%scan3A_5, %swap3A_77, %swap3A_78, %swap3A_79] : memref<2x1x200x64xf32, #tpu.memory_space<vmem>> -> memref<1x1x200x64xf32, #tpu.memory_space<vmem>>
      %swap3A_81 = tpu.memref_squeeze %swap3A_80 : memref<1x1x200x64xf32, #tpu.memory_space<vmem>> -> memref<1x200x64xf32, #tpu.memory_space<vmem>>
      %swap3A_82 = arith.index_cast %swap3A : i32 to index
      %swap3A_83 = arith.index_cast %scan3A_76 : i32 to index
      %swap3A_84 = arith.constant 0 : index
      %swap3A_85 = tpu.vector_load %swap3A_81[%swap3A_82, %swap3A_83, %swap3A_84] {strides = array<i32>} : memref<1x200x64xf32, #tpu.memory_space<vmem>>, vector<1x1x16xf32>,
      %swap3A_86 = vector.shape_cast %swap3A_85 : vector<1x1x16xf32> to vector<16xf32>
      %swap3A_87 = vector.shape_cast %broadcast_in_dim3A_4 : vector<16xf32> to vector<1x1x16xf32>
      tpu.vector_store %swap3A_81[%swap3A_82, %swap3A_83, %swap3A_84], %swap3A_87 {strides = array<i32>} : memref<1x200x64xf32, #tpu.memory_space<vmem>>, vector<1x1x16xf32>,
      %swap3A_88 = arith.constant 0 : i32
      %swap3A_89 = arith.constant 0 : i32
      %swap3A_90 = arith.constant 0 : i32
      %swap3A_91 = arith.constant 0 : i32
      %swap3A_92 = tpu.memref_slice %arg6[%scan3A_5, %swap3A_89, %swap3A_90, %swap3A_91] : memref<2x1x200x64xf32, #tpu.memory_space<vmem>> -> memref<1x1x200x64xf32, #tpu.memory_space<vmem>>
      %swap3A_93 = tpu.memref_squeeze %swap3A_92 : memref<1x1x200x64xf32, #tpu.memory_space<vmem>> -> memref<1x200x64xf32, #tpu.memory_space<vmem>>
      %swap3A_94 = arith.index_cast %swap3A_88 : i32 to index
      %swap3A_95 = arith.index_cast %scan3A_76 : i32 to index
      %swap3A_96 = arith.constant 16 : index
      %swap3A_97 = tpu.vector_load %swap3A_93[%swap3A_94, %swap3A_95, %swap3A_96] {strides = array<i32>} : memref<1x200x64xf32, #tpu.memory_space<vmem>>, vector<1x1x16xf32>,
      %swap3A_98 = vector.shape_cast %swap3A_97 : vector<1x1x16xf32> to vector<16xf32>
      %swap3A_99 = vector.shape_cast %broadcast_in_dim3A_4 : vector<16xf32> to vector<1x1x16xf32>
      tpu.vector_store %swap3A_93[%swap3A_94, %swap3A_95, %swap3A_96], %swap3A_99 {strides = array<i32>} : memref<1x200x64xf32, #tpu.memory_space<vmem>>, vector<1x1x16xf32>,
      %swap3A_100 = arith.constant 0 : i32
      %swap3A_101 = arith.constant 0 : i32
      %swap3A_102 = arith.constant 0 : i32
      %swap3A_103 = arith.constant 0 : i32
      %swap3A_104 = tpu.memref_slice %arg6[%scan3A_5, %swap3A_101, %swap3A_102, %swap3A_103] : memref<2x1x200x64xf32, #tpu.memory_space<vmem>> -> memref<1x1x200x64xf32, #tpu.memory_space<vmem>>
      %swap3A_105 = tpu.memref_squeeze %swap3A_104 : memref<1x1x200x64xf32, #tpu.memory_space<vmem>> -> memref<1x200x64xf32, #tpu.memory_space<vmem>>
      %swap3A_106 = arith.index_cast %swap3A_100 : i32 to index
      %swap3A_107 = arith.index_cast %scan3A_76 : i32 to index
      %swap3A_108 = arith.constant 32 : index
      %swap3A_109 = tpu.vector_load %swap3A_105[%swap3A_106, %swap3A_107, %swap3A_108] {strides = array<i32>} : memref<1x200x64xf32, #tpu.memory_space<vmem>>, vector<1x1x16xf32>,
      %swap3A_110 = vector.shape_cast %swap3A_109 : vector<1x1x16xf32> to vector<16xf32>
      %swap3A_111 = vector.shape_cast %broadcast_in_dim3A_4 : vector<16xf32> to vector<1x1x16xf32>
      tpu.vector_store %swap3A_105[%swap3A_106, %swap3A_107, %swap3A_108], %swap3A_111 {strides = array<i32>} : memref<1x200x64xf32, #tpu.memory_space<vmem>>, vector<1x1x16xf32>,
      %swap3A_112 = arith.constant 0 : i32
      %swap3A_113 = arith.constant 0 : i32
      %swap3A_114 = arith.constant 0 : i32
      %swap3A_115 = arith.constant 0 : i32
      %swap3A_116 = tpu.memref_slice %arg6[%scan3A_5, %swap3A_113, %swap3A_114, %swap3A_115] : memref<2x1x200x64xf32, #tpu.memory_space<vmem>> -> memref<1x1x200x64xf32, #tpu.memory_space<vmem>>
      %swap3A_117 = tpu.memref_squeeze %swap3A_116 : memref<1x1x200x64xf32, #tpu.memory_space<vmem>> -> memref<1x200x64xf32, #tpu.memory_space<vmem>>
      %swap3A_118 = arith.index_cast %swap3A_112 : i32 to index
      %swap3A_119 = arith.index_cast %scan3A_76 : i32 to index
      %swap3A_120 = arith.constant 48 : index
      %swap3A_121 = tpu.vector_load %swap3A_117[%swap3A_118, %swap3A_119, %swap3A_120] {strides = array<i32>} : memref<1x200x64xf32, #tpu.memory_space<vmem>>, vector<1x1x16xf32>,
      %swap3A_122 = vector.shape_cast %swap3A_121 : vector<1x1x16xf32> to vector<16xf32>
      %swap3A_123 = vector.shape_cast %broadcast_in_dim3A_4 : vector<16xf32> to vector<1x1x16xf32>
      tpu.vector_store %swap3A_117[%swap3A_118, %swap3A_119, %swap3A_120], %swap3A_123 {strides = array<i32>} : memref<1x200x64xf32, #tpu.memory_space<vmem>>, vector<1x1x16xf32>,
    }
    %scan3A_10 = arith.constant 200 : i32
    %mul3A_11 = arith.constant 625 : i32
    %mul3A_12 = arith.muli %arg1, %mul3A_11 : i32
    %add3A_13 = arith.constant 0 : i32
    %add3A_14 = arith.addi %mul3A_12, %add3A_13 : i32
    %run_scoped3A_15 = arith.constant 0 : i32
    %run_scoped3A_16 = arith.constant 0 : i32
    %run_scoped3A_17 = arith.constant 0 : i32
    "tpu.region"() ({
      %run_scoped3A_76 = tpu.sem_alloc : memref<!tpu.dma_semaphore, #tpu.memory_space<semaphore_mem>>
      %dma_start3A = arith.constant 0 : i32
      %dma_start3A_77 = arith.constant 0 : i32
      %dma_start3A_78 = arith.constant 0 : i32
      %dma_start3A_79 = tpu.memref_slice %arg6[%run_scoped3A_15, %dma_start3A, %dma_start3A_77, %dma_start3A_78] : memref<2x1x200x64xf32, #tpu.memory_space<vmem>> -> memref<1x1x200x64xf32, #tpu.memory_space<vmem>>
      %dma_start3A_80 = tpu.memref_squeeze %dma_start3A_79 : memref<1x1x200x64xf32, #tpu.memory_space<vmem>> -> memref<1x200x64xf32, #tpu.memory_space<vmem>>
      %dma_start3A_81 = arith.constant 0 : i32
      %dma_start3A_82 = arith.constant 0 : i32
      %dma_start3A_83 = tpu.memref_slice %dma_start3A_80[%run_scoped3A_16, %dma_start3A_81, %dma_start3A_82] : memref<1x200x64xf32, #tpu.memory_space<vmem>> -> memref<1x200x64xf32, #tpu.memory_space<vmem>>
      %dma_start3A_84 = tpu.memref_squeeze %dma_start3A_83 : memref<1x200x64xf32, #tpu.memory_space<vmem>> -> memref<200x64xf32, #tpu.memory_space<vmem>>
      %dma_start3A_85 = arith.constant 0 : i32
      %dma_start3A_86 = tpu.memref_slice %arg9[%run_scoped3A_17, %add3A_14, %dma_start3A_85] : memref<1x10000x64xf32, #tpu.memory_space<vmem_shared>> -> memref<1x200x64xf32, #tpu.memory_space<vmem_shared>>
      %dma_start3A_87 = tpu.memref_squeeze %dma_start3A_86 : memref<1x200x64xf32, #tpu.memory_space<vmem_shared>> -> memref<200x64xf32, #tpu.memory_space<vmem_shared>>
      %dma_start3A_88 = arith.constant 0 : i32
      %dma_start3A_89 = tpu.memref_slice %arg9[%run_scoped3A_17, %add3A_14, %dma_start3A_88] : memref<1x10000x64xf32, #tpu.memory_space<vmem_shared>> -> memref<1x200x64xf32, #tpu.memory_space<vmem_shared>>
      %dma_start3A_90 = tpu.memref_squeeze %dma_start3A_89 : memref<1x200x64xf32, #tpu.memory_space<vmem_shared>> -> memref<200x64xf32, #tpu.memory_space<vmem_shared>>
      %dma_start3A_91 = arith.constant 0 : i32
      %dma_start3A_92 = arith.constant 0 : i32
      %dma_start3A_93 = arith.constant 0 : i32
      %dma_start3A_94 = tpu.memref_slice %arg6[%run_scoped3A_15, %dma_start3A_91, %dma_start3A_92, %dma_start3A_93] : memref<2x1x200x64xf32, #tpu.memory_space<vmem>> -> memref<1x1x200x64xf32, #tpu.memory_space<vmem>>
      %dma_start3A_95 = tpu.memref_squeeze %dma_start3A_94 : memref<1x1x200x64xf32, #tpu.memory_space<vmem>> -> memref<1x200x64xf32, #tpu.memory_space<vmem>>
      %dma_start3A_96 = arith.constant 0 : i32
      %dma_start3A_97 = arith.constant 0 : i32
      %dma_start3A_98 = tpu.memref_slice %dma_start3A_95[%run_scoped3A_16, %dma_start3A_96, %dma_start3A_97] : memref<1x200x64xf32, #tpu.memory_space<vmem>> -> memref<1x200x64xf32, #tpu.memory_space<vmem>>
      %dma_start3A_99 = tpu.memref_squeeze %dma_start3A_98 : memref<1x200x64xf32, #tpu.memory_space<vmem>> -> memref<200x64xf32, #tpu.memory_space<vmem>>
      tpu.enqueue_dma source(%dma_start3A_99 : memref<200x64xf32, #tpu.memory_space<vmem>>) target(%dma_start3A_90 : memref<200x64xf32, #tpu.memory_space<vmem_shared>>) target_semaphore(%run_scoped3A_76 : memref<!tpu.dma_semaphore, #tpu.memory_space<semaphore_mem>>)
      %dma_wait3A_100 = arith.constant 0 : i32
      %dma_wait3A_101 = arith.constant 0 : i32
      %dma_wait3A_102 = arith.constant 0 : i32
      %dma_wait3A_103 = tpu.memref_slice %arg6[%run_scoped3A_15, %dma_wait3A_100, %dma_wait3A_101, %dma_wait3A_102] : memref<2x1x200x64xf32, #tpu.memory_space<vmem>> -> memref<1x1x200x64xf32, #tpu.memory_space<vmem>>
      %dma_wait3A_104 = tpu.memref_squeeze %dma_wait3A_103 : memref<1x1x200x64xf32, #tpu.memory_space<vmem>> -> memref<1x200x64xf32, #tpu.memory_space<vmem>>
      %dma_wait3A_105 = arith.constant 0 : i32
      %dma_wait3A_106 = arith.constant 0 : i32
      %dma_wait3A_107 = tpu.memref_slice %dma_wait3A_104[%run_scoped3A_16, %dma_wait3A_105, %dma_wait3A_106] : memref<1x200x64xf32, #tpu.memory_space<vmem>> -> memref<1x200x64xf32, #tpu.memory_space<vmem>>
      %dma_wait3A_108 = tpu.memref_squeeze %dma_wait3A_107 : memref<1x200x64xf32, #tpu.memory_space<vmem>> -> memref<200x64xf32, #tpu.memory_space<vmem>>
      %dma_wait3A_109 = arith.constant 0 : i32
      %dma_wait3A_110 = tpu.memref_slice %arg9[%run_scoped3A_17, %add3A_14, %dma_wait3A_109] : memref<1x10000x64xf32, #tpu.memory_space<vmem_shared>> -> memref<1x200x64xf32, #tpu.memory_space<vmem_shared>>
      %dma_wait3A_111 = tpu.memref_squeeze %dma_wait3A_110 : memref<1x200x64xf32, #tpu.memory_space<vmem_shared>> -> memref<200x64xf32, #tpu.memory_space<vmem_shared>>
      %dma_wait3A_112 = arith.constant 0 : i32
      %dma_wait3A_113 = tpu.memref_slice %arg9[%run_scoped3A_17, %add3A_14, %dma_wait3A_112] : memref<1x10000x64xf32, #tpu.memory_space<vmem_shared>> -> memref<1x200x64xf32, #tpu.memory_space<vmem_shared>>
      %dma_wait3A_114 = tpu.memref_squeeze %dma_wait3A_113 : memref<1x200x64xf32, #tpu.memory_space<vmem_shared>> -> memref<200x64xf32, #tpu.memory_space<vmem_shared>>
      %dma_wait3A_115 = arith.constant 0 : i32
      %dma_wait3A_116 = arith.constant 0 : i32
      %dma_wait3A_117 = arith.constant 0 : i32
      %dma_wait3A_118 = tpu.memref_slice %arg6[%run_scoped3A_15, %dma_wait3A_115, %dma_wait3A_116, %dma_wait3A_117] : memref<2x1x200x64xf32, #tpu.memory_space<vmem>> -> memref<1x1x200x64xf32, #tpu.memory_space<vmem>>
      %dma_wait3A_119 = tpu.memref_squeeze %dma_wait3A_118 : memref<1x1x200x64xf32, #tpu.memory_space<vmem>> -> memref<1x200x64xf32, #tpu.memory_space<vmem>>
      %dma_wait3A_120 = arith.constant 0 : i32
      %dma_wait3A_121 = arith.constant 0 : i32
      %dma_wait3A_122 = tpu.memref_slice %dma_wait3A_119[%run_scoped3A_16, %dma_wait3A_120, %dma_wait3A_121] : memref<1x200x64xf32, #tpu.memory_space<vmem>> -> memref<1x200x64xf32, #tpu.memory_space<vmem>>
      %dma_wait3A_123 = tpu.memref_squeeze %dma_wait3A_122 : memref<1x200x64xf32, #tpu.memory_space<vmem>> -> memref<200x64xf32, #tpu.memory_space<vmem>>
      tpu.wait_dma2 semaphore(%run_scoped3A_76 : memref<!tpu.dma_semaphore, #tpu.memory_space<semaphore_mem>>) src(%dma_wait3A_123 : memref<200x64xf32, #tpu.memory_space<vmem>>) dst(%dma_wait3A_114 : memref<200x64xf32, #tpu.memory_space<vmem_shared>>)
      tpu.yield
    }) : () -> ()
    %add3A_18 = arith.constant 200 : i32
    %add3A_19 = arith.addi %mul3A_12, %add3A_18 : i32
    %run_scoped3A_20 = arith.constant 0 : i32
    %run_scoped3A_21 = arith.constant 0 : i32
    %run_scoped3A_22 = arith.constant 0 : i32
    "tpu.region"() ({
      %run_scoped3A_76 = tpu.sem_alloc : memref<!tpu.dma_semaphore, #tpu.memory_space<semaphore_mem>>
      %dma_start3A = arith.constant 0 : i32
      %dma_start3A_77 = arith.constant 0 : i32
      %dma_start3A_78 = arith.constant 0 : i32
      %dma_start3A_79 = tpu.memref_slice %arg6[%run_scoped3A_20, %dma_start3A, %dma_start3A_77, %dma_start3A_78] : memref<2x1x200x64xf32, #tpu.memory_space<vmem>> -> memref<1x1x200x64xf32, #tpu.memory_space<vmem>>
      %dma_start3A_80 = tpu.memref_squeeze %dma_start3A_79 : memref<1x1x200x64xf32, #tpu.memory_space<vmem>> -> memref<1x200x64xf32, #tpu.memory_space<vmem>>
      %dma_start3A_81 = arith.constant 0 : i32
      %dma_start3A_82 = arith.constant 0 : i32
      %dma_start3A_83 = tpu.memref_slice %dma_start3A_80[%run_scoped3A_21, %dma_start3A_81, %dma_start3A_82] : memref<1x200x64xf32, #tpu.memory_space<vmem>> -> memref<1x200x64xf32, #tpu.memory_space<vmem>>
      %dma_start3A_84 = tpu.memref_squeeze %dma_start3A_83 : memref<1x200x64xf32, #tpu.memory_space<vmem>> -> memref<200x64xf32, #tpu.memory_space<vmem>>
      %dma_start3A_85 = arith.constant 0 : i32
      %dma_start3A_86 = tpu.memref_slice %arg9[%run_scoped3A_22, %add3A_19, %dma_start3A_85] : memref<1x10000x64xf32, #tpu.memory_space<vmem_shared>> -> memref<1x200x64xf32, #tpu.memory_space<vmem_shared>>
      %dma_start3A_87 = tpu.memref_squeeze %dma_start3A_86 : memref<1x200x64xf32, #tpu.memory_space<vmem_shared>> -> memref<200x64xf32, #tpu.memory_space<vmem_shared>>
      %dma_start3A_88 = arith.constant 0 : i32
      %dma_start3A_89 = tpu.memref_slice %arg9[%run_scoped3A_22, %add3A_19, %dma_start3A_88] : memref<1x10000x64xf32, #tpu.memory_space<vmem_shared>> -> memref<1x200x64xf32, #tpu.memory_space<vmem_shared>>
      %dma_start3A_90 = tpu.memref_squeeze %dma_start3A_89 : memref<1x200x64xf32, #tpu.memory_space<vmem_shared>> -> memref<200x64xf32, #tpu.memory_space<vmem_shared>>
      %dma_start3A_91 = arith.constant 0 : i32
      %dma_start3A_92 = arith.constant 0 : i32
      %dma_start3A_93 = arith.constant 0 : i32
      %dma_start3A_94 = tpu.memref_slice %arg6[%run_scoped3A_20, %dma_start3A_91, %dma_start3A_92, %dma_start3A_93] : memref<2x1x200x64xf32, #tpu.memory_space<vmem>> -> memref<1x1x200x64xf32, #tpu.memory_space<vmem>>
      %dma_start3A_95 = tpu.memref_squeeze %dma_start3A_94 : memref<1x1x200x64xf32, #tpu.memory_space<vmem>> -> memref<1x200x64xf32, #tpu.memory_space<vmem>>
      %dma_start3A_96 = arith.constant 0 : i32
      %dma_start3A_97 = arith.constant 0 : i32
      %dma_start3A_98 = tpu.memref_slice %dma_start3A_95[%run_scoped3A_21, %dma_start3A_96, %dma_start3A_97] : memref<1x200x64xf32, #tpu.memory_space<vmem>> -> memref<1x200x64xf32, #tpu.memory_space<vmem>>
      %dma_start3A_99 = tpu.memref_squeeze %dma_start3A_98 : memref<1x200x64xf32, #tpu.memory_space<vmem>> -> memref<200x64xf32, #tpu.memory_space<vmem>>
      tpu.enqueue_dma source(%dma_start3A_99 : memref<200x64xf32, #tpu.memory_space<vmem>>) target(%dma_start3A_90 : memref<200x64xf32, #tpu.memory_space<vmem_shared>>) target_semaphore(%run_scoped3A_76 : memref<!tpu.dma_semaphore, #tpu.memory_space<semaphore_mem>>)
      %dma_wait3A_100 = arith.constant 0 : i32
      %dma_wait3A_101 = arith.constant 0 : i32
      %dma_wait3A_102 = arith.constant 0 : i32
      %dma_wait3A_103 = tpu.memref_slice %arg6[%run_scoped3A_20, %dma_wait3A_100, %dma_wait3A_101, %dma_wait3A_102] : memref<2x1x200x64xf32, #tpu.memory_space<vmem>> -> memref<1x1x200x64xf32, #tpu.memory_space<vmem>>
      %dma_wait3A_104 = tpu.memref_squeeze %dma_wait3A_103 : memref<1x1x200x64xf32, #tpu.memory_space<vmem>> -> memref<1x200x64xf32, #tpu.memory_space<vmem>>
      %dma_wait3A_105 = arith.constant 0 : i32
      %dma_wait3A_106 = arith.constant 0 : i32
      %dma_wait3A_107 = tpu.memref_slice %dma_wait3A_104[%run_scoped3A_21, %dma_wait3A_105, %dma_wait3A_106] : memref<1x200x64xf32, #tpu.memory_space<vmem>> -> memref<1x200x64xf32, #tpu.memory_space<vmem>>
      %dma_wait3A_108 = tpu.memref_squeeze %dma_wait3A_107 : memref<1x200x64xf32, #tpu.memory_space<vmem>> -> memref<200x64xf32, #tpu.memory_space<vmem>>
      %dma_wait3A_109 = arith.constant 0 : i32
      %dma_wait3A_110 = tpu.memref_slice %arg9[%run_scoped3A_22, %add3A_19, %dma_wait3A_109] : memref<1x10000x64xf32, #tpu.memory_space<vmem_shared>> -> memref<1x200x64xf32, #tpu.memory_space<vmem_shared>>
      %dma_wait3A_111 = tpu.memref_squeeze %dma_wait3A_110 : memref<1x200x64xf32, #tpu.memory_space<vmem_shared>> -> memref<200x64xf32, #tpu.memory_space<vmem_shared>>
      %dma_wait3A_112 = arith.constant 0 : i32
      %dma_wait3A_113 = tpu.memref_slice %arg9[%run_scoped3A_22, %add3A_19, %dma_wait3A_112] : memref<1x10000x64xf32, #tpu.memory_space<vmem_shared>> -> memref<1x200x64xf32, #tpu.memory_space<vmem_shared>>
      %dma_wait3A_114 = tpu.memref_squeeze %dma_wait3A_113 : memref<1x200x64xf32, #tpu.memory_space<vmem_shared>> -> memref<200x64xf32, #tpu.memory_space<vmem_shared>>
      %dma_wait3A_115 = arith.constant 0 : i32
      %dma_wait3A_116 = arith.constant 0 : i32
      %dma_wait3A_117 = arith.constant 0 : i32
      %dma_wait3A_118 = tpu.memref_slice %arg6[%run_scoped3A_20, %dma_wait3A_115, %dma_wait3A_116, %dma_wait3A_117] : memref<2x1x200x64xf32, #tpu.memory_space<vmem>> -> memref<1x1x200x64xf32, #tpu.memory_space<vmem>>
      %dma_wait3A_119 = tpu.memref_squeeze %dma_wait3A_118 : memref<1x1x200x64xf32, #tpu.memory_space<vmem>> -> memref<1x200x64xf32, #tpu.memory_space<vmem>>
      %dma_wait3A_120 = arith.constant 0 : i32
      %dma_wait3A_121 = arith.constant 0 : i32
      %dma_wait3A_122 = tpu.memref_slice %dma_wait3A_119[%run_scoped3A_21, %dma_wait3A_120, %dma_wait3A_121] : memref<1x200x64xf32, #tpu.memory_space<vmem>> -> memref<1x200x64xf32, #tpu.memory_space<vmem>>
      %dma_wait3A_123 = tpu.memref_squeeze %dma_wait3A_122 : memref<1x200x64xf32, #tpu.memory_space<vmem>> -> memref<200x64xf32, #tpu.memory_space<vmem>>
      tpu.wait_dma2 semaphore(%run_scoped3A_76 : memref<!tpu.dma_semaphore, #tpu.memory_space<semaphore_mem>>) src(%dma_wait3A_123 : memref<200x64xf32, #tpu.memory_space<vmem>>) dst(%dma_wait3A_114 : memref<200x64xf32, #tpu.memory_space<vmem_shared>>)
      tpu.yield
    }) : () -> ()
    %add3A_23 = arith.constant 400 : i32
    %add3A_24 = arith.addi %mul3A_12, %add3A_23 : i32
    %run_scoped3A_25 = arith.constant 0 : i32
    %run_scoped3A_26 = arith.constant 0 : i32
    %run_scoped3A_27 = arith.constant 0 : i32
    "tpu.region"() ({
      %run_scoped3A_76 = tpu.sem_alloc : memref<!tpu.dma_semaphore, #tpu.memory_space<semaphore_mem>>
      %dma_start3A = arith.constant 0 : i32
      %dma_start3A_77 = arith.constant 0 : i32
      %dma_start3A_78 = arith.constant 0 : i32
      %dma_start3A_79 = tpu.memref_slice %arg6[%run_scoped3A_25, %dma_start3A, %dma_start3A_77, %dma_start3A_78] : memref<2x1x200x64xf32, #tpu.memory_space<vmem>> -> memref<1x1x200x64xf32, #tpu.memory_space<vmem>>
      %dma_start3A_80 = tpu.memref_squeeze %dma_start3A_79 : memref<1x1x200x64xf32, #tpu.memory_space<vmem>> -> memref<1x200x64xf32, #tpu.memory_space<vmem>>
      %dma_start3A_81 = arith.constant 0 : i32
      %dma_start3A_82 = arith.constant 0 : i32
      %dma_start3A_83 = tpu.memref_slice %dma_start3A_80[%run_scoped3A_26, %dma_start3A_81, %dma_start3A_82] : memref<1x200x64xf32, #tpu.memory_space<vmem>> -> memref<1x200x64xf32, #tpu.memory_space<vmem>>
      %dma_start3A_84 = tpu.memref_squeeze %dma_start3A_83 : memref<1x200x64xf32, #tpu.memory_space<vmem>> -> memref<200x64xf32, #tpu.memory_space<vmem>>
      %dma_start3A_85 = arith.constant 0 : i32
      %dma_start3A_86 = tpu.memref_slice %arg9[%run_scoped3A_27, %add3A_24, %dma_start3A_85] : memref<1x10000x64xf32, #tpu.memory_space<vmem_shared>> -> memref<1x200x64xf32, #tpu.memory_space<vmem_shared>>
      %dma_start3A_87 = tpu.memref_squeeze %dma_start3A_86 : memref<1x200x64xf32, #tpu.memory_space<vmem_shared>> -> memref<200x64xf32, #tpu.memory_space<vmem_shared>>
      %dma_start3A_88 = arith.constant 0 : i32
      %dma_start3A_89 = tpu.memref_slice %arg9[%run_scoped3A_27, %add3A_24, %dma_start3A_88] : memref<1x10000x64xf32, #tpu.memory_space<vmem_shared>> -> memref<1x200x64xf32, #tpu.memory_space<vmem_shared>>
      %dma_start3A_90 = tpu.memref_squeeze %dma_start3A_89 : memref<1x200x64xf32, #tpu.memory_space<vmem_shared>> -> memref<200x64xf32, #tpu.memory_space<vmem_shared>>
      %dma_start3A_91 = arith.constant 0 : i32
      %dma_start3A_92 = arith.constant 0 : i32
      %dma_start3A_93 = arith.constant 0 : i32
      %dma_start3A_94 = tpu.memref_slice %arg6[%run_scoped3A_25, %dma_start3A_91, %dma_start3A_92, %dma_start3A_93] : memref<2x1x200x64xf32, #tpu.memory_space<vmem>> -> memref<1x1x200x64xf32, #tpu.memory_space<vmem>>
      %dma_start3A_95 = tpu.memref_squeeze %dma_start3A_94 : memref<1x1x200x64xf32, #tpu.memory_space<vmem>> -> memref<1x200x64xf32, #tpu.memory_space<vmem>>
      %dma_start3A_96 = arith.constant 0 : i32
      %dma_start3A_97 = arith.constant 0 : i32
      %dma_start3A_98 = tpu.memref_slice %dma_start3A_95[%run_scoped3A_26, %dma_start3A_96, %dma_start3A_97] : memref<1x200x64xf32, #tpu.memory_space<vmem>> -> memref<1x200x64xf32, #tpu.memory_space<vmem>>
      %dma_start3A_99 = tpu.memref_squeeze %dma_start3A_98 : memref<1x200x64xf32, #tpu.memory_space<vmem>> -> memref<200x64xf32, #tpu.memory_space<vmem>>
      tpu.enqueue_dma source(%dma_start3A_99 : memref<200x64xf32, #tpu.memory_space<vmem>>) target(%dma_start3A_90 : memref<200x64xf32, #tpu.memory_space<vmem_shared>>) target_semaphore(%run_scoped3A_76 : memref<!tpu.dma_semaphore, #tpu.memory_space<semaphore_mem>>)
      %dma_wait3A_100 = arith.constant 0 : i32
      %dma_wait3A_101 = arith.constant 0 : i32
      %dma_wait3A_102 = arith.constant 0 : i32
      %dma_wait3A_103 = tpu.memref_slice %arg6[%run_scoped3A_25, %dma_wait3A_100, %dma_wait3A_101, %dma_wait3A_102] : memref<2x1x200x64xf32, #tpu.memory_space<vmem>> -> memref<1x1x200x64xf32, #tpu.memory_space<vmem>>
      %dma_wait3A_104 = tpu.memref_squeeze %dma_wait3A_103 : memref<1x1x200x64xf32, #tpu.memory_space<vmem>> -> memref<1x200x64xf32, #tpu.memory_space<vmem>>
      %dma_wait3A_105 = arith.constant 0 : i32
      %dma_wait3A_106 = arith.constant 0 : i32
      %dma_wait3A_107 = tpu.memref_slice %dma_wait3A_104[%run_scoped3A_26, %dma_wait3A_105, %dma_wait3A_106] : memref<1x200x64xf32, #tpu.memory_space<vmem>> -> memref<1x200x64xf32, #tpu.memory_space<vmem>>
      %dma_wait3A_108 = tpu.memref_squeeze %dma_wait3A_107 : memref<1x200x64xf32, #tpu.memory_space<vmem>> -> memref<200x64xf32, #tpu.memory_space<vmem>>
      %dma_wait3A_109 = arith.constant 0 : i32
      %dma_wait3A_110 = tpu.memref_slice %arg9[%run_scoped3A_27, %add3A_24, %dma_wait3A_109] : memref<1x10000x64xf32, #tpu.memory_space<vmem_shared>> -> memref<1x200x64xf32, #tpu.memory_space<vmem_shared>>
      %dma_wait3A_111 = tpu.memref_squeeze %dma_wait3A_110 : memref<1x200x64xf32, #tpu.memory_space<vmem_shared>> -> memref<200x64xf32, #tpu.memory_space<vmem_shared>>
      %dma_wait3A_112 = arith.constant 0 : i32
      %dma_wait3A_113 = tpu.memref_slice %arg9[%run_scoped3A_27, %add3A_24, %dma_wait3A_112] : memref<1x10000x64xf32, #tpu.memory_space<vmem_shared>> -> memref<1x200x64xf32, #tpu.memory_space<vmem_shared>>
      %dma_wait3A_114 = tpu.memref_squeeze %dma_wait3A_113 : memref<1x200x64xf32, #tpu.memory_space<vmem_shared>> -> memref<200x64xf32, #tpu.memory_space<vmem_shared>>
      %dma_wait3A_115 = arith.constant 0 : i32
      %dma_wait3A_116 = arith.constant 0 : i32
      %dma_wait3A_117 = arith.constant 0 : i32
      %dma_wait3A_118 = tpu.memref_slice %arg6[%run_scoped3A_25, %dma_wait3A_115, %dma_wait3A_116, %dma_wait3A_117] : memref<2x1x200x64xf32, #tpu.memory_space<vmem>> -> memref<1x1x200x64xf32, #tpu.memory_space<vmem>>
      %dma_wait3A_119 = tpu.memref_squeeze %dma_wait3A_118 : memref<1x1x200x64xf32, #tpu.memory_space<vmem>> -> memref<1x200x64xf32, #tpu.memory_space<vmem>>
      %dma_wait3A_120 = arith.constant 0 : i32
      %dma_wait3A_121 = arith.constant 0 : i32
      %dma_wait3A_122 = tpu.memref_slice %dma_wait3A_119[%run_scoped3A_26, %dma_wait3A_120, %dma_wait3A_121] : memref<1x200x64xf32, #tpu.memory_space<vmem>> -> memref<1x200x64xf32, #tpu.memory_space<vmem>>
      %dma_wait3A_123 = tpu.memref_squeeze %dma_wait3A_122 : memref<1x200x64xf32, #tpu.memory_space<vmem>> -> memref<200x64xf32, #tpu.memory_space<vmem>>
      tpu.wait_dma2 semaphore(%run_scoped3A_76 : memref<!tpu.dma_semaphore, #tpu.memory_space<semaphore_mem>>) src(%dma_wait3A_123 : memref<200x64xf32, #tpu.memory_space<vmem>>) dst(%dma_wait3A_114 : memref<200x64xf32, #tpu.memory_space<vmem_shared>>)
      tpu.yield
    }) : () -> ()
    %add3A_28 = arith.constant 600 : i32
    %add3A_29 = arith.addi %mul3A_12, %add3A_28 : i32
    %run_scoped3A_30 = arith.constant 0 : i32
    %run_scoped3A_31 = arith.constant 0 : i32
    %run_scoped3A_32 = arith.constant 0 : i32
    "tpu.region"() ({
      %run_scoped3A_76 = tpu.sem_alloc : memref<!tpu.dma_semaphore, #tpu.memory_space<semaphore_mem>>
      %dma_start3A = arith.constant 0 : i32
      %dma_start3A_77 = arith.constant 0 : i32
      %dma_start3A_78 = arith.constant 0 : i32
      %dma_start3A_79 = tpu.memref_slice %arg6[%run_scoped3A_30, %dma_start3A, %dma_start3A_77, %dma_start3A_78] : memref<2x1x200x64xf32, #tpu.memory_space<vmem>> -> memref<1x1x200x64xf32, #tpu.memory_space<vmem>>
      %dma_start3A_80 = tpu.memref_squeeze %dma_start3A_79 : memref<1x1x200x64xf32, #tpu.memory_space<vmem>> -> memref<1x200x64xf32, #tpu.memory_space<vmem>>
      %dma_start3A_81 = arith.constant 0 : i32
      %dma_start3A_82 = arith.constant 0 : i32
      %dma_start3A_83 = tpu.memref_slice %dma_start3A_80[%run_scoped3A_31, %dma_start3A_81, %dma_start3A_82] : memref<1x200x64xf32, #tpu.memory_space<vmem>> -> memref<1x25x64xf32, #tpu.memory_space<vmem>>
      %dma_start3A_84 = tpu.memref_squeeze %dma_start3A_83 : memref<1x25x64xf32, #tpu.memory_space<vmem>> -> memref<25x64xf32, #tpu.memory_space<vmem>>
      %dma_start3A_85 = arith.constant 0 : i32
      %dma_start3A_86 = tpu.memref_slice %arg9[%run_scoped3A_32, %add3A_29, %dma_start3A_85] : memref<1x10000x64xf32, #tpu.memory_space<vmem_shared>> -> memref<1x25x64xf32, #tpu.memory_space<vmem_shared>>
      %dma_start3A_87 = tpu.memref_squeeze %dma_start3A_86 : memref<1x25x64xf32, #tpu.memory_space<vmem_shared>> -> memref<25x64xf32, #tpu.memory_space<vmem_shared>>
      %dma_start3A_88 = arith.constant 0 : i32
      %dma_start3A_89 = tpu.memref_slice %arg9[%run_scoped3A_32, %add3A_29, %dma_start3A_88] : memref<1x10000x64xf32, #tpu.memory_space<vmem_shared>> -> memref<1x25x64xf32, #tpu.memory_space<vmem_shared>>
      %dma_start3A_90 = tpu.memref_squeeze %dma_start3A_89 : memref<1x25x64xf32, #tpu.memory_space<vmem_shared>> -> memref<25x64xf32, #tpu.memory_space<vmem_shared>>
      %dma_start3A_91 = arith.constant 0 : i32
      %dma_start3A_92 = arith.constant 0 : i32
      %dma_start3A_93 = arith.constant 0 : i32
      %dma_start3A_94 = tpu.memref_slice %arg6[%run_scoped3A_30, %dma_start3A_91, %dma_start3A_92, %dma_start3A_93] : memref<2x1x200x64xf32, #tpu.memory_space<vmem>> -> memref<1x1x200x64xf32, #tpu.memory_space<vmem>>
      %dma_start3A_95 = tpu.memref_squeeze %dma_start3A_94 : memref<1x1x200x64xf32, #tpu.memory_space<vmem>> -> memref<1x200x64xf32, #tpu.memory_space<vmem>>
      %dma_start3A_96 = arith.constant 0 : i32
      %dma_start3A_97 = arith.constant 0 : i32
      %dma_start3A_98 = tpu.memref_slice %dma_start3A_95[%run_scoped3A_31, %dma_start3A_96, %dma_start3A_97] : memref<1x200x64xf32, #tpu.memory_space<vmem>> -> memref<1x25x64xf32, #tpu.memory_space<vmem>>
      %dma_start3A_99 = tpu.memref_squeeze %dma_start3A_98 : memref<1x25x64xf32, #tpu.memory_space<vmem>> -> memref<25x64xf32, #tpu.memory_space<vmem>>
      tpu.enqueue_dma source(%dma_start3A_99 : memref<25x64xf32, #tpu.memory_space<vmem>>) target(%dma_start3A_90 : memref<25x64xf32, #tpu.memory_space<vmem_shared>>) target_semaphore(%run_scoped3A_76 : memref<!tpu.dma_semaphore, #tpu.memory_space<semaphore_mem>>)
      %dma_wait3A_100 = arith.constant 0 : i32
      %dma_wait3A_101 = arith.constant 0 : i32
      %dma_wait3A_102 = arith.constant 0 : i32
      %dma_wait3A_103 = tpu.memref_slice %arg6[%run_scoped3A_30, %dma_wait3A_100, %dma_wait3A_101, %dma_wait3A_102] : memref<2x1x200x64xf32, #tpu.memory_space<vmem>> -> memref<1x1x200x64xf32, #tpu.memory_space<vmem>>
      %dma_wait3A_104 = tpu.memref_squeeze %dma_wait3A_103 : memref<1x1x200x64xf32, #tpu.memory_space<vmem>> -> memref<1x200x64xf32, #tpu.memory_space<vmem>>
      %dma_wait3A_105 = arith.constant 0 : i32
      %dma_wait3A_106 = arith.constant 0 : i32
      %dma_wait3A_107 = tpu.memref_slice %dma_wait3A_104[%run_scoped3A_31, %dma_wait3A_105, %dma_wait3A_106] : memref<1x200x64xf32, #tpu.memory_space<vmem>> -> memref<1x25x64xf32, #tpu.memory_space<vmem>>
      %dma_wait3A_108 = tpu.memref_squeeze %dma_wait3A_107 : memref<1x25x64xf32, #tpu.memory_space<vmem>> -> memref<25x64xf32, #tpu.memory_space<vmem>>
      %dma_wait3A_109 = arith.constant 0 : i32
      %dma_wait3A_110 = tpu.memref_slice %arg9[%run_scoped3A_32, %add3A_29, %dma_wait3A_109] : memref<1x10000x64xf32, #tpu.memory_space<vmem_shared>> -> memref<1x25x64xf32, #tpu.memory_space<vmem_shared>>
      %dma_wait3A_111 = tpu.memref_squeeze %dma_wait3A_110 : memref<1x25x64xf32, #tpu.memory_space<vmem_shared>> -> memref<25x64xf32, #tpu.memory_space<vmem_shared>>
      %dma_wait3A_112 = arith.constant 0 : i32
      %dma_wait3A_113 = tpu.memref_slice %arg9[%run_scoped3A_32, %add3A_29, %dma_wait3A_112] : memref<1x10000x64xf32, #tpu.memory_space<vmem_shared>> -> memref<1x25x64xf32, #tpu.memory_space<vmem_shared>>
      %dma_wait3A_114 = tpu.memref_squeeze %dma_wait3A_113 : memref<1x25x64xf32, #tpu.memory_space<vmem_shared>> -> memref<25x64xf32, #tpu.memory_space<vmem_shared>>
      %dma_wait3A_115 = arith.constant 0 : i32
      %dma_wait3A_116 = arith.constant 0 : i32
      %dma_wait3A_117 = arith.constant 0 : i32
      %dma_wait3A_118 = tpu.memref_slice %arg6[%run_scoped3A_30, %dma_wait3A_115, %dma_wait3A_116, %dma_wait3A_117] : memref<2x1x200x64xf32, #tpu.memory_space<vmem>> -> memref<1x1x200x64xf32, #tpu.memory_space<vmem>>
      %dma_wait3A_119 = tpu.memref_squeeze %dma_wait3A_118 : memref<1x1x200x64xf32, #tpu.memory_space<vmem>> -> memref<1x200x64xf32, #tpu.memory_space<vmem>>
      %dma_wait3A_120 = arith.constant 0 : i32
      %dma_wait3A_121 = arith.constant 0 : i32
      %dma_wait3A_122 = tpu.memref_slice %dma_wait3A_119[%run_scoped3A_31, %dma_wait3A_120, %dma_wait3A_121] : memref<1x200x64xf32, #tpu.memory_space<vmem>> -> memref<1x25x64xf32, #tpu.memory_space<vmem>>
      %dma_wait3A_123 = tpu.memref_squeeze %dma_wait3A_122 : memref<1x25x64xf32, #tpu.memory_space<vmem>> -> memref<25x64xf32, #tpu.memory_space<vmem>>
      tpu.wait_dma2 semaphore(%run_scoped3A_76 : memref<!tpu.dma_semaphore, #tpu.memory_space<semaphore_mem>>) src(%dma_wait3A_123 : memref<25x64xf32, #tpu.memory_space<vmem>>) dst(%dma_wait3A_114 : memref<25x64xf32, #tpu.memory_space<vmem_shared>>)
      tpu.yield
    }) : () -> ()
    %mul3A_33 = arith.constant 50 : i32
    %mul3A_34 = arith.muli %add3A, %mul3A_33 : i32
    "tpu.region"() ({
      %run_scoped3A_76 = tpu.sem_alloc : memref<!tpu.dma_semaphore, #tpu.memory_space<semaphore_mem>>
      %dma_start3A = arith.constant 0 : i32
      %dma_start3A_77 = arith.constant 0 : i32
      %dma_start3A_78 = tpu.memref_slice %arg3[%mul3A_34, %dma_start3A, %dma_start3A_77] : memref<1600x1x200xi32, #tpu.memory_space<hbm>> -> memref<50x1x200xi32, #tpu.memory_space<hbm>>
      %dma_start3A_79 = arith.constant 0 : i32
      %dma_start3A_80 = arith.constant 0 : i32
      %dma_start3A_81 = tpu.memref_slice %arg3[%mul3A_34, %dma_start3A_79, %dma_start3A_80] : memref<1600x1x200xi32, #tpu.memory_space<hbm>> -> memref<50x1x200xi32, #tpu.memory_space<hbm>>
      tpu.enqueue_dma source(%dma_start3A_81 : memref<50x1x200xi32, #tpu.memory_space<hbm>>) target(%arg7 : memref<50x1x200xi32, #tpu.memory_space<vmem>>) target_semaphore(%run_scoped3A_76 : memref<!tpu.dma_semaphore, #tpu.memory_space<semaphore_mem>>)
      %dma_wait3A_82 = arith.constant 0 : i32
      %dma_wait3A_83 = arith.constant 0 : i32
      %dma_wait3A_84 = tpu.memref_slice %arg3[%mul3A_34, %dma_wait3A_82, %dma_wait3A_83] : memref<1600x1x200xi32, #tpu.memory_space<hbm>> -> memref<50x1x200xi32, #tpu.memory_space<hbm>>
      %dma_wait3A_85 = arith.constant 0 : i32
      %dma_wait3A_86 = arith.constant 0 : i32
      %dma_wait3A_87 = tpu.memref_slice %arg3[%mul3A_34, %dma_wait3A_85, %dma_wait3A_86] : memref<1600x1x200xi32, #tpu.memory_space<hbm>> -> memref<50x1x200xi32, #tpu.memory_space<hbm>>
      tpu.wait_dma2 semaphore(%run_scoped3A_76 : memref<!tpu.dma_semaphore, #tpu.memory_space<semaphore_mem>>) src(%dma_wait3A_87 : memref<50x1x200xi32, #tpu.memory_space<hbm>>) dst(%arg7 : memref<50x1x200xi32, #tpu.memory_space<vmem>>)
      tpu.yield
    }) : () -> ()
    %mul3A_35 = arith.constant 50 : i32
    %mul3A_36 = arith.muli %add3A, %mul3A_35 : i32
    "tpu.region"() ({
      %run_scoped3A_76 = tpu.sem_alloc : memref<!tpu.dma_semaphore, #tpu.memory_space<semaphore_mem>>
      %dma_start3A = arith.constant 0 : i32
      %dma_start3A_77 = arith.constant 0 : i32
      %dma_start3A_78 = tpu.memref_slice %arg4[%mul3A_36, %dma_start3A, %dma_start3A_77] : memref<1600x1x200xi32, #tpu.memory_space<hbm>> -> memref<50x1x200xi32, #tpu.memory_space<hbm>>
      %dma_start3A_79 = arith.constant 0 : i32
      %dma_start3A_80 = arith.constant 0 : i32
      %dma_start3A_81 = tpu.memref_slice %arg4[%mul3A_36, %dma_start3A_79, %dma_start3A_80] : memref<1600x1x200xi32, #tpu.memory_space<hbm>> -> memref<50x1x200xi32, #tpu.memory_space<hbm>>
      tpu.enqueue_dma source(%dma_start3A_81 : memref<50x1x200xi32, #tpu.memory_space<hbm>>) target(%arg8 : memref<50x1x200xi32, #tpu.memory_space<vmem>>) target_semaphore(%run_scoped3A_76 : memref<!tpu.dma_semaphore, #tpu.memory_space<semaphore_mem>>)
      %dma_wait3A_82 = arith.constant 0 : i32
      %dma_wait3A_83 = arith.constant 0 : i32
      %dma_wait3A_84 = tpu.memref_slice %arg4[%mul3A_36, %dma_wait3A_82, %dma_wait3A_83] : memref<1600x1x200xi32, #tpu.memory_space<hbm>> -> memref<50x1x200xi32, #tpu.memory_space<hbm>>
      %dma_wait3A_85 = arith.constant 0 : i32
      %dma_wait3A_86 = arith.constant 0 : i32
      %dma_wait3A_87 = tpu.memref_slice %arg4[%mul3A_36, %dma_wait3A_85, %dma_wait3A_86] : memref<1600x1x200xi32, #tpu.memory_space<hbm>> -> memref<50x1x200xi32, #tpu.memory_space<hbm>>
      tpu.wait_dma2 semaphore(%run_scoped3A_76 : memref<!tpu.dma_semaphore, #tpu.memory_space<semaphore_mem>>) src(%dma_wait3A_87 : memref<50x1x200xi32, #tpu.memory_space<hbm>>) dst(%arg8 : memref<50x1x200xi32, #tpu.memory_space<vmem>>)
      tpu.yield
    }) : () -> ()
    %barrier3A = arith.constant 0 : index
    tpu.barrier barrier_id(%barrier3A)
    %scan3A_37 = arith.constant 0 : i32
    %scan3A_38 = arith.constant 0 : i32
    %scan3A_39 = arith.constant 25 : i32
    %scan3A_40 = arith.addi %scan3A_38, %scan3A_39 : i32
    %scan3A_41 = arith.constant 1 : i32
    scf.for %scan3A_76 = %scan3A_38 to %scan3A_40 step %scan3A_41  : i32 {
      %mul3A_77 = arith.constant 2 : i32
      %mul3A_78 = arith.muli %mul3A_77, %scan3A_76 : i32
      %add3A_79 = arith.constant 0 : i32
      %add3A_80 = arith.addi %mul3A_78, %add3A_79 : i32
      %ge3A = arith.constant 2 : i32
      %ge3A_81 = arith.cmpi sge, %add3A_80, %ge3A : i32
      %convert_element_type3A = arith.extui %ge3A_81 : i1 to i32
      %cond3A = arith.constant 0 : i32
      %cond3A_82 = arith.cmpi ne, %convert_element_type3A, %cond3A : i32
      scf.if %cond3A_82 {
        %sub3A = arith.constant 2 : i32
        %sub3A_175 = arith.subi %add3A_80, %sub3A : i32
        %dma_wait3A_176 = arith.constant 0 : i32
        %dma_wait3A_177 = arith.constant 0 : i32
        %dma_wait3A_178 = arith.constant 0 : i32
        %dma_wait3A_179 = arith.constant 0 : i32
        %dma_wait3A_180 = tpu.memref_slice %arg6[%dma_wait3A_176, %dma_wait3A_177, %dma_wait3A_178, %dma_wait3A_179] : memref<2x1x200x64xf32, #tpu.memory_space<vmem>> -> memref<1x1x200x64xf32, #tpu.memory_space<vmem>>
        %dma_wait3A_181 = tpu.memref_squeeze %dma_wait3A_180 : memref<1x1x200x64xf32, #tpu.memory_space<vmem>> -> memref<1x200x64xf32, #tpu.memory_space<vmem>>
        %dma_wait3A_182 = arith.constant 0 : i32
        %dma_wait3A_183 = arith.constant 0 : i32
        %dma_wait3A_184 = tpu.memref_slice %arg8[%sub3A_175, %dma_wait3A_182, %dma_wait3A_183] : memref<50x1x200xi32, #tpu.memory_space<vmem>> -> memref<1x1x200xi32, #tpu.memory_space<vmem>>
        %dma_wait3A_185 = tpu.memref_squeeze %dma_wait3A_184 : memref<1x1x200xi32, #tpu.memory_space<vmem>> -> memref<1x200xi32, #tpu.memory_space<vmem>>
        %dma_wait3A_186 = arith.constant 0 : i32
        %dma_wait3A_187 = arith.constant 0 : i32
        %dma_wait3A_188 = arith.constant 0 : i32
        %dma_wait3A_189 = tpu.memref_slice %arg9[%dma_wait3A_186, %dma_wait3A_187, %dma_wait3A_188] : memref<1x10000x64xf32, #tpu.memory_space<vmem_shared>> -> memref<1x10000x64xf32, #tpu.memory_space<vmem_shared>>
        tpu.wait_indirect_dma semaphore(%arg13 : memref<!tpu.dma_semaphore, #tpu.memory_space<semaphore_mem>>) src(%dma_wait3A_181 : memref<1x200x64xf32, #tpu.memory_space<vmem>>) dst(%dma_wait3A_189 : memref<1x10000x64xf32, #tpu.memory_space<vmem_shared>>)
      } else {
      }
      %dma_start3A = arith.constant 0 : i32
      %dma_start3A_83 = arith.constant 0 : i32
      %dma_start3A_84 = arith.constant 0 : i32
      %dma_start3A_85 = arith.constant 0 : i32
      %dma_start3A_86 = tpu.memref_slice %arg6[%dma_start3A, %dma_start3A_83, %dma_start3A_84, %dma_start3A_85] : memref<2x1x200x64xf32, #tpu.memory_space<vmem>> -> memref<1x1x200x64xf32, #tpu.memory_space<vmem>>
      %dma_start3A_87 = tpu.memref_squeeze %dma_start3A_86 : memref<1x1x200x64xf32, #tpu.memory_space<vmem>> -> memref<1x200x64xf32, #tpu.memory_space<vmem>>
      %dma_start3A_88 = arith.constant 0 : i32
      %dma_start3A_89 = arith.constant 0 : i32
      %dma_start3A_90 = tpu.memref_slice %arg7[%add3A_80, %dma_start3A_88, %dma_start3A_89] : memref<50x1x200xi32, #tpu.memory_space<vmem>> -> memref<1x1x200xi32, #tpu.memory_space<vmem>>
      %dma_start3A_91 = tpu.memref_squeeze %dma_start3A_90 : memref<1x1x200xi32, #tpu.memory_space<vmem>> -> memref<1x200xi32, #tpu.memory_space<vmem>>
      %dma_start3A_92 = arith.constant 0 : i32
      %dma_start3A_93 = arith.constant 0 : i32
      %dma_start3A_94 = arith.constant 0 : i32
      %dma_start3A_95 = tpu.memref_slice %arg10[%dma_start3A_92, %dma_start3A_93, %dma_start3A_94] : memref<1x10000x64xf32, #tpu.memory_space<vmem_shared>> -> memref<1x10000x64xf32, #tpu.memory_space<vmem_shared>>
      tpu.enqueue_indirect_dma source(%dma_start3A_95 : memref<1x10000x64xf32, #tpu.memory_space<vmem_shared>>) target(%dma_start3A_87 : memref<1x200x64xf32, #tpu.memory_space<vmem>>) offsets(%dma_start3A_91 : memref<1x200xi32, #tpu.memory_space<vmem>>) semaphore(%arg11 : memref<!tpu.dma_semaphore, #tpu.memory_space<semaphore_mem>>)
      %dma_wait3A_96 = arith.constant 0 : i32
      %dma_wait3A_97 = arith.constant 0 : i32
      %dma_wait3A_98 = arith.constant 0 : i32
      %dma_wait3A_99 = arith.constant 0 : i32
      %dma_wait3A_100 = tpu.memref_slice %arg6[%dma_wait3A_96, %dma_wait3A_97, %dma_wait3A_98, %dma_wait3A_99] : memref<2x1x200x64xf32, #tpu.memory_space<vmem>> -> memref<1x1x200x64xf32, #tpu.memory_space<vmem>>
      %dma_wait3A_101 = tpu.memref_squeeze %dma_wait3A_100 : memref<1x1x200x64xf32, #tpu.memory_space<vmem>> -> memref<1x200x64xf32, #tpu.memory_space<vmem>>
      %dma_wait3A_102 = arith.constant 0 : i32
      %dma_wait3A_103 = arith.constant 0 : i32
      %dma_wait3A_104 = tpu.memref_slice %arg7[%add3A_80, %dma_wait3A_102, %dma_wait3A_103] : memref<50x1x200xi32, #tpu.memory_space<vmem>> -> memref<1x1x200xi32, #tpu.memory_space<vmem>>
      %dma_wait3A_105 = tpu.memref_squeeze %dma_wait3A_104 : memref<1x1x200xi32, #tpu.memory_space<vmem>> -> memref<1x200xi32, #tpu.memory_space<vmem>>
      %dma_wait3A_106 = arith.constant 0 : i32
      %dma_wait3A_107 = arith.constant 0 : i32
      %dma_wait3A_108 = arith.constant 0 : i32
      %dma_wait3A_109 = tpu.memref_slice %arg10[%dma_wait3A_106, %dma_wait3A_107, %dma_wait3A_108] : memref<1x10000x64xf32, #tpu.memory_space<vmem_shared>> -> memref<1x10000x64xf32, #tpu.memory_space<vmem_shared>>
      tpu.wait_indirect_dma semaphore(%arg11 : memref<!tpu.dma_semaphore, #tpu.memory_space<semaphore_mem>>) src(%dma_wait3A_109 : memref<1x10000x64xf32, #tpu.memory_space<vmem_shared>>) dst(%dma_wait3A_101 : memref<1x200x64xf32, #tpu.memory_space<vmem>>)
      %dma_start3A_110 = arith.constant 0 : i32
      %dma_start3A_111 = arith.constant 0 : i32
      %dma_start3A_112 = arith.constant 0 : i32
      %dma_start3A_113 = arith.constant 0 : i32
      %dma_start3A_114 = tpu.memref_slice %arg6[%dma_start3A_110, %dma_start3A_111, %dma_start3A_112, %dma_start3A_113] : memref<2x1x200x64xf32, #tpu.memory_space<vmem>> -> memref<1x1x200x64xf32, #tpu.memory_space<vmem>>
      %dma_start3A_115 = tpu.memref_squeeze %dma_start3A_114 : memref<1x1x200x64xf32, #tpu.memory_space<vmem>> -> memref<1x200x64xf32, #tpu.memory_space<vmem>>
      %dma_start3A_116 = arith.constant 0 : i32
      %dma_start3A_117 = arith.constant 0 : i32
      %dma_start3A_118 = tpu.memref_slice %arg8[%add3A_80, %dma_start3A_116, %dma_start3A_117] : memref<50x1x200xi32, #tpu.memory_space<vmem>> -> memref<1x1x200xi32, #tpu.memory_space<vmem>>
      %dma_start3A_119 = tpu.memref_squeeze %dma_start3A_118 : memref<1x1x200xi32, #tpu.memory_space<vmem>> -> memref<1x200xi32, #tpu.memory_space<vmem>>
      %dma_start3A_120 = arith.constant 0 : i32
      %dma_start3A_121 = arith.constant 0 : i32
      %dma_start3A_122 = arith.constant 0 : i32
      %dma_start3A_123 = tpu.memref_slice %arg9[%dma_start3A_120, %dma_start3A_121, %dma_start3A_122] : memref<1x10000x64xf32, #tpu.memory_space<vmem_shared>> -> memref<1x10000x64xf32, #tpu.memory_space<vmem_shared>>
      tpu.enqueue_indirect_dma source(%dma_start3A_115 : memref<1x200x64xf32, #tpu.memory_space<vmem>>) target(%dma_start3A_123 : memref<1x10000x64xf32, #tpu.memory_space<vmem_shared>>) offsets(%dma_start3A_119 : memref<1x200xi32, #tpu.memory_space<vmem>>) semaphore(%arg13 : memref<!tpu.dma_semaphore, #tpu.memory_space<semaphore_mem>>) {add = true}
      %mul3A_124 = arith.constant 2 : i32
      %mul3A_125 = arith.muli %mul3A_124, %scan3A_76 : i32
      %add3A_126 = arith.constant 1 : i32
      %add3A_127 = arith.addi %mul3A_125, %add3A_126 : i32
      %ge3A_128 = arith.constant 2 : i32
      %ge3A_129 = arith.cmpi sge, %add3A_127, %ge3A_128 : i32
      %convert_element_type3A_130 = arith.extui %ge3A_129 : i1 to i32
      %cond3A_131 = arith.constant 0 : i32
      %cond3A_132 = arith.cmpi ne, %convert_element_type3A_130, %cond3A_131 : i32
      scf.if %cond3A_132 {
        %sub3A = arith.constant 2 : i32
        %sub3A_175 = arith.subi %add3A_127, %sub3A : i32
        %dma_wait3A_176 = arith.constant 1 : i32
        %dma_wait3A_177 = arith.constant 0 : i32
        %dma_wait3A_178 = arith.constant 0 : i32
        %dma_wait3A_179 = arith.constant 0 : i32
        %dma_wait3A_180 = tpu.memref_slice %arg6[%dma_wait3A_176, %dma_wait3A_177, %dma_wait3A_178, %dma_wait3A_179] : memref<2x1x200x64xf32, #tpu.memory_space<vmem>> -> memref<1x1x200x64xf32, #tpu.memory_space<vmem>>
        %dma_wait3A_181 = tpu.memref_squeeze %dma_wait3A_180 : memref<1x1x200x64xf32, #tpu.memory_space<vmem>> -> memref<1x200x64xf32, #tpu.memory_space<vmem>>
        %dma_wait3A_182 = arith.constant 0 : i32
        %dma_wait3A_183 = arith.constant 0 : i32
        %dma_wait3A_184 = tpu.memref_slice %arg8[%sub3A_175, %dma_wait3A_182, %dma_wait3A_183] : memref<50x1x200xi32, #tpu.memory_space<vmem>> -> memref<1x1x200xi32, #tpu.memory_space<vmem>>
        %dma_wait3A_185 = tpu.memref_squeeze %dma_wait3A_184 : memref<1x1x200xi32, #tpu.memory_space<vmem>> -> memref<1x200xi32, #tpu.memory_space<vmem>>
        %dma_wait3A_186 = arith.constant 0 : i32
        %dma_wait3A_187 = arith.constant 0 : i32
        %dma_wait3A_188 = arith.constant 0 : i32
        %dma_wait3A_189 = tpu.memref_slice %arg9[%dma_wait3A_186, %dma_wait3A_187, %dma_wait3A_188] : memref<1x10000x64xf32, #tpu.memory_space<vmem_shared>> -> memref<1x10000x64xf32, #tpu.memory_space<vmem_shared>>
        tpu.wait_indirect_dma semaphore(%arg14 : memref<!tpu.dma_semaphore, #tpu.memory_space<semaphore_mem>>) src(%dma_wait3A_181 : memref<1x200x64xf32, #tpu.memory_space<vmem>>) dst(%dma_wait3A_189 : memref<1x10000x64xf32, #tpu.memory_space<vmem_shared>>)
      } else {
      }
      %dma_start3A_133 = arith.constant 1 : i32
      %dma_start3A_134 = arith.constant 0 : i32
      %dma_start3A_135 = arith.constant 0 : i32
      %dma_start3A_136 = arith.constant 0 : i32
      %dma_start3A_137 = tpu.memref_slice %arg6[%dma_start3A_133, %dma_start3A_134, %dma_start3A_135, %dma_start3A_136] : memref<2x1x200x64xf32, #tpu.memory_space<vmem>> -> memref<1x1x200x64xf32, #tpu.memory_space<vmem>>
      %dma_start3A_138 = tpu.memref_squeeze %dma_start3A_137 : memref<1x1x200x64xf32, #tpu.memory_space<vmem>> -> memref<1x200x64xf32, #tpu.memory_space<vmem>>
      %dma_start3A_139 = arith.constant 0 : i32
      %dma_start3A_140 = arith.constant 0 : i32
      %dma_start3A_141 = tpu.memref_slice %arg7[%add3A_127, %dma_start3A_139, %dma_start3A_140] : memref<50x1x200xi32, #tpu.memory_space<vmem>> -> memref<1x1x200xi32, #tpu.memory_space<vmem>>
      %dma_start3A_142 = tpu.memref_squeeze %dma_start3A_141 : memref<1x1x200xi32, #tpu.memory_space<vmem>> -> memref<1x200xi32, #tpu.memory_space<vmem>>
      %dma_start3A_143 = arith.constant 0 : i32
      %dma_start3A_144 = arith.constant 0 : i32
      %dma_start3A_145 = arith.constant 0 : i32
      %dma_start3A_146 = tpu.memref_slice %arg10[%dma_start3A_143, %dma_start3A_144, %dma_start3A_145] : memref<1x10000x64xf32, #tpu.memory_space<vmem_shared>> -> memref<1x10000x64xf32, #tpu.memory_space<vmem_shared>>
      tpu.enqueue_indirect_dma source(%dma_start3A_146 : memref<1x10000x64xf32, #tpu.memory_space<vmem_shared>>) target(%dma_start3A_138 : memref<1x200x64xf32, #tpu.memory_space<vmem>>) offsets(%dma_start3A_142 : memref<1x200xi32, #tpu.memory_space<vmem>>) semaphore(%arg12 : memref<!tpu.dma_semaphore, #tpu.memory_space<semaphore_mem>>)
      %dma_wait3A_147 = arith.constant 1 : i32
      %dma_wait3A_148 = arith.constant 0 : i32
      %dma_wait3A_149 = arith.constant 0 : i32
      %dma_wait3A_150 = arith.constant 0 : i32
      %dma_wait3A_151 = tpu.memref_slice %arg6[%dma_wait3A_147, %dma_wait3A_148, %dma_wait3A_149, %dma_wait3A_150] : memref<2x1x200x64xf32, #tpu.memory_space<vmem>> -> memref<1x1x200x64xf32, #tpu.memory_space<vmem>>
      %dma_wait3A_152 = tpu.memref_squeeze %dma_wait3A_151 : memref<1x1x200x64xf32, #tpu.memory_space<vmem>> -> memref<1x200x64xf32, #tpu.memory_space<vmem>>
      %dma_wait3A_153 = arith.constant 0 : i32
      %dma_wait3A_154 = arith.constant 0 : i32
      %dma_wait3A_155 = tpu.memref_slice %arg7[%add3A_127, %dma_wait3A_153, %dma_wait3A_154] : memref<50x1x200xi32, #tpu.memory_space<vmem>> -> memref<1x1x200xi32, #tpu.memory_space<vmem>>
      %dma_wait3A_156 = tpu.memref_squeeze %dma_wait3A_155 : memref<1x1x200xi32, #tpu.memory_space<vmem>> -> memref<1x200xi32, #tpu.memory_space<vmem>>
      %dma_wait3A_157 = arith.constant 0 : i32
      %dma_wait3A_158 = arith.constant 0 : i32
      %dma_wait3A_159 = arith.constant 0 : i32
      %dma_wait3A_160 = tpu.memref_slice %arg10[%dma_wait3A_157, %dma_wait3A_158, %dma_wait3A_159] : memref<1x10000x64xf32, #tpu.memory_space<vmem_shared>> -> memref<1x10000x64xf32, #tpu.memory_space<vmem_shared>>
      tpu.wait_indirect_dma semaphore(%arg12 : memref<!tpu.dma_semaphore, #tpu.memory_space<semaphore_mem>>) src(%dma_wait3A_160 : memref<1x10000x64xf32, #tpu.memory_space<vmem_shared>>) dst(%dma_wait3A_152 : memref<1x200x64xf32, #tpu.memory_space<vmem>>)
      %dma_start3A_161 = arith.constant 1 : i32
      %dma_start3A_162 = arith.constant 0 : i32
      %dma_start3A_163 = arith.constant 0 : i32
      %dma_start3A_164 = arith.constant 0 : i32
      %dma_start3A_165 = tpu.memref_slice %arg6[%dma_start3A_161, %dma_start3A_162, %dma_start3A_163, %dma_start3A_164] : memref<2x1x200x64xf32, #tpu.memory_space<vmem>> -> memref<1x1x200x64xf32, #tpu.memory_space<vmem>>
      %dma_start3A_166 = tpu.memref_squeeze %dma_start3A_165 : memref<1x1x200x64xf32, #tpu.memory_space<vmem>> -> memref<1x200x64xf32, #tpu.memory_space<vmem>>
      %dma_start3A_167 = arith.constant 0 : i32
      %dma_start3A_168 = arith.constant 0 : i32
      %dma_start3A_169 = tpu.memref_slice %arg8[%add3A_127, %dma_start3A_167, %dma_start3A_168] : memref<50x1x200xi32, #tpu.memory_space<vmem>> -> memref<1x1x200xi32, #tpu.memory_space<vmem>>
      %dma_start3A_170 = tpu.memref_squeeze %dma_start3A_169 : memref<1x1x200xi32, #tpu.memory_space<vmem>> -> memref<1x200xi32, #tpu.memory_space<vmem>>
      %dma_start3A_171 = arith.constant 0 : i32
      %dma_start3A_172 = arith.constant 0 : i32
      %dma_start3A_173 = arith.constant 0 : i32
      %dma_start3A_174 = tpu.memref_slice %arg9[%dma_start3A_171, %dma_start3A_172, %dma_start3A_173] : memref<1x10000x64xf32, #tpu.memory_space<vmem_shared>> -> memref<1x10000x64xf32, #tpu.memory_space<vmem_shared>>
      tpu.enqueue_indirect_dma source(%dma_start3A_166 : memref<1x200x64xf32, #tpu.memory_space<vmem>>) target(%dma_start3A_174 : memref<1x10000x64xf32, #tpu.memory_space<vmem_shared>>) offsets(%dma_start3A_170 : memref<1x200xi32, #tpu.memory_space<vmem>>) semaphore(%arg14 : memref<!tpu.dma_semaphore, #tpu.memory_space<semaphore_mem>>) {add = true}
    }
    %scan3A_42 = arith.constant 25 : i32
    %dma_wait3A = arith.constant 0 : i32
    %dma_wait3A_43 = arith.constant 48 : i32
    %dma_wait3A_44 = arith.constant 0 : i32
    %dma_wait3A_45 = arith.constant 0 : i32
    %dma_wait3A_46 = arith.constant 0 : i32
    %dma_wait3A_47 = tpu.memref_slice %arg6[%dma_wait3A, %dma_wait3A_44, %dma_wait3A_45, %dma_wait3A_46] : memref<2x1x200x64xf32, #tpu.memory_space<vmem>> -> memref<1x1x200x64xf32, #tpu.memory_space<vmem>>
    %dma_wait3A_48 = tpu.memref_squeeze %dma_wait3A_47 : memref<1x1x200x64xf32, #tpu.memory_space<vmem>> -> memref<1x200x64xf32, #tpu.memory_space<vmem>>
    %dma_wait3A_49 = arith.constant 0 : i32
    %dma_wait3A_50 = arith.constant 0 : i32
    %dma_wait3A_51 = tpu.memref_slice %arg8[%dma_wait3A_43, %dma_wait3A_49, %dma_wait3A_50] : memref<50x1x200xi32, #tpu.memory_space<vmem>> -> memref<1x1x200xi32, #tpu.memory_space<vmem>>
    %dma_wait3A_52 = tpu.memref_squeeze %dma_wait3A_51 : memref<1x1x200xi32, #tpu.memory_space<vmem>> -> memref<1x200xi32, #tpu.memory_space<vmem>>
    %dma_wait3A_53 = arith.constant 0 : i32
    %dma_wait3A_54 = arith.constant 0 : i32
    %dma_wait3A_55 = arith.constant 0 : i32
    %dma_wait3A_56 = tpu.memref_slice %arg9[%dma_wait3A_53, %dma_wait3A_54, %dma_wait3A_55] : memref<1x10000x64xf32, #tpu.memory_space<vmem_shared>> -> memref<1x10000x64xf32, #tpu.memory_space<vmem_shared>>
    tpu.wait_indirect_dma semaphore(%arg13 : memref<!tpu.dma_semaphore, #tpu.memory_space<semaphore_mem>>) src(%dma_wait3A_48 : memref<1x200x64xf32, #tpu.memory_space<vmem>>) dst(%dma_wait3A_56 : memref<1x10000x64xf32, #tpu.memory_space<vmem_shared>>)
    %dma_wait3A_57 = arith.constant 1 : i32
    %dma_wait3A_58 = arith.constant 49 : i32
    %dma_wait3A_59 = arith.constant 0 : i32
    %dma_wait3A_60 = arith.constant 0 : i32
    %dma_wait3A_61 = arith.constant 0 : i32
    %dma_wait3A_62 = tpu.memref_slice %arg6[%dma_wait3A_57, %dma_wait3A_59, %dma_wait3A_60, %dma_wait3A_61] : memref<2x1x200x64xf32, #tpu.memory_space<vmem>> -> memref<1x1x200x64xf32, #tpu.memory_space<vmem>>
    %dma_wait3A_63 = tpu.memref_squeeze %dma_wait3A_62 : memref<1x1x200x64xf32, #tpu.memory_space<vmem>> -> memref<1x200x64xf32, #tpu.memory_space<vmem>>
    %dma_wait3A_64 = arith.constant 0 : i32
    %dma_wait3A_65 = arith.constant 0 : i32
    %dma_wait3A_66 = tpu.memref_slice %arg8[%dma_wait3A_58, %dma_wait3A_64, %dma_wait3A_65] : memref<50x1x200xi32, #tpu.memory_space<vmem>> -> memref<1x1x200xi32, #tpu.memory_space<vmem>>
    %dma_wait3A_67 = tpu.memref_squeeze %dma_wait3A_66 : memref<1x1x200xi32, #tpu.memory_space<vmem>> -> memref<1x200xi32, #tpu.memory_space<vmem>>
    %dma_wait3A_68 = arith.constant 0 : i32
    %dma_wait3A_69 = arith.constant 0 : i32
    %dma_wait3A_70 = arith.constant 0 : i32
    %dma_wait3A_71 = tpu.memref_slice %arg9[%dma_wait3A_68, %dma_wait3A_69, %dma_wait3A_70] : memref<1x10000x64xf32, #tpu.memory_space<vmem_shared>> -> memref<1x10000x64xf32, #tpu.memory_space<vmem_shared>>
    tpu.wait_indirect_dma semaphore(%arg14 : memref<!tpu.dma_semaphore, #tpu.memory_space<semaphore_mem>>) src(%dma_wait3A_63 : memref<1x200x64xf32, #tpu.memory_space<vmem>>) dst(%dma_wait3A_71 : memref<1x10000x64xf32, #tpu.memory_space<vmem_shared>>)
    %barrier3A_72 = arith.constant 0 : index
    tpu.barrier barrier_id(%barrier3A_72)
    %mul3A_73 = arith.constant 625 : i32
    %mul3A_74 = arith.muli %arg1, %mul3A_73 : i32
    %run_scoped3A_75 = arith.constant 0 : i32
    "tpu.region"() ({
      %run_scoped3A_76 = tpu.sem_alloc : memref<!tpu.dma_semaphore, #tpu.memory_space<semaphore_mem>>
      %dma_start3A = arith.constant 0 : i32
      %dma_start3A_77 = tpu.memref_slice %arg5[%arg0, %mul3A_74, %dma_start3A] : memref<2x10000x64xf32, #tpu.memory_space<hbm>> -> memref<1x625x64xf32, #tpu.memory_space<hbm>>
      %dma_start3A_78 = tpu.memref_squeeze %dma_start3A_77 : memref<1x625x64xf32, #tpu.memory_space<hbm>> -> memref<625x64xf32, #tpu.memory_space<hbm>>
      %dma_start3A_79 = arith.constant 0 : i32
      %dma_start3A_80 = tpu.memref_slice %arg9[%run_scoped3A_75, %mul3A_74, %dma_start3A_79] : memref<1x10000x64xf32, #tpu.memory_space<vmem_shared>> -> memref<1x625x64xf32, #tpu.memory_space<vmem_shared>>
      %dma_start3A_81 = tpu.memref_squeeze %dma_start3A_80 : memref<1x625x64xf32, #tpu.memory_space<vmem_shared>> -> memref<625x64xf32, #tpu.memory_space<vmem_shared>>
      tpu.enqueue_dma source(%dma_start3A_81 : memref<625x64xf32, #tpu.memory_space<vmem_shared>>) target(%dma_start3A_78 : memref<625x64xf32, #tpu.memory_space<hbm>>) target_semaphore(%run_scoped3A_76 : memref<!tpu.dma_semaphore, #tpu.memory_space<semaphore_mem>>)
      %dma_wait3A_82 = arith.constant 0 : i32
      %dma_wait3A_83 = tpu.memref_slice %arg5[%arg0, %mul3A_74, %dma_wait3A_82] : memref<2x10000x64xf32, #tpu.memory_space<hbm>> -> memref<1x625x64xf32, #tpu.memory_space<hbm>>
      %dma_wait3A_84 = tpu.memref_squeeze %dma_wait3A_83 : memref<1x625x64xf32, #tpu.memory_space<hbm>> -> memref<625x64xf32, #tpu.memory_space<hbm>>
      %dma_wait3A_85 = arith.constant 0 : i32
      %dma_wait3A_86 = tpu.memref_slice %arg9[%run_scoped3A_75, %mul3A_74, %dma_wait3A_85] : memref<1x10000x64xf32, #tpu.memory_space<vmem_shared>> -> memref<1x625x64xf32, #tpu.memory_space<vmem_shared>>
      %dma_wait3A_87 = tpu.memref_squeeze %dma_wait3A_86 : memref<1x625x64xf32, #tpu.memory_space<vmem_shared>> -> memref<625x64xf32, #tpu.memory_space<vmem_shared>>
      tpu.wait_dma2 semaphore(%run_scoped3A_76 : memref<!tpu.dma_semaphore, #tpu.memory_space<semaphore_mem>>) src(%dma_wait3A_87 : memref<625x64xf32, #tpu.memory_space<vmem_shared>>) dst(%dma_wait3A_84 : memref<625x64xf32, #tpu.memory_space<hbm>>)
      tpu.yield
    }) : () -> ()
    return
  }
}

#map = affine_map<(d0, d1) -> (0, 0, 0)>
module attributes {stable_mosaic.version = 14 : i64} {
  func.func @_agg_call(%arg0: i32, %arg1: i32, %arg2: memref<1x10000x64xf32, #tpu.memory_space<hbm>>, %arg3: memref<1600x1x200xi32, #tpu.memory_space<hbm>>, %arg4: memref<1600x1x200xi32, #tpu.memory_space<hbm>>, %arg5: memref<2x10000x64xf32, #tpu.memory_space<hbm>>, %arg6: memref<2x1x200x64xf32, #tpu.memory_space<vmem>>, %arg7: memref<50x1x200xi32, #tpu.memory_space<vmem>>, %arg8: memref<50x1x200xi32, #tpu.memory_space<vmem>>, %arg9: memref<1x10000x64xf32, #tpu.memory_space<vmem_shared>>, %arg10: memref<1x10000x64xf32, #tpu.memory_space<vmem_shared>>, %arg11: memref<!tpu.dma_semaphore, #tpu.memory_space<semaphore_mem>>, %arg12: memref<!tpu.dma_semaphore, #tpu.memory_space<semaphore_mem>>, %arg13: memref<!tpu.dma_semaphore, #tpu.memory_space<semaphore_mem>>, %arg14: memref<!tpu.dma_semaphore, #tpu.memory_space<semaphore_mem>>) attributes {dimension_semantics = [#tpu.dimension_semantics<core_parallel>, #tpu.dimension_semantics<subcore_parallel>], iteration_bounds = array<i64: 2, 16>, scalar_prefetch = 0 : i64, scratch_operands = 9 : i64, tpu.core_type = #tpu.core_type<sc_vector_subcore>, window_params = [{transform_indices = #map}, {transform_indices = #map}, {transform_indices = #map}, {transform_indices = #map}]} {
    %mul3A = arith.constant 16 : i32
    %mul3A_0 = arith.muli %arg0, %mul3A : i32
    %add3A = arith.addi %mul3A_0, %arg1 : i32
    %mul3A_1 = arith.constant 625 : i32
    %mul3A_2 = arith.muli %arg1, %mul3A_1 : i32
    %run_scoped3A = arith.constant 0 : i32
    %run_scoped3A_3 = arith.constant 0 : i32
    "tpu.region"() ({
      %run_scoped3A_76 = tpu.sem_alloc : memref<!tpu.dma_semaphore, #tpu.memory_space<semaphore_mem>>
      %dma_start3A = arith.constant 0 : i32
      %dma_start3A_77 = tpu.memref_slice %arg10[%run_scoped3A_3, %mul3A_2, %dma_start3A] : memref<1x10000x64xf32, #tpu.memory_space<vmem_shared>> -> memref<1x625x64xf32, #tpu.memory_space<vmem_shared>>
      %dma_start3A_78 = tpu.memref_squeeze %dma_start3A_77 : memref<1x625x64xf32, #tpu.memory_space<vmem_shared>> -> memref<625x64xf32, #tpu.memory_space<vmem_shared>>
      %dma_start3A_79 = arith.constant 0 : i32
      %dma_start3A_80 = tpu.memref_slice %arg2[%run_scoped3A, %mul3A_2, %dma_start3A_79] : memref<1x10000x64xf32, #tpu.memory_space<hbm>> -> memref<1x625x64xf32, #tpu.memory_space<hbm>>
      %dma_start3A_81 = tpu.memref_squeeze %dma_start3A_80 : memref<1x625x64xf32, #tpu.memory_space<hbm>> -> memref<625x64xf32, #tpu.memory_space<hbm>>
      tpu.enqueue_dma source(%dma_start3A_81 : memref<625x64xf32, #tpu.memory_space<hbm>>) target(%dma_start3A_78 : memref<625x64xf32, #tpu.memory_space<vmem_shared>>) target_semaphore(%run_scoped3A_76 : memref<!tpu.dma_semaphore, #tpu.memory_space<semaphore_mem>>)
      %dma_wait3A_82 = arith.constant 0 : i32
      %dma_wait3A_83 = tpu.memref_slice %arg10[%run_scoped3A_3, %mul3A_2, %dma_wait3A_82] : memref<1x10000x64xf32, #tpu.memory_space<vmem_shared>> -> memref<1x625x64xf32, #tpu.memory_space<vmem_shared>>
      %dma_wait3A_84 = tpu.memref_squeeze %dma_wait3A_83 : memref<1x625x64xf32, #tpu.memory_space<vmem_shared>> -> memref<625x64xf32, #tpu.memory_space<vmem_shared>>
      %dma_wait3A_85 = arith.constant 0 : i32
      %dma_wait3A_86 = tpu.memref_slice %arg2[%run_scoped3A, %mul3A_2, %dma_wait3A_85] : memref<1x10000x64xf32, #tpu.memory_space<hbm>> -> memref<1x625x64xf32, #tpu.memory_space<hbm>>
      %dma_wait3A_87 = tpu.memref_squeeze %dma_wait3A_86 : memref<1x625x64xf32, #tpu.memory_space<hbm>> -> memref<625x64xf32, #tpu.memory_space<hbm>>
      tpu.wait_dma2 semaphore(%run_scoped3A_76 : memref<!tpu.dma_semaphore, #tpu.memory_space<semaphore_mem>>) src(%dma_wait3A_87 : memref<625x64xf32, #tpu.memory_space<hbm>>) dst(%dma_wait3A_84 : memref<625x64xf32, #tpu.memory_space<vmem_shared>>)
      tpu.yield
    }) : () -> ()
    %broadcast_in_dim3A = arith.constant 0.000000e+00 : f32
    %broadcast_in_dim3A_4 = vector.broadcast %broadcast_in_dim3A : f32 to vector<16xf32>
    %scan3A = arith.constant 0 : i32
    %scan3A_5 = arith.constant 0 : i32
    %scan3A_6 = arith.constant 0 : i32
    %scan3A_7 = arith.constant 200 : i32
    %scan3A_8 = arith.addi %scan3A_6, %scan3A_7 : i32
    %scan3A_9 = arith.constant 1 : i32
    scf.for %scan3A_76 = %scan3A_6 to %scan3A_8 step %scan3A_9  : i32 {
      %swap3A = arith.constant 0 : i32
      %swap3A_77 = arith.constant 0 : i32
      %swap3A_78 = arith.constant 0 : i32
      %swap3A_79 = arith.constant 0 : i32
      %swap3A_80 = tpu.memref_slice %arg6[%scan3A_5, %swap3A_77, %swap3A_78, %swap3A_79] : memref<2x1x200x64xf32, #tpu.memory_space<vmem>> -> memref<1x1x200x64xf32, #tpu.memory_space<vmem>>
      %swap3A_81 = tpu.memref_squeeze %swap3A_80 : memref<1x1x200x64xf32, #tpu.memory_space<vmem>> -> memref<1x200x64xf32, #tpu.memory_space<vmem>>
      %swap3A_82 = arith.index_cast %swap3A : i32 to index
      %swap3A_83 = arith.index_cast %scan3A_76 : i32 to index
      %swap3A_84 = arith.constant 0 : index
      %swap3A_85 = tpu.vector_load %swap3A_81[%swap3A_82, %swap3A_83, %swap3A_84] {strides = array<i32>} : memref<1x200x64xf32, #tpu.memory_space<vmem>>, vector<1x1x16xf32>,
      %swap3A_86 = vector.shape_cast %swap3A_85 : vector<1x1x16xf32> to vector<16xf32>
      %swap3A_87 = vector.shape_cast %broadcast_in_dim3A_4 : vector<16xf32> to vector<1x1x16xf32>
      tpu.vector_store %swap3A_81[%swap3A_82, %swap3A_83, %swap3A_84], %swap3A_87 {strides = array<i32>} : memref<1x200x64xf32, #tpu.memory_space<vmem>>, vector<1x1x16xf32>,
      %swap3A_88 = arith.constant 0 : i32
      %swap3A_89 = arith.constant 0 : i32
      %swap3A_90 = arith.constant 0 : i32
      %swap3A_91 = arith.constant 0 : i32
      %swap3A_92 = tpu.memref_slice %arg6[%scan3A_5, %swap3A_89, %swap3A_90, %swap3A_91] : memref<2x1x200x64xf32, #tpu.memory_space<vmem>> -> memref<1x1x200x64xf32, #tpu.memory_space<vmem>>
      %swap3A_93 = tpu.memref_squeeze %swap3A_92 : memref<1x1x200x64xf32, #tpu.memory_space<vmem>> -> memref<1x200x64xf32, #tpu.memory_space<vmem>>
      %swap3A_94 = arith.index_cast %swap3A_88 : i32 to index
      %swap3A_95 = arith.index_cast %scan3A_76 : i32 to index
      %swap3A_96 = arith.constant 16 : index
      %swap3A_97 = tpu.vector_load %swap3A_93[%swap3A_94, %swap3A_95, %swap3A_96] {strides = array<i32>} : memref<1x200x64xf32, #tpu.memory_space<vmem>>, vector<1x1x16xf32>,
      %swap3A_98 = vector.shape_cast %swap3A_97 : vector<1x1x16xf32> to vector<16xf32>
      %swap3A_99 = vector.shape_cast %broadcast_in_dim3A_4 : vector<16xf32> to vector<1x1x16xf32>
      tpu.vector_store %swap3A_93[%swap3A_94, %swap3A_95, %swap3A_96], %swap3A_99 {strides = array<i32>} : memref<1x200x64xf32, #tpu.memory_space<vmem>>, vector<1x1x16xf32>,
      %swap3A_100 = arith.constant 0 : i32
      %swap3A_101 = arith.constant 0 : i32
      %swap3A_102 = arith.constant 0 : i32
      %swap3A_103 = arith.constant 0 : i32
      %swap3A_104 = tpu.memref_slice %arg6[%scan3A_5, %swap3A_101, %swap3A_102, %swap3A_103] : memref<2x1x200x64xf32, #tpu.memory_space<vmem>> -> memref<1x1x200x64xf32, #tpu.memory_space<vmem>>
      %swap3A_105 = tpu.memref_squeeze %swap3A_104 : memref<1x1x200x64xf32, #tpu.memory_space<vmem>> -> memref<1x200x64xf32, #tpu.memory_space<vmem>>
      %swap3A_106 = arith.index_cast %swap3A_100 : i32 to index
      %swap3A_107 = arith.index_cast %scan3A_76 : i32 to index
      %swap3A_108 = arith.constant 32 : index
      %swap3A_109 = tpu.vector_load %swap3A_105[%swap3A_106, %swap3A_107, %swap3A_108] {strides = array<i32>} : memref<1x200x64xf32, #tpu.memory_space<vmem>>, vector<1x1x16xf32>,
      %swap3A_110 = vector.shape_cast %swap3A_109 : vector<1x1x16xf32> to vector<16xf32>
      %swap3A_111 = vector.shape_cast %broadcast_in_dim3A_4 : vector<16xf32> to vector<1x1x16xf32>
      tpu.vector_store %swap3A_105[%swap3A_106, %swap3A_107, %swap3A_108], %swap3A_111 {strides = array<i32>} : memref<1x200x64xf32, #tpu.memory_space<vmem>>, vector<1x1x16xf32>,
      %swap3A_112 = arith.constant 0 : i32
      %swap3A_113 = arith.constant 0 : i32
      %swap3A_114 = arith.constant 0 : i32
      %swap3A_115 = arith.constant 0 : i32
      %swap3A_116 = tpu.memref_slice %arg6[%scan3A_5, %swap3A_113, %swap3A_114, %swap3A_115] : memref<2x1x200x64xf32, #tpu.memory_space<vmem>> -> memref<1x1x200x64xf32, #tpu.memory_space<vmem>>
      %swap3A_117 = tpu.memref_squeeze %swap3A_116 : memref<1x1x200x64xf32, #tpu.memory_space<vmem>> -> memref<1x200x64xf32, #tpu.memory_space<vmem>>
      %swap3A_118 = arith.index_cast %swap3A_112 : i32 to index
      %swap3A_119 = arith.index_cast %scan3A_76 : i32 to index
      %swap3A_120 = arith.constant 48 : index
      %swap3A_121 = tpu.vector_load %swap3A_117[%swap3A_118, %swap3A_119, %swap3A_120] {strides = array<i32>} : memref<1x200x64xf32, #tpu.memory_space<vmem>>, vector<1x1x16xf32>,
      %swap3A_122 = vector.shape_cast %swap3A_121 : vector<1x1x16xf32> to vector<16xf32>
      %swap3A_123 = vector.shape_cast %broadcast_in_dim3A_4 : vector<16xf32> to vector<1x1x16xf32>
      tpu.vector_store %swap3A_117[%swap3A_118, %swap3A_119, %swap3A_120], %swap3A_123 {strides = array<i32>} : memref<1x200x64xf32, #tpu.memory_space<vmem>>, vector<1x1x16xf32>,
    }
    %scan3A_10 = arith.constant 200 : i32
    %mul3A_11 = arith.constant 625 : i32
    %mul3A_12 = arith.muli %arg1, %mul3A_11 : i32
    %add3A_13 = arith.constant 0 : i32
    %add3A_14 = arith.addi %mul3A_12, %add3A_13 : i32
    %run_scoped3A_15 = arith.constant 0 : i32
    %run_scoped3A_16 = arith.constant 0 : i32
    %run_scoped3A_17 = arith.constant 0 : i32
    "tpu.region"() ({
      %run_scoped3A_76 = tpu.sem_alloc : memref<!tpu.dma_semaphore, #tpu.memory_space<semaphore_mem>>
      %dma_start3A = arith.constant 0 : i32
      %dma_start3A_77 = arith.constant 0 : i32
      %dma_start3A_78 = arith.constant 0 : i32
      %dma_start3A_79 = tpu.memref_slice %arg6[%run_scoped3A_15, %dma_start3A, %dma_start3A_77, %dma_start3A_78] : memref<2x1x200x64xf32, #tpu.memory_space<vmem>> -> memref<1x1x200x64xf32, #tpu.memory_space<vmem>>
      %dma_start3A_80 = tpu.memref_squeeze %dma_start3A_79 : memref<1x1x200x64xf32, #tpu.memory_space<vmem>> -> memref<1x200x64xf32, #tpu.memory_space<vmem>>
      %dma_start3A_81 = arith.constant 0 : i32
      %dma_start3A_82 = arith.constant 0 : i32
      %dma_start3A_83 = tpu.memref_slice %dma_start3A_80[%run_scoped3A_16, %dma_start3A_81, %dma_start3A_82] : memref<1x200x64xf32, #tpu.memory_space<vmem>> -> memref<1x200x64xf32, #tpu.memory_space<vmem>>
      %dma_start3A_84 = tpu.memref_squeeze %dma_start3A_83 : memref<1x200x64xf32, #tpu.memory_space<vmem>> -> memref<200x64xf32, #tpu.memory_space<vmem>>
      %dma_start3A_85 = arith.constant 0 : i32
      %dma_start3A_86 = tpu.memref_slice %arg9[%run_scoped3A_17, %add3A_14, %dma_start3A_85] : memref<1x10000x64xf32, #tpu.memory_space<vmem_shared>> -> memref<1x200x64xf32, #tpu.memory_space<vmem_shared>>
      %dma_start3A_87 = tpu.memref_squeeze %dma_start3A_86 : memref<1x200x64xf32, #tpu.memory_space<vmem_shared>> -> memref<200x64xf32, #tpu.memory_space<vmem_shared>>
      %dma_start3A_88 = arith.constant 0 : i32
      %dma_start3A_89 = tpu.memref_slice %arg9[%run_scoped3A_17, %add3A_14, %dma_start3A_88] : memref<1x10000x64xf32, #tpu.memory_space<vmem_shared>> -> memref<1x200x64xf32, #tpu.memory_space<vmem_shared>>
      %dma_start3A_90 = tpu.memref_squeeze %dma_start3A_89 : memref<1x200x64xf32, #tpu.memory_space<vmem_shared>> -> memref<200x64xf32, #tpu.memory_space<vmem_shared>>
      %dma_start3A_91 = arith.constant 0 : i32
      %dma_start3A_92 = arith.constant 0 : i32
      %dma_start3A_93 = arith.constant 0 : i32
      %dma_start3A_94 = tpu.memref_slice %arg6[%run_scoped3A_15, %dma_start3A_91, %dma_start3A_92, %dma_start3A_93] : memref<2x1x200x64xf32, #tpu.memory_space<vmem>> -> memref<1x1x200x64xf32, #tpu.memory_space<vmem>>
      %dma_start3A_95 = tpu.memref_squeeze %dma_start3A_94 : memref<1x1x200x64xf32, #tpu.memory_space<vmem>> -> memref<1x200x64xf32, #tpu.memory_space<vmem>>
      %dma_start3A_96 = arith.constant 0 : i32
      %dma_start3A_97 = arith.constant 0 : i32
      %dma_start3A_98 = tpu.memref_slice %dma_start3A_95[%run_scoped3A_16, %dma_start3A_96, %dma_start3A_97] : memref<1x200x64xf32, #tpu.memory_space<vmem>> -> memref<1x200x64xf32, #tpu.memory_space<vmem>>
      %dma_start3A_99 = tpu.memref_squeeze %dma_start3A_98 : memref<1x200x64xf32, #tpu.memory_space<vmem>> -> memref<200x64xf32, #tpu.memory_space<vmem>>
      tpu.enqueue_dma source(%dma_start3A_99 : memref<200x64xf32, #tpu.memory_space<vmem>>) target(%dma_start3A_90 : memref<200x64xf32, #tpu.memory_space<vmem_shared>>) target_semaphore(%run_scoped3A_76 : memref<!tpu.dma_semaphore, #tpu.memory_space<semaphore_mem>>)
      %dma_wait3A_100 = arith.constant 0 : i32
      %dma_wait3A_101 = arith.constant 0 : i32
      %dma_wait3A_102 = arith.constant 0 : i32
      %dma_wait3A_103 = tpu.memref_slice %arg6[%run_scoped3A_15, %dma_wait3A_100, %dma_wait3A_101, %dma_wait3A_102] : memref<2x1x200x64xf32, #tpu.memory_space<vmem>> -> memref<1x1x200x64xf32, #tpu.memory_space<vmem>>
      %dma_wait3A_104 = tpu.memref_squeeze %dma_wait3A_103 : memref<1x1x200x64xf32, #tpu.memory_space<vmem>> -> memref<1x200x64xf32, #tpu.memory_space<vmem>>
      %dma_wait3A_105 = arith.constant 0 : i32
      %dma_wait3A_106 = arith.constant 0 : i32
      %dma_wait3A_107 = tpu.memref_slice %dma_wait3A_104[%run_scoped3A_16, %dma_wait3A_105, %dma_wait3A_106] : memref<1x200x64xf32, #tpu.memory_space<vmem>> -> memref<1x200x64xf32, #tpu.memory_space<vmem>>
      %dma_wait3A_108 = tpu.memref_squeeze %dma_wait3A_107 : memref<1x200x64xf32, #tpu.memory_space<vmem>> -> memref<200x64xf32, #tpu.memory_space<vmem>>
      %dma_wait3A_109 = arith.constant 0 : i32
      %dma_wait3A_110 = tpu.memref_slice %arg9[%run_scoped3A_17, %add3A_14, %dma_wait3A_109] : memref<1x10000x64xf32, #tpu.memory_space<vmem_shared>> -> memref<1x200x64xf32, #tpu.memory_space<vmem_shared>>
      %dma_wait3A_111 = tpu.memref_squeeze %dma_wait3A_110 : memref<1x200x64xf32, #tpu.memory_space<vmem_shared>> -> memref<200x64xf32, #tpu.memory_space<vmem_shared>>
      %dma_wait3A_112 = arith.constant 0 : i32
      %dma_wait3A_113 = tpu.memref_slice %arg9[%run_scoped3A_17, %add3A_14, %dma_wait3A_112] : memref<1x10000x64xf32, #tpu.memory_space<vmem_shared>> -> memref<1x200x64xf32, #tpu.memory_space<vmem_shared>>
      %dma_wait3A_114 = tpu.memref_squeeze %dma_wait3A_113 : memref<1x200x64xf32, #tpu.memory_space<vmem_shared>> -> memref<200x64xf32, #tpu.memory_space<vmem_shared>>
      %dma_wait3A_115 = arith.constant 0 : i32
      %dma_wait3A_116 = arith.constant 0 : i32
      %dma_wait3A_117 = arith.constant 0 : i32
      %dma_wait3A_118 = tpu.memref_slice %arg6[%run_scoped3A_15, %dma_wait3A_115, %dma_wait3A_116, %dma_wait3A_117] : memref<2x1x200x64xf32, #tpu.memory_space<vmem>> -> memref<1x1x200x64xf32, #tpu.memory_space<vmem>>
      %dma_wait3A_119 = tpu.memref_squeeze %dma_wait3A_118 : memref<1x1x200x64xf32, #tpu.memory_space<vmem>> -> memref<1x200x64xf32, #tpu.memory_space<vmem>>
      %dma_wait3A_120 = arith.constant 0 : i32
      %dma_wait3A_121 = arith.constant 0 : i32
      %dma_wait3A_122 = tpu.memref_slice %dma_wait3A_119[%run_scoped3A_16, %dma_wait3A_120, %dma_wait3A_121] : memref<1x200x64xf32, #tpu.memory_space<vmem>> -> memref<1x200x64xf32, #tpu.memory_space<vmem>>
      %dma_wait3A_123 = tpu.memref_squeeze %dma_wait3A_122 : memref<1x200x64xf32, #tpu.memory_space<vmem>> -> memref<200x64xf32, #tpu.memory_space<vmem>>
      tpu.wait_dma2 semaphore(%run_scoped3A_76 : memref<!tpu.dma_semaphore, #tpu.memory_space<semaphore_mem>>) src(%dma_wait3A_123 : memref<200x64xf32, #tpu.memory_space<vmem>>) dst(%dma_wait3A_114 : memref<200x64xf32, #tpu.memory_space<vmem_shared>>)
      tpu.yield
    }) : () -> ()
    %add3A_18 = arith.constant 200 : i32
    %add3A_19 = arith.addi %mul3A_12, %add3A_18 : i32
    %run_scoped3A_20 = arith.constant 0 : i32
    %run_scoped3A_21 = arith.constant 0 : i32
    %run_scoped3A_22 = arith.constant 0 : i32
    "tpu.region"() ({
      %run_scoped3A_76 = tpu.sem_alloc : memref<!tpu.dma_semaphore, #tpu.memory_space<semaphore_mem>>
      %dma_start3A = arith.constant 0 : i32
      %dma_start3A_77 = arith.constant 0 : i32
      %dma_start3A_78 = arith.constant 0 : i32
      %dma_start3A_79 = tpu.memref_slice %arg6[%run_scoped3A_20, %dma_start3A, %dma_start3A_77, %dma_start3A_78] : memref<2x1x200x64xf32, #tpu.memory_space<vmem>> -> memref<1x1x200x64xf32, #tpu.memory_space<vmem>>
      %dma_start3A_80 = tpu.memref_squeeze %dma_start3A_79 : memref<1x1x200x64xf32, #tpu.memory_space<vmem>> -> memref<1x200x64xf32, #tpu.memory_space<vmem>>
      %dma_start3A_81 = arith.constant 0 : i32
      %dma_start3A_82 = arith.constant 0 : i32
      %dma_start3A_83 = tpu.memref_slice %dma_start3A_80[%run_scoped3A_21, %dma_start3A_81, %dma_start3A_82] : memref<1x200x64xf32, #tpu.memory_space<vmem>> -> memref<1x200x64xf32, #tpu.memory_space<vmem>>
      %dma_start3A_84 = tpu.memref_squeeze %dma_start3A_83 : memref<1x200x64xf32, #tpu.memory_space<vmem>> -> memref<200x64xf32, #tpu.memory_space<vmem>>
      %dma_start3A_85 = arith.constant 0 : i32
      %dma_start3A_86 = tpu.memref_slice %arg9[%run_scoped3A_22, %add3A_19, %dma_start3A_85] : memref<1x10000x64xf32, #tpu.memory_space<vmem_shared>> -> memref<1x200x64xf32, #tpu.memory_space<vmem_shared>>
      %dma_start3A_87 = tpu.memref_squeeze %dma_start3A_86 : memref<1x200x64xf32, #tpu.memory_space<vmem_shared>> -> memref<200x64xf32, #tpu.memory_space<vmem_shared>>
      %dma_start3A_88 = arith.constant 0 : i32
      %dma_start3A_89 = tpu.memref_slice %arg9[%run_scoped3A_22, %add3A_19, %dma_start3A_88] : memref<1x10000x64xf32, #tpu.memory_space<vmem_shared>> -> memref<1x200x64xf32, #tpu.memory_space<vmem_shared>>
      %dma_start3A_90 = tpu.memref_squeeze %dma_start3A_89 : memref<1x200x64xf32, #tpu.memory_space<vmem_shared>> -> memref<200x64xf32, #tpu.memory_space<vmem_shared>>
      %dma_start3A_91 = arith.constant 0 : i32
      %dma_start3A_92 = arith.constant 0 : i32
      %dma_start3A_93 = arith.constant 0 : i32
      %dma_start3A_94 = tpu.memref_slice %arg6[%run_scoped3A_20, %dma_start3A_91, %dma_start3A_92, %dma_start3A_93] : memref<2x1x200x64xf32, #tpu.memory_space<vmem>> -> memref<1x1x200x64xf32, #tpu.memory_space<vmem>>
      %dma_start3A_95 = tpu.memref_squeeze %dma_start3A_94 : memref<1x1x200x64xf32, #tpu.memory_space<vmem>> -> memref<1x200x64xf32, #tpu.memory_space<vmem>>
      %dma_start3A_96 = arith.constant 0 : i32
      %dma_start3A_97 = arith.constant 0 : i32
      %dma_start3A_98 = tpu.memref_slice %dma_start3A_95[%run_scoped3A_21, %dma_start3A_96, %dma_start3A_97] : memref<1x200x64xf32, #tpu.memory_space<vmem>> -> memref<1x200x64xf32, #tpu.memory_space<vmem>>
      %dma_start3A_99 = tpu.memref_squeeze %dma_start3A_98 : memref<1x200x64xf32, #tpu.memory_space<vmem>> -> memref<200x64xf32, #tpu.memory_space<vmem>>
      tpu.enqueue_dma source(%dma_start3A_99 : memref<200x64xf32, #tpu.memory_space<vmem>>) target(%dma_start3A_90 : memref<200x64xf32, #tpu.memory_space<vmem_shared>>) target_semaphore(%run_scoped3A_76 : memref<!tpu.dma_semaphore, #tpu.memory_space<semaphore_mem>>)
      %dma_wait3A_100 = arith.constant 0 : i32
      %dma_wait3A_101 = arith.constant 0 : i32
      %dma_wait3A_102 = arith.constant 0 : i32
      %dma_wait3A_103 = tpu.memref_slice %arg6[%run_scoped3A_20, %dma_wait3A_100, %dma_wait3A_101, %dma_wait3A_102] : memref<2x1x200x64xf32, #tpu.memory_space<vmem>> -> memref<1x1x200x64xf32, #tpu.memory_space<vmem>>
      %dma_wait3A_104 = tpu.memref_squeeze %dma_wait3A_103 : memref<1x1x200x64xf32, #tpu.memory_space<vmem>> -> memref<1x200x64xf32, #tpu.memory_space<vmem>>
      %dma_wait3A_105 = arith.constant 0 : i32
      %dma_wait3A_106 = arith.constant 0 : i32
      %dma_wait3A_107 = tpu.memref_slice %dma_wait3A_104[%run_scoped3A_21, %dma_wait3A_105, %dma_wait3A_106] : memref<1x200x64xf32, #tpu.memory_space<vmem>> -> memref<1x200x64xf32, #tpu.memory_space<vmem>>
      %dma_wait3A_108 = tpu.memref_squeeze %dma_wait3A_107 : memref<1x200x64xf32, #tpu.memory_space<vmem>> -> memref<200x64xf32, #tpu.memory_space<vmem>>
      %dma_wait3A_109 = arith.constant 0 : i32
      %dma_wait3A_110 = tpu.memref_slice %arg9[%run_scoped3A_22, %add3A_19, %dma_wait3A_109] : memref<1x10000x64xf32, #tpu.memory_space<vmem_shared>> -> memref<1x200x64xf32, #tpu.memory_space<vmem_shared>>
      %dma_wait3A_111 = tpu.memref_squeeze %dma_wait3A_110 : memref<1x200x64xf32, #tpu.memory_space<vmem_shared>> -> memref<200x64xf32, #tpu.memory_space<vmem_shared>>
      %dma_wait3A_112 = arith.constant 0 : i32
      %dma_wait3A_113 = tpu.memref_slice %arg9[%run_scoped3A_22, %add3A_19, %dma_wait3A_112] : memref<1x10000x64xf32, #tpu.memory_space<vmem_shared>> -> memref<1x200x64xf32, #tpu.memory_space<vmem_shared>>
      %dma_wait3A_114 = tpu.memref_squeeze %dma_wait3A_113 : memref<1x200x64xf32, #tpu.memory_space<vmem_shared>> -> memref<200x64xf32, #tpu.memory_space<vmem_shared>>
      %dma_wait3A_115 = arith.constant 0 : i32
      %dma_wait3A_116 = arith.constant 0 : i32
      %dma_wait3A_117 = arith.constant 0 : i32
      %dma_wait3A_118 = tpu.memref_slice %arg6[%run_scoped3A_20, %dma_wait3A_115, %dma_wait3A_116, %dma_wait3A_117] : memref<2x1x200x64xf32, #tpu.memory_space<vmem>> -> memref<1x1x200x64xf32, #tpu.memory_space<vmem>>
      %dma_wait3A_119 = tpu.memref_squeeze %dma_wait3A_118 : memref<1x1x200x64xf32, #tpu.memory_space<vmem>> -> memref<1x200x64xf32, #tpu.memory_space<vmem>>
      %dma_wait3A_120 = arith.constant 0 : i32
      %dma_wait3A_121 = arith.constant 0 : i32
      %dma_wait3A_122 = tpu.memref_slice %dma_wait3A_119[%run_scoped3A_21, %dma_wait3A_120, %dma_wait3A_121] : memref<1x200x64xf32, #tpu.memory_space<vmem>> -> memref<1x200x64xf32, #tpu.memory_space<vmem>>
      %dma_wait3A_123 = tpu.memref_squeeze %dma_wait3A_122 : memref<1x200x64xf32, #tpu.memory_space<vmem>> -> memref<200x64xf32, #tpu.memory_space<vmem>>
      tpu.wait_dma2 semaphore(%run_scoped3A_76 : memref<!tpu.dma_semaphore, #tpu.memory_space<semaphore_mem>>) src(%dma_wait3A_123 : memref<200x64xf32, #tpu.memory_space<vmem>>) dst(%dma_wait3A_114 : memref<200x64xf32, #tpu.memory_space<vmem_shared>>)
      tpu.yield
    }) : () -> ()
    %add3A_23 = arith.constant 400 : i32
    %add3A_24 = arith.addi %mul3A_12, %add3A_23 : i32
    %run_scoped3A_25 = arith.constant 0 : i32
    %run_scoped3A_26 = arith.constant 0 : i32
    %run_scoped3A_27 = arith.constant 0 : i32
    "tpu.region"() ({
      %run_scoped3A_76 = tpu.sem_alloc : memref<!tpu.dma_semaphore, #tpu.memory_space<semaphore_mem>>
      %dma_start3A = arith.constant 0 : i32
      %dma_start3A_77 = arith.constant 0 : i32
      %dma_start3A_78 = arith.constant 0 : i32
      %dma_start3A_79 = tpu.memref_slice %arg6[%run_scoped3A_25, %dma_start3A, %dma_start3A_77, %dma_start3A_78] : memref<2x1x200x64xf32, #tpu.memory_space<vmem>> -> memref<1x1x200x64xf32, #tpu.memory_space<vmem>>
      %dma_start3A_80 = tpu.memref_squeeze %dma_start3A_79 : memref<1x1x200x64xf32, #tpu.memory_space<vmem>> -> memref<1x200x64xf32, #tpu.memory_space<vmem>>
      %dma_start3A_81 = arith.constant 0 : i32
      %dma_start3A_82 = arith.constant 0 : i32
      %dma_start3A_83 = tpu.memref_slice %dma_start3A_80[%run_scoped3A_26, %dma_start3A_81, %dma_start3A_82] : memref<1x200x64xf32, #tpu.memory_space<vmem>> -> memref<1x200x64xf32, #tpu.memory_space<vmem>>
      %dma_start3A_84 = tpu.memref_squeeze %dma_start3A_83 : memref<1x200x64xf32, #tpu.memory_space<vmem>> -> memref<200x64xf32, #tpu.memory_space<vmem>>
      %dma_start3A_85 = arith.constant 0 : i32
      %dma_start3A_86 = tpu.memref_slice %arg9[%run_scoped3A_27, %add3A_24, %dma_start3A_85] : memref<1x10000x64xf32, #tpu.memory_space<vmem_shared>> -> memref<1x200x64xf32, #tpu.memory_space<vmem_shared>>
      %dma_start3A_87 = tpu.memref_squeeze %dma_start3A_86 : memref<1x200x64xf32, #tpu.memory_space<vmem_shared>> -> memref<200x64xf32, #tpu.memory_space<vmem_shared>>
      %dma_start3A_88 = arith.constant 0 : i32
      %dma_start3A_89 = tpu.memref_slice %arg9[%run_scoped3A_27, %add3A_24, %dma_start3A_88] : memref<1x10000x64xf32, #tpu.memory_space<vmem_shared>> -> memref<1x200x64xf32, #tpu.memory_space<vmem_shared>>
      %dma_start3A_90 = tpu.memref_squeeze %dma_start3A_89 : memref<1x200x64xf32, #tpu.memory_space<vmem_shared>> -> memref<200x64xf32, #tpu.memory_space<vmem_shared>>
      %dma_start3A_91 = arith.constant 0 : i32
      %dma_start3A_92 = arith.constant 0 : i32
      %dma_start3A_93 = arith.constant 0 : i32
      %dma_start3A_94 = tpu.memref_slice %arg6[%run_scoped3A_25, %dma_start3A_91, %dma_start3A_92, %dma_start3A_93] : memref<2x1x200x64xf32, #tpu.memory_space<vmem>> -> memref<1x1x200x64xf32, #tpu.memory_space<vmem>>
      %dma_start3A_95 = tpu.memref_squeeze %dma_start3A_94 : memref<1x1x200x64xf32, #tpu.memory_space<vmem>> -> memref<1x200x64xf32, #tpu.memory_space<vmem>>
      %dma_start3A_96 = arith.constant 0 : i32
      %dma_start3A_97 = arith.constant 0 : i32
      %dma_start3A_98 = tpu.memref_slice %dma_start3A_95[%run_scoped3A_26, %dma_start3A_96, %dma_start3A_97] : memref<1x200x64xf32, #tpu.memory_space<vmem>> -> memref<1x200x64xf32, #tpu.memory_space<vmem>>
      %dma_start3A_99 = tpu.memref_squeeze %dma_start3A_98 : memref<1x200x64xf32, #tpu.memory_space<vmem>> -> memref<200x64xf32, #tpu.memory_space<vmem>>
      tpu.enqueue_dma source(%dma_start3A_99 : memref<200x64xf32, #tpu.memory_space<vmem>>) target(%dma_start3A_90 : memref<200x64xf32, #tpu.memory_space<vmem_shared>>) target_semaphore(%run_scoped3A_76 : memref<!tpu.dma_semaphore, #tpu.memory_space<semaphore_mem>>)
      %dma_wait3A_100 = arith.constant 0 : i32
      %dma_wait3A_101 = arith.constant 0 : i32
      %dma_wait3A_102 = arith.constant 0 : i32
      %dma_wait3A_103 = tpu.memref_slice %arg6[%run_scoped3A_25, %dma_wait3A_100, %dma_wait3A_101, %dma_wait3A_102] : memref<2x1x200x64xf32, #tpu.memory_space<vmem>> -> memref<1x1x200x64xf32, #tpu.memory_space<vmem>>
      %dma_wait3A_104 = tpu.memref_squeeze %dma_wait3A_103 : memref<1x1x200x64xf32, #tpu.memory_space<vmem>> -> memref<1x200x64xf32, #tpu.memory_space<vmem>>
      %dma_wait3A_105 = arith.constant 0 : i32
      %dma_wait3A_106 = arith.constant 0 : i32
      %dma_wait3A_107 = tpu.memref_slice %dma_wait3A_104[%run_scoped3A_26, %dma_wait3A_105, %dma_wait3A_106] : memref<1x200x64xf32, #tpu.memory_space<vmem>> -> memref<1x200x64xf32, #tpu.memory_space<vmem>>
      %dma_wait3A_108 = tpu.memref_squeeze %dma_wait3A_107 : memref<1x200x64xf32, #tpu.memory_space<vmem>> -> memref<200x64xf32, #tpu.memory_space<vmem>>
      %dma_wait3A_109 = arith.constant 0 : i32
      %dma_wait3A_110 = tpu.memref_slice %arg9[%run_scoped3A_27, %add3A_24, %dma_wait3A_109] : memref<1x10000x64xf32, #tpu.memory_space<vmem_shared>> -> memref<1x200x64xf32, #tpu.memory_space<vmem_shared>>
      %dma_wait3A_111 = tpu.memref_squeeze %dma_wait3A_110 : memref<1x200x64xf32, #tpu.memory_space<vmem_shared>> -> memref<200x64xf32, #tpu.memory_space<vmem_shared>>
      %dma_wait3A_112 = arith.constant 0 : i32
      %dma_wait3A_113 = tpu.memref_slice %arg9[%run_scoped3A_27, %add3A_24, %dma_wait3A_112] : memref<1x10000x64xf32, #tpu.memory_space<vmem_shared>> -> memref<1x200x64xf32, #tpu.memory_space<vmem_shared>>
      %dma_wait3A_114 = tpu.memref_squeeze %dma_wait3A_113 : memref<1x200x64xf32, #tpu.memory_space<vmem_shared>> -> memref<200x64xf32, #tpu.memory_space<vmem_shared>>
      %dma_wait3A_115 = arith.constant 0 : i32
      %dma_wait3A_116 = arith.constant 0 : i32
      %dma_wait3A_117 = arith.constant 0 : i32
      %dma_wait3A_118 = tpu.memref_slice %arg6[%run_scoped3A_25, %dma_wait3A_115, %dma_wait3A_116, %dma_wait3A_117] : memref<2x1x200x64xf32, #tpu.memory_space<vmem>> -> memref<1x1x200x64xf32, #tpu.memory_space<vmem>>
      %dma_wait3A_119 = tpu.memref_squeeze %dma_wait3A_118 : memref<1x1x200x64xf32, #tpu.memory_space<vmem>> -> memref<1x200x64xf32, #tpu.memory_space<vmem>>
      %dma_wait3A_120 = arith.constant 0 : i32
      %dma_wait3A_121 = arith.constant 0 : i32
      %dma_wait3A_122 = tpu.memref_slice %dma_wait3A_119[%run_scoped3A_26, %dma_wait3A_120, %dma_wait3A_121] : memref<1x200x64xf32, #tpu.memory_space<vmem>> -> memref<1x200x64xf32, #tpu.memory_space<vmem>>
      %dma_wait3A_123 = tpu.memref_squeeze %dma_wait3A_122 : memref<1x200x64xf32, #tpu.memory_space<vmem>> -> memref<200x64xf32, #tpu.memory_space<vmem>>
      tpu.wait_dma2 semaphore(%run_scoped3A_76 : memref<!tpu.dma_semaphore, #tpu.memory_space<semaphore_mem>>) src(%dma_wait3A_123 : memref<200x64xf32, #tpu.memory_space<vmem>>) dst(%dma_wait3A_114 : memref<200x64xf32, #tpu.memory_space<vmem_shared>>)
      tpu.yield
    }) : () -> ()
    %add3A_28 = arith.constant 600 : i32
    %add3A_29 = arith.addi %mul3A_12, %add3A_28 : i32
    %run_scoped3A_30 = arith.constant 0 : i32
    %run_scoped3A_31 = arith.constant 0 : i32
    %run_scoped3A_32 = arith.constant 0 : i32
    "tpu.region"() ({
      %run_scoped3A_76 = tpu.sem_alloc : memref<!tpu.dma_semaphore, #tpu.memory_space<semaphore_mem>>
      %dma_start3A = arith.constant 0 : i32
      %dma_start3A_77 = arith.constant 0 : i32
      %dma_start3A_78 = arith.constant 0 : i32
      %dma_start3A_79 = tpu.memref_slice %arg6[%run_scoped3A_30, %dma_start3A, %dma_start3A_77, %dma_start3A_78] : memref<2x1x200x64xf32, #tpu.memory_space<vmem>> -> memref<1x1x200x64xf32, #tpu.memory_space<vmem>>
      %dma_start3A_80 = tpu.memref_squeeze %dma_start3A_79 : memref<1x1x200x64xf32, #tpu.memory_space<vmem>> -> memref<1x200x64xf32, #tpu.memory_space<vmem>>
      %dma_start3A_81 = arith.constant 0 : i32
      %dma_start3A_82 = arith.constant 0 : i32
      %dma_start3A_83 = tpu.memref_slice %dma_start3A_80[%run_scoped3A_31, %dma_start3A_81, %dma_start3A_82] : memref<1x200x64xf32, #tpu.memory_space<vmem>> -> memref<1x25x64xf32, #tpu.memory_space<vmem>>
      %dma_start3A_84 = tpu.memref_squeeze %dma_start3A_83 : memref<1x25x64xf32, #tpu.memory_space<vmem>> -> memref<25x64xf32, #tpu.memory_space<vmem>>
      %dma_start3A_85 = arith.constant 0 : i32
      %dma_start3A_86 = tpu.memref_slice %arg9[%run_scoped3A_32, %add3A_29, %dma_start3A_85] : memref<1x10000x64xf32, #tpu.memory_space<vmem_shared>> -> memref<1x25x64xf32, #tpu.memory_space<vmem_shared>>
      %dma_start3A_87 = tpu.memref_squeeze %dma_start3A_86 : memref<1x25x64xf32, #tpu.memory_space<vmem_shared>> -> memref<25x64xf32, #tpu.memory_space<vmem_shared>>
      %dma_start3A_88 = arith.constant 0 : i32
      %dma_start3A_89 = tpu.memref_slice %arg9[%run_scoped3A_32, %add3A_29, %dma_start3A_88] : memref<1x10000x64xf32, #tpu.memory_space<vmem_shared>> -> memref<1x25x64xf32, #tpu.memory_space<vmem_shared>>
      %dma_start3A_90 = tpu.memref_squeeze %dma_start3A_89 : memref<1x25x64xf32, #tpu.memory_space<vmem_shared>> -> memref<25x64xf32, #tpu.memory_space<vmem_shared>>
      %dma_start3A_91 = arith.constant 0 : i32
      %dma_start3A_92 = arith.constant 0 : i32
      %dma_start3A_93 = arith.constant 0 : i32
      %dma_start3A_94 = tpu.memref_slice %arg6[%run_scoped3A_30, %dma_start3A_91, %dma_start3A_92, %dma_start3A_93] : memref<2x1x200x64xf32, #tpu.memory_space<vmem>> -> memref<1x1x200x64xf32, #tpu.memory_space<vmem>>
      %dma_start3A_95 = tpu.memref_squeeze %dma_start3A_94 : memref<1x1x200x64xf32, #tpu.memory_space<vmem>> -> memref<1x200x64xf32, #tpu.memory_space<vmem>>
      %dma_start3A_96 = arith.constant 0 : i32
      %dma_start3A_97 = arith.constant 0 : i32
      %dma_start3A_98 = tpu.memref_slice %dma_start3A_95[%run_scoped3A_31, %dma_start3A_96, %dma_start3A_97] : memref<1x200x64xf32, #tpu.memory_space<vmem>> -> memref<1x25x64xf32, #tpu.memory_space<vmem>>
      %dma_start3A_99 = tpu.memref_squeeze %dma_start3A_98 : memref<1x25x64xf32, #tpu.memory_space<vmem>> -> memref<25x64xf32, #tpu.memory_space<vmem>>
      tpu.enqueue_dma source(%dma_start3A_99 : memref<25x64xf32, #tpu.memory_space<vmem>>) target(%dma_start3A_90 : memref<25x64xf32, #tpu.memory_space<vmem_shared>>) target_semaphore(%run_scoped3A_76 : memref<!tpu.dma_semaphore, #tpu.memory_space<semaphore_mem>>)
      %dma_wait3A_100 = arith.constant 0 : i32
      %dma_wait3A_101 = arith.constant 0 : i32
      %dma_wait3A_102 = arith.constant 0 : i32
      %dma_wait3A_103 = tpu.memref_slice %arg6[%run_scoped3A_30, %dma_wait3A_100, %dma_wait3A_101, %dma_wait3A_102] : memref<2x1x200x64xf32, #tpu.memory_space<vmem>> -> memref<1x1x200x64xf32, #tpu.memory_space<vmem>>
      %dma_wait3A_104 = tpu.memref_squeeze %dma_wait3A_103 : memref<1x1x200x64xf32, #tpu.memory_space<vmem>> -> memref<1x200x64xf32, #tpu.memory_space<vmem>>
      %dma_wait3A_105 = arith.constant 0 : i32
      %dma_wait3A_106 = arith.constant 0 : i32
      %dma_wait3A_107 = tpu.memref_slice %dma_wait3A_104[%run_scoped3A_31, %dma_wait3A_105, %dma_wait3A_106] : memref<1x200x64xf32, #tpu.memory_space<vmem>> -> memref<1x25x64xf32, #tpu.memory_space<vmem>>
      %dma_wait3A_108 = tpu.memref_squeeze %dma_wait3A_107 : memref<1x25x64xf32, #tpu.memory_space<vmem>> -> memref<25x64xf32, #tpu.memory_space<vmem>>
      %dma_wait3A_109 = arith.constant 0 : i32
      %dma_wait3A_110 = tpu.memref_slice %arg9[%run_scoped3A_32, %add3A_29, %dma_wait3A_109] : memref<1x10000x64xf32, #tpu.memory_space<vmem_shared>> -> memref<1x25x64xf32, #tpu.memory_space<vmem_shared>>
      %dma_wait3A_111 = tpu.memref_squeeze %dma_wait3A_110 : memref<1x25x64xf32, #tpu.memory_space<vmem_shared>> -> memref<25x64xf32, #tpu.memory_space<vmem_shared>>
      %dma_wait3A_112 = arith.constant 0 : i32
      %dma_wait3A_113 = tpu.memref_slice %arg9[%run_scoped3A_32, %add3A_29, %dma_wait3A_112] : memref<1x10000x64xf32, #tpu.memory_space<vmem_shared>> -> memref<1x25x64xf32, #tpu.memory_space<vmem_shared>>
      %dma_wait3A_114 = tpu.memref_squeeze %dma_wait3A_113 : memref<1x25x64xf32, #tpu.memory_space<vmem_shared>> -> memref<25x64xf32, #tpu.memory_space<vmem_shared>>
      %dma_wait3A_115 = arith.constant 0 : i32
      %dma_wait3A_116 = arith.constant 0 : i32
      %dma_wait3A_117 = arith.constant 0 : i32
      %dma_wait3A_118 = tpu.memref_slice %arg6[%run_scoped3A_30, %dma_wait3A_115, %dma_wait3A_116, %dma_wait3A_117] : memref<2x1x200x64xf32, #tpu.memory_space<vmem>> -> memref<1x1x200x64xf32, #tpu.memory_space<vmem>>
      %dma_wait3A_119 = tpu.memref_squeeze %dma_wait3A_118 : memref<1x1x200x64xf32, #tpu.memory_space<vmem>> -> memref<1x200x64xf32, #tpu.memory_space<vmem>>
      %dma_wait3A_120 = arith.constant 0 : i32
      %dma_wait3A_121 = arith.constant 0 : i32
      %dma_wait3A_122 = tpu.memref_slice %dma_wait3A_119[%run_scoped3A_31, %dma_wait3A_120, %dma_wait3A_121] : memref<1x200x64xf32, #tpu.memory_space<vmem>> -> memref<1x25x64xf32, #tpu.memory_space<vmem>>
      %dma_wait3A_123 = tpu.memref_squeeze %dma_wait3A_122 : memref<1x25x64xf32, #tpu.memory_space<vmem>> -> memref<25x64xf32, #tpu.memory_space<vmem>>
      tpu.wait_dma2 semaphore(%run_scoped3A_76 : memref<!tpu.dma_semaphore, #tpu.memory_space<semaphore_mem>>) src(%dma_wait3A_123 : memref<25x64xf32, #tpu.memory_space<vmem>>) dst(%dma_wait3A_114 : memref<25x64xf32, #tpu.memory_space<vmem_shared>>)
      tpu.yield
    }) : () -> ()
    %mul3A_33 = arith.constant 50 : i32
    %mul3A_34 = arith.muli %add3A, %mul3A_33 : i32
    "tpu.region"() ({
      %run_scoped3A_76 = tpu.sem_alloc : memref<!tpu.dma_semaphore, #tpu.memory_space<semaphore_mem>>
      %dma_start3A = arith.constant 0 : i32
      %dma_start3A_77 = arith.constant 0 : i32
      %dma_start3A_78 = tpu.memref_slice %arg3[%mul3A_34, %dma_start3A, %dma_start3A_77] : memref<1600x1x200xi32, #tpu.memory_space<hbm>> -> memref<50x1x200xi32, #tpu.memory_space<hbm>>
      %dma_start3A_79 = arith.constant 0 : i32
      %dma_start3A_80 = arith.constant 0 : i32
      %dma_start3A_81 = tpu.memref_slice %arg3[%mul3A_34, %dma_start3A_79, %dma_start3A_80] : memref<1600x1x200xi32, #tpu.memory_space<hbm>> -> memref<50x1x200xi32, #tpu.memory_space<hbm>>
      tpu.enqueue_dma source(%dma_start3A_81 : memref<50x1x200xi32, #tpu.memory_space<hbm>>) target(%arg7 : memref<50x1x200xi32, #tpu.memory_space<vmem>>) target_semaphore(%run_scoped3A_76 : memref<!tpu.dma_semaphore, #tpu.memory_space<semaphore_mem>>)
      %dma_wait3A_82 = arith.constant 0 : i32
      %dma_wait3A_83 = arith.constant 0 : i32
      %dma_wait3A_84 = tpu.memref_slice %arg3[%mul3A_34, %dma_wait3A_82, %dma_wait3A_83] : memref<1600x1x200xi32, #tpu.memory_space<hbm>> -> memref<50x1x200xi32, #tpu.memory_space<hbm>>
      %dma_wait3A_85 = arith.constant 0 : i32
      %dma_wait3A_86 = arith.constant 0 : i32
      %dma_wait3A_87 = tpu.memref_slice %arg3[%mul3A_34, %dma_wait3A_85, %dma_wait3A_86] : memref<1600x1x200xi32, #tpu.memory_space<hbm>> -> memref<50x1x200xi32, #tpu.memory_space<hbm>>
      tpu.wait_dma2 semaphore(%run_scoped3A_76 : memref<!tpu.dma_semaphore, #tpu.memory_space<semaphore_mem>>) src(%dma_wait3A_87 : memref<50x1x200xi32, #tpu.memory_space<hbm>>) dst(%arg7 : memref<50x1x200xi32, #tpu.memory_space<vmem>>)
      tpu.yield
    }) : () -> ()
    %mul3A_35 = arith.constant 50 : i32
    %mul3A_36 = arith.muli %add3A, %mul3A_35 : i32
    "tpu.region"() ({
      %run_scoped3A_76 = tpu.sem_alloc : memref<!tpu.dma_semaphore, #tpu.memory_space<semaphore_mem>>
      %dma_start3A = arith.constant 0 : i32
      %dma_start3A_77 = arith.constant 0 : i32
      %dma_start3A_78 = tpu.memref_slice %arg4[%mul3A_36, %dma_start3A, %dma_start3A_77] : memref<1600x1x200xi32, #tpu.memory_space<hbm>> -> memref<50x1x200xi32, #tpu.memory_space<hbm>>
      %dma_start3A_79 = arith.constant 0 : i32
      %dma_start3A_80 = arith.constant 0 : i32
      %dma_start3A_81 = tpu.memref_slice %arg4[%mul3A_36, %dma_start3A_79, %dma_start3A_80] : memref<1600x1x200xi32, #tpu.memory_space<hbm>> -> memref<50x1x200xi32, #tpu.memory_space<hbm>>
      tpu.enqueue_dma source(%dma_start3A_81 : memref<50x1x200xi32, #tpu.memory_space<hbm>>) target(%arg8 : memref<50x1x200xi32, #tpu.memory_space<vmem>>) target_semaphore(%run_scoped3A_76 : memref<!tpu.dma_semaphore, #tpu.memory_space<semaphore_mem>>)
      %dma_wait3A_82 = arith.constant 0 : i32
      %dma_wait3A_83 = arith.constant 0 : i32
      %dma_wait3A_84 = tpu.memref_slice %arg4[%mul3A_36, %dma_wait3A_82, %dma_wait3A_83] : memref<1600x1x200xi32, #tpu.memory_space<hbm>> -> memref<50x1x200xi32, #tpu.memory_space<hbm>>
      %dma_wait3A_85 = arith.constant 0 : i32
      %dma_wait3A_86 = arith.constant 0 : i32
      %dma_wait3A_87 = tpu.memref_slice %arg4[%mul3A_36, %dma_wait3A_85, %dma_wait3A_86] : memref<1600x1x200xi32, #tpu.memory_space<hbm>> -> memref<50x1x200xi32, #tpu.memory_space<hbm>>
      tpu.wait_dma2 semaphore(%run_scoped3A_76 : memref<!tpu.dma_semaphore, #tpu.memory_space<semaphore_mem>>) src(%dma_wait3A_87 : memref<50x1x200xi32, #tpu.memory_space<hbm>>) dst(%arg8 : memref<50x1x200xi32, #tpu.memory_space<vmem>>)
      tpu.yield
    }) : () -> ()
    %barrier3A = arith.constant 0 : index
    tpu.barrier barrier_id(%barrier3A)
    %scan3A_37 = arith.constant 0 : i32
    %scan3A_38 = arith.constant 0 : i32
    %scan3A_39 = arith.constant 25 : i32
    %scan3A_40 = arith.addi %scan3A_38, %scan3A_39 : i32
    %scan3A_41 = arith.constant 1 : i32
    scf.for %scan3A_76 = %scan3A_38 to %scan3A_40 step %scan3A_41  : i32 {
      %mul3A_77 = arith.constant 2 : i32
      %mul3A_78 = arith.muli %mul3A_77, %scan3A_76 : i32
      %add3A_79 = arith.constant 0 : i32
      %add3A_80 = arith.addi %mul3A_78, %add3A_79 : i32
      %ge3A = arith.constant 2 : i32
      %ge3A_81 = arith.cmpi sge, %add3A_80, %ge3A : i32
      %convert_element_type3A = arith.extui %ge3A_81 : i1 to i32
      %cond3A = arith.constant 0 : i32
      %cond3A_82 = arith.cmpi ne, %convert_element_type3A, %cond3A : i32
      scf.if %cond3A_82 {
        %sub3A = arith.constant 2 : i32
        %sub3A_175 = arith.subi %add3A_80, %sub3A : i32
        %dma_wait3A_176 = arith.constant 0 : i32
        %dma_wait3A_177 = arith.constant 0 : i32
        %dma_wait3A_178 = arith.constant 0 : i32
        %dma_wait3A_179 = arith.constant 0 : i32
        %dma_wait3A_180 = tpu.memref_slice %arg6[%dma_wait3A_176, %dma_wait3A_177, %dma_wait3A_178, %dma_wait3A_179] : memref<2x1x200x64xf32, #tpu.memory_space<vmem>> -> memref<1x1x200x64xf32, #tpu.memory_space<vmem>>
        %dma_wait3A_181 = tpu.memref_squeeze %dma_wait3A_180 : memref<1x1x200x64xf32, #tpu.memory_space<vmem>> -> memref<1x200x64xf32, #tpu.memory_space<vmem>>
        %dma_wait3A_182 = arith.constant 0 : i32
        %dma_wait3A_183 = arith.constant 0 : i32
        %dma_wait3A_184 = tpu.memref_slice %arg8[%sub3A_175, %dma_wait3A_182, %dma_wait3A_183] : memref<50x1x200xi32, #tpu.memory_space<vmem>> -> memref<1x1x200xi32, #tpu.memory_space<vmem>>
        %dma_wait3A_185 = tpu.memref_squeeze %dma_wait3A_184 : memref<1x1x200xi32, #tpu.memory_space<vmem>> -> memref<1x200xi32, #tpu.memory_space<vmem>>
        %dma_wait3A_186 = arith.constant 0 : i32
        %dma_wait3A_187 = arith.constant 0 : i32
        %dma_wait3A_188 = arith.constant 0 : i32
        %dma_wait3A_189 = tpu.memref_slice %arg9[%dma_wait3A_186, %dma_wait3A_187, %dma_wait3A_188] : memref<1x10000x64xf32, #tpu.memory_space<vmem_shared>> -> memref<1x10000x64xf32, #tpu.memory_space<vmem_shared>>
        tpu.wait_indirect_dma semaphore(%arg13 : memref<!tpu.dma_semaphore, #tpu.memory_space<semaphore_mem>>) src(%dma_wait3A_181 : memref<1x200x64xf32, #tpu.memory_space<vmem>>) dst(%dma_wait3A_189 : memref<1x10000x64xf32, #tpu.memory_space<vmem_shared>>)
      } else {
      }
      %dma_start3A = arith.constant 0 : i32
      %dma_start3A_83 = arith.constant 0 : i32
      %dma_start3A_84 = arith.constant 0 : i32
      %dma_start3A_85 = arith.constant 0 : i32
      %dma_start3A_86 = tpu.memref_slice %arg6[%dma_start3A, %dma_start3A_83, %dma_start3A_84, %dma_start3A_85] : memref<2x1x200x64xf32, #tpu.memory_space<vmem>> -> memref<1x1x200x64xf32, #tpu.memory_space<vmem>>
      %dma_start3A_87 = tpu.memref_squeeze %dma_start3A_86 : memref<1x1x200x64xf32, #tpu.memory_space<vmem>> -> memref<1x200x64xf32, #tpu.memory_space<vmem>>
      %dma_start3A_88 = arith.constant 0 : i32
      %dma_start3A_89 = arith.constant 0 : i32
      %dma_start3A_90 = tpu.memref_slice %arg7[%add3A_80, %dma_start3A_88, %dma_start3A_89] : memref<50x1x200xi32, #tpu.memory_space<vmem>> -> memref<1x1x200xi32, #tpu.memory_space<vmem>>
      %dma_start3A_91 = tpu.memref_squeeze %dma_start3A_90 : memref<1x1x200xi32, #tpu.memory_space<vmem>> -> memref<1x200xi32, #tpu.memory_space<vmem>>
      %dma_start3A_92 = arith.constant 0 : i32
      %dma_start3A_93 = arith.constant 0 : i32
      %dma_start3A_94 = arith.constant 0 : i32
      %dma_start3A_95 = tpu.memref_slice %arg10[%dma_start3A_92, %dma_start3A_93, %dma_start3A_94] : memref<1x10000x64xf32, #tpu.memory_space<vmem_shared>> -> memref<1x10000x64xf32, #tpu.memory_space<vmem_shared>>
      tpu.enqueue_indirect_dma source(%dma_start3A_95 : memref<1x10000x64xf32, #tpu.memory_space<vmem_shared>>) target(%dma_start3A_87 : memref<1x200x64xf32, #tpu.memory_space<vmem>>) offsets(%dma_start3A_91 : memref<1x200xi32, #tpu.memory_space<vmem>>) semaphore(%arg11 : memref<!tpu.dma_semaphore, #tpu.memory_space<semaphore_mem>>)
      %dma_wait3A_96 = arith.constant 0 : i32
      %dma_wait3A_97 = arith.constant 0 : i32
      %dma_wait3A_98 = arith.constant 0 : i32
      %dma_wait3A_99 = arith.constant 0 : i32
      %dma_wait3A_100 = tpu.memref_slice %arg6[%dma_wait3A_96, %dma_wait3A_97, %dma_wait3A_98, %dma_wait3A_99] : memref<2x1x200x64xf32, #tpu.memory_space<vmem>> -> memref<1x1x200x64xf32, #tpu.memory_space<vmem>>
      %dma_wait3A_101 = tpu.memref_squeeze %dma_wait3A_100 : memref<1x1x200x64xf32, #tpu.memory_space<vmem>> -> memref<1x200x64xf32, #tpu.memory_space<vmem>>
      %dma_wait3A_102 = arith.constant 0 : i32
      %dma_wait3A_103 = arith.constant 0 : i32
      %dma_wait3A_104 = tpu.memref_slice %arg7[%add3A_80, %dma_wait3A_102, %dma_wait3A_103] : memref<50x1x200xi32, #tpu.memory_space<vmem>> -> memref<1x1x200xi32, #tpu.memory_space<vmem>>
      %dma_wait3A_105 = tpu.memref_squeeze %dma_wait3A_104 : memref<1x1x200xi32, #tpu.memory_space<vmem>> -> memref<1x200xi32, #tpu.memory_space<vmem>>
      %dma_wait3A_106 = arith.constant 0 : i32
      %dma_wait3A_107 = arith.constant 0 : i32
      %dma_wait3A_108 = arith.constant 0 : i32
      %dma_wait3A_109 = tpu.memref_slice %arg10[%dma_wait3A_106, %dma_wait3A_107, %dma_wait3A_108] : memref<1x10000x64xf32, #tpu.memory_space<vmem_shared>> -> memref<1x10000x64xf32, #tpu.memory_space<vmem_shared>>
      tpu.wait_indirect_dma semaphore(%arg11 : memref<!tpu.dma_semaphore, #tpu.memory_space<semaphore_mem>>) src(%dma_wait3A_109 : memref<1x10000x64xf32, #tpu.memory_space<vmem_shared>>) dst(%dma_wait3A_101 : memref<1x200x64xf32, #tpu.memory_space<vmem>>)
      %dma_start3A_110 = arith.constant 0 : i32
      %dma_start3A_111 = arith.constant 0 : i32
      %dma_start3A_112 = arith.constant 0 : i32
      %dma_start3A_113 = arith.constant 0 : i32
      %dma_start3A_114 = tpu.memref_slice %arg6[%dma_start3A_110, %dma_start3A_111, %dma_start3A_112, %dma_start3A_113] : memref<2x1x200x64xf32, #tpu.memory_space<vmem>> -> memref<1x1x200x64xf32, #tpu.memory_space<vmem>>
      %dma_start3A_115 = tpu.memref_squeeze %dma_start3A_114 : memref<1x1x200x64xf32, #tpu.memory_space<vmem>> -> memref<1x200x64xf32, #tpu.memory_space<vmem>>
      %dma_start3A_116 = arith.constant 0 : i32
      %dma_start3A_117 = arith.constant 0 : i32
      %dma_start3A_118 = tpu.memref_slice %arg8[%add3A_80, %dma_start3A_116, %dma_start3A_117] : memref<50x1x200xi32, #tpu.memory_space<vmem>> -> memref<1x1x200xi32, #tpu.memory_space<vmem>>
      %dma_start3A_119 = tpu.memref_squeeze %dma_start3A_118 : memref<1x1x200xi32, #tpu.memory_space<vmem>> -> memref<1x200xi32, #tpu.memory_space<vmem>>
      %dma_start3A_120 = arith.constant 0 : i32
      %dma_start3A_121 = arith.constant 0 : i32
      %dma_start3A_122 = arith.constant 0 : i32
      %dma_start3A_123 = tpu.memref_slice %arg9[%dma_start3A_120, %dma_start3A_121, %dma_start3A_122] : memref<1x10000x64xf32, #tpu.memory_space<vmem_shared>> -> memref<1x10000x64xf32, #tpu.memory_space<vmem_shared>>
      tpu.enqueue_indirect_dma source(%dma_start3A_115 : memref<1x200x64xf32, #tpu.memory_space<vmem>>) target(%dma_start3A_123 : memref<1x10000x64xf32, #tpu.memory_space<vmem_shared>>) offsets(%dma_start3A_119 : memref<1x200xi32, #tpu.memory_space<vmem>>) semaphore(%arg13 : memref<!tpu.dma_semaphore, #tpu.memory_space<semaphore_mem>>) {add = true}
      %mul3A_124 = arith.constant 2 : i32
      %mul3A_125 = arith.muli %mul3A_124, %scan3A_76 : i32
      %add3A_126 = arith.constant 1 : i32
      %add3A_127 = arith.addi %mul3A_125, %add3A_126 : i32
      %ge3A_128 = arith.constant 2 : i32
      %ge3A_129 = arith.cmpi sge, %add3A_127, %ge3A_128 : i32
      %convert_element_type3A_130 = arith.extui %ge3A_129 : i1 to i32
      %cond3A_131 = arith.constant 0 : i32
      %cond3A_132 = arith.cmpi ne, %convert_element_type3A_130, %cond3A_131 : i32
      scf.if %cond3A_132 {
        %sub3A = arith.constant 2 : i32
        %sub3A_175 = arith.subi %add3A_127, %sub3A : i32
        %dma_wait3A_176 = arith.constant 1 : i32
        %dma_wait3A_177 = arith.constant 0 : i32
        %dma_wait3A_178 = arith.constant 0 : i32
        %dma_wait3A_179 = arith.constant 0 : i32
        %dma_wait3A_180 = tpu.memref_slice %arg6[%dma_wait3A_176, %dma_wait3A_177, %dma_wait3A_178, %dma_wait3A_179] : memref<2x1x200x64xf32, #tpu.memory_space<vmem>> -> memref<1x1x200x64xf32, #tpu.memory_space<vmem>>
        %dma_wait3A_181 = tpu.memref_squeeze %dma_wait3A_180 : memref<1x1x200x64xf32, #tpu.memory_space<vmem>> -> memref<1x200x64xf32, #tpu.memory_space<vmem>>
        %dma_wait3A_182 = arith.constant 0 : i32
        %dma_wait3A_183 = arith.constant 0 : i32
        %dma_wait3A_184 = tpu.memref_slice %arg8[%sub3A_175, %dma_wait3A_182, %dma_wait3A_183] : memref<50x1x200xi32, #tpu.memory_space<vmem>> -> memref<1x1x200xi32, #tpu.memory_space<vmem>>
        %dma_wait3A_185 = tpu.memref_squeeze %dma_wait3A_184 : memref<1x1x200xi32, #tpu.memory_space<vmem>> -> memref<1x200xi32, #tpu.memory_space<vmem>>
        %dma_wait3A_186 = arith.constant 0 : i32
        %dma_wait3A_187 = arith.constant 0 : i32
        %dma_wait3A_188 = arith.constant 0 : i32
        %dma_wait3A_189 = tpu.memref_slice %arg9[%dma_wait3A_186, %dma_wait3A_187, %dma_wait3A_188] : memref<1x10000x64xf32, #tpu.memory_space<vmem_shared>> -> memref<1x10000x64xf32, #tpu.memory_space<vmem_shared>>
        tpu.wait_indirect_dma semaphore(%arg14 : memref<!tpu.dma_semaphore, #tpu.memory_space<semaphore_mem>>) src(%dma_wait3A_181 : memref<1x200x64xf32, #tpu.memory_space<vmem>>) dst(%dma_wait3A_189 : memref<1x10000x64xf32, #tpu.memory_space<vmem_shared>>)
      } else {
      }
      %dma_start3A_133 = arith.constant 1 : i32
      %dma_start3A_134 = arith.constant 0 : i32
      %dma_start3A_135 = arith.constant 0 : i32
      %dma_start3A_136 = arith.constant 0 : i32
      %dma_start3A_137 = tpu.memref_slice %arg6[%dma_start3A_133, %dma_start3A_134, %dma_start3A_135, %dma_start3A_136] : memref<2x1x200x64xf32, #tpu.memory_space<vmem>> -> memref<1x1x200x64xf32, #tpu.memory_space<vmem>>
      %dma_start3A_138 = tpu.memref_squeeze %dma_start3A_137 : memref<1x1x200x64xf32, #tpu.memory_space<vmem>> -> memref<1x200x64xf32, #tpu.memory_space<vmem>>
      %dma_start3A_139 = arith.constant 0 : i32
      %dma_start3A_140 = arith.constant 0 : i32
      %dma_start3A_141 = tpu.memref_slice %arg7[%add3A_127, %dma_start3A_139, %dma_start3A_140] : memref<50x1x200xi32, #tpu.memory_space<vmem>> -> memref<1x1x200xi32, #tpu.memory_space<vmem>>
      %dma_start3A_142 = tpu.memref_squeeze %dma_start3A_141 : memref<1x1x200xi32, #tpu.memory_space<vmem>> -> memref<1x200xi32, #tpu.memory_space<vmem>>
      %dma_start3A_143 = arith.constant 0 : i32
      %dma_start3A_144 = arith.constant 0 : i32
      %dma_start3A_145 = arith.constant 0 : i32
      %dma_start3A_146 = tpu.memref_slice %arg10[%dma_start3A_143, %dma_start3A_144, %dma_start3A_145] : memref<1x10000x64xf32, #tpu.memory_space<vmem_shared>> -> memref<1x10000x64xf32, #tpu.memory_space<vmem_shared>>
      tpu.enqueue_indirect_dma source(%dma_start3A_146 : memref<1x10000x64xf32, #tpu.memory_space<vmem_shared>>) target(%dma_start3A_138 : memref<1x200x64xf32, #tpu.memory_space<vmem>>) offsets(%dma_start3A_142 : memref<1x200xi32, #tpu.memory_space<vmem>>) semaphore(%arg12 : memref<!tpu.dma_semaphore, #tpu.memory_space<semaphore_mem>>)
      %dma_wait3A_147 = arith.constant 1 : i32
      %dma_wait3A_148 = arith.constant 0 : i32
      %dma_wait3A_149 = arith.constant 0 : i32
      %dma_wait3A_150 = arith.constant 0 : i32
      %dma_wait3A_151 = tpu.memref_slice %arg6[%dma_wait3A_147, %dma_wait3A_148, %dma_wait3A_149, %dma_wait3A_150] : memref<2x1x200x64xf32, #tpu.memory_space<vmem>> -> memref<1x1x200x64xf32, #tpu.memory_space<vmem>>
      %dma_wait3A_152 = tpu.memref_squeeze %dma_wait3A_151 : memref<1x1x200x64xf32, #tpu.memory_space<vmem>> -> memref<1x200x64xf32, #tpu.memory_space<vmem>>
      %dma_wait3A_153 = arith.constant 0 : i32
      %dma_wait3A_154 = arith.constant 0 : i32
      %dma_wait3A_155 = tpu.memref_slice %arg7[%add3A_127, %dma_wait3A_153, %dma_wait3A_154] : memref<50x1x200xi32, #tpu.memory_space<vmem>> -> memref<1x1x200xi32, #tpu.memory_space<vmem>>
      %dma_wait3A_156 = tpu.memref_squeeze %dma_wait3A_155 : memref<1x1x200xi32, #tpu.memory_space<vmem>> -> memref<1x200xi32, #tpu.memory_space<vmem>>
      %dma_wait3A_157 = arith.constant 0 : i32
      %dma_wait3A_158 = arith.constant 0 : i32
      %dma_wait3A_159 = arith.constant 0 : i32
      %dma_wait3A_160 = tpu.memref_slice %arg10[%dma_wait3A_157, %dma_wait3A_158, %dma_wait3A_159] : memref<1x10000x64xf32, #tpu.memory_space<vmem_shared>> -> memref<1x10000x64xf32, #tpu.memory_space<vmem_shared>>
      tpu.wait_indirect_dma semaphore(%arg12 : memref<!tpu.dma_semaphore, #tpu.memory_space<semaphore_mem>>) src(%dma_wait3A_160 : memref<1x10000x64xf32, #tpu.memory_space<vmem_shared>>) dst(%dma_wait3A_152 : memref<1x200x64xf32, #tpu.memory_space<vmem>>)
      %dma_start3A_161 = arith.constant 1 : i32
      %dma_start3A_162 = arith.constant 0 : i32
      %dma_start3A_163 = arith.constant 0 : i32
      %dma_start3A_164 = arith.constant 0 : i32
      %dma_start3A_165 = tpu.memref_slice %arg6[%dma_start3A_161, %dma_start3A_162, %dma_start3A_163, %dma_start3A_164] : memref<2x1x200x64xf32, #tpu.memory_space<vmem>> -> memref<1x1x200x64xf32, #tpu.memory_space<vmem>>
      %dma_start3A_166 = tpu.memref_squeeze %dma_start3A_165 : memref<1x1x200x64xf32, #tpu.memory_space<vmem>> -> memref<1x200x64xf32, #tpu.memory_space<vmem>>
      %dma_start3A_167 = arith.constant 0 : i32
      %dma_start3A_168 = arith.constant 0 : i32
      %dma_start3A_169 = tpu.memref_slice %arg8[%add3A_127, %dma_start3A_167, %dma_start3A_168] : memref<50x1x200xi32, #tpu.memory_space<vmem>> -> memref<1x1x200xi32, #tpu.memory_space<vmem>>
      %dma_start3A_170 = tpu.memref_squeeze %dma_start3A_169 : memref<1x1x200xi32, #tpu.memory_space<vmem>> -> memref<1x200xi32, #tpu.memory_space<vmem>>
      %dma_start3A_171 = arith.constant 0 : i32
      %dma_start3A_172 = arith.constant 0 : i32
      %dma_start3A_173 = arith.constant 0 : i32
      %dma_start3A_174 = tpu.memref_slice %arg9[%dma_start3A_171, %dma_start3A_172, %dma_start3A_173] : memref<1x10000x64xf32, #tpu.memory_space<vmem_shared>> -> memref<1x10000x64xf32, #tpu.memory_space<vmem_shared>>
      tpu.enqueue_indirect_dma source(%dma_start3A_166 : memref<1x200x64xf32, #tpu.memory_space<vmem>>) target(%dma_start3A_174 : memref<1x10000x64xf32, #tpu.memory_space<vmem_shared>>) offsets(%dma_start3A_170 : memref<1x200xi32, #tpu.memory_space<vmem>>) semaphore(%arg14 : memref<!tpu.dma_semaphore, #tpu.memory_space<semaphore_mem>>) {add = true}
    }
    %scan3A_42 = arith.constant 25 : i32
    %dma_wait3A = arith.constant 0 : i32
    %dma_wait3A_43 = arith.constant 48 : i32
    %dma_wait3A_44 = arith.constant 0 : i32
    %dma_wait3A_45 = arith.constant 0 : i32
    %dma_wait3A_46 = arith.constant 0 : i32
    %dma_wait3A_47 = tpu.memref_slice %arg6[%dma_wait3A, %dma_wait3A_44, %dma_wait3A_45, %dma_wait3A_46] : memref<2x1x200x64xf32, #tpu.memory_space<vmem>> -> memref<1x1x200x64xf32, #tpu.memory_space<vmem>>
    %dma_wait3A_48 = tpu.memref_squeeze %dma_wait3A_47 : memref<1x1x200x64xf32, #tpu.memory_space<vmem>> -> memref<1x200x64xf32, #tpu.memory_space<vmem>>
    %dma_wait3A_49 = arith.constant 0 : i32
    %dma_wait3A_50 = arith.constant 0 : i32
    %dma_wait3A_51 = tpu.memref_slice %arg8[%dma_wait3A_43, %dma_wait3A_49, %dma_wait3A_50] : memref<50x1x200xi32, #tpu.memory_space<vmem>> -> memref<1x1x200xi32, #tpu.memory_space<vmem>>
    %dma_wait3A_52 = tpu.memref_squeeze %dma_wait3A_51 : memref<1x1x200xi32, #tpu.memory_space<vmem>> -> memref<1x200xi32, #tpu.memory_space<vmem>>
    %dma_wait3A_53 = arith.constant 0 : i32
    %dma_wait3A_54 = arith.constant 0 : i32
    %dma_wait3A_55 = arith.constant 0 : i32
    %dma_wait3A_56 = tpu.memref_slice %arg9[%dma_wait3A_53, %dma_wait3A_54, %dma_wait3A_55] : memref<1x10000x64xf32, #tpu.memory_space<vmem_shared>> -> memref<1x10000x64xf32, #tpu.memory_space<vmem_shared>>
    tpu.wait_indirect_dma semaphore(%arg13 : memref<!tpu.dma_semaphore, #tpu.memory_space<semaphore_mem>>) src(%dma_wait3A_48 : memref<1x200x64xf32, #tpu.memory_space<vmem>>) dst(%dma_wait3A_56 : memref<1x10000x64xf32, #tpu.memory_space<vmem_shared>>)
    %dma_wait3A_57 = arith.constant 1 : i32
    %dma_wait3A_58 = arith.constant 49 : i32
    %dma_wait3A_59 = arith.constant 0 : i32
    %dma_wait3A_60 = arith.constant 0 : i32
    %dma_wait3A_61 = arith.constant 0 : i32
    %dma_wait3A_62 = tpu.memref_slice %arg6[%dma_wait3A_57, %dma_wait3A_59, %dma_wait3A_60, %dma_wait3A_61] : memref<2x1x200x64xf32, #tpu.memory_space<vmem>> -> memref<1x1x200x64xf32, #tpu.memory_space<vmem>>
    %dma_wait3A_63 = tpu.memref_squeeze %dma_wait3A_62 : memref<1x1x200x64xf32, #tpu.memory_space<vmem>> -> memref<1x200x64xf32, #tpu.memory_space<vmem>>
    %dma_wait3A_64 = arith.constant 0 : i32
    %dma_wait3A_65 = arith.constant 0 : i32
    %dma_wait3A_66 = tpu.memref_slice %arg8[%dma_wait3A_58, %dma_wait3A_64, %dma_wait3A_65] : memref<50x1x200xi32, #tpu.memory_space<vmem>> -> memref<1x1x200xi32, #tpu.memory_space<vmem>>
    %dma_wait3A_67 = tpu.memref_squeeze %dma_wait3A_66 : memref<1x1x200xi32, #tpu.memory_space<vmem>> -> memref<1x200xi32, #tpu.memory_space<vmem>>
    %dma_wait3A_68 = arith.constant 0 : i32
    %dma_wait3A_69 = arith.constant 0 : i32
    %dma_wait3A_70 = arith.constant 0 : i32
    %dma_wait3A_71 = tpu.memref_slice %arg9[%dma_wait3A_68, %dma_wait3A_69, %dma_wait3A_70] : memref<1x10000x64xf32, #tpu.memory_space<vmem_shared>> -> memref<1x10000x64xf32, #tpu.memory_space<vmem_shared>>
    tpu.wait_indirect_dma semaphore(%arg14 : memref<!tpu.dma_semaphore, #tpu.memory_space<semaphore_mem>>) src(%dma_wait3A_63 : memref<1x200x64xf32, #tpu.memory_space<vmem>>) dst(%dma_wait3A_71 : memref<1x10000x64xf32, #tpu.memory_space<vmem_shared>>)
    %barrier3A_72 = arith.constant 0 : index
    tpu.barrier barrier_id(%barrier3A_72)
    %mul3A_73 = arith.constant 625 : i32
    %mul3A_74 = arith.muli %arg1, %mul3A_73 : i32
    %run_scoped3A_75 = arith.constant 0 : i32
    "tpu.region"() ({
      %run_scoped3A_76 = tpu.sem_alloc : memref<!tpu.dma_semaphore, #tpu.memory_space<semaphore_mem>>
      %dma_start3A = arith.constant 0 : i32
      %dma_start3A_77 = tpu.memref_slice %arg5[%arg0, %mul3A_74, %dma_start3A] : memref<2x10000x64xf32, #tpu.memory_space<hbm>> -> memref<1x625x64xf32, #tpu.memory_space<hbm>>
      %dma_start3A_78 = tpu.memref_squeeze %dma_start3A_77 : memref<1x625x64xf32, #tpu.memory_space<hbm>> -> memref<625x64xf32, #tpu.memory_space<hbm>>
      %dma_start3A_79 = arith.constant 0 : i32
      %dma_start3A_80 = tpu.memref_slice %arg9[%run_scoped3A_75, %mul3A_74, %dma_start3A_79] : memref<1x10000x64xf32, #tpu.memory_space<vmem_shared>> -> memref<1x625x64xf32, #tpu.memory_space<vmem_shared>>
      %dma_start3A_81 = tpu.memref_squeeze %dma_start3A_80 : memref<1x625x64xf32, #tpu.memory_space<vmem_shared>> -> memref<625x64xf32, #tpu.memory_space<vmem_shared>>
      tpu.enqueue_dma source(%dma_start3A_81 : memref<625x64xf32, #tpu.memory_space<vmem_shared>>) target(%dma_start3A_78 : memref<625x64xf32, #tpu.memory_space<hbm>>) target_semaphore(%run_scoped3A_76 : memref<!tpu.dma_semaphore, #tpu.memory_space<semaphore_mem>>)
      %dma_wait3A_82 = arith.constant 0 : i32
      %dma_wait3A_83 = tpu.memref_slice %arg5[%arg0, %mul3A_74, %dma_wait3A_82] : memref<2x10000x64xf32, #tpu.memory_space<hbm>> -> memref<1x625x64xf32, #tpu.memory_space<hbm>>
      %dma_wait3A_84 = tpu.memref_squeeze %dma_wait3A_83 : memref<1x625x64xf32, #tpu.memory_space<hbm>> -> memref<625x64xf32, #tpu.memory_space<hbm>>
      %dma_wait3A_85 = arith.constant 0 : i32
      %dma_wait3A_86 = tpu.memref_slice %arg9[%run_scoped3A_75, %mul3A_74, %dma_wait3A_85] : memref<1x10000x64xf32, #tpu.memory_space<vmem_shared>> -> memref<1x625x64xf32, #tpu.memory_space<vmem_shared>>
      %dma_wait3A_87 = tpu.memref_squeeze %dma_wait3A_86 : memref<1x625x64xf32, #tpu.memory_space<vmem_shared>> -> memref<625x64xf32, #tpu.memory_space<vmem_shared>>
      tpu.wait_dma2 semaphore(%run_scoped3A_76 : memref<!tpu.dma_semaphore, #tpu.memory_space<semaphore_mem>>) src(%dma_wait3A_87 : memref<625x64xf32, #tpu.memory_space<vmem_shared>>) dst(%dma_wait3A_84 : memref<625x64xf32, #tpu.memory_space<hbm>>)
      tpu.yield
    }) : () -> ()
    return
  }
}

#map = affine_map<(d0, d1) -> (0, 0, 0)>
module attributes {stable_mosaic.version = 14 : i64} {
  func.func @_agg_call(%arg0: i32, %arg1: i32, %arg2: memref<1x10000x64xf32, #tpu.memory_space<hbm>>, %arg3: memref<1600x1x200xi32, #tpu.memory_space<hbm>>, %arg4: memref<1600x1x200xi32, #tpu.memory_space<hbm>>, %arg5: memref<2x10000x64xf32, #tpu.memory_space<hbm>>, %arg6: memref<2x1x200x64xf32, #tpu.memory_space<vmem>>, %arg7: memref<50x1x200xi32, #tpu.memory_space<vmem>>, %arg8: memref<50x1x200xi32, #tpu.memory_space<vmem>>, %arg9: memref<1x10000x64xf32, #tpu.memory_space<vmem_shared>>, %arg10: memref<1x10000x64xf32, #tpu.memory_space<vmem_shared>>, %arg11: memref<!tpu.dma_semaphore, #tpu.memory_space<semaphore_mem>>, %arg12: memref<!tpu.dma_semaphore, #tpu.memory_space<semaphore_mem>>, %arg13: memref<!tpu.dma_semaphore, #tpu.memory_space<semaphore_mem>>, %arg14: memref<!tpu.dma_semaphore, #tpu.memory_space<semaphore_mem>>) attributes {dimension_semantics = [#tpu.dimension_semantics<core_parallel>, #tpu.dimension_semantics<subcore_parallel>], iteration_bounds = array<i64: 2, 16>, scalar_prefetch = 0 : i64, scratch_operands = 9 : i64, tpu.core_type = #tpu.core_type<sc_vector_subcore>, window_params = [{transform_indices = #map}, {transform_indices = #map}, {transform_indices = #map}, {transform_indices = #map}]} {
    %mul3A = arith.constant 16 : i32
    %mul3A_0 = arith.muli %arg0, %mul3A : i32
    %add3A = arith.addi %mul3A_0, %arg1 : i32
    %mul3A_1 = arith.constant 625 : i32
    %mul3A_2 = arith.muli %arg1, %mul3A_1 : i32
    %run_scoped3A = arith.constant 0 : i32
    %run_scoped3A_3 = arith.constant 0 : i32
    "tpu.region"() ({
      %run_scoped3A_76 = tpu.sem_alloc : memref<!tpu.dma_semaphore, #tpu.memory_space<semaphore_mem>>
      %dma_start3A = arith.constant 0 : i32
      %dma_start3A_77 = tpu.memref_slice %arg10[%run_scoped3A_3, %mul3A_2, %dma_start3A] : memref<1x10000x64xf32, #tpu.memory_space<vmem_shared>> -> memref<1x625x64xf32, #tpu.memory_space<vmem_shared>>
      %dma_start3A_78 = tpu.memref_squeeze %dma_start3A_77 : memref<1x625x64xf32, #tpu.memory_space<vmem_shared>> -> memref<625x64xf32, #tpu.memory_space<vmem_shared>>
      %dma_start3A_79 = arith.constant 0 : i32
      %dma_start3A_80 = tpu.memref_slice %arg2[%run_scoped3A, %mul3A_2, %dma_start3A_79] : memref<1x10000x64xf32, #tpu.memory_space<hbm>> -> memref<1x625x64xf32, #tpu.memory_space<hbm>>
      %dma_start3A_81 = tpu.memref_squeeze %dma_start3A_80 : memref<1x625x64xf32, #tpu.memory_space<hbm>> -> memref<625x64xf32, #tpu.memory_space<hbm>>
      tpu.enqueue_dma source(%dma_start3A_81 : memref<625x64xf32, #tpu.memory_space<hbm>>) target(%dma_start3A_78 : memref<625x64xf32, #tpu.memory_space<vmem_shared>>) target_semaphore(%run_scoped3A_76 : memref<!tpu.dma_semaphore, #tpu.memory_space<semaphore_mem>>)
      %dma_wait3A_82 = arith.constant 0 : i32
      %dma_wait3A_83 = tpu.memref_slice %arg10[%run_scoped3A_3, %mul3A_2, %dma_wait3A_82] : memref<1x10000x64xf32, #tpu.memory_space<vmem_shared>> -> memref<1x625x64xf32, #tpu.memory_space<vmem_shared>>
      %dma_wait3A_84 = tpu.memref_squeeze %dma_wait3A_83 : memref<1x625x64xf32, #tpu.memory_space<vmem_shared>> -> memref<625x64xf32, #tpu.memory_space<vmem_shared>>
      %dma_wait3A_85 = arith.constant 0 : i32
      %dma_wait3A_86 = tpu.memref_slice %arg2[%run_scoped3A, %mul3A_2, %dma_wait3A_85] : memref<1x10000x64xf32, #tpu.memory_space<hbm>> -> memref<1x625x64xf32, #tpu.memory_space<hbm>>
      %dma_wait3A_87 = tpu.memref_squeeze %dma_wait3A_86 : memref<1x625x64xf32, #tpu.memory_space<hbm>> -> memref<625x64xf32, #tpu.memory_space<hbm>>
      tpu.wait_dma2 semaphore(%run_scoped3A_76 : memref<!tpu.dma_semaphore, #tpu.memory_space<semaphore_mem>>) src(%dma_wait3A_87 : memref<625x64xf32, #tpu.memory_space<hbm>>) dst(%dma_wait3A_84 : memref<625x64xf32, #tpu.memory_space<vmem_shared>>)
      tpu.yield
    }) : () -> ()
    %broadcast_in_dim3A = arith.constant 0.000000e+00 : f32
    %broadcast_in_dim3A_4 = vector.broadcast %broadcast_in_dim3A : f32 to vector<16xf32>
    %scan3A = arith.constant 0 : i32
    %scan3A_5 = arith.constant 0 : i32
    %scan3A_6 = arith.constant 0 : i32
    %scan3A_7 = arith.constant 200 : i32
    %scan3A_8 = arith.addi %scan3A_6, %scan3A_7 : i32
    %scan3A_9 = arith.constant 1 : i32
    scf.for %scan3A_76 = %scan3A_6 to %scan3A_8 step %scan3A_9  : i32 {
      %swap3A = arith.constant 0 : i32
      %swap3A_77 = arith.constant 0 : i32
      %swap3A_78 = arith.constant 0 : i32
      %swap3A_79 = arith.constant 0 : i32
      %swap3A_80 = tpu.memref_slice %arg6[%scan3A_5, %swap3A_77, %swap3A_78, %swap3A_79] : memref<2x1x200x64xf32, #tpu.memory_space<vmem>> -> memref<1x1x200x64xf32, #tpu.memory_space<vmem>>
      %swap3A_81 = tpu.memref_squeeze %swap3A_80 : memref<1x1x200x64xf32, #tpu.memory_space<vmem>> -> memref<1x200x64xf32, #tpu.memory_space<vmem>>
      %swap3A_82 = arith.index_cast %swap3A : i32 to index
      %swap3A_83 = arith.index_cast %scan3A_76 : i32 to index
      %swap3A_84 = arith.constant 0 : index
      %swap3A_85 = tpu.vector_load %swap3A_81[%swap3A_82, %swap3A_83, %swap3A_84] {strides = array<i32>} : memref<1x200x64xf32, #tpu.memory_space<vmem>>, vector<1x1x16xf32>,
      %swap3A_86 = vector.shape_cast %swap3A_85 : vector<1x1x16xf32> to vector<16xf32>
      %swap3A_87 = vector.shape_cast %broadcast_in_dim3A_4 : vector<16xf32> to vector<1x1x16xf32>
      tpu.vector_store %swap3A_81[%swap3A_82, %swap3A_83, %swap3A_84], %swap3A_87 {strides = array<i32>} : memref<1x200x64xf32, #tpu.memory_space<vmem>>, vector<1x1x16xf32>,
      %swap3A_88 = arith.constant 0 : i32
      %swap3A_89 = arith.constant 0 : i32
      %swap3A_90 = arith.constant 0 : i32
      %swap3A_91 = arith.constant 0 : i32
      %swap3A_92 = tpu.memref_slice %arg6[%scan3A_5, %swap3A_89, %swap3A_90, %swap3A_91] : memref<2x1x200x64xf32, #tpu.memory_space<vmem>> -> memref<1x1x200x64xf32, #tpu.memory_space<vmem>>
      %swap3A_93 = tpu.memref_squeeze %swap3A_92 : memref<1x1x200x64xf32, #tpu.memory_space<vmem>> -> memref<1x200x64xf32, #tpu.memory_space<vmem>>
      %swap3A_94 = arith.index_cast %swap3A_88 : i32 to index
      %swap3A_95 = arith.index_cast %scan3A_76 : i32 to index
      %swap3A_96 = arith.constant 16 : index
      %swap3A_97 = tpu.vector_load %swap3A_93[%swap3A_94, %swap3A_95, %swap3A_96] {strides = array<i32>} : memref<1x200x64xf32, #tpu.memory_space<vmem>>, vector<1x1x16xf32>,
      %swap3A_98 = vector.shape_cast %swap3A_97 : vector<1x1x16xf32> to vector<16xf32>
      %swap3A_99 = vector.shape_cast %broadcast_in_dim3A_4 : vector<16xf32> to vector<1x1x16xf32>
      tpu.vector_store %swap3A_93[%swap3A_94, %swap3A_95, %swap3A_96], %swap3A_99 {strides = array<i32>} : memref<1x200x64xf32, #tpu.memory_space<vmem>>, vector<1x1x16xf32>,
      %swap3A_100 = arith.constant 0 : i32
      %swap3A_101 = arith.constant 0 : i32
      %swap3A_102 = arith.constant 0 : i32
      %swap3A_103 = arith.constant 0 : i32
      %swap3A_104 = tpu.memref_slice %arg6[%scan3A_5, %swap3A_101, %swap3A_102, %swap3A_103] : memref<2x1x200x64xf32, #tpu.memory_space<vmem>> -> memref<1x1x200x64xf32, #tpu.memory_space<vmem>>
      %swap3A_105 = tpu.memref_squeeze %swap3A_104 : memref<1x1x200x64xf32, #tpu.memory_space<vmem>> -> memref<1x200x64xf32, #tpu.memory_space<vmem>>
      %swap3A_106 = arith.index_cast %swap3A_100 : i32 to index
      %swap3A_107 = arith.index_cast %scan3A_76 : i32 to index
      %swap3A_108 = arith.constant 32 : index
      %swap3A_109 = tpu.vector_load %swap3A_105[%swap3A_106, %swap3A_107, %swap3A_108] {strides = array<i32>} : memref<1x200x64xf32, #tpu.memory_space<vmem>>, vector<1x1x16xf32>,
      %swap3A_110 = vector.shape_cast %swap3A_109 : vector<1x1x16xf32> to vector<16xf32>
      %swap3A_111 = vector.shape_cast %broadcast_in_dim3A_4 : vector<16xf32> to vector<1x1x16xf32>
      tpu.vector_store %swap3A_105[%swap3A_106, %swap3A_107, %swap3A_108], %swap3A_111 {strides = array<i32>} : memref<1x200x64xf32, #tpu.memory_space<vmem>>, vector<1x1x16xf32>,
      %swap3A_112 = arith.constant 0 : i32
      %swap3A_113 = arith.constant 0 : i32
      %swap3A_114 = arith.constant 0 : i32
      %swap3A_115 = arith.constant 0 : i32
      %swap3A_116 = tpu.memref_slice %arg6[%scan3A_5, %swap3A_113, %swap3A_114, %swap3A_115] : memref<2x1x200x64xf32, #tpu.memory_space<vmem>> -> memref<1x1x200x64xf32, #tpu.memory_space<vmem>>
      %swap3A_117 = tpu.memref_squeeze %swap3A_116 : memref<1x1x200x64xf32, #tpu.memory_space<vmem>> -> memref<1x200x64xf32, #tpu.memory_space<vmem>>
      %swap3A_118 = arith.index_cast %swap3A_112 : i32 to index
      %swap3A_119 = arith.index_cast %scan3A_76 : i32 to index
      %swap3A_120 = arith.constant 48 : index
      %swap3A_121 = tpu.vector_load %swap3A_117[%swap3A_118, %swap3A_119, %swap3A_120] {strides = array<i32>} : memref<1x200x64xf32, #tpu.memory_space<vmem>>, vector<1x1x16xf32>,
      %swap3A_122 = vector.shape_cast %swap3A_121 : vector<1x1x16xf32> to vector<16xf32>
      %swap3A_123 = vector.shape_cast %broadcast_in_dim3A_4 : vector<16xf32> to vector<1x1x16xf32>
      tpu.vector_store %swap3A_117[%swap3A_118, %swap3A_119, %swap3A_120], %swap3A_123 {strides = array<i32>} : memref<1x200x64xf32, #tpu.memory_space<vmem>>, vector<1x1x16xf32>,
    }
    %scan3A_10 = arith.constant 200 : i32
    %mul3A_11 = arith.constant 625 : i32
    %mul3A_12 = arith.muli %arg1, %mul3A_11 : i32
    %add3A_13 = arith.constant 0 : i32
    %add3A_14 = arith.addi %mul3A_12, %add3A_13 : i32
    %run_scoped3A_15 = arith.constant 0 : i32
    %run_scoped3A_16 = arith.constant 0 : i32
    %run_scoped3A_17 = arith.constant 0 : i32
    "tpu.region"() ({
      %run_scoped3A_76 = tpu.sem_alloc : memref<!tpu.dma_semaphore, #tpu.memory_space<semaphore_mem>>
      %dma_start3A = arith.constant 0 : i32
      %dma_start3A_77 = arith.constant 0 : i32
      %dma_start3A_78 = arith.constant 0 : i32
      %dma_start3A_79 = tpu.memref_slice %arg6[%run_scoped3A_15, %dma_start3A, %dma_start3A_77, %dma_start3A_78] : memref<2x1x200x64xf32, #tpu.memory_space<vmem>> -> memref<1x1x200x64xf32, #tpu.memory_space<vmem>>
      %dma_start3A_80 = tpu.memref_squeeze %dma_start3A_79 : memref<1x1x200x64xf32, #tpu.memory_space<vmem>> -> memref<1x200x64xf32, #tpu.memory_space<vmem>>
      %dma_start3A_81 = arith.constant 0 : i32
      %dma_start3A_82 = arith.constant 0 : i32
      %dma_start3A_83 = tpu.memref_slice %dma_start3A_80[%run_scoped3A_16, %dma_start3A_81, %dma_start3A_82] : memref<1x200x64xf32, #tpu.memory_space<vmem>> -> memref<1x200x64xf32, #tpu.memory_space<vmem>>
      %dma_start3A_84 = tpu.memref_squeeze %dma_start3A_83 : memref<1x200x64xf32, #tpu.memory_space<vmem>> -> memref<200x64xf32, #tpu.memory_space<vmem>>
      %dma_start3A_85 = arith.constant 0 : i32
      %dma_start3A_86 = tpu.memref_slice %arg9[%run_scoped3A_17, %add3A_14, %dma_start3A_85] : memref<1x10000x64xf32, #tpu.memory_space<vmem_shared>> -> memref<1x200x64xf32, #tpu.memory_space<vmem_shared>>
      %dma_start3A_87 = tpu.memref_squeeze %dma_start3A_86 : memref<1x200x64xf32, #tpu.memory_space<vmem_shared>> -> memref<200x64xf32, #tpu.memory_space<vmem_shared>>
      %dma_start3A_88 = arith.constant 0 : i32
      %dma_start3A_89 = tpu.memref_slice %arg9[%run_scoped3A_17, %add3A_14, %dma_start3A_88] : memref<1x10000x64xf32, #tpu.memory_space<vmem_shared>> -> memref<1x200x64xf32, #tpu.memory_space<vmem_shared>>
      %dma_start3A_90 = tpu.memref_squeeze %dma_start3A_89 : memref<1x200x64xf32, #tpu.memory_space<vmem_shared>> -> memref<200x64xf32, #tpu.memory_space<vmem_shared>>
      %dma_start3A_91 = arith.constant 0 : i32
      %dma_start3A_92 = arith.constant 0 : i32
      %dma_start3A_93 = arith.constant 0 : i32
      %dma_start3A_94 = tpu.memref_slice %arg6[%run_scoped3A_15, %dma_start3A_91, %dma_start3A_92, %dma_start3A_93] : memref<2x1x200x64xf32, #tpu.memory_space<vmem>> -> memref<1x1x200x64xf32, #tpu.memory_space<vmem>>
      %dma_start3A_95 = tpu.memref_squeeze %dma_start3A_94 : memref<1x1x200x64xf32, #tpu.memory_space<vmem>> -> memref<1x200x64xf32, #tpu.memory_space<vmem>>
      %dma_start3A_96 = arith.constant 0 : i32
      %dma_start3A_97 = arith.constant 0 : i32
      %dma_start3A_98 = tpu.memref_slice %dma_start3A_95[%run_scoped3A_16, %dma_start3A_96, %dma_start3A_97] : memref<1x200x64xf32, #tpu.memory_space<vmem>> -> memref<1x200x64xf32, #tpu.memory_space<vmem>>
      %dma_start3A_99 = tpu.memref_squeeze %dma_start3A_98 : memref<1x200x64xf32, #tpu.memory_space<vmem>> -> memref<200x64xf32, #tpu.memory_space<vmem>>
      tpu.enqueue_dma source(%dma_start3A_99 : memref<200x64xf32, #tpu.memory_space<vmem>>) target(%dma_start3A_90 : memref<200x64xf32, #tpu.memory_space<vmem_shared>>) target_semaphore(%run_scoped3A_76 : memref<!tpu.dma_semaphore, #tpu.memory_space<semaphore_mem>>)
      %dma_wait3A_100 = arith.constant 0 : i32
      %dma_wait3A_101 = arith.constant 0 : i32
      %dma_wait3A_102 = arith.constant 0 : i32
      %dma_wait3A_103 = tpu.memref_slice %arg6[%run_scoped3A_15, %dma_wait3A_100, %dma_wait3A_101, %dma_wait3A_102] : memref<2x1x200x64xf32, #tpu.memory_space<vmem>> -> memref<1x1x200x64xf32, #tpu.memory_space<vmem>>
      %dma_wait3A_104 = tpu.memref_squeeze %dma_wait3A_103 : memref<1x1x200x64xf32, #tpu.memory_space<vmem>> -> memref<1x200x64xf32, #tpu.memory_space<vmem>>
      %dma_wait3A_105 = arith.constant 0 : i32
      %dma_wait3A_106 = arith.constant 0 : i32
      %dma_wait3A_107 = tpu.memref_slice %dma_wait3A_104[%run_scoped3A_16, %dma_wait3A_105, %dma_wait3A_106] : memref<1x200x64xf32, #tpu.memory_space<vmem>> -> memref<1x200x64xf32, #tpu.memory_space<vmem>>
      %dma_wait3A_108 = tpu.memref_squeeze %dma_wait3A_107 : memref<1x200x64xf32, #tpu.memory_space<vmem>> -> memref<200x64xf32, #tpu.memory_space<vmem>>
      %dma_wait3A_109 = arith.constant 0 : i32
      %dma_wait3A_110 = tpu.memref_slice %arg9[%run_scoped3A_17, %add3A_14, %dma_wait3A_109] : memref<1x10000x64xf32, #tpu.memory_space<vmem_shared>> -> memref<1x200x64xf32, #tpu.memory_space<vmem_shared>>
      %dma_wait3A_111 = tpu.memref_squeeze %dma_wait3A_110 : memref<1x200x64xf32, #tpu.memory_space<vmem_shared>> -> memref<200x64xf32, #tpu.memory_space<vmem_shared>>
      %dma_wait3A_112 = arith.constant 0 : i32
      %dma_wait3A_113 = tpu.memref_slice %arg9[%run_scoped3A_17, %add3A_14, %dma_wait3A_112] : memref<1x10000x64xf32, #tpu.memory_space<vmem_shared>> -> memref<1x200x64xf32, #tpu.memory_space<vmem_shared>>
      %dma_wait3A_114 = tpu.memref_squeeze %dma_wait3A_113 : memref<1x200x64xf32, #tpu.memory_space<vmem_shared>> -> memref<200x64xf32, #tpu.memory_space<vmem_shared>>
      %dma_wait3A_115 = arith.constant 0 : i32
      %dma_wait3A_116 = arith.constant 0 : i32
      %dma_wait3A_117 = arith.constant 0 : i32
      %dma_wait3A_118 = tpu.memref_slice %arg6[%run_scoped3A_15, %dma_wait3A_115, %dma_wait3A_116, %dma_wait3A_117] : memref<2x1x200x64xf32, #tpu.memory_space<vmem>> -> memref<1x1x200x64xf32, #tpu.memory_space<vmem>>
      %dma_wait3A_119 = tpu.memref_squeeze %dma_wait3A_118 : memref<1x1x200x64xf32, #tpu.memory_space<vmem>> -> memref<1x200x64xf32, #tpu.memory_space<vmem>>
      %dma_wait3A_120 = arith.constant 0 : i32
      %dma_wait3A_121 = arith.constant 0 : i32
      %dma_wait3A_122 = tpu.memref_slice %dma_wait3A_119[%run_scoped3A_16, %dma_wait3A_120, %dma_wait3A_121] : memref<1x200x64xf32, #tpu.memory_space<vmem>> -> memref<1x200x64xf32, #tpu.memory_space<vmem>>
      %dma_wait3A_123 = tpu.memref_squeeze %dma_wait3A_122 : memref<1x200x64xf32, #tpu.memory_space<vmem>> -> memref<200x64xf32, #tpu.memory_space<vmem>>
      tpu.wait_dma2 semaphore(%run_scoped3A_76 : memref<!tpu.dma_semaphore, #tpu.memory_space<semaphore_mem>>) src(%dma_wait3A_123 : memref<200x64xf32, #tpu.memory_space<vmem>>) dst(%dma_wait3A_114 : memref<200x64xf32, #tpu.memory_space<vmem_shared>>)
      tpu.yield
    }) : () -> ()
    %add3A_18 = arith.constant 200 : i32
    %add3A_19 = arith.addi %mul3A_12, %add3A_18 : i32
    %run_scoped3A_20 = arith.constant 0 : i32
    %run_scoped3A_21 = arith.constant 0 : i32
    %run_scoped3A_22 = arith.constant 0 : i32
    "tpu.region"() ({
      %run_scoped3A_76 = tpu.sem_alloc : memref<!tpu.dma_semaphore, #tpu.memory_space<semaphore_mem>>
      %dma_start3A = arith.constant 0 : i32
      %dma_start3A_77 = arith.constant 0 : i32
      %dma_start3A_78 = arith.constant 0 : i32
      %dma_start3A_79 = tpu.memref_slice %arg6[%run_scoped3A_20, %dma_start3A, %dma_start3A_77, %dma_start3A_78] : memref<2x1x200x64xf32, #tpu.memory_space<vmem>> -> memref<1x1x200x64xf32, #tpu.memory_space<vmem>>
      %dma_start3A_80 = tpu.memref_squeeze %dma_start3A_79 : memref<1x1x200x64xf32, #tpu.memory_space<vmem>> -> memref<1x200x64xf32, #tpu.memory_space<vmem>>
      %dma_start3A_81 = arith.constant 0 : i32
      %dma_start3A_82 = arith.constant 0 : i32
      %dma_start3A_83 = tpu.memref_slice %dma_start3A_80[%run_scoped3A_21, %dma_start3A_81, %dma_start3A_82] : memref<1x200x64xf32, #tpu.memory_space<vmem>> -> memref<1x200x64xf32, #tpu.memory_space<vmem>>
      %dma_start3A_84 = tpu.memref_squeeze %dma_start3A_83 : memref<1x200x64xf32, #tpu.memory_space<vmem>> -> memref<200x64xf32, #tpu.memory_space<vmem>>
      %dma_start3A_85 = arith.constant 0 : i32
      %dma_start3A_86 = tpu.memref_slice %arg9[%run_scoped3A_22, %add3A_19, %dma_start3A_85] : memref<1x10000x64xf32, #tpu.memory_space<vmem_shared>> -> memref<1x200x64xf32, #tpu.memory_space<vmem_shared>>
      %dma_start3A_87 = tpu.memref_squeeze %dma_start3A_86 : memref<1x200x64xf32, #tpu.memory_space<vmem_shared>> -> memref<200x64xf32, #tpu.memory_space<vmem_shared>>
      %dma_start3A_88 = arith.constant 0 : i32
      %dma_start3A_89 = tpu.memref_slice %arg9[%run_scoped3A_22, %add3A_19, %dma_start3A_88] : memref<1x10000x64xf32, #tpu.memory_space<vmem_shared>> -> memref<1x200x64xf32, #tpu.memory_space<vmem_shared>>
      %dma_start3A_90 = tpu.memref_squeeze %dma_start3A_89 : memref<1x200x64xf32, #tpu.memory_space<vmem_shared>> -> memref<200x64xf32, #tpu.memory_space<vmem_shared>>
      %dma_start3A_91 = arith.constant 0 : i32
      %dma_start3A_92 = arith.constant 0 : i32
      %dma_start3A_93 = arith.constant 0 : i32
      %dma_start3A_94 = tpu.memref_slice %arg6[%run_scoped3A_20, %dma_start3A_91, %dma_start3A_92, %dma_start3A_93] : memref<2x1x200x64xf32, #tpu.memory_space<vmem>> -> memref<1x1x200x64xf32, #tpu.memory_space<vmem>>
      %dma_start3A_95 = tpu.memref_squeeze %dma_start3A_94 : memref<1x1x200x64xf32, #tpu.memory_space<vmem>> -> memref<1x200x64xf32, #tpu.memory_space<vmem>>
      %dma_start3A_96 = arith.constant 0 : i32
      %dma_start3A_97 = arith.constant 0 : i32
      %dma_start3A_98 = tpu.memref_slice %dma_start3A_95[%run_scoped3A_21, %dma_start3A_96, %dma_start3A_97] : memref<1x200x64xf32, #tpu.memory_space<vmem>> -> memref<1x200x64xf32, #tpu.memory_space<vmem>>
      %dma_start3A_99 = tpu.memref_squeeze %dma_start3A_98 : memref<1x200x64xf32, #tpu.memory_space<vmem>> -> memref<200x64xf32, #tpu.memory_space<vmem>>
      tpu.enqueue_dma source(%dma_start3A_99 : memref<200x64xf32, #tpu.memory_space<vmem>>) target(%dma_start3A_90 : memref<200x64xf32, #tpu.memory_space<vmem_shared>>) target_semaphore(%run_scoped3A_76 : memref<!tpu.dma_semaphore, #tpu.memory_space<semaphore_mem>>)
      %dma_wait3A_100 = arith.constant 0 : i32
      %dma_wait3A_101 = arith.constant 0 : i32
      %dma_wait3A_102 = arith.constant 0 : i32
      %dma_wait3A_103 = tpu.memref_slice %arg6[%run_scoped3A_20, %dma_wait3A_100, %dma_wait3A_101, %dma_wait3A_102] : memref<2x1x200x64xf32, #tpu.memory_space<vmem>> -> memref<1x1x200x64xf32, #tpu.memory_space<vmem>>
      %dma_wait3A_104 = tpu.memref_squeeze %dma_wait3A_103 : memref<1x1x200x64xf32, #tpu.memory_space<vmem>> -> memref<1x200x64xf32, #tpu.memory_space<vmem>>
      %dma_wait3A_105 = arith.constant 0 : i32
      %dma_wait3A_106 = arith.constant 0 : i32
      %dma_wait3A_107 = tpu.memref_slice %dma_wait3A_104[%run_scoped3A_21, %dma_wait3A_105, %dma_wait3A_106] : memref<1x200x64xf32, #tpu.memory_space<vmem>> -> memref<1x200x64xf32, #tpu.memory_space<vmem>>
      %dma_wait3A_108 = tpu.memref_squeeze %dma_wait3A_107 : memref<1x200x64xf32, #tpu.memory_space<vmem>> -> memref<200x64xf32, #tpu.memory_space<vmem>>
      %dma_wait3A_109 = arith.constant 0 : i32
      %dma_wait3A_110 = tpu.memref_slice %arg9[%run_scoped3A_22, %add3A_19, %dma_wait3A_109] : memref<1x10000x64xf32, #tpu.memory_space<vmem_shared>> -> memref<1x200x64xf32, #tpu.memory_space<vmem_shared>>
      %dma_wait3A_111 = tpu.memref_squeeze %dma_wait3A_110 : memref<1x200x64xf32, #tpu.memory_space<vmem_shared>> -> memref<200x64xf32, #tpu.memory_space<vmem_shared>>
      %dma_wait3A_112 = arith.constant 0 : i32
      %dma_wait3A_113 = tpu.memref_slice %arg9[%run_scoped3A_22, %add3A_19, %dma_wait3A_112] : memref<1x10000x64xf32, #tpu.memory_space<vmem_shared>> -> memref<1x200x64xf32, #tpu.memory_space<vmem_shared>>
      %dma_wait3A_114 = tpu.memref_squeeze %dma_wait3A_113 : memref<1x200x64xf32, #tpu.memory_space<vmem_shared>> -> memref<200x64xf32, #tpu.memory_space<vmem_shared>>
      %dma_wait3A_115 = arith.constant 0 : i32
      %dma_wait3A_116 = arith.constant 0 : i32
      %dma_wait3A_117 = arith.constant 0 : i32
      %dma_wait3A_118 = tpu.memref_slice %arg6[%run_scoped3A_20, %dma_wait3A_115, %dma_wait3A_116, %dma_wait3A_117] : memref<2x1x200x64xf32, #tpu.memory_space<vmem>> -> memref<1x1x200x64xf32, #tpu.memory_space<vmem>>
      %dma_wait3A_119 = tpu.memref_squeeze %dma_wait3A_118 : memref<1x1x200x64xf32, #tpu.memory_space<vmem>> -> memref<1x200x64xf32, #tpu.memory_space<vmem>>
      %dma_wait3A_120 = arith.constant 0 : i32
      %dma_wait3A_121 = arith.constant 0 : i32
      %dma_wait3A_122 = tpu.memref_slice %dma_wait3A_119[%run_scoped3A_21, %dma_wait3A_120, %dma_wait3A_121] : memref<1x200x64xf32, #tpu.memory_space<vmem>> -> memref<1x200x64xf32, #tpu.memory_space<vmem>>
      %dma_wait3A_123 = tpu.memref_squeeze %dma_wait3A_122 : memref<1x200x64xf32, #tpu.memory_space<vmem>> -> memref<200x64xf32, #tpu.memory_space<vmem>>
      tpu.wait_dma2 semaphore(%run_scoped3A_76 : memref<!tpu.dma_semaphore, #tpu.memory_space<semaphore_mem>>) src(%dma_wait3A_123 : memref<200x64xf32, #tpu.memory_space<vmem>>) dst(%dma_wait3A_114 : memref<200x64xf32, #tpu.memory_space<vmem_shared>>)
      tpu.yield
    }) : () -> ()
    %add3A_23 = arith.constant 400 : i32
    %add3A_24 = arith.addi %mul3A_12, %add3A_23 : i32
    %run_scoped3A_25 = arith.constant 0 : i32
    %run_scoped3A_26 = arith.constant 0 : i32
    %run_scoped3A_27 = arith.constant 0 : i32
    "tpu.region"() ({
      %run_scoped3A_76 = tpu.sem_alloc : memref<!tpu.dma_semaphore, #tpu.memory_space<semaphore_mem>>
      %dma_start3A = arith.constant 0 : i32
      %dma_start3A_77 = arith.constant 0 : i32
      %dma_start3A_78 = arith.constant 0 : i32
      %dma_start3A_79 = tpu.memref_slice %arg6[%run_scoped3A_25, %dma_start3A, %dma_start3A_77, %dma_start3A_78] : memref<2x1x200x64xf32, #tpu.memory_space<vmem>> -> memref<1x1x200x64xf32, #tpu.memory_space<vmem>>
      %dma_start3A_80 = tpu.memref_squeeze %dma_start3A_79 : memref<1x1x200x64xf32, #tpu.memory_space<vmem>> -> memref<1x200x64xf32, #tpu.memory_space<vmem>>
      %dma_start3A_81 = arith.constant 0 : i32
      %dma_start3A_82 = arith.constant 0 : i32
      %dma_start3A_83 = tpu.memref_slice %dma_start3A_80[%run_scoped3A_26, %dma_start3A_81, %dma_start3A_82] : memref<1x200x64xf32, #tpu.memory_space<vmem>> -> memref<1x200x64xf32, #tpu.memory_space<vmem>>
      %dma_start3A_84 = tpu.memref_squeeze %dma_start3A_83 : memref<1x200x64xf32, #tpu.memory_space<vmem>> -> memref<200x64xf32, #tpu.memory_space<vmem>>
      %dma_start3A_85 = arith.constant 0 : i32
      %dma_start3A_86 = tpu.memref_slice %arg9[%run_scoped3A_27, %add3A_24, %dma_start3A_85] : memref<1x10000x64xf32, #tpu.memory_space<vmem_shared>> -> memref<1x200x64xf32, #tpu.memory_space<vmem_shared>>
      %dma_start3A_87 = tpu.memref_squeeze %dma_start3A_86 : memref<1x200x64xf32, #tpu.memory_space<vmem_shared>> -> memref<200x64xf32, #tpu.memory_space<vmem_shared>>
      %dma_start3A_88 = arith.constant 0 : i32
      %dma_start3A_89 = tpu.memref_slice %arg9[%run_scoped3A_27, %add3A_24, %dma_start3A_88] : memref<1x10000x64xf32, #tpu.memory_space<vmem_shared>> -> memref<1x200x64xf32, #tpu.memory_space<vmem_shared>>
      %dma_start3A_90 = tpu.memref_squeeze %dma_start3A_89 : memref<1x200x64xf32, #tpu.memory_space<vmem_shared>> -> memref<200x64xf32, #tpu.memory_space<vmem_shared>>
      %dma_start3A_91 = arith.constant 0 : i32
      %dma_start3A_92 = arith.constant 0 : i32
      %dma_start3A_93 = arith.constant 0 : i32
      %dma_start3A_94 = tpu.memref_slice %arg6[%run_scoped3A_25, %dma_start3A_91, %dma_start3A_92, %dma_start3A_93] : memref<2x1x200x64xf32, #tpu.memory_space<vmem>> -> memref<1x1x200x64xf32, #tpu.memory_space<vmem>>
      %dma_start3A_95 = tpu.memref_squeeze %dma_start3A_94 : memref<1x1x200x64xf32, #tpu.memory_space<vmem>> -> memref<1x200x64xf32, #tpu.memory_space<vmem>>
      %dma_start3A_96 = arith.constant 0 : i32
      %dma_start3A_97 = arith.constant 0 : i32
      %dma_start3A_98 = tpu.memref_slice %dma_start3A_95[%run_scoped3A_26, %dma_start3A_96, %dma_start3A_97] : memref<1x200x64xf32, #tpu.memory_space<vmem>> -> memref<1x200x64xf32, #tpu.memory_space<vmem>>
      %dma_start3A_99 = tpu.memref_squeeze %dma_start3A_98 : memref<1x200x64xf32, #tpu.memory_space<vmem>> -> memref<200x64xf32, #tpu.memory_space<vmem>>
      tpu.enqueue_dma source(%dma_start3A_99 : memref<200x64xf32, #tpu.memory_space<vmem>>) target(%dma_start3A_90 : memref<200x64xf32, #tpu.memory_space<vmem_shared>>) target_semaphore(%run_scoped3A_76 : memref<!tpu.dma_semaphore, #tpu.memory_space<semaphore_mem>>)
      %dma_wait3A_100 = arith.constant 0 : i32
      %dma_wait3A_101 = arith.constant 0 : i32
      %dma_wait3A_102 = arith.constant 0 : i32
      %dma_wait3A_103 = tpu.memref_slice %arg6[%run_scoped3A_25, %dma_wait3A_100, %dma_wait3A_101, %dma_wait3A_102] : memref<2x1x200x64xf32, #tpu.memory_space<vmem>> -> memref<1x1x200x64xf32, #tpu.memory_space<vmem>>
      %dma_wait3A_104 = tpu.memref_squeeze %dma_wait3A_103 : memref<1x1x200x64xf32, #tpu.memory_space<vmem>> -> memref<1x200x64xf32, #tpu.memory_space<vmem>>
      %dma_wait3A_105 = arith.constant 0 : i32
      %dma_wait3A_106 = arith.constant 0 : i32
      %dma_wait3A_107 = tpu.memref_slice %dma_wait3A_104[%run_scoped3A_26, %dma_wait3A_105, %dma_wait3A_106] : memref<1x200x64xf32, #tpu.memory_space<vmem>> -> memref<1x200x64xf32, #tpu.memory_space<vmem>>
      %dma_wait3A_108 = tpu.memref_squeeze %dma_wait3A_107 : memref<1x200x64xf32, #tpu.memory_space<vmem>> -> memref<200x64xf32, #tpu.memory_space<vmem>>
      %dma_wait3A_109 = arith.constant 0 : i32
      %dma_wait3A_110 = tpu.memref_slice %arg9[%run_scoped3A_27, %add3A_24, %dma_wait3A_109] : memref<1x10000x64xf32, #tpu.memory_space<vmem_shared>> -> memref<1x200x64xf32, #tpu.memory_space<vmem_shared>>
      %dma_wait3A_111 = tpu.memref_squeeze %dma_wait3A_110 : memref<1x200x64xf32, #tpu.memory_space<vmem_shared>> -> memref<200x64xf32, #tpu.memory_space<vmem_shared>>
      %dma_wait3A_112 = arith.constant 0 : i32
      %dma_wait3A_113 = tpu.memref_slice %arg9[%run_scoped3A_27, %add3A_24, %dma_wait3A_112] : memref<1x10000x64xf32, #tpu.memory_space<vmem_shared>> -> memref<1x200x64xf32, #tpu.memory_space<vmem_shared>>
      %dma_wait3A_114 = tpu.memref_squeeze %dma_wait3A_113 : memref<1x200x64xf32, #tpu.memory_space<vmem_shared>> -> memref<200x64xf32, #tpu.memory_space<vmem_shared>>
      %dma_wait3A_115 = arith.constant 0 : i32
      %dma_wait3A_116 = arith.constant 0 : i32
      %dma_wait3A_117 = arith.constant 0 : i32
      %dma_wait3A_118 = tpu.memref_slice %arg6[%run_scoped3A_25, %dma_wait3A_115, %dma_wait3A_116, %dma_wait3A_117] : memref<2x1x200x64xf32, #tpu.memory_space<vmem>> -> memref<1x1x200x64xf32, #tpu.memory_space<vmem>>
      %dma_wait3A_119 = tpu.memref_squeeze %dma_wait3A_118 : memref<1x1x200x64xf32, #tpu.memory_space<vmem>> -> memref<1x200x64xf32, #tpu.memory_space<vmem>>
      %dma_wait3A_120 = arith.constant 0 : i32
      %dma_wait3A_121 = arith.constant 0 : i32
      %dma_wait3A_122 = tpu.memref_slice %dma_wait3A_119[%run_scoped3A_26, %dma_wait3A_120, %dma_wait3A_121] : memref<1x200x64xf32, #tpu.memory_space<vmem>> -> memref<1x200x64xf32, #tpu.memory_space<vmem>>
      %dma_wait3A_123 = tpu.memref_squeeze %dma_wait3A_122 : memref<1x200x64xf32, #tpu.memory_space<vmem>> -> memref<200x64xf32, #tpu.memory_space<vmem>>
      tpu.wait_dma2 semaphore(%run_scoped3A_76 : memref<!tpu.dma_semaphore, #tpu.memory_space<semaphore_mem>>) src(%dma_wait3A_123 : memref<200x64xf32, #tpu.memory_space<vmem>>) dst(%dma_wait3A_114 : memref<200x64xf32, #tpu.memory_space<vmem_shared>>)
      tpu.yield
    }) : () -> ()
    %add3A_28 = arith.constant 600 : i32
    %add3A_29 = arith.addi %mul3A_12, %add3A_28 : i32
    %run_scoped3A_30 = arith.constant 0 : i32
    %run_scoped3A_31 = arith.constant 0 : i32
    %run_scoped3A_32 = arith.constant 0 : i32
    "tpu.region"() ({
      %run_scoped3A_76 = tpu.sem_alloc : memref<!tpu.dma_semaphore, #tpu.memory_space<semaphore_mem>>
      %dma_start3A = arith.constant 0 : i32
      %dma_start3A_77 = arith.constant 0 : i32
      %dma_start3A_78 = arith.constant 0 : i32
      %dma_start3A_79 = tpu.memref_slice %arg6[%run_scoped3A_30, %dma_start3A, %dma_start3A_77, %dma_start3A_78] : memref<2x1x200x64xf32, #tpu.memory_space<vmem>> -> memref<1x1x200x64xf32, #tpu.memory_space<vmem>>
      %dma_start3A_80 = tpu.memref_squeeze %dma_start3A_79 : memref<1x1x200x64xf32, #tpu.memory_space<vmem>> -> memref<1x200x64xf32, #tpu.memory_space<vmem>>
      %dma_start3A_81 = arith.constant 0 : i32
      %dma_start3A_82 = arith.constant 0 : i32
      %dma_start3A_83 = tpu.memref_slice %dma_start3A_80[%run_scoped3A_31, %dma_start3A_81, %dma_start3A_82] : memref<1x200x64xf32, #tpu.memory_space<vmem>> -> memref<1x25x64xf32, #tpu.memory_space<vmem>>
      %dma_start3A_84 = tpu.memref_squeeze %dma_start3A_83 : memref<1x25x64xf32, #tpu.memory_space<vmem>> -> memref<25x64xf32, #tpu.memory_space<vmem>>
      %dma_start3A_85 = arith.constant 0 : i32
      %dma_start3A_86 = tpu.memref_slice %arg9[%run_scoped3A_32, %add3A_29, %dma_start3A_85] : memref<1x10000x64xf32, #tpu.memory_space<vmem_shared>> -> memref<1x25x64xf32, #tpu.memory_space<vmem_shared>>
      %dma_start3A_87 = tpu.memref_squeeze %dma_start3A_86 : memref<1x25x64xf32, #tpu.memory_space<vmem_shared>> -> memref<25x64xf32, #tpu.memory_space<vmem_shared>>
      %dma_start3A_88 = arith.constant 0 : i32
      %dma_start3A_89 = tpu.memref_slice %arg9[%run_scoped3A_32, %add3A_29, %dma_start3A_88] : memref<1x10000x64xf32, #tpu.memory_space<vmem_shared>> -> memref<1x25x64xf32, #tpu.memory_space<vmem_shared>>
      %dma_start3A_90 = tpu.memref_squeeze %dma_start3A_89 : memref<1x25x64xf32, #tpu.memory_space<vmem_shared>> -> memref<25x64xf32, #tpu.memory_space<vmem_shared>>
      %dma_start3A_91 = arith.constant 0 : i32
      %dma_start3A_92 = arith.constant 0 : i32
      %dma_start3A_93 = arith.constant 0 : i32
      %dma_start3A_94 = tpu.memref_slice %arg6[%run_scoped3A_30, %dma_start3A_91, %dma_start3A_92, %dma_start3A_93] : memref<2x1x200x64xf32, #tpu.memory_space<vmem>> -> memref<1x1x200x64xf32, #tpu.memory_space<vmem>>
      %dma_start3A_95 = tpu.memref_squeeze %dma_start3A_94 : memref<1x1x200x64xf32, #tpu.memory_space<vmem>> -> memref<1x200x64xf32, #tpu.memory_space<vmem>>
      %dma_start3A_96 = arith.constant 0 : i32
      %dma_start3A_97 = arith.constant 0 : i32
      %dma_start3A_98 = tpu.memref_slice %dma_start3A_95[%run_scoped3A_31, %dma_start3A_96, %dma_start3A_97] : memref<1x200x64xf32, #tpu.memory_space<vmem>> -> memref<1x25x64xf32, #tpu.memory_space<vmem>>
      %dma_start3A_99 = tpu.memref_squeeze %dma_start3A_98 : memref<1x25x64xf32, #tpu.memory_space<vmem>> -> memref<25x64xf32, #tpu.memory_space<vmem>>
      tpu.enqueue_dma source(%dma_start3A_99 : memref<25x64xf32, #tpu.memory_space<vmem>>) target(%dma_start3A_90 : memref<25x64xf32, #tpu.memory_space<vmem_shared>>) target_semaphore(%run_scoped3A_76 : memref<!tpu.dma_semaphore, #tpu.memory_space<semaphore_mem>>)
      %dma_wait3A_100 = arith.constant 0 : i32
      %dma_wait3A_101 = arith.constant 0 : i32
      %dma_wait3A_102 = arith.constant 0 : i32
      %dma_wait3A_103 = tpu.memref_slice %arg6[%run_scoped3A_30, %dma_wait3A_100, %dma_wait3A_101, %dma_wait3A_102] : memref<2x1x200x64xf32, #tpu.memory_space<vmem>> -> memref<1x1x200x64xf32, #tpu.memory_space<vmem>>
      %dma_wait3A_104 = tpu.memref_squeeze %dma_wait3A_103 : memref<1x1x200x64xf32, #tpu.memory_space<vmem>> -> memref<1x200x64xf32, #tpu.memory_space<vmem>>
      %dma_wait3A_105 = arith.constant 0 : i32
      %dma_wait3A_106 = arith.constant 0 : i32
      %dma_wait3A_107 = tpu.memref_slice %dma_wait3A_104[%run_scoped3A_31, %dma_wait3A_105, %dma_wait3A_106] : memref<1x200x64xf32, #tpu.memory_space<vmem>> -> memref<1x25x64xf32, #tpu.memory_space<vmem>>
      %dma_wait3A_108 = tpu.memref_squeeze %dma_wait3A_107 : memref<1x25x64xf32, #tpu.memory_space<vmem>> -> memref<25x64xf32, #tpu.memory_space<vmem>>
      %dma_wait3A_109 = arith.constant 0 : i32
      %dma_wait3A_110 = tpu.memref_slice %arg9[%run_scoped3A_32, %add3A_29, %dma_wait3A_109] : memref<1x10000x64xf32, #tpu.memory_space<vmem_shared>> -> memref<1x25x64xf32, #tpu.memory_space<vmem_shared>>
      %dma_wait3A_111 = tpu.memref_squeeze %dma_wait3A_110 : memref<1x25x64xf32, #tpu.memory_space<vmem_shared>> -> memref<25x64xf32, #tpu.memory_space<vmem_shared>>
      %dma_wait3A_112 = arith.constant 0 : i32
      %dma_wait3A_113 = tpu.memref_slice %arg9[%run_scoped3A_32, %add3A_29, %dma_wait3A_112] : memref<1x10000x64xf32, #tpu.memory_space<vmem_shared>> -> memref<1x25x64xf32, #tpu.memory_space<vmem_shared>>
      %dma_wait3A_114 = tpu.memref_squeeze %dma_wait3A_113 : memref<1x25x64xf32, #tpu.memory_space<vmem_shared>> -> memref<25x64xf32, #tpu.memory_space<vmem_shared>>
      %dma_wait3A_115 = arith.constant 0 : i32
      %dma_wait3A_116 = arith.constant 0 : i32
      %dma_wait3A_117 = arith.constant 0 : i32
      %dma_wait3A_118 = tpu.memref_slice %arg6[%run_scoped3A_30, %dma_wait3A_115, %dma_wait3A_116, %dma_wait3A_117] : memref<2x1x200x64xf32, #tpu.memory_space<vmem>> -> memref<1x1x200x64xf32, #tpu.memory_space<vmem>>
      %dma_wait3A_119 = tpu.memref_squeeze %dma_wait3A_118 : memref<1x1x200x64xf32, #tpu.memory_space<vmem>> -> memref<1x200x64xf32, #tpu.memory_space<vmem>>
      %dma_wait3A_120 = arith.constant 0 : i32
      %dma_wait3A_121 = arith.constant 0 : i32
      %dma_wait3A_122 = tpu.memref_slice %dma_wait3A_119[%run_scoped3A_31, %dma_wait3A_120, %dma_wait3A_121] : memref<1x200x64xf32, #tpu.memory_space<vmem>> -> memref<1x25x64xf32, #tpu.memory_space<vmem>>
      %dma_wait3A_123 = tpu.memref_squeeze %dma_wait3A_122 : memref<1x25x64xf32, #tpu.memory_space<vmem>> -> memref<25x64xf32, #tpu.memory_space<vmem>>
      tpu.wait_dma2 semaphore(%run_scoped3A_76 : memref<!tpu.dma_semaphore, #tpu.memory_space<semaphore_mem>>) src(%dma_wait3A_123 : memref<25x64xf32, #tpu.memory_space<vmem>>) dst(%dma_wait3A_114 : memref<25x64xf32, #tpu.memory_space<vmem_shared>>)
      tpu.yield
    }) : () -> ()
    %mul3A_33 = arith.constant 50 : i32
    %mul3A_34 = arith.muli %add3A, %mul3A_33 : i32
    "tpu.region"() ({
      %run_scoped3A_76 = tpu.sem_alloc : memref<!tpu.dma_semaphore, #tpu.memory_space<semaphore_mem>>
      %dma_start3A = arith.constant 0 : i32
      %dma_start3A_77 = arith.constant 0 : i32
      %dma_start3A_78 = tpu.memref_slice %arg3[%mul3A_34, %dma_start3A, %dma_start3A_77] : memref<1600x1x200xi32, #tpu.memory_space<hbm>> -> memref<50x1x200xi32, #tpu.memory_space<hbm>>
      %dma_start3A_79 = arith.constant 0 : i32
      %dma_start3A_80 = arith.constant 0 : i32
      %dma_start3A_81 = tpu.memref_slice %arg3[%mul3A_34, %dma_start3A_79, %dma_start3A_80] : memref<1600x1x200xi32, #tpu.memory_space<hbm>> -> memref<50x1x200xi32, #tpu.memory_space<hbm>>
      tpu.enqueue_dma source(%dma_start3A_81 : memref<50x1x200xi32, #tpu.memory_space<hbm>>) target(%arg7 : memref<50x1x200xi32, #tpu.memory_space<vmem>>) target_semaphore(%run_scoped3A_76 : memref<!tpu.dma_semaphore, #tpu.memory_space<semaphore_mem>>)
      %dma_wait3A_82 = arith.constant 0 : i32
      %dma_wait3A_83 = arith.constant 0 : i32
      %dma_wait3A_84 = tpu.memref_slice %arg3[%mul3A_34, %dma_wait3A_82, %dma_wait3A_83] : memref<1600x1x200xi32, #tpu.memory_space<hbm>> -> memref<50x1x200xi32, #tpu.memory_space<hbm>>
      %dma_wait3A_85 = arith.constant 0 : i32
      %dma_wait3A_86 = arith.constant 0 : i32
      %dma_wait3A_87 = tpu.memref_slice %arg3[%mul3A_34, %dma_wait3A_85, %dma_wait3A_86] : memref<1600x1x200xi32, #tpu.memory_space<hbm>> -> memref<50x1x200xi32, #tpu.memory_space<hbm>>
      tpu.wait_dma2 semaphore(%run_scoped3A_76 : memref<!tpu.dma_semaphore, #tpu.memory_space<semaphore_mem>>) src(%dma_wait3A_87 : memref<50x1x200xi32, #tpu.memory_space<hbm>>) dst(%arg7 : memref<50x1x200xi32, #tpu.memory_space<vmem>>)
      tpu.yield
    }) : () -> ()
    %mul3A_35 = arith.constant 50 : i32
    %mul3A_36 = arith.muli %add3A, %mul3A_35 : i32
    "tpu.region"() ({
      %run_scoped3A_76 = tpu.sem_alloc : memref<!tpu.dma_semaphore, #tpu.memory_space<semaphore_mem>>
      %dma_start3A = arith.constant 0 : i32
      %dma_start3A_77 = arith.constant 0 : i32
      %dma_start3A_78 = tpu.memref_slice %arg4[%mul3A_36, %dma_start3A, %dma_start3A_77] : memref<1600x1x200xi32, #tpu.memory_space<hbm>> -> memref<50x1x200xi32, #tpu.memory_space<hbm>>
      %dma_start3A_79 = arith.constant 0 : i32
      %dma_start3A_80 = arith.constant 0 : i32
      %dma_start3A_81 = tpu.memref_slice %arg4[%mul3A_36, %dma_start3A_79, %dma_start3A_80] : memref<1600x1x200xi32, #tpu.memory_space<hbm>> -> memref<50x1x200xi32, #tpu.memory_space<hbm>>
      tpu.enqueue_dma source(%dma_start3A_81 : memref<50x1x200xi32, #tpu.memory_space<hbm>>) target(%arg8 : memref<50x1x200xi32, #tpu.memory_space<vmem>>) target_semaphore(%run_scoped3A_76 : memref<!tpu.dma_semaphore, #tpu.memory_space<semaphore_mem>>)
      %dma_wait3A_82 = arith.constant 0 : i32
      %dma_wait3A_83 = arith.constant 0 : i32
      %dma_wait3A_84 = tpu.memref_slice %arg4[%mul3A_36, %dma_wait3A_82, %dma_wait3A_83] : memref<1600x1x200xi32, #tpu.memory_space<hbm>> -> memref<50x1x200xi32, #tpu.memory_space<hbm>>
      %dma_wait3A_85 = arith.constant 0 : i32
      %dma_wait3A_86 = arith.constant 0 : i32
      %dma_wait3A_87 = tpu.memref_slice %arg4[%mul3A_36, %dma_wait3A_85, %dma_wait3A_86] : memref<1600x1x200xi32, #tpu.memory_space<hbm>> -> memref<50x1x200xi32, #tpu.memory_space<hbm>>
      tpu.wait_dma2 semaphore(%run_scoped3A_76 : memref<!tpu.dma_semaphore, #tpu.memory_space<semaphore_mem>>) src(%dma_wait3A_87 : memref<50x1x200xi32, #tpu.memory_space<hbm>>) dst(%arg8 : memref<50x1x200xi32, #tpu.memory_space<vmem>>)
      tpu.yield
    }) : () -> ()
    %barrier3A = arith.constant 0 : index
    tpu.barrier barrier_id(%barrier3A)
    %scan3A_37 = arith.constant 0 : i32
    %scan3A_38 = arith.constant 0 : i32
    %scan3A_39 = arith.constant 25 : i32
    %scan3A_40 = arith.addi %scan3A_38, %scan3A_39 : i32
    %scan3A_41 = arith.constant 1 : i32
    scf.for %scan3A_76 = %scan3A_38 to %scan3A_40 step %scan3A_41  : i32 {
      %mul3A_77 = arith.constant 2 : i32
      %mul3A_78 = arith.muli %mul3A_77, %scan3A_76 : i32
      %add3A_79 = arith.constant 0 : i32
      %add3A_80 = arith.addi %mul3A_78, %add3A_79 : i32
      %ge3A = arith.constant 2 : i32
      %ge3A_81 = arith.cmpi sge, %add3A_80, %ge3A : i32
      %convert_element_type3A = arith.extui %ge3A_81 : i1 to i32
      %cond3A = arith.constant 0 : i32
      %cond3A_82 = arith.cmpi ne, %convert_element_type3A, %cond3A : i32
      scf.if %cond3A_82 {
        %sub3A = arith.constant 2 : i32
        %sub3A_175 = arith.subi %add3A_80, %sub3A : i32
        %dma_wait3A_176 = arith.constant 0 : i32
        %dma_wait3A_177 = arith.constant 0 : i32
        %dma_wait3A_178 = arith.constant 0 : i32
        %dma_wait3A_179 = arith.constant 0 : i32
        %dma_wait3A_180 = tpu.memref_slice %arg6[%dma_wait3A_176, %dma_wait3A_177, %dma_wait3A_178, %dma_wait3A_179] : memref<2x1x200x64xf32, #tpu.memory_space<vmem>> -> memref<1x1x200x64xf32, #tpu.memory_space<vmem>>
        %dma_wait3A_181 = tpu.memref_squeeze %dma_wait3A_180 : memref<1x1x200x64xf32, #tpu.memory_space<vmem>> -> memref<1x200x64xf32, #tpu.memory_space<vmem>>
        %dma_wait3A_182 = arith.constant 0 : i32
        %dma_wait3A_183 = arith.constant 0 : i32
        %dma_wait3A_184 = tpu.memref_slice %arg8[%sub3A_175, %dma_wait3A_182, %dma_wait3A_183] : memref<50x1x200xi32, #tpu.memory_space<vmem>> -> memref<1x1x200xi32, #tpu.memory_space<vmem>>
        %dma_wait3A_185 = tpu.memref_squeeze %dma_wait3A_184 : memref<1x1x200xi32, #tpu.memory_space<vmem>> -> memref<1x200xi32, #tpu.memory_space<vmem>>
        %dma_wait3A_186 = arith.constant 0 : i32
        %dma_wait3A_187 = arith.constant 0 : i32
        %dma_wait3A_188 = arith.constant 0 : i32
        %dma_wait3A_189 = tpu.memref_slice %arg9[%dma_wait3A_186, %dma_wait3A_187, %dma_wait3A_188] : memref<1x10000x64xf32, #tpu.memory_space<vmem_shared>> -> memref<1x10000x64xf32, #tpu.memory_space<vmem_shared>>
        tpu.wait_indirect_dma semaphore(%arg13 : memref<!tpu.dma_semaphore, #tpu.memory_space<semaphore_mem>>) src(%dma_wait3A_181 : memref<1x200x64xf32, #tpu.memory_space<vmem>>) dst(%dma_wait3A_189 : memref<1x10000x64xf32, #tpu.memory_space<vmem_shared>>)
      } else {
      }
      %dma_start3A = arith.constant 0 : i32
      %dma_start3A_83 = arith.constant 0 : i32
      %dma_start3A_84 = arith.constant 0 : i32
      %dma_start3A_85 = arith.constant 0 : i32
      %dma_start3A_86 = tpu.memref_slice %arg6[%dma_start3A, %dma_start3A_83, %dma_start3A_84, %dma_start3A_85] : memref<2x1x200x64xf32, #tpu.memory_space<vmem>> -> memref<1x1x200x64xf32, #tpu.memory_space<vmem>>
      %dma_start3A_87 = tpu.memref_squeeze %dma_start3A_86 : memref<1x1x200x64xf32, #tpu.memory_space<vmem>> -> memref<1x200x64xf32, #tpu.memory_space<vmem>>
      %dma_start3A_88 = arith.constant 0 : i32
      %dma_start3A_89 = arith.constant 0 : i32
      %dma_start3A_90 = tpu.memref_slice %arg7[%add3A_80, %dma_start3A_88, %dma_start3A_89] : memref<50x1x200xi32, #tpu.memory_space<vmem>> -> memref<1x1x200xi32, #tpu.memory_space<vmem>>
      %dma_start3A_91 = tpu.memref_squeeze %dma_start3A_90 : memref<1x1x200xi32, #tpu.memory_space<vmem>> -> memref<1x200xi32, #tpu.memory_space<vmem>>
      %dma_start3A_92 = arith.constant 0 : i32
      %dma_start3A_93 = arith.constant 0 : i32
      %dma_start3A_94 = arith.constant 0 : i32
      %dma_start3A_95 = tpu.memref_slice %arg10[%dma_start3A_92, %dma_start3A_93, %dma_start3A_94] : memref<1x10000x64xf32, #tpu.memory_space<vmem_shared>> -> memref<1x10000x64xf32, #tpu.memory_space<vmem_shared>>
      tpu.enqueue_indirect_dma source(%dma_start3A_95 : memref<1x10000x64xf32, #tpu.memory_space<vmem_shared>>) target(%dma_start3A_87 : memref<1x200x64xf32, #tpu.memory_space<vmem>>) offsets(%dma_start3A_91 : memref<1x200xi32, #tpu.memory_space<vmem>>) semaphore(%arg11 : memref<!tpu.dma_semaphore, #tpu.memory_space<semaphore_mem>>)
      %dma_wait3A_96 = arith.constant 0 : i32
      %dma_wait3A_97 = arith.constant 0 : i32
      %dma_wait3A_98 = arith.constant 0 : i32
      %dma_wait3A_99 = arith.constant 0 : i32
      %dma_wait3A_100 = tpu.memref_slice %arg6[%dma_wait3A_96, %dma_wait3A_97, %dma_wait3A_98, %dma_wait3A_99] : memref<2x1x200x64xf32, #tpu.memory_space<vmem>> -> memref<1x1x200x64xf32, #tpu.memory_space<vmem>>
      %dma_wait3A_101 = tpu.memref_squeeze %dma_wait3A_100 : memref<1x1x200x64xf32, #tpu.memory_space<vmem>> -> memref<1x200x64xf32, #tpu.memory_space<vmem>>
      %dma_wait3A_102 = arith.constant 0 : i32
      %dma_wait3A_103 = arith.constant 0 : i32
      %dma_wait3A_104 = tpu.memref_slice %arg7[%add3A_80, %dma_wait3A_102, %dma_wait3A_103] : memref<50x1x200xi32, #tpu.memory_space<vmem>> -> memref<1x1x200xi32, #tpu.memory_space<vmem>>
      %dma_wait3A_105 = tpu.memref_squeeze %dma_wait3A_104 : memref<1x1x200xi32, #tpu.memory_space<vmem>> -> memref<1x200xi32, #tpu.memory_space<vmem>>
      %dma_wait3A_106 = arith.constant 0 : i32
      %dma_wait3A_107 = arith.constant 0 : i32
      %dma_wait3A_108 = arith.constant 0 : i32
      %dma_wait3A_109 = tpu.memref_slice %arg10[%dma_wait3A_106, %dma_wait3A_107, %dma_wait3A_108] : memref<1x10000x64xf32, #tpu.memory_space<vmem_shared>> -> memref<1x10000x64xf32, #tpu.memory_space<vmem_shared>>
      tpu.wait_indirect_dma semaphore(%arg11 : memref<!tpu.dma_semaphore, #tpu.memory_space<semaphore_mem>>) src(%dma_wait3A_109 : memref<1x10000x64xf32, #tpu.memory_space<vmem_shared>>) dst(%dma_wait3A_101 : memref<1x200x64xf32, #tpu.memory_space<vmem>>)
      %dma_start3A_110 = arith.constant 0 : i32
      %dma_start3A_111 = arith.constant 0 : i32
      %dma_start3A_112 = arith.constant 0 : i32
      %dma_start3A_113 = arith.constant 0 : i32
      %dma_start3A_114 = tpu.memref_slice %arg6[%dma_start3A_110, %dma_start3A_111, %dma_start3A_112, %dma_start3A_113] : memref<2x1x200x64xf32, #tpu.memory_space<vmem>> -> memref<1x1x200x64xf32, #tpu.memory_space<vmem>>
      %dma_start3A_115 = tpu.memref_squeeze %dma_start3A_114 : memref<1x1x200x64xf32, #tpu.memory_space<vmem>> -> memref<1x200x64xf32, #tpu.memory_space<vmem>>
      %dma_start3A_116 = arith.constant 0 : i32
      %dma_start3A_117 = arith.constant 0 : i32
      %dma_start3A_118 = tpu.memref_slice %arg8[%add3A_80, %dma_start3A_116, %dma_start3A_117] : memref<50x1x200xi32, #tpu.memory_space<vmem>> -> memref<1x1x200xi32, #tpu.memory_space<vmem>>
      %dma_start3A_119 = tpu.memref_squeeze %dma_start3A_118 : memref<1x1x200xi32, #tpu.memory_space<vmem>> -> memref<1x200xi32, #tpu.memory_space<vmem>>
      %dma_start3A_120 = arith.constant 0 : i32
      %dma_start3A_121 = arith.constant 0 : i32
      %dma_start3A_122 = arith.constant 0 : i32
      %dma_start3A_123 = tpu.memref_slice %arg9[%dma_start3A_120, %dma_start3A_121, %dma_start3A_122] : memref<1x10000x64xf32, #tpu.memory_space<vmem_shared>> -> memref<1x10000x64xf32, #tpu.memory_space<vmem_shared>>
      tpu.enqueue_indirect_dma source(%dma_start3A_115 : memref<1x200x64xf32, #tpu.memory_space<vmem>>) target(%dma_start3A_123 : memref<1x10000x64xf32, #tpu.memory_space<vmem_shared>>) offsets(%dma_start3A_119 : memref<1x200xi32, #tpu.memory_space<vmem>>) semaphore(%arg13 : memref<!tpu.dma_semaphore, #tpu.memory_space<semaphore_mem>>) {add = true}
      %mul3A_124 = arith.constant 2 : i32
      %mul3A_125 = arith.muli %mul3A_124, %scan3A_76 : i32
      %add3A_126 = arith.constant 1 : i32
      %add3A_127 = arith.addi %mul3A_125, %add3A_126 : i32
      %ge3A_128 = arith.constant 2 : i32
      %ge3A_129 = arith.cmpi sge, %add3A_127, %ge3A_128 : i32
      %convert_element_type3A_130 = arith.extui %ge3A_129 : i1 to i32
      %cond3A_131 = arith.constant 0 : i32
      %cond3A_132 = arith.cmpi ne, %convert_element_type3A_130, %cond3A_131 : i32
      scf.if %cond3A_132 {
        %sub3A = arith.constant 2 : i32
        %sub3A_175 = arith.subi %add3A_127, %sub3A : i32
        %dma_wait3A_176 = arith.constant 1 : i32
        %dma_wait3A_177 = arith.constant 0 : i32
        %dma_wait3A_178 = arith.constant 0 : i32
        %dma_wait3A_179 = arith.constant 0 : i32
        %dma_wait3A_180 = tpu.memref_slice %arg6[%dma_wait3A_176, %dma_wait3A_177, %dma_wait3A_178, %dma_wait3A_179] : memref<2x1x200x64xf32, #tpu.memory_space<vmem>> -> memref<1x1x200x64xf32, #tpu.memory_space<vmem>>
        %dma_wait3A_181 = tpu.memref_squeeze %dma_wait3A_180 : memref<1x1x200x64xf32, #tpu.memory_space<vmem>> -> memref<1x200x64xf32, #tpu.memory_space<vmem>>
        %dma_wait3A_182 = arith.constant 0 : i32
        %dma_wait3A_183 = arith.constant 0 : i32
        %dma_wait3A_184 = tpu.memref_slice %arg8[%sub3A_175, %dma_wait3A_182, %dma_wait3A_183] : memref<50x1x200xi32, #tpu.memory_space<vmem>> -> memref<1x1x200xi32, #tpu.memory_space<vmem>>
        %dma_wait3A_185 = tpu.memref_squeeze %dma_wait3A_184 : memref<1x1x200xi32, #tpu.memory_space<vmem>> -> memref<1x200xi32, #tpu.memory_space<vmem>>
        %dma_wait3A_186 = arith.constant 0 : i32
        %dma_wait3A_187 = arith.constant 0 : i32
        %dma_wait3A_188 = arith.constant 0 : i32
        %dma_wait3A_189 = tpu.memref_slice %arg9[%dma_wait3A_186, %dma_wait3A_187, %dma_wait3A_188] : memref<1x10000x64xf32, #tpu.memory_space<vmem_shared>> -> memref<1x10000x64xf32, #tpu.memory_space<vmem_shared>>
        tpu.wait_indirect_dma semaphore(%arg14 : memref<!tpu.dma_semaphore, #tpu.memory_space<semaphore_mem>>) src(%dma_wait3A_181 : memref<1x200x64xf32, #tpu.memory_space<vmem>>) dst(%dma_wait3A_189 : memref<1x10000x64xf32, #tpu.memory_space<vmem_shared>>)
      } else {
      }
      %dma_start3A_133 = arith.constant 1 : i32
      %dma_start3A_134 = arith.constant 0 : i32
      %dma_start3A_135 = arith.constant 0 : i32
      %dma_start3A_136 = arith.constant 0 : i32
      %dma_start3A_137 = tpu.memref_slice %arg6[%dma_start3A_133, %dma_start3A_134, %dma_start3A_135, %dma_start3A_136] : memref<2x1x200x64xf32, #tpu.memory_space<vmem>> -> memref<1x1x200x64xf32, #tpu.memory_space<vmem>>
      %dma_start3A_138 = tpu.memref_squeeze %dma_start3A_137 : memref<1x1x200x64xf32, #tpu.memory_space<vmem>> -> memref<1x200x64xf32, #tpu.memory_space<vmem>>
      %dma_start3A_139 = arith.constant 0 : i32
      %dma_start3A_140 = arith.constant 0 : i32
      %dma_start3A_141 = tpu.memref_slice %arg7[%add3A_127, %dma_start3A_139, %dma_start3A_140] : memref<50x1x200xi32, #tpu.memory_space<vmem>> -> memref<1x1x200xi32, #tpu.memory_space<vmem>>
      %dma_start3A_142 = tpu.memref_squeeze %dma_start3A_141 : memref<1x1x200xi32, #tpu.memory_space<vmem>> -> memref<1x200xi32, #tpu.memory_space<vmem>>
      %dma_start3A_143 = arith.constant 0 : i32
      %dma_start3A_144 = arith.constant 0 : i32
      %dma_start3A_145 = arith.constant 0 : i32
      %dma_start3A_146 = tpu.memref_slice %arg10[%dma_start3A_143, %dma_start3A_144, %dma_start3A_145] : memref<1x10000x64xf32, #tpu.memory_space<vmem_shared>> -> memref<1x10000x64xf32, #tpu.memory_space<vmem_shared>>
      tpu.enqueue_indirect_dma source(%dma_start3A_146 : memref<1x10000x64xf32, #tpu.memory_space<vmem_shared>>) target(%dma_start3A_138 : memref<1x200x64xf32, #tpu.memory_space<vmem>>) offsets(%dma_start3A_142 : memref<1x200xi32, #tpu.memory_space<vmem>>) semaphore(%arg12 : memref<!tpu.dma_semaphore, #tpu.memory_space<semaphore_mem>>)
      %dma_wait3A_147 = arith.constant 1 : i32
      %dma_wait3A_148 = arith.constant 0 : i32
      %dma_wait3A_149 = arith.constant 0 : i32
      %dma_wait3A_150 = arith.constant 0 : i32
      %dma_wait3A_151 = tpu.memref_slice %arg6[%dma_wait3A_147, %dma_wait3A_148, %dma_wait3A_149, %dma_wait3A_150] : memref<2x1x200x64xf32, #tpu.memory_space<vmem>> -> memref<1x1x200x64xf32, #tpu.memory_space<vmem>>
      %dma_wait3A_152 = tpu.memref_squeeze %dma_wait3A_151 : memref<1x1x200x64xf32, #tpu.memory_space<vmem>> -> memref<1x200x64xf32, #tpu.memory_space<vmem>>
      %dma_wait3A_153 = arith.constant 0 : i32
      %dma_wait3A_154 = arith.constant 0 : i32
      %dma_wait3A_155 = tpu.memref_slice %arg7[%add3A_127, %dma_wait3A_153, %dma_wait3A_154] : memref<50x1x200xi32, #tpu.memory_space<vmem>> -> memref<1x1x200xi32, #tpu.memory_space<vmem>>
      %dma_wait3A_156 = tpu.memref_squeeze %dma_wait3A_155 : memref<1x1x200xi32, #tpu.memory_space<vmem>> -> memref<1x200xi32, #tpu.memory_space<vmem>>
      %dma_wait3A_157 = arith.constant 0 : i32
      %dma_wait3A_158 = arith.constant 0 : i32
      %dma_wait3A_159 = arith.constant 0 : i32
      %dma_wait3A_160 = tpu.memref_slice %arg10[%dma_wait3A_157, %dma_wait3A_158, %dma_wait3A_159] : memref<1x10000x64xf32, #tpu.memory_space<vmem_shared>> -> memref<1x10000x64xf32, #tpu.memory_space<vmem_shared>>
      tpu.wait_indirect_dma semaphore(%arg12 : memref<!tpu.dma_semaphore, #tpu.memory_space<semaphore_mem>>) src(%dma_wait3A_160 : memref<1x10000x64xf32, #tpu.memory_space<vmem_shared>>) dst(%dma_wait3A_152 : memref<1x200x64xf32, #tpu.memory_space<vmem>>)
      %dma_start3A_161 = arith.constant 1 : i32
      %dma_start3A_162 = arith.constant 0 : i32
      %dma_start3A_163 = arith.constant 0 : i32
      %dma_start3A_164 = arith.constant 0 : i32
      %dma_start3A_165 = tpu.memref_slice %arg6[%dma_start3A_161, %dma_start3A_162, %dma_start3A_163, %dma_start3A_164] : memref<2x1x200x64xf32, #tpu.memory_space<vmem>> -> memref<1x1x200x64xf32, #tpu.memory_space<vmem>>
      %dma_start3A_166 = tpu.memref_squeeze %dma_start3A_165 : memref<1x1x200x64xf32, #tpu.memory_space<vmem>> -> memref<1x200x64xf32, #tpu.memory_space<vmem>>
      %dma_start3A_167 = arith.constant 0 : i32
      %dma_start3A_168 = arith.constant 0 : i32
      %dma_start3A_169 = tpu.memref_slice %arg8[%add3A_127, %dma_start3A_167, %dma_start3A_168] : memref<50x1x200xi32, #tpu.memory_space<vmem>> -> memref<1x1x200xi32, #tpu.memory_space<vmem>>
      %dma_start3A_170 = tpu.memref_squeeze %dma_start3A_169 : memref<1x1x200xi32, #tpu.memory_space<vmem>> -> memref<1x200xi32, #tpu.memory_space<vmem>>
      %dma_start3A_171 = arith.constant 0 : i32
      %dma_start3A_172 = arith.constant 0 : i32
      %dma_start3A_173 = arith.constant 0 : i32
      %dma_start3A_174 = tpu.memref_slice %arg9[%dma_start3A_171, %dma_start3A_172, %dma_start3A_173] : memref<1x10000x64xf32, #tpu.memory_space<vmem_shared>> -> memref<1x10000x64xf32, #tpu.memory_space<vmem_shared>>
      tpu.enqueue_indirect_dma source(%dma_start3A_166 : memref<1x200x64xf32, #tpu.memory_space<vmem>>) target(%dma_start3A_174 : memref<1x10000x64xf32, #tpu.memory_space<vmem_shared>>) offsets(%dma_start3A_170 : memref<1x200xi32, #tpu.memory_space<vmem>>) semaphore(%arg14 : memref<!tpu.dma_semaphore, #tpu.memory_space<semaphore_mem>>) {add = true}
    }
    %scan3A_42 = arith.constant 25 : i32
    %dma_wait3A = arith.constant 0 : i32
    %dma_wait3A_43 = arith.constant 48 : i32
    %dma_wait3A_44 = arith.constant 0 : i32
    %dma_wait3A_45 = arith.constant 0 : i32
    %dma_wait3A_46 = arith.constant 0 : i32
    %dma_wait3A_47 = tpu.memref_slice %arg6[%dma_wait3A, %dma_wait3A_44, %dma_wait3A_45, %dma_wait3A_46] : memref<2x1x200x64xf32, #tpu.memory_space<vmem>> -> memref<1x1x200x64xf32, #tpu.memory_space<vmem>>
    %dma_wait3A_48 = tpu.memref_squeeze %dma_wait3A_47 : memref<1x1x200x64xf32, #tpu.memory_space<vmem>> -> memref<1x200x64xf32, #tpu.memory_space<vmem>>
    %dma_wait3A_49 = arith.constant 0 : i32
    %dma_wait3A_50 = arith.constant 0 : i32
    %dma_wait3A_51 = tpu.memref_slice %arg8[%dma_wait3A_43, %dma_wait3A_49, %dma_wait3A_50] : memref<50x1x200xi32, #tpu.memory_space<vmem>> -> memref<1x1x200xi32, #tpu.memory_space<vmem>>
    %dma_wait3A_52 = tpu.memref_squeeze %dma_wait3A_51 : memref<1x1x200xi32, #tpu.memory_space<vmem>> -> memref<1x200xi32, #tpu.memory_space<vmem>>
    %dma_wait3A_53 = arith.constant 0 : i32
    %dma_wait3A_54 = arith.constant 0 : i32
    %dma_wait3A_55 = arith.constant 0 : i32
    %dma_wait3A_56 = tpu.memref_slice %arg9[%dma_wait3A_53, %dma_wait3A_54, %dma_wait3A_55] : memref<1x10000x64xf32, #tpu.memory_space<vmem_shared>> -> memref<1x10000x64xf32, #tpu.memory_space<vmem_shared>>
    tpu.wait_indirect_dma semaphore(%arg13 : memref<!tpu.dma_semaphore, #tpu.memory_space<semaphore_mem>>) src(%dma_wait3A_48 : memref<1x200x64xf32, #tpu.memory_space<vmem>>) dst(%dma_wait3A_56 : memref<1x10000x64xf32, #tpu.memory_space<vmem_shared>>)
    %dma_wait3A_57 = arith.constant 1 : i32
    %dma_wait3A_58 = arith.constant 49 : i32
    %dma_wait3A_59 = arith.constant 0 : i32
    %dma_wait3A_60 = arith.constant 0 : i32
    %dma_wait3A_61 = arith.constant 0 : i32
    %dma_wait3A_62 = tpu.memref_slice %arg6[%dma_wait3A_57, %dma_wait3A_59, %dma_wait3A_60, %dma_wait3A_61] : memref<2x1x200x64xf32, #tpu.memory_space<vmem>> -> memref<1x1x200x64xf32, #tpu.memory_space<vmem>>
    %dma_wait3A_63 = tpu.memref_squeeze %dma_wait3A_62 : memref<1x1x200x64xf32, #tpu.memory_space<vmem>> -> memref<1x200x64xf32, #tpu.memory_space<vmem>>
    %dma_wait3A_64 = arith.constant 0 : i32
    %dma_wait3A_65 = arith.constant 0 : i32
    %dma_wait3A_66 = tpu.memref_slice %arg8[%dma_wait3A_58, %dma_wait3A_64, %dma_wait3A_65] : memref<50x1x200xi32, #tpu.memory_space<vmem>> -> memref<1x1x200xi32, #tpu.memory_space<vmem>>
    %dma_wait3A_67 = tpu.memref_squeeze %dma_wait3A_66 : memref<1x1x200xi32, #tpu.memory_space<vmem>> -> memref<1x200xi32, #tpu.memory_space<vmem>>
    %dma_wait3A_68 = arith.constant 0 : i32
    %dma_wait3A_69 = arith.constant 0 : i32
    %dma_wait3A_70 = arith.constant 0 : i32
    %dma_wait3A_71 = tpu.memref_slice %arg9[%dma_wait3A_68, %dma_wait3A_69, %dma_wait3A_70] : memref<1x10000x64xf32, #tpu.memory_space<vmem_shared>> -> memref<1x10000x64xf32, #tpu.memory_space<vmem_shared>>
    tpu.wait_indirect_dma semaphore(%arg14 : memref<!tpu.dma_semaphore, #tpu.memory_space<semaphore_mem>>) src(%dma_wait3A_63 : memref<1x200x64xf32, #tpu.memory_space<vmem>>) dst(%dma_wait3A_71 : memref<1x10000x64xf32, #tpu.memory_space<vmem_shared>>)
    %barrier3A_72 = arith.constant 0 : index
    tpu.barrier barrier_id(%barrier3A_72)
    %mul3A_73 = arith.constant 625 : i32
    %mul3A_74 = arith.muli %arg1, %mul3A_73 : i32
    %run_scoped3A_75 = arith.constant 0 : i32
    "tpu.region"() ({
      %run_scoped3A_76 = tpu.sem_alloc : memref<!tpu.dma_semaphore, #tpu.memory_space<semaphore_mem>>
      %dma_start3A = arith.constant 0 : i32
      %dma_start3A_77 = tpu.memref_slice %arg5[%arg0, %mul3A_74, %dma_start3A] : memref<2x10000x64xf32, #tpu.memory_space<hbm>> -> memref<1x625x64xf32, #tpu.memory_space<hbm>>
      %dma_start3A_78 = tpu.memref_squeeze %dma_start3A_77 : memref<1x625x64xf32, #tpu.memory_space<hbm>> -> memref<625x64xf32, #tpu.memory_space<hbm>>
      %dma_start3A_79 = arith.constant 0 : i32
      %dma_start3A_80 = tpu.memref_slice %arg9[%run_scoped3A_75, %mul3A_74, %dma_start3A_79] : memref<1x10000x64xf32, #tpu.memory_space<vmem_shared>> -> memref<1x625x64xf32, #tpu.memory_space<vmem_shared>>
      %dma_start3A_81 = tpu.memref_squeeze %dma_start3A_80 : memref<1x625x64xf32, #tpu.memory_space<vmem_shared>> -> memref<625x64xf32, #tpu.memory_space<vmem_shared>>
      tpu.enqueue_dma source(%dma_start3A_81 : memref<625x64xf32, #tpu.memory_space<vmem_shared>>) target(%dma_start3A_78 : memref<625x64xf32, #tpu.memory_space<hbm>>) target_semaphore(%run_scoped3A_76 : memref<!tpu.dma_semaphore, #tpu.memory_space<semaphore_mem>>)
      %dma_wait3A_82 = arith.constant 0 : i32
      %dma_wait3A_83 = tpu.memref_slice %arg5[%arg0, %mul3A_74, %dma_wait3A_82] : memref<2x10000x64xf32, #tpu.memory_space<hbm>> -> memref<1x625x64xf32, #tpu.memory_space<hbm>>
      %dma_wait3A_84 = tpu.memref_squeeze %dma_wait3A_83 : memref<1x625x64xf32, #tpu.memory_space<hbm>> -> memref<625x64xf32, #tpu.memory_space<hbm>>
      %dma_wait3A_85 = arith.constant 0 : i32
      %dma_wait3A_86 = tpu.memref_slice %arg9[%run_scoped3A_75, %mul3A_74, %dma_wait3A_85] : memref<1x10000x64xf32, #tpu.memory_space<vmem_shared>> -> memref<1x625x64xf32, #tpu.memory_space<vmem_shared>>
      %dma_wait3A_87 = tpu.memref_squeeze %dma_wait3A_86 : memref<1x625x64xf32, #tpu.memory_space<vmem_shared>> -> memref<625x64xf32, #tpu.memory_space<vmem_shared>>
      tpu.wait_dma2 semaphore(%run_scoped3A_76 : memref<!tpu.dma_semaphore, #tpu.memory_space<semaphore_mem>>) src(%dma_wait3A_87 : memref<625x64xf32, #tpu.memory_space<vmem_shared>>) dst(%dma_wait3A_84 : memref<625x64xf32, #tpu.memory_space<hbm>>)
      tpu.yield
    }) : () -> ()
    return
  }
}

module attributes {stable_mosaic.version = 14 : i64} {
  func.func @_prep_body(%arg0: i32, %arg1: memref<2x1000x16xf32, #tpu.memory_space<vmem>>, %arg2: memref<1000x128xf32, #tpu.memory_space<vmem>>, %arg3: memref<128x64xf32, #tpu.memory_space<vmem>>, %arg4: memref<1000x64xf32, #tpu.memory_space<vmem>>, %arg5: memref<1000x64xf32, #tpu.memory_space<vmem>>) attributes {dimension_semantics = [#tpu.dimension_semantics<arbitrary>], iteration_bounds = array<i64: 10>, scalar_prefetch = 0 : i64, scratch_operands = 0 : i64, tpu.core_type = #tpu.core_type<tc>, window_params = [{transform_indices = @transform_0, window_bounds = array<i64: 2, 1000, 16>}, {transform_indices = @transform_1, window_bounds = array<i64: 1000, 128>}, {pipeline_mode = #tpu.pipeline_mode<synchronous>, transform_indices = @transform_2, window_bounds = array<i64: 128, 64>}, {transform_indices = @transform_3, window_bounds = array<i64: 1000, 64>}, {transform_indices = @transform_4, window_bounds = array<i64: 1000, 64>}]} {
    %get3A = arith.constant 0 : index
    %get3A_0 = arith.constant 0 : index
    %get3A_1 = arith.constant 0 : index
    %get3A_2 = vector.load %arg1[%get3A, %get3A_0, %get3A_1] : memref<2x1000x16xf32, #tpu.memory_space<vmem>>, vector<1x1000x1xf32>
    %get3A_3 = vector.shape_cast %get3A_2 : vector<1x1000x1xf32> to vector<1000xf32>
    %get3A_4 = arith.constant 1 : index
    %get3A_5 = arith.constant 0 : index
    %get3A_6 = arith.constant 0 : index
    %get3A_7 = vector.load %arg1[%get3A_4, %get3A_5, %get3A_6] : memref<2x1000x16xf32, #tpu.memory_space<vmem>>, vector<1x1000x1xf32>
    %get3A_8 = vector.shape_cast %get3A_7 : vector<1x1000x1xf32> to vector<1000xf32>
    %add3A = arith.addf %get3A_3, %get3A_8 : vector<1000xf32>
    %add3A_9 = arith.constant 1.000000e+00 : f32
    %add3A_10 = vector.broadcast %add3A_9 : f32 to vector<1000xf32>
    %add3A_11 = arith.addf %add3A, %add3A_10 : vector<1000xf32>
    %rsqrt3A = math.rsqrt %add3A_11 : vector<1000xf32>
    %broadcast_in_dim3A = vector.shape_cast %rsqrt3A : vector<1000xf32> to vector<1000x1xf32>
    %broadcast_in_dim3A_12 = vector.shape_cast %broadcast_in_dim3A : vector<1000x1xf32> to vector<1000x1xf32>
    %broadcast_in_dim3A_13 = vector.broadcast %broadcast_in_dim3A_12 : vector<1000x1xf32> to vector<1000x64xf32>
    %swap3A = arith.constant 0 : index
    %swap3A_14 = arith.constant 0 : index
    %swap3A_15 = vector.load %arg4[%swap3A, %swap3A_14] : memref<1000x64xf32, #tpu.memory_space<vmem>>, vector<1000x64xf32>
    tpu.vector_store %arg4[%swap3A, %swap3A_14], %broadcast_in_dim3A_13 {strides = array<i32>} : memref<1000x64xf32, #tpu.memory_space<vmem>>, vector<1000x64xf32>,
    %get3A_16 = arith.constant 0 : index
    %get3A_17 = arith.constant 0 : index
    %get3A_18 = vector.load %arg2[%get3A_16, %get3A_17] : memref<1000x128xf32, #tpu.memory_space<vmem>>, vector<1000x128xf32>
    %get3A_19 = arith.constant 0 : index
    %get3A_20 = arith.constant 0 : index
    %get3A_21 = vector.load %arg3[%get3A_19, %get3A_20] : memref<128x64xf32, #tpu.memory_space<vmem>>, vector<128x64xf32>
    %dot_general3A = arith.constant dense<0.000000e+00> : vector<1000x64xf32>
    %dot_general3A_22 = tpu.matmul %get3A_18, %get3A_21, %dot_general3A {dimension_numbers = #tpu.dot_dimension_numbers<[1], [0], [0], [1], [0, 0, 1, 1], [], []>, transpose_lhs_hint = false} : vector<1000x128xf32>, vector<128x64xf32>, vector<1000x64xf32> -> vector<1000x64xf32>
    %mul3A = arith.mulf %broadcast_in_dim3A_13, %dot_general3A_22 : vector<1000x64xf32>
    %swap3A_23 = arith.constant 0 : index
    %swap3A_24 = arith.constant 0 : index
    %swap3A_25 = vector.load %arg5[%swap3A_23, %swap3A_24] : memref<1000x64xf32, #tpu.memory_space<vmem>>, vector<1000x64xf32>
    tpu.vector_store %arg5[%swap3A_23, %swap3A_24], %mul3A {strides = array<i32>} : memref<1000x64xf32, #tpu.memory_space<vmem>>, vector<1000x64xf32>,
    return
  }
  func.func @transform_0(%arg0: i32) -> (i32, i32, i32) {
    %c0_i32 = arith.constant 0 : i32
    %c0_i32_0 = arith.constant 0 : i32
    %c0_i32_1 = arith.constant 0 : i32
    return %c0_i32, %arg0, %c0_i32_0 : i32, i32, i32
  }
  func.func @transform_1(%arg0: i32) -> (i32, i32) {
    %c0_i32 = arith.constant 0 : i32
    %c0_i32_0 = arith.constant 0 : i32
    return %arg0, %c0_i32 : i32, i32
  }
  func.func @transform_2(%arg0: i32) -> (i32, i32) {
    %c0_i32 = arith.constant 0 : i32
    %c0_i32_0 = arith.constant 0 : i32
    %c0_i32_1 = arith.constant 0 : i32
    return %c0_i32, %c0_i32_0 : i32, i32
  }
  func.func @transform_3(%arg0: i32) -> (i32, i32) {
    %c0_i32 = arith.constant 0 : i32
    %c0_i32_0 = arith.constant 0 : i32
    return %arg0, %c0_i32 : i32, i32
  }
  func.func @transform_4(%arg0: i32) -> (i32, i32) {
    %c0_i32 = arith.constant 0 : i32
    %c0_i32_0 = arith.constant 0 : i32
    return %arg0, %c0_i32 : i32, i32
  }
}

module attributes {stable_mosaic.version = 14 : i64} {
  func.func @_layer_body(%arg0: i32, %arg1: memref<2x1000x64xf32, #tpu.memory_space<vmem>>, %arg2: memref<1000x64xf32, #tpu.memory_space<vmem>>, %arg3: memref<1000x64xf32, #tpu.memory_space<vmem>>, %arg4: memref<1x64xf32, #tpu.memory_space<vmem>>, %arg5: memref<64x64xf32, #tpu.memory_space<vmem>>, %arg6: memref<1x64xf32, #tpu.memory_space<vmem>>, %arg7: memref<64x64xf32, #tpu.memory_space<vmem>>, %arg8: memref<1000x64xf32, #tpu.memory_space<vmem>>, %arg9: memref<1000x64xf32, #tpu.memory_space<vmem>>) attributes {dimension_semantics = [#tpu.dimension_semantics<arbitrary>], iteration_bounds = array<i64: 10>, scalar_prefetch = 0 : i64, scratch_operands = 0 : i64, tpu.core_type = #tpu.core_type<tc>, window_params = [{transform_indices = @transform_0, window_bounds = array<i64: 2, 1000, 64>}, {transform_indices = @transform_1, window_bounds = array<i64: 1000, 64>}, {transform_indices = @transform_2, window_bounds = array<i64: 1000, 64>}, {pipeline_mode = #tpu.pipeline_mode<synchronous>, transform_indices = @transform_3, window_bounds = array<i64: 1, 64>}, {pipeline_mode = #tpu.pipeline_mode<synchronous>, transform_indices = @transform_4, window_bounds = array<i64: 64, 64>}, {pipeline_mode = #tpu.pipeline_mode<synchronous>, transform_indices = @transform_5, window_bounds = array<i64: 1, 64>}, {pipeline_mode = #tpu.pipeline_mode<synchronous>, transform_indices = @transform_6, window_bounds = array<i64: 64, 64>}, {transform_indices = @transform_7, window_bounds = array<i64: 1000, 64>}, {transform_indices = @transform_8, window_bounds = array<i64: 1000, 64>}]} {
    %get3A = arith.constant 0 : index
    %get3A_0 = arith.constant 0 : index
    %get3A_1 = arith.constant 0 : index
    %get3A_2 = vector.load %arg1[%get3A, %get3A_0, %get3A_1] : memref<2x1000x64xf32, #tpu.memory_space<vmem>>, vector<1x1000x64xf32>
    %get3A_3 = vector.shape_cast %get3A_2 : vector<1x1000x64xf32> to vector<1000x64xf32>
    %get3A_4 = arith.constant 1 : index
    %get3A_5 = arith.constant 0 : index
    %get3A_6 = arith.constant 0 : index
    %get3A_7 = vector.load %arg1[%get3A_4, %get3A_5, %get3A_6] : memref<2x1000x64xf32, #tpu.memory_space<vmem>>, vector<1x1000x64xf32>
    %get3A_8 = vector.shape_cast %get3A_7 : vector<1x1000x64xf32> to vector<1000x64xf32>
    %add3A = arith.addf %get3A_3, %get3A_8 : vector<1000x64xf32>
    %get3A_9 = arith.constant 0 : index
    %get3A_10 = arith.constant 0 : index
    %get3A_11 = vector.load %arg2[%get3A_9, %get3A_10] : memref<1000x64xf32, #tpu.memory_space<vmem>>, vector<1000x64xf32>
    %add3A_12 = arith.addf %add3A, %get3A_11 : vector<1000x64xf32>
    %get3A_13 = arith.constant 0 : index
    %get3A_14 = arith.constant 0 : index
    %get3A_15 = vector.load %arg3[%get3A_13, %get3A_14] : memref<1000x64xf32, #tpu.memory_space<vmem>>, vector<1000x64xf32>
    %mul3A = arith.mulf %get3A_15, %add3A_12 : vector<1000x64xf32>
    %get3A_16 = arith.constant 0 : index
    %get3A_17 = arith.constant 0 : index
    %get3A_18 = vector.load %arg4[%get3A_16, %get3A_17] : memref<1x64xf32, #tpu.memory_space<vmem>>, vector<1x64xf32>
    %add3A_19 = vector.broadcast %get3A_18 : vector<1x64xf32> to vector<1000x64xf32>
    %add3A_20 = arith.addf %mul3A, %add3A_19 : vector<1000x64xf32>
    %get3A_21 = arith.constant 0 : index
    %get3A_22 = arith.constant 0 : index
    %get3A_23 = vector.load %arg5[%get3A_21, %get3A_22] : memref<64x64xf32, #tpu.memory_space<vmem>>, vector<64x64xf32>
    %dot_general3A = arith.constant dense<0.000000e+00> : vector<1000x64xf32>
    %dot_general3A_24 = tpu.matmul %add3A_20, %get3A_23, %dot_general3A {dimension_numbers = #tpu.dot_dimension_numbers<[1], [0], [0], [1], [0, 0, 1, 1], [], []>, transpose_lhs_hint = false} : vector<1000x64xf32>, vector<64x64xf32>, vector<1000x64xf32> -> vector<1000x64xf32>
    %get3A_25 = arith.constant 0 : index
    %get3A_26 = arith.constant 0 : index
    %get3A_27 = vector.load %arg6[%get3A_25, %get3A_26] : memref<1x64xf32, #tpu.memory_space<vmem>>, vector<1x64xf32>
    %add3A_28 = vector.broadcast %get3A_27 : vector<1x64xf32> to vector<1000x64xf32>
    %add3A_29 = arith.addf %dot_general3A_24, %add3A_28 : vector<1000x64xf32>
    %max3A = arith.constant 0.000000e+00 : f32
    %max3A_30 = vector.broadcast %max3A : f32 to vector<1000x64xf32>
    %max3A_31 = arith.maximumf %add3A_29, %max3A_30 : vector<1000x64xf32>
    %swap3A = arith.constant 0 : index
    %swap3A_32 = arith.constant 0 : index
    %swap3A_33 = vector.load %arg8[%swap3A, %swap3A_32] : memref<1000x64xf32, #tpu.memory_space<vmem>>, vector<1000x64xf32>
    tpu.vector_store %arg8[%swap3A, %swap3A_32], %max3A_31 {strides = array<i32>} : memref<1000x64xf32, #tpu.memory_space<vmem>>, vector<1000x64xf32>,
    %get3A_34 = arith.constant 0 : index
    %get3A_35 = arith.constant 0 : index
    %get3A_36 = vector.load %arg3[%get3A_34, %get3A_35] : memref<1000x64xf32, #tpu.memory_space<vmem>>, vector<1000x64xf32>
    %get3A_37 = arith.constant 0 : index
    %get3A_38 = arith.constant 0 : index
    %get3A_39 = vector.load %arg7[%get3A_37, %get3A_38] : memref<64x64xf32, #tpu.memory_space<vmem>>, vector<64x64xf32>
    %dot_general3A_40 = arith.constant dense<0.000000e+00> : vector<1000x64xf32>
    %dot_general3A_41 = tpu.matmul %max3A_31, %get3A_39, %dot_general3A_40 {dimension_numbers = #tpu.dot_dimension_numbers<[1], [0], [0], [1], [0, 0, 1, 1], [], []>, transpose_lhs_hint = false} : vector<1000x64xf32>, vector<64x64xf32>, vector<1000x64xf32> -> vector<1000x64xf32>
    %mul3A_42 = arith.mulf %get3A_36, %dot_general3A_41 : vector<1000x64xf32>
    %swap3A_43 = arith.constant 0 : index
    %swap3A_44 = arith.constant 0 : index
    %swap3A_45 = vector.load %arg9[%swap3A_43, %swap3A_44] : memref<1000x64xf32, #tpu.memory_space<vmem>>, vector<1000x64xf32>
    tpu.vector_store %arg9[%swap3A_43, %swap3A_44], %mul3A_42 {strides = array<i32>} : memref<1000x64xf32, #tpu.memory_space<vmem>>, vector<1000x64xf32>,
    return
  }
  func.func @transform_0(%arg0: i32) -> (i32, i32, i32) {
    %c0_i32 = arith.constant 0 : i32
    %c0_i32_0 = arith.constant 0 : i32
    %c0_i32_1 = arith.constant 0 : i32
    return %c0_i32, %arg0, %c0_i32_0 : i32, i32, i32
  }
  func.func @transform_1(%arg0: i32) -> (i32, i32) {
    %c0_i32 = arith.constant 0 : i32
    %c0_i32_0 = arith.constant 0 : i32
    return %arg0, %c0_i32 : i32, i32
  }
  func.func @transform_2(%arg0: i32) -> (i32, i32) {
    %c0_i32 = arith.constant 0 : i32
    %c0_i32_0 = arith.constant 0 : i32
    return %arg0, %c0_i32 : i32, i32
  }
  func.func @transform_3(%arg0: i32) -> (i32, i32) {
    %c0_i32 = arith.constant 0 : i32
    %c0_i32_0 = arith.constant 0 : i32
    %c0_i32_1 = arith.constant 0 : i32
    return %c0_i32, %c0_i32_0 : i32, i32
  }
  func.func @transform_4(%arg0: i32) -> (i32, i32) {
    %c0_i32 = arith.constant 0 : i32
    %c0_i32_0 = arith.constant 0 : i32
    %c0_i32_1 = arith.constant 0 : i32
    return %c0_i32, %c0_i32_0 : i32, i32
  }
  func.func @transform_5(%arg0: i32) -> (i32, i32) {
    %c0_i32 = arith.constant 0 : i32
    %c0_i32_0 = arith.constant 0 : i32
    %c0_i32_1 = arith.constant 0 : i32
    return %c0_i32, %c0_i32_0 : i32, i32
  }
  func.func @transform_6(%arg0: i32) -> (i32, i32) {
    %c0_i32 = arith.constant 0 : i32
    %c0_i32_0 = arith.constant 0 : i32
    %c0_i32_1 = arith.constant 0 : i32
    return %c0_i32, %c0_i32_0 : i32, i32
  }
  func.func @transform_7(%arg0: i32) -> (i32, i32) {
    %c0_i32 = arith.constant 0 : i32
    %c0_i32_0 = arith.constant 0 : i32
    return %arg0, %c0_i32 : i32, i32
  }
  func.func @transform_8(%arg0: i32) -> (i32, i32) {
    %c0_i32 = arith.constant 0 : i32
    %c0_i32_0 = arith.constant 0 : i32
    return %arg0, %c0_i32 : i32, i32
  }
}

module attributes {stable_mosaic.version = 14 : i64} {
  func.func @body(%arg0: i32, %arg1: memref<2x1000x64xf32, #tpu.memory_space<vmem>>, %arg2: memref<1000x64xf32, #tpu.memory_space<vmem>>, %arg3: memref<1000x64xf32, #tpu.memory_space<vmem>>, %arg4: memref<1x64xf32, #tpu.memory_space<vmem>>, %arg5: memref<64x64xf32, #tpu.memory_space<vmem>>, %arg6: memref<1x64xf32, #tpu.memory_space<vmem>>, %arg7: memref<1000x64xf32, #tpu.memory_space<vmem>>) attributes {dimension_semantics = [#tpu.dimension_semantics<arbitrary>], iteration_bounds = array<i64: 10>, scalar_prefetch = 0 : i64, scratch_operands = 0 : i64, tpu.core_type = #tpu.core_type<tc>, window_params = [{transform_indices = @transform_0, window_bounds = array<i64: 2, 1000, 64>}, {transform_indices = @transform_1, window_bounds = array<i64: 1000, 64>}, {transform_indices = @transform_2, window_bounds = array<i64: 1000, 64>}, {pipeline_mode = #tpu.pipeline_mode<synchronous>, transform_indices = @transform_3, window_bounds = array<i64: 1, 64>}, {pipeline_mode = #tpu.pipeline_mode<synchronous>, transform_indices = @transform_4, window_bounds = array<i64: 64, 64>}, {pipeline_mode = #tpu.pipeline_mode<synchronous>, transform_indices = @transform_5, window_bounds = array<i64: 1, 64>}, {transform_indices = @transform_6, window_bounds = array<i64: 1000, 64>}]} {
    %get3A = arith.constant 0 : index
    %get3A_0 = arith.constant 0 : index
    %get3A_1 = arith.constant 0 : index
    %get3A_2 = vector.load %arg1[%get3A, %get3A_0, %get3A_1] : memref<2x1000x64xf32, #tpu.memory_space<vmem>>, vector<1x1000x64xf32>
    %get3A_3 = vector.shape_cast %get3A_2 : vector<1x1000x64xf32> to vector<1000x64xf32>
    %get3A_4 = arith.constant 1 : index
    %get3A_5 = arith.constant 0 : index
    %get3A_6 = arith.constant 0 : index
    %get3A_7 = vector.load %arg1[%get3A_4, %get3A_5, %get3A_6] : memref<2x1000x64xf32, #tpu.memory_space<vmem>>, vector<1x1000x64xf32>
    %get3A_8 = vector.shape_cast %get3A_7 : vector<1x1000x64xf32> to vector<1000x64xf32>
    %add3A = arith.addf %get3A_3, %get3A_8 : vector<1000x64xf32>
    %get3A_9 = arith.constant 0 : index
    %get3A_10 = arith.constant 0 : index
    %get3A_11 = vector.load %arg2[%get3A_9, %get3A_10] : memref<1000x64xf32, #tpu.memory_space<vmem>>, vector<1000x64xf32>
    %add3A_12 = arith.addf %add3A, %get3A_11 : vector<1000x64xf32>
    %get3A_13 = arith.constant 0 : index
    %get3A_14 = arith.constant 0 : index
    %get3A_15 = vector.load %arg3[%get3A_13, %get3A_14] : memref<1000x64xf32, #tpu.memory_space<vmem>>, vector<1000x64xf32>
    %mul3A = arith.mulf %get3A_15, %add3A_12 : vector<1000x64xf32>
    %get3A_16 = arith.constant 0 : index
    %get3A_17 = arith.constant 0 : index
    %get3A_18 = vector.load %arg4[%get3A_16, %get3A_17] : memref<1x64xf32, #tpu.memory_space<vmem>>, vector<1x64xf32>
    %add3A_19 = vector.broadcast %get3A_18 : vector<1x64xf32> to vector<1000x64xf32>
    %add3A_20 = arith.addf %mul3A, %add3A_19 : vector<1000x64xf32>
    %get3A_21 = arith.constant 0 : index
    %get3A_22 = arith.constant 0 : index
    %get3A_23 = vector.load %arg5[%get3A_21, %get3A_22] : memref<64x64xf32, #tpu.memory_space<vmem>>, vector<64x64xf32>
    %dot_general3A = arith.constant dense<0.000000e+00> : vector<1000x64xf32>
    %dot_general3A_24 = tpu.matmul %add3A_20, %get3A_23, %dot_general3A {dimension_numbers = #tpu.dot_dimension_numbers<[1], [0], [0], [1], [0, 0, 1, 1], [], []>, transpose_lhs_hint = false} : vector<1000x64xf32>, vector<64x64xf32>, vector<1000x64xf32> -> vector<1000x64xf32>
    %get3A_25 = arith.constant 0 : index
    %get3A_26 = arith.constant 0 : index
    %get3A_27 = vector.load %arg6[%get3A_25, %get3A_26] : memref<1x64xf32, #tpu.memory_space<vmem>>, vector<1x64xf32>
    %add3A_28 = vector.broadcast %get3A_27 : vector<1x64xf32> to vector<1000x64xf32>
    %add3A_29 = arith.addf %dot_general3A_24, %add3A_28 : vector<1000x64xf32>
    %max3A = arith.constant 0.000000e+00 : f32
    %max3A_30 = vector.broadcast %max3A : f32 to vector<1000x64xf32>
    %max3A_31 = arith.maximumf %add3A_29, %max3A_30 : vector<1000x64xf32>
    %swap3A = arith.constant 0 : index
    %swap3A_32 = arith.constant 0 : index
    %swap3A_33 = vector.load %arg7[%swap3A, %swap3A_32] : memref<1000x64xf32, #tpu.memory_space<vmem>>, vector<1000x64xf32>
    tpu.vector_store %arg7[%swap3A, %swap3A_32], %max3A_31 {strides = array<i32>} : memref<1000x64xf32, #tpu.memory_space<vmem>>, vector<1000x64xf32>,
    return
  }
  func.func @transform_0(%arg0: i32) -> (i32, i32, i32) {
    %c0_i32 = arith.constant 0 : i32
    %c0_i32_0 = arith.constant 0 : i32
    %c0_i32_1 = arith.constant 0 : i32
    return %c0_i32, %arg0, %c0_i32_0 : i32, i32, i32
  }
  func.func @transform_1(%arg0: i32) -> (i32, i32) {
    %c0_i32 = arith.constant 0 : i32
    %c0_i32_0 = arith.constant 0 : i32
    return %arg0, %c0_i32 : i32, i32
  }
  func.func @transform_2(%arg0: i32) -> (i32, i32) {
    %c0_i32 = arith.constant 0 : i32
    %c0_i32_0 = arith.constant 0 : i32
    return %arg0, %c0_i32 : i32, i32
  }
  func.func @transform_3(%arg0: i32) -> (i32, i32) {
    %c0_i32 = arith.constant 0 : i32
    %c0_i32_0 = arith.constant 0 : i32
    %c0_i32_1 = arith.constant 0 : i32
    return %c0_i32, %c0_i32_0 : i32, i32
  }
  func.func @transform_4(%arg0: i32) -> (i32, i32) {
    %c0_i32 = arith.constant 0 : i32
    %c0_i32_0 = arith.constant 0 : i32
    %c0_i32_1 = arith.constant 0 : i32
    return %c0_i32, %c0_i32_0 : i32, i32
  }
  func.func @transform_5(%arg0: i32) -> (i32, i32) {
    %c0_i32 = arith.constant 0 : i32
    %c0_i32_0 = arith.constant 0 : i32
    %c0_i32_1 = arith.constant 0 : i32
    return %c0_i32, %c0_i32_0 : i32, i32
  }
  func.func @transform_6(%arg0: i32) -> (i32, i32) {
    %c0_i32 = arith.constant 0 : i32
    %c0_i32_0 = arith.constant 0 : i32
    return %arg0, %c0_i32 : i32, i32
  }
}

module attributes {stable_mosaic.version = 14 : i64} {
  func.func @_pool_body(%arg0: i32, %arg1: memref<1000x64xf32, #tpu.memory_space<vmem>>, %arg2: memref<1000x64xf32, #tpu.memory_space<vmem>>, %arg3: memref<1000x64xf32, #tpu.memory_space<vmem>>, %arg4: memref<1000x64xf32, #tpu.memory_space<vmem>>, %arg5: memref<1000x1xi32, #tpu.memory_space<vmem>>, %arg6: memref<1x64x256xf32, #tpu.memory_space<vmem>>) attributes {dimension_semantics = [#tpu.dimension_semantics<arbitrary>], iteration_bounds = array<i64: 10>, scalar_prefetch = 0 : i64, scratch_operands = 0 : i64, tpu.core_type = #tpu.core_type<tc>, window_params = [{transform_indices = @transform_0, window_bounds = array<i64: 1000, 64>}, {transform_indices = @transform_1, window_bounds = array<i64: 1000, 64>}, {transform_indices = @transform_2, window_bounds = array<i64: 1000, 64>}, {transform_indices = @transform_3, window_bounds = array<i64: 1000, 64>}, {transform_indices = @transform_4, window_bounds = array<i64: 1000, 1>}, {transform_indices = @transform_5, window_bounds = array<i64: 1, 64, 256>}]} {
    %get3A = arith.constant 0 : index
    %get3A_0 = arith.constant 0 : index
    %get3A_1 = vector.load %arg5[%get3A, %get3A_0] : memref<1000x1xi32, #tpu.memory_space<vmem>>, vector<1x1xi32>
    %get3A_2 = vector.extract %get3A_1[0, 0] : i32 from vector<1x1xi32>
    %get3A_3 = arith.constant 999 : index
    %get3A_4 = arith.constant 0 : index
    %get3A_5 = vector.load %arg5[%get3A_3, %get3A_4] : memref<1000x1xi32, #tpu.memory_space<vmem>>, vector<1x1xi32>
    %get3A_6 = vector.extract %get3A_5[0, 0] : i32 from vector<1x1xi32>
    %get3A_7 = arith.constant 0 : index
    %get3A_8 = arith.constant 0 : index
    %get3A_9 = vector.load %arg5[%get3A_7, %get3A_8] : memref<1000x1xi32, #tpu.memory_space<vmem>>, vector<1000x1xi32>
    %get3A_10 = arith.constant 0 : index
    %get3A_11 = arith.constant 0 : index
    %get3A_12 = vector.load %arg1[%get3A_10, %get3A_11] : memref<1000x64xf32, #tpu.memory_space<vmem>>, vector<1000x64xf32>
    %get3A_13 = arith.constant 0 : index
    %get3A_14 = arith.constant 0 : index
    %get3A_15 = vector.load %arg2[%get3A_13, %get3A_14] : memref<1000x64xf32, #tpu.memory_space<vmem>>, vector<1000x64xf32>
    %get3A_16 = arith.constant 0 : index
    %get3A_17 = arith.constant 0 : index
    %get3A_18 = vector.load %arg3[%get3A_16, %get3A_17] : memref<1000x64xf32, #tpu.memory_space<vmem>>, vector<1000x64xf32>
    %get3A_19 = arith.constant 0 : index
    %get3A_20 = arith.constant 0 : index
    %get3A_21 = vector.load %arg4[%get3A_19, %get3A_20] : memref<1000x64xf32, #tpu.memory_space<vmem>>, vector<1000x64xf32>
    %concatenate3A = tpu.concatenate %get3A_12, %get3A_15, %get3A_18, %get3A_21 in 1 : vector<1000x64xf32>, vector<1000x64xf32>, vector<1000x64xf32>, vector<1000x64xf32> -> vector<1000x256xf32>
    %iota3A = tpu.iota {dimensions = array<i32: 0>} : vector<64x256xi32>
    %add3A = arith.constant 1 : i32
    %add3A_22 = arith.addi %get3A_6, %add3A : i32
    %broadcast_in_dim3A = arith.constant 0.000000e+00 : f32
    %broadcast_in_dim3A_23 = vector.broadcast %broadcast_in_dim3A : f32 to vector<64x256xf32>
    %while3A = arith.subi %add3A_22, %get3A_2 : i32
    %while3A_24 = arith.addi %get3A_2, %while3A : i32
    %while3A_25 = arith.constant 1 : i32
    %while3A_26 = arith.divsi %while3A, %while3A_25 : i32
    %while3A_27 = arith.muli %while3A_26, %while3A_25 : i32
    %while3A_28 = arith.addi %get3A_2, %while3A_27 : i32
    %while3A_29 = arith.constant 1 : i32
    %while3A_30 = scf.for %while3A_38 = %get3A_2 to %while3A_28 step %while3A_29 iter_args(%while3A_39 = %broadcast_in_dim3A_23) -> (vector<64x256xf32>)  : i32 {
      %eq3A = vector.broadcast %while3A_38 : i32 to vector<1000x1xi32>
      %eq3A_40 = arith.cmpi eq, %get3A_9, %eq3A : vector<1000x1xi32>
      %jit3A = arith.constant 0.000000e+00 : f32
      %broadcast_in_dim3A_41 = vector.shape_cast %eq3A_40 : vector<1000x1xi1> to vector<1000x1xi1>
      %broadcast_in_dim3A_42 = vector.broadcast %broadcast_in_dim3A_41 : vector<1000x1xi1> to vector<1000x256xi1>
      %broadcast_in_dim3A_43 = vector.broadcast %jit3A : f32 to vector<1000x256xf32>
      %select_n3A = arith.select %broadcast_in_dim3A_42, %concatenate3A, %broadcast_in_dim3A_43 : vector<1000x256xi1>, vector<1000x256xf32>
      %reduce_max3A = arith.constant dense<0xFF800000> : vector<256xf32>
      %reduce_max3A_44 = vector.multi_reduction <maximumf>, %select_n3A, %reduce_max3A [0] : vector<1000x256xf32> to vector<256xf32>
      %broadcast_in_dim3A_45 = vector.shape_cast %reduce_max3A_44 : vector<256xf32> to vector<1x256xf32>
      %eq3A_46 = vector.broadcast %while3A_38 : i32 to vector<64x256xi32>
      %eq3A_47 = arith.cmpi eq, %iota3A, %eq3A_46 : vector<64x256xi32>
      %max3A = vector.broadcast %broadcast_in_dim3A_45 : vector<1x256xf32> to vector<64x256xf32>
      %max3A_48 = arith.maximumf %while3A_39, %max3A : vector<64x256xf32>
      %select_n3A_49 = arith.select %eq3A_47, %max3A_48, %while3A_39 : vector<64x256xi1>, vector<64x256xf32>
      scf.yield %select_n3A_49 : vector<64x256xf32>
    }
    %while3A_31 = arith.constant 1 : i32
    %while3A_32 = scf.for %while3A_38 = %while3A_28 to %while3A_24 step %while3A_31 iter_args(%while3A_39 = %while3A_30) -> (vector<64x256xf32>)  : i32 {
      %eq3A = vector.broadcast %while3A_38 : i32 to vector<1000x1xi32>
      %eq3A_40 = arith.cmpi eq, %get3A_9, %eq3A : vector<1000x1xi32>
      %jit3A = arith.constant 0.000000e+00 : f32
      %broadcast_in_dim3A_41 = vector.shape_cast %eq3A_40 : vector<1000x1xi1> to vector<1000x1xi1>
      %broadcast_in_dim3A_42 = vector.broadcast %broadcast_in_dim3A_41 : vector<1000x1xi1> to vector<1000x256xi1>
      %broadcast_in_dim3A_43 = vector.broadcast %jit3A : f32 to vector<1000x256xf32>
      %select_n3A = arith.select %broadcast_in_dim3A_42, %concatenate3A, %broadcast_in_dim3A_43 : vector<1000x256xi1>, vector<1000x256xf32>
      %reduce_max3A = arith.constant dense<0xFF800000> : vector<256xf32>
      %reduce_max3A_44 = vector.multi_reduction <maximumf>, %select_n3A, %reduce_max3A [0] : vector<1000x256xf32> to vector<256xf32>
      %broadcast_in_dim3A_45 = vector.shape_cast %reduce_max3A_44 : vector<256xf32> to vector<1x256xf32>
      %eq3A_46 = vector.broadcast %while3A_38 : i32 to vector<64x256xi32>
      %eq3A_47 = arith.cmpi eq, %iota3A, %eq3A_46 : vector<64x256xi32>
      %max3A = vector.broadcast %broadcast_in_dim3A_45 : vector<1x256xf32> to vector<64x256xf32>
      %max3A_48 = arith.maximumf %while3A_39, %max3A : vector<64x256xf32>
      %select_n3A_49 = arith.select %eq3A_47, %max3A_48, %while3A_39 : vector<64x256xi1>, vector<64x256xf32>
      scf.yield %select_n3A_49 : vector<64x256xf32>
    }
    %swap3A = arith.constant 0 : index
    %swap3A_33 = arith.constant 0 : index
    %swap3A_34 = arith.constant 0 : index
    %swap3A_35 = vector.load %arg6[%swap3A, %swap3A_33, %swap3A_34] : memref<1x64x256xf32, #tpu.memory_space<vmem>>, vector<1x64x256xf32>
    %swap3A_36 = vector.shape_cast %swap3A_35 : vector<1x64x256xf32> to vector<64x256xf32>
    %swap3A_37 = vector.shape_cast %while3A_32 : vector<64x256xf32> to vector<1x64x256xf32>
    tpu.vector_store %arg6[%swap3A, %swap3A_33, %swap3A_34], %swap3A_37 {strides = array<i32>} : memref<1x64x256xf32, #tpu.memory_space<vmem>>, vector<1x64x256xf32>,
    return
  }
  func.func @transform_0(%arg0: i32) -> (i32, i32) {
    %c0_i32 = arith.constant 0 : i32
    %c0_i32_0 = arith.constant 0 : i32
    return %arg0, %c0_i32 : i32, i32
  }
  func.func @transform_1(%arg0: i32) -> (i32, i32) {
    %c0_i32 = arith.constant 0 : i32
    %c0_i32_0 = arith.constant 0 : i32
    return %arg0, %c0_i32 : i32, i32
  }
  func.func @transform_2(%arg0: i32) -> (i32, i32) {
    %c0_i32 = arith.constant 0 : i32
    %c0_i32_0 = arith.constant 0 : i32
    return %arg0, %c0_i32 : i32, i32
  }
  func.func @transform_3(%arg0: i32) -> (i32, i32) {
    %c0_i32 = arith.constant 0 : i32
    %c0_i32_0 = arith.constant 0 : i32
    return %arg0, %c0_i32 : i32, i32
  }
  func.func @transform_4(%arg0: i32) -> (i32, i32) {
    %c0_i32 = arith.constant 0 : i32
    %c0_i32_0 = arith.constant 0 : i32
    return %arg0, %c0_i32 : i32, i32
  }
  func.func @transform_5(%arg0: i32) -> (i32, i32, i32) {
    %c0_i32 = arith.constant 0 : i32
    %c0_i32_0 = arith.constant 0 : i32
    %c0_i32_1 = arith.constant 0 : i32
    return %arg0, %c0_i32, %c0_i32_0 : i32, i32, i32
  }
}

module attributes {stable_mosaic.version = 14 : i64} {
  func.func @_final_body(%arg0: memref<10x64x256xf32, #tpu.memory_space<vmem>>, %arg1: memref<256x64xf32, #tpu.memory_space<vmem>>, %arg2: memref<1x64xf32, #tpu.memory_space<vmem>>, %arg3: memref<64x128xf32, #tpu.memory_space<vmem>>, %arg4: memref<1x128xf32, #tpu.memory_space<vmem>>, %arg5: memref<64x128xf32, #tpu.memory_space<vmem>>) attributes {dimension_semantics = [], scalar_prefetch = 0 : i64, scratch_operands = 0 : i64, tpu.core_type = #tpu.core_type<tc>} {
    %get3A = arith.constant 0 : index
    %get3A_0 = arith.constant 0 : index
    %get3A_1 = arith.constant 0 : index
    %get3A_2 = vector.load %arg0[%get3A, %get3A_0, %get3A_1] : memref<10x64x256xf32, #tpu.memory_space<vmem>>, vector<10x64x256xf32>
    %reduce_max3A = arith.constant dense<0xFF800000> : vector<64x256xf32>
    %reduce_max3A_3 = vector.multi_reduction <maximumf>, %get3A_2, %reduce_max3A [0] : vector<10x64x256xf32> to vector<64x256xf32>
    %get3A_4 = arith.constant 0 : index
    %get3A_5 = arith.constant 0 : index
    %get3A_6 = vector.load %arg1[%get3A_4, %get3A_5] : memref<256x64xf32, #tpu.memory_space<vmem>>, vector<256x64xf32>
    %dot_general3A = arith.constant dense<0.000000e+00> : vector<64x64xf32>
    %dot_general3A_7 = tpu.matmul %reduce_max3A_3, %get3A_6, %dot_general3A {dimension_numbers = #tpu.dot_dimension_numbers<[1], [0], [0], [1], [0, 0, 1, 1], [], []>, transpose_lhs_hint = false} : vector<64x256xf32>, vector<256x64xf32>, vector<64x64xf32> -> vector<64x64xf32>
    %get3A_8 = arith.constant 0 : index
    %get3A_9 = arith.constant 0 : index
    %get3A_10 = vector.load %arg2[%get3A_8, %get3A_9] : memref<1x64xf32, #tpu.memory_space<vmem>>, vector<1x64xf32>
    %add3A = vector.broadcast %get3A_10 : vector<1x64xf32> to vector<64x64xf32>
    %add3A_11 = arith.addf %dot_general3A_7, %add3A : vector<64x64xf32>
    %max3A = arith.constant 0.000000e+00 : f32
    %max3A_12 = vector.broadcast %max3A : f32 to vector<64x64xf32>
    %max3A_13 = arith.maximumf %add3A_11, %max3A_12 : vector<64x64xf32>
    %get3A_14 = arith.constant 0 : index
    %get3A_15 = arith.constant 0 : index
    %get3A_16 = vector.load %arg3[%get3A_14, %get3A_15] : memref<64x128xf32, #tpu.memory_space<vmem>>, vector<64x128xf32>
    %dot_general3A_17 = arith.constant dense<0.000000e+00> : vector<64x128xf32>
    %dot_general3A_18 = tpu.matmul %max3A_13, %get3A_16, %dot_general3A_17 {dimension_numbers = #tpu.dot_dimension_numbers<[1], [0], [0], [1], [0, 0, 1, 1], [], []>, transpose_lhs_hint = false} : vector<64x64xf32>, vector<64x128xf32>, vector<64x128xf32> -> vector<64x128xf32>
    %get3A_19 = arith.constant 0 : index
    %get3A_20 = arith.constant 0 : index
    %get3A_21 = vector.load %arg4[%get3A_19, %get3A_20] : memref<1x128xf32, #tpu.memory_space<vmem>>, vector<1x128xf32>
    %add3A_22 = vector.broadcast %get3A_21 : vector<1x128xf32> to vector<64x128xf32>
    %add3A_23 = arith.addf %dot_general3A_18, %add3A_22 : vector<64x128xf32>
    %swap3A = arith.constant 0 : index
    %swap3A_24 = arith.constant 0 : index
    %swap3A_25 = vector.load %arg5[%swap3A, %swap3A_24] : memref<64x128xf32, #tpu.memory_space<vmem>>, vector<64x128xf32>
    tpu.vector_store %arg5[%swap3A, %swap3A_24], %add3A_23 {strides = array<i32>} : memref<64x128xf32, #tpu.memory_space<vmem>>, vector<64x128xf32>,
    return
  }
}

</mosaic_0001>

<sc_bundles>
// kernel: kernel.14.cloned.1.call-start
scs
__scs_entry_jumppad:
0x0: {  	(pc) =	sbr.rel $0x88, $3  }
0x1: {  	(tag) =	ssettag $0x0;
	lr =	simm.s32 $0x1  }
0x2: {  	[smem:$0x3F90] =	sst lr;
	_ =	strace $0xD0000000  }
0x3: {  	_ = 	snop  }
0x4: {  	_ = 	snop  }
0x5: {  	_ = 	snop  }
0x6: {  	_ = 	snop  }
0x7: {  	_ = 	snop  }
__scs_overlays_trampoline_lowered:
0x8: {  	[smem:$0x3F9F] =	sst s0  }
0x9: {  	[smem:$0x3FA0] =	sst s1  }
0xa: {  	[smem:$0x3FA1] =	sst s2  }
0xb: {  	[smem:$0x3FA2] =	sst s3  }
0xc: {  	[smem:$0x3FA3] =	sst s4  }
0xd: {  	[smem:$0x3FA4] =	sst s5  }
0xe: {  	[smem:$0x3FA5] =	sst s6  }
0xf: {  	[smem:$0x3FA6] =	sst s7  }
0x10: {  	[smem:$0x3FA7] =	sst s8  }
0x11: {  	[smem:$0x3FA8] =	sst s9;
	s0 =	simm.s32 @!p0 $0x0  }
0x12: {  	s1 =	sld [smem:$0x3F8E];
	s0 =	simm.s32 @p0 $0x1  }
0x13: {  	[smem:$0x3FA9] =	sst s0;
	s0 =	simm.s32 @!p1 $0x0  }
0x14: {  	s2 =	sld [smem:$0x3F8D];
	s0 =	simm.s32 @p1 $0x1  }
0x15: {  	[smem:$0x3FAA] =	sst s0;
	s0 =	simm.s32 @!p2 $0x0  }
0x16: {  	s3 =	sld [smem:$0x3FDB];
	s0 =	simm.s32 @p2 $0x1  }
0x17: {  	s4 =	simm.s32 $0x1BF5;
	[smem:$0x3FAC] =	sst s0  }
0x18: {  	s0 =	sld [smem:$0x3F8F];
	_ =	swait.ge [sflag:s4], $0x0  }
0x19: {  	s7 =	sld [smem:$0x3F90]  }
0x1a: {  	s8 =	sadd.s32 $0xFFFFE003, lr  }
0x1b: {  	s9 =	sadd.s32 $0xFFFFFEF7, lr;
	s5 =	simm.s32 $0xFFFFFFFF;
	p2 =	slt.u32 s8, $0xFFFFF086  }
0x1c: {  	p1 =	slt.u32 s9, $0xF7A;
	s5 =	simm.s32 @!p2 $0x0  }
0x1d: {  	s5 =	simm.s32 @p1 $0x1;
	p0 =	seq.s32 s7, s2  }
0x1e: {  	s7 =	smul.u32 @!p0 $0xF7A, s2;
	p2 =	seq.s32 @!p0 s5, $0x0  }
0x1f: {  	s9 =	smul.u32 $0xF7A, s1;
	s8 =	simm.s32 @!p0 $0x1BF5;
	p2 =	por !p2, p0  }
0x20: {  	[sflag:s8] =	ssyncset.s32 @!p0 $0xFFFFF086;
	s6 =	sadd.s32 @!p0 s3, s7;
	s7 =	simm.s32 @!p0 $0x108  }
0x21: {  	s3 =	sadd.s32 s3, s9;
	s6 =	sadd.s32 @!p0 $0x88, s6;
	s7 =	simm.s32 @p2 $0x1082  }
0x22: {  	[simem:s7], [sflag:s8] =	dma.local @!p0 [hbm:s6], $0xF7A  }
0x23: {  	s9 =	sor.u32 $0xD0000000, s2;
	s6 =	simm.s32 $0x108;
	_ =	swait.ge @!p0 [sflag:s8], $0x0  }
0x24: {  	s3 =	sadd.s32 $0x88, s3;
	s6 =	simm.s32 @!p1 $0x1082;
	[sflag:s4] =	ssyncset.s32 $0xFFFFF086  }
0x25: {  	[simem:s6], [sflag:s4] =	dma.local [hbm:s3], $0xF7A  }
0x26: {  	[smem:$0x3F90] =	sst s1;
	(tag) =	ssettag s2;
	_ =	strace s9  }
0x27: {  	s1 =	sld [smem:$0x3FA0]  }
0x28: {  	s2 =	sld [smem:$0x3FA1]  }
0x29: {  	s4 =	sld [smem:$0x3FA3]  }
0x2a: {  	p0 =	seq.s32 s5, $0x0;
	s5 =	sld [smem:$0x3FA4]  }
0x2b: {  	s6 =	sld [smem:$0x3FA5]  }
0x2c: {  	s7 =	sld [smem:$0x3FA6]  }
0x2d: {  	s3 =	simm.s32 $0x108;
	s8 =	sld [smem:$0x3FA7]  }
0x2e: {  	s3 =	simm.s32 @!p0 $0x1082;
	s9 =	sld [smem:$0x3FA8]  }
0x2f: {  	lr =	sadd.s32 s0, s3;
	s0 =	sld [smem:$0x3F9F]  }
0x30: {  	s3 =	sld [smem:$0x3FA2]  }
0x31: {  	[smem:$0x3FAB] =	sst s10  }
0x32: {  	s10 =	sld [smem:$0x3FA9];
	_ =	sdelay $0x3  }
0x33: {  	p0 =	seq.s32 s10, $0x1;
	s10 =	sld [smem:$0x3FAB];
	_ =	sdelay $0x3  }
0x34: {  	[smem:$0x3FAB] =	sst s10  }
0x35: {  	s10 =	sld [smem:$0x3FAA];
	_ =	sdelay $0x3  }
0x36: {  	p1 =	seq.s32 s10, $0x1;
	s10 =	sld [smem:$0x3FAB];
	_ =	sdelay $0x3  }
0x37: {  	[smem:$0x3FAB] =	sst s10  }
0x38: {  	s10 =	sld [smem:$0x3FAC]  }
0x39: {  	_ = 	snop;
	(pc) =	sbr.ind lr, $3  }
0x3a: {  	_ = 	snop  }
0x3b: {  	_ = 	snop  }
0x3c: {  	p2 =	seq.s32 s10, $0x1;
	s10 =	sld [smem:$0x3FAB]  }
0x3d: {  	_ =	shalt  }
0x3e: {  	_ =	shalt  }
0x3f: {  	_ =	shalt  }
0x40: {  	_ =	shalt  }
0x41: {  	_ =	shalt  }
0x42: {  	_ =	shalt  }
0x43: {  	_ =	shalt  }
0x44: {  	_ =	shalt  }
0x45: {  	_ =	shalt  }
0x46: {  	_ =	shalt  }
0x47: {  	_ =	shalt  }
0x48: {  	_ =	shalt  }
0x49: {  	_ =	shalt  }
0x4a: {  	_ =	shalt  }
0x4b: {  	_ =	shalt  }
0x4c: {  	_ =	shalt  }
0x4d: {  	_ =	shalt  }
0x4e: {  	_ =	shalt  }
0x4f: {  	_ =	shalt  }
0x50: {  	_ =	shalt  }
0x51: {  	_ =	shalt  }
0x52: {  	_ =	shalt  }
0x53: {  	_ =	shalt  }
0x54: {  	_ =	shalt  }
0x55: {  	_ =	shalt  }
0x56: {  	_ =	shalt  }
0x57: {  	_ =	shalt  }
0x58: {  	_ =	shalt  }
0x59: {  	_ =	shalt  }
0x5a: {  	_ =	shalt  }
0x5b: {  	_ =	shalt  }
0x5c: {  	_ =	shalt  }
0x5d: {  	_ =	shalt  }
0x5e: {  	_ =	shalt  }
0x5f: {  	_ =	shalt  }
0x60: {  	_ =	shalt  }
0x61: {  	_ =	shalt  }
0x62: {  	_ =	shalt  }
0x63: {  	_ =	shalt  }
0x64: {  	_ =	shalt  }
0x65: {  	_ =	shalt  }
0x66: {  	_ =	shalt  }
0x67: {  	_ =	shalt  }
0x68: {  	_ =	shalt  }
0x69: {  	_ =	shalt  }
0x6a: {  	_ =	shalt  }
0x6b: {  	_ =	shalt  }
0x6c: {  	_ =	shalt  }
0x6d: {  	_ =	shalt  }
0x6e: {  	_ =	shalt  }
0x6f: {  	_ =	shalt  }
0x70: {  	_ =	shalt  }
0x71: {  	_ =	shalt  }
0x72: {  	_ =	shalt  }
0x73: {  	_ =	shalt  }
0x74: {  	_ =	shalt  }
0x75: {  	_ =	shalt  }
0x76: {  	_ =	shalt  }
0x77: {  	_ =	shalt  }
0x78: {  	_ =	shalt  }
0x79: {  	_ =	shalt  }
0x7a: {  	_ =	shalt  }
0x7b: {  	_ =	shalt  }
0x7c: {  	_ =	shalt  }
0x7d: {  	_ =	shalt  }
0x7e: {  	_ =	shalt  }
0x7f: {  	_ =	shalt  }
0x80: {  	_ =	shalt  }
0x81: {  	_ =	shalt  }
0x82: {  	_ =	shalt  }
0x83: {  	_ =	shalt  }
0x84: {  	_ =	shalt  }
0x85: {  	_ =	shalt  }
0x86: {  	_ =	shalt  }
0x87: {  	_ =	shalt  }
.Lfunc_end0:
.L_simem_size_0:
called_computation_lowered:
.L_overlay_start_0:
0x88: {  	s2 =	sld [smem:$0x3FD9]  }
0x89: {  	s3 =	sld [smem:$0x3FFE];
	_ =	sdelay $0x1  }
0x8a: {  	s1 =	srdreg.scid  }
0x8b: {  	s0 =	sand.u32 $0x1, s1  }
0x8c: {  	s16 =	sshll.u32 s0, $0xA;
	s2 =	sadd.s32 s3, s2  }
0x8d: {  	s2 =	sadd.s32 s2, s16  }
0x8e: {  	[smem:$0x3FB7] =	sst s2  }
0x8f: {  	_ = 	snop  }
0x90: {  	(tm) =	ssettm $0x1  }
0x91: {  	s17 =	sld [smem:$0x3FFB];
	_ =	sdelay $0x3  }
0x92: {  	_ =	strace s17  }
0x93: {  	s2 =	sld [smem:$0x3FFC];
	_ =	sdelay $0x3  }
0x94: {  	_ =	strace s2  }
0x95: {  	s2 =	sld [smem:$0x3FFD];
	_ =	sdelay $0x3  }
0x96: {  	_ =	strace s2  }
0x97: {  	_ =	strace $0x8FFFFFFF  }
0x98: {  	s18 =	sld [smem:$0x3FDB];
	_ =	sdelay $0x1  }
0x99: {  	s19 =	simm.s32 $_scs_section_size  }
0x9a: {  	s4 =	simm.s32 $_size__tile_overlayer_lowered;
	s5 =	simm.s32 $_tile_overlayer_lowered  }
0x9b: {  	s22 =	simm.s32 $0x1BFF;
	s21 =	sshll.u32 s5, $0x1;
	s2 =	sadd.s32 s19, s18  }
0x9c: {  	s6 =	simm.s32 $0x0;
	s20 =	sshll.u32 s4, $0x1;
	s4 =	sadd.s32 s21, s2  }
0x9d: {  	[timem:s6], [sflag:s22] =	dma.local [hbm:s4], s20  }
0x9e: {  	_ =	swait.ge [sflag:s22], s20  }
0x9f: {  	s3 =	ssub.s32 $0x0, s20;
	[sflag:s22] =	ssyncset.done $0x0  }
0xa0: {  	[sflag:s22] =	ssyncadd.s32 s3;
	_ =	sdelay $0x1  }
0xa1: {  	s23 =	simm.s32 $0x1B8B  }
0xa2: {  	_ =	swait.ge [sflag:s23], $0x1  }
0xa3: {  	[sflag:s23] =	ssyncset.done $0x0  }
0xa4: {  	s25 =	simm.s32 $0x1B8E;
	s24 =	sld [smem:$0x3FFE];
	[sflag:s23] =	ssyncadd.s32 $0xFFFFFFFF  }
0xa5: {  	s26 =	simm.s32 $execute0_lowered;
	[smem:$0x3FD2] =	sst s25  }
0xa6: {  	s4 =	sshll.u32 s26, $0x1;
	_ =	strace $0x80000046;
	[dreg:$0x1] =	wrdreg $0xFFFFFFFF  }
0xa7: {  	s28 =	simm.s32 $_size_execute0_lowered;
	s2 =	sadd.s32 s2, s4;
	[dreg:$0x0] =	wrdreg $0x0  }
0xa8: {  	s4 =	sshll.u32 s28, $0x1;
	[dreg:$0x2] =	wrdreg s2  }
0xa9: {  	[dreg:$0x3] =	wrdreg s4  }
0xaa: {  	[dreg:$0x4] =	wrdreg $0xC0  }
0xab: {  	_ =	task [dreg:s6], $0x5FFFF  }
0xac: {  	[dreg:$0x1] =	wrdreg $0xFFFFFFFF  }
0xad: {  	[dreg:$0x0] =	wrdreg $0x60  }
0xae: {  	[dreg:$0x2] =	wrdreg s24  }
0xaf: {  	[dreg:$0x3] =	wrdreg $0x33900  }
0xb0: {  	[dreg:$0x4] =	wrdreg $0x9  }
0xb1: {  	_ =	task.clear_ibuf [dreg:s6], $0x5FFFF;
	_ =	strace $0x90000046  }
0xb2: {  	s29 =	simm.s32 $0x9;
	_ =	strace $0x80000048  }
0xb3: {  	_ =	swait.ge [sflag:s29], $0x1  }
0xb4: {  	[sflag:s29] =	ssyncadd.s32 $0xFFFFFFFF  }
0xb5: {  	_ =	strace $0x90000048  }
0xb6: {  	_ =	sfence  }
0xb7: {  	s30 =	sld [smem:$0x0];
	_ =	sdelay $0x2  }
0xb8: {  	s31 =	sshll.u32 s1, $0xD;
	s1 =	sshrl.u32 s1, $0x2  }
0xb9: {  	s3 =	sand.u32 $0x4000, s31;
	s1 =	sadd.s32 s1, s30  }
0xba: {  	s0 =	sor.u32 s3, s0;
	s1 =	sshll.u32 s1, $0x11  }
0xbb: {  	s0 =	sor.u32 s1, s0  }
0xbc: {  	s0 =	sadd.s32 $0x8F2B, s0  }
0xbd: {  	[sflag:s0] =	ssyncadd.remote.s32 $0x1  }
0xbe: {  	_ =	sfence.sel $0xFFFF  }
0xbf: {  	[dreg:$0x0] =	wrdreg $0xFFFFFFFF;
	(pc) =	sbr.abs _section_cstart, $3  }
0xc0: {  	[dreg:$0x1] =	wrdreg $0xFFFFFFFF  }
0xc1: {  	_ =	task.clear_ibuf [dreg:s6], $0x2FFFF;
	_ =	strace $0x9FFFFFFF  }
0xc2: {  	(tm) =	ssettm $0x7FFFFFFF  }
0xc3: {  	_ =	shalt  }
tec
execute0_lowered:
.L_overlay_start_1:
0x0: {  	(tag) =	ssettag $0x1  }
0x1: {  	s0 =	srdreg.scid;
	s5 =	rddreg [dreg:$0x0]  }
0x2: {  	s2 =	rddreg [dreg:$0x1];
	s4 =	sand.u32 $0x1, s0;
	s0 =	stileid.u32  }
0x3: {  	s3 =	simm.s32 $0x0;
	s12 =	simm.s32 $0xC80;
	s7 =	smul.u32 $0x2710, s0  }
0x4: {  	s13 =	simm.s32 $0xC8;
	s16 =	simm.s32 $0x0;
	s8 =	smul.u32 $0x27100, s4  }
0x5: {  	[smem:$0x7FF] =	sst s3;
	s1 =	sshll.u32 s4, $0x4;
	s9 =	smul.u32 $0x9C40, s0  }
0x6: {  	s4 =	ssub.s32 $0x2, s4;
	s14 =	sshll.u32 s0, $0x6;
	s1 =	sor.u32 s0, s1  }
0x7: {  	s31 =	sshrl.u32 s4, $0x1;
	s14 =	sor.u32 $0x1C01, s14;
	s6 =	smul.u32 $0x4E2, s1  }
0x8: {  	s1 =	rddreg [dreg:$0x2];
	_ =	strace $0x80000047;
	s28 =	sadd.s32 s7, s8  }
0x9: {  	s29 =	sshrl.u32 s9, $0x2;
	s11 =	ssub.s32 s4, s31;
	s4 =	sadd.s32 s7, s2  }
0xa: {  	s8 =	sadd.s32 s29, s2;
	s10 =	sadd.s32 s6, s5;
	s6 =	sshrl.u32 s28, $0x3  }
0xb: {  	s15 =	sshrl.u32 s4, $0x3;
	s7 =	sadd.s32 $0x2580, s8;
	s30 =	sadd.s32 s6, s5  }
0xc: {  	s5 =	sadd.s32 $0xC80, s8;
	s6 =	sadd.s32 $0x1900, s8;
	s8 =	sadd.s32 $0xE600, s10  }
0xd: {  	v0 =	vimm.f32 $0.0e+00;
	v1 =	vimm.f32 $1.000000000e+00;
	s10 =	smax.u32 s11, $0x1;
	s11 =	simm.s32 $0x1;
	s9 =	sadd.s32 $0x18400, s30  }
.LBB2_1:
0xe: {  	s17 =	simm.s32 $0x40;
	s18 =	simm.s32 $0x0  }
.LBB2_2:
0xf: {  	p0 =	sne.s32 s17, $0x31C0;
	[tilespmem:s18+$0x0] =	vst v0;
	s18 =	smov.u32 s17;
	s17 =	sadd.s32 $0x40, s17  }
.Ltmp0:
0x10: {  	(pc) =	sbr.rel @p0 .LBB2_2-.Ltmp0, $2  }
0x11: {  	_ =	sdelay $0x2  }
0x12: {  	s18 =	sshra.s32 s18, $0x2  }
0x13: {  	[tilespmem:s18+$0x0] =	vst v0;
	s17 =	simm.s32 $0x0  }
0x14: {  	[spmem:s4] =	stream.linear.scatter [tilespmem:s17], [sflag:$0x1], $0xC80, $0x38;
	[tilespmem:$0x5AA0] =	vst v63  }
0x15: {  	_ =	swait.ge [sflag:s11], $0xC80  }
0x16: {  	[sflag:s11] =	ssyncset.done $0x0  }
0x17: {  	[sflag:s11] =	ssyncadd.s32 $0xFFFFF380  }
0x18: {  	[spmem:s5] =	stream.linear.scatter [tilespmem:s17], [sflag:$0x1], $0xC80, $0x38;
	[tilespmem:$0x5AA0] =	vst v63  }
0x19: {  	_ =	swait.ge [sflag:s11], $0xC80  }
0x1a: {  	[sflag:s11] =	ssyncset.done $0x0  }
0x1b: {  	[sflag:s11] =	ssyncadd.s32 $0xFFFFF380  }
0x1c: {  	[spmem:s6] =	stream.linear.scatter [tilespmem:s17], [sflag:$0x1], $0xC80, $0x38;
	[tilespmem:$0x5AA0] =	vst v63  }
0x1d: {  	_ =	swait.ge [sflag:s11], $0xC80  }
0x1e: {  	[sflag:s11] =	ssyncset.done $0x0  }
0x1f: {  	[sflag:s11] =	ssyncadd.s32 $0xFFFFF380  }
0x20: {  	[spmem:s7] =	stream.linear.scatter [tilespmem:s17], [sflag:$0x1], $0x190, $0x38;
	[tilespmem:$0x5AA0] =	vst v63  }
0x21: {  	_ =	swait.ge [sflag:s11], $0x190  }
0x22: {  	[sflag:s11] =	ssyncset.done $0x0  }
0x23: {  	s18 =	simm.s32 $0x0;
	s17 =	simm.s32 $0x40;
	[sflag:s11] =	ssyncadd.s32 $0xFFFFFE70  }
.LBB2_4:
0x24: {  	p0 =	sne.s32 s17, $0x31C0;
	[tilespmem:s18+$0x0] =	vst v1;
	s18 =	smov.u32 s17;
	s17 =	sadd.s32 $0x40, s17  }
.Ltmp1:
0x25: {  	(pc) =	sbr.rel @p0 .LBB2_4-.Ltmp1, $2  }
0x26: {  	_ =	sdelay $0x2  }
0x27: {  	s18 =	sshra.s32 s18, $0x2  }
0x28: {  	[tilespmem:s18+$0x0] =	vst v1;
	s17 =	simm.s32 $0x0  }
0x29: {  	[tilespmem:s12], [sflag:$0x1] =	stream.linear.gather [hbm4b:s8+s17], $0x2710, $0x38;
	[tilespmem:$0x5AA0] =	vst v63  }
0x2a: {  	_ =	swait.ge [sflag:s11], $0x2710  }
0x2b: {  	[sflag:s11] =	ssyncset.done $0x0  }
0x2c: {  	[sflag:s11] =	ssyncadd.s32 $0xFFFFD8F0  }
0x2d: {  	s31 =	simm.s32 $0xC80;
	[bflag:$0x0] =	sbarrier.arrive $0xFFFF  }
0x2e: {  	[spmem:s2] =	stream.indirect.scatter.add.f32 [tilespmem:s3], [sflag:$0x1], $0x10, s31, s13, $0xb8;
	[tilespmem:$0x5AA0] =	vst v63  }
0x2f: {  	s17 =	simm.s32 $0x320;
	_ =	swait.ge [sflag:s11], $0xC80  }
.LBB2_6:
0x30: {  	s18 =	sshra.s32 s17, $0x2;
	[sflag:s11] =	ssyncset.done $0x0;
	p0 =	sne.s32 s17, $0x9920  }
.Ltmp2:
0x31: {  	s18 =	sadd.s32 $0xC80, s18;
	[sflag:s11] =	ssyncadd.s32 $0xFFFFF380;
	(pc) =	sbr.rel @p0 .LBB2_6-.Ltmp2, $3  }
0x32: {  	[spmem:s2] =	stream.indirect.scatter.add.f32 [tilespmem:s3], [sflag:$0x1], $0x10, s18, s13, $0xb8;
	[tilespmem:$0x5AA0] =	vst v63  }
0x33: {  	s17 =	sadd.s32 $0x320, s17;
	_ =	sdelay $0x1  }
0x34: {  	_ =	swait.ge [sflag:s11], $0xC80  }
0x35: {  	[sflag:s11] =	ssyncset.done $0x0;
	s16 =	sadd.s32 $0x1, s16  }
0x36: {  	[sflag:s11] =	ssyncadd.s32 $0xFFFFF380;
	p0 =	sne.s32 s16, s10  }
.Ltmp3:
0x37: {  	[bflag:$0x0] =	sbarrier.arrive $0xFFFF;
	(pc) =	sbr.rel @p0 .LBB2_1-.Ltmp3, $4  }
0x38: {  	[hbm:s9], [sflag:s14] =	dma.local [spmem:s15], $0x4E2  }
0x39: {  	_ =	swait.ge [sflag:s11], $0x4E2  }
0x3a: {  	[sflag:s11] =	ssyncset.done $0x0  }
0x3b: {  	[sflag:s11] =	ssyncadd.s32 $0xFFFFFB1E  }
0x3c: {  	_ =	sfence.sel $0x180000  }
0x3d: {  	[bflag:$0x0] =	sbarrier.arrive $0xFFFF  }
0x3e: {  	p0 =	sne.s32 s0, $0x0;
	_ =	strace $0x90000047  }
0x3f: {  	s0 =	sadd.s32 @!p0 $0x100000, s1;
	[bflag:$0x2] =	sbarrier.arrive $0xFFFF  }
0x40: {  	[sflag:s0] =	ssyncadd.tile.s32 @!p0 $0x1;
	_ =	shalt  }
.Lfunc_end2:
_tile_overlayer_lowered:
.L_overlay_start_2:
0x41: {  	(tag) =	ssettag $0x2  }
0x42: {  	s0 =	rddreg [dreg:$0x0];
	s2 =	stileid.u32  }
0x43: {  	s1 =	rddreg [dreg:$0x1];
	p0 =	sne.s32 s2, $0x0  }
0x44: {  	s3 =	rddreg [dreg:$0x2];
	[bflag:$0x3] =	sbarrier.arrive $0xFFFF;
	s2 =	simm.s32 @!p0 $0x1C01  }
0x45: {  	[timem:s3], [sflag:s2] =	dma.local @!p0 [hbm:s0], s1  }
0x46: {  	s0 =	simm.s32 @!p0 $0x1  }
0x47: {  	_ =	swait.ge @!p0 [sflag:s0], s1  }
0x48: {  	s1 =	ssub.s32 @!p0 $0x0, s1;
	[sflag:s0] =	ssyncset.done @!p0 $0x0  }
0x49: {  	[sflag:s0] =	ssyncadd.s32 @!p0 s1  }
0x4a: {  	[bflag:$0x3] =	sbarrier.arrive $0xFFFF  }
0x4b: {  	_ =	shalt  }

// kernel: kernel.17.cloned.1.call-start
scs
__scs_entry_jumppad:
0x0: {  	(pc) =	sbr.rel $0x88, $3  }
0x1: {  	(tag) =	ssettag $0x0;
	lr =	simm.s32 $0x1  }
0x2: {  	[smem:$0x3F90] =	sst lr;
	_ =	strace $0xD0000000  }
0x3: {  	_ = 	snop  }
0x4: {  	_ = 	snop  }
0x5: {  	_ = 	snop  }
0x6: {  	_ = 	snop  }
0x7: {  	_ = 	snop  }
__scs_overlays_trampoline_lowered:
0x8: {  	[smem:$0x3F9F] =	sst s0  }
0x9: {  	[smem:$0x3FA0] =	sst s1  }
0xa: {  	[smem:$0x3FA1] =	sst s2  }
0xb: {  	[smem:$0x3FA2] =	sst s3  }
0xc: {  	[smem:$0x3FA3] =	sst s4  }
0xd: {  	[smem:$0x3FA4] =	sst s5  }
0xe: {  	[smem:$0x3FA5] =	sst s6  }
0xf: {  	[smem:$0x3FA6] =	sst s7  }
0x10: {  	[smem:$0x3FA7] =	sst s8  }
0x11: {  	[smem:$0x3FA8] =	sst s9;
	s0 =	simm.s32 @!p0 $0x0  }
0x12: {  	s1 =	sld [smem:$0x3F8E];
	s0 =	simm.s32 @p0 $0x1  }
0x13: {  	[smem:$0x3FA9] =	sst s0;
	s0 =	simm.s32 @!p1 $0x0  }
0x14: {  	s2 =	sld [smem:$0x3F8D];
	s0 =	simm.s32 @p1 $0x1  }
0x15: {  	[smem:$0x3FAA] =	sst s0;
	s0 =	simm.s32 @!p2 $0x0  }
0x16: {  	s3 =	sld [smem:$0x3FDB];
	s0 =	simm.s32 @p2 $0x1  }
0x17: {  	s4 =	simm.s32 $0x1BF5;
	[smem:$0x3FAC] =	sst s0  }
0x18: {  	s0 =	sld [smem:$0x3F8F];
	_ =	swait.ge [sflag:s4], $0x0  }
0x19: {  	s7 =	sld [smem:$0x3F90]  }
0x1a: {  	s8 =	sadd.s32 $0xFFFFE003, lr  }
0x1b: {  	s9 =	sadd.s32 $0xFFFFFEF7, lr;
	s5 =	simm.s32 $0xFFFFFFFF;
	p2 =	slt.u32 s8, $0xFFFFF086  }
0x1c: {  	p1 =	slt.u32 s9, $0xF7A;
	s5 =	simm.s32 @!p2 $0x0  }
0x1d: {  	s5 =	simm.s32 @p1 $0x1;
	p0 =	seq.s32 s7, s2  }
0x1e: {  	s7 =	smul.u32 @!p0 $0xF7A, s2;
	p2 =	seq.s32 @!p0 s5, $0x0  }
0x1f: {  	s9 =	smul.u32 $0xF7A, s1;
	s8 =	simm.s32 @!p0 $0x1BF5;
	p2 =	por !p2, p0  }
0x20: {  	[sflag:s8] =	ssyncset.s32 @!p0 $0xFFFFF086;
	s6 =	sadd.s32 @!p0 s3, s7;
	s7 =	simm.s32 @!p0 $0x108  }
0x21: {  	s3 =	sadd.s32 s3, s9;
	s6 =	sadd.s32 @!p0 $0x88, s6;
	s7 =	simm.s32 @p2 $0x1082  }
0x22: {  	[simem:s7], [sflag:s8] =	dma.local @!p0 [hbm:s6], $0xF7A  }
0x23: {  	s9 =	sor.u32 $0xD0000000, s2;
	s6 =	simm.s32 $0x108;
	_ =	swait.ge @!p0 [sflag:s8], $0x0  }
0x24: {  	s3 =	sadd.s32 $0x88, s3;
	s6 =	simm.s32 @!p1 $0x1082;
	[sflag:s4] =	ssyncset.s32 $0xFFFFF086  }
0x25: {  	[simem:s6], [sflag:s4] =	dma.local [hbm:s3], $0xF7A  }
0x26: {  	[smem:$0x3F90] =	sst s1;
	(tag) =	ssettag s2;
	_ =	strace s9  }
0x27: {  	s1 =	sld [smem:$0x3FA0]  }
0x28: {  	s2 =	sld [smem:$0x3FA1]  }
0x29: {  	s4 =	sld [smem:$0x3FA3]  }
0x2a: {  	p0 =	seq.s32 s5, $0x0;
	s5 =	sld [smem:$0x3FA4]  }
0x2b: {  	s6 =	sld [smem:$0x3FA5]  }
0x2c: {  	s7 =	sld [smem:$0x3FA6]  }
0x2d: {  	s3 =	simm.s32 $0x108;
	s8 =	sld [smem:$0x3FA7]  }
0x2e: {  	s3 =	simm.s32 @!p0 $0x1082;
	s9 =	sld [smem:$0x3FA8]  }
0x2f: {  	lr =	sadd.s32 s0, s3;
	s0 =	sld [smem:$0x3F9F]  }
0x30: {  	s3 =	sld [smem:$0x3FA2]  }
0x31: {  	[smem:$0x3FAB] =	sst s10  }
0x32: {  	s10 =	sld [smem:$0x3FA9];
	_ =	sdelay $0x3  }
0x33: {  	p0 =	seq.s32 s10, $0x1;
	s10 =	sld [smem:$0x3FAB];
	_ =	sdelay $0x3  }
0x34: {  	[smem:$0x3FAB] =	sst s10  }
0x35: {  	s10 =	sld [smem:$0x3FAA];
	_ =	sdelay $0x3  }
0x36: {  	p1 =	seq.s32 s10, $0x1;
	s10 =	sld [smem:$0x3FAB];
	_ =	sdelay $0x3  }
0x37: {  	[smem:$0x3FAB] =	sst s10  }
0x38: {  	s10 =	sld [smem:$0x3FAC]  }
0x39: {  	_ = 	snop;
	(pc) =	sbr.ind lr, $3  }
0x3a: {  	_ = 	snop  }
0x3b: {  	_ = 	snop  }
0x3c: {  	p2 =	seq.s32 s10, $0x1;
	s10 =	sld [smem:$0x3FAB]  }
0x3d: {  	_ =	shalt  }
0x3e: {  	_ =	shalt  }
0x3f: {  	_ =	shalt  }
0x40: {  	_ =	shalt  }
0x41: {  	_ =	shalt  }
0x42: {  	_ =	shalt  }
0x43: {  	_ =	shalt  }
0x44: {  	_ =	shalt  }
0x45: {  	_ =	shalt  }
0x46: {  	_ =	shalt  }
0x47: {  	_ =	shalt  }
0x48: {  	_ =	shalt  }
0x49: {  	_ =	shalt  }
0x4a: {  	_ =	shalt  }
0x4b: {  	_ =	shalt  }
0x4c: {  	_ =	shalt  }
0x4d: {  	_ =	shalt  }
0x4e: {  	_ =	shalt  }
0x4f: {  	_ =	shalt  }
0x50: {  	_ =	shalt  }
0x51: {  	_ =	shalt  }
0x52: {  	_ =	shalt  }
0x53: {  	_ =	shalt  }
0x54: {  	_ =	shalt  }
0x55: {  	_ =	shalt  }
0x56: {  	_ =	shalt  }
0x57: {  	_ =	shalt  }
0x58: {  	_ =	shalt  }
0x59: {  	_ =	shalt  }
0x5a: {  	_ =	shalt  }
0x5b: {  	_ =	shalt  }
0x5c: {  	_ =	shalt  }
0x5d: {  	_ =	shalt  }
0x5e: {  	_ =	shalt  }
0x5f: {  	_ =	shalt  }
0x60: {  	_ =	shalt  }
0x61: {  	_ =	shalt  }
0x62: {  	_ =	shalt  }
0x63: {  	_ =	shalt  }
0x64: {  	_ =	shalt  }
0x65: {  	_ =	shalt  }
0x66: {  	_ =	shalt  }
0x67: {  	_ =	shalt  }
0x68: {  	_ =	shalt  }
0x69: {  	_ =	shalt  }
0x6a: {  	_ =	shalt  }
0x6b: {  	_ =	shalt  }
0x6c: {  	_ =	shalt  }
0x6d: {  	_ =	shalt  }
0x6e: {  	_ =	shalt  }
0x6f: {  	_ =	shalt  }
0x70: {  	_ =	shalt  }
0x71: {  	_ =	shalt  }
0x72: {  	_ =	shalt  }
0x73: {  	_ =	shalt  }
0x74: {  	_ =	shalt  }
0x75: {  	_ =	shalt  }
0x76: {  	_ =	shalt  }
0x77: {  	_ =	shalt  }
0x78: {  	_ =	shalt  }
0x79: {  	_ =	shalt  }
0x7a: {  	_ =	shalt  }
0x7b: {  	_ =	shalt  }
0x7c: {  	_ =	shalt  }
0x7d: {  	_ =	shalt  }
0x7e: {  	_ =	shalt  }
0x7f: {  	_ =	shalt  }
0x80: {  	_ =	shalt  }
0x81: {  	_ =	shalt  }
0x82: {  	_ =	shalt  }
0x83: {  	_ =	shalt  }
0x84: {  	_ =	shalt  }
0x85: {  	_ =	shalt  }
0x86: {  	_ =	shalt  }
0x87: {  	_ =	shalt  }
.Lfunc_end0:
.L_simem_size_0:
called_computation.1_lowered:
.L_overlay_start_0:
0x88: {  	s2 =	sld [smem:$0x3FD9]  }
0x89: {  	s3 =	sld [smem:$0x3FFE];
	_ =	sdelay $0x1  }
0x8a: {  	s1 =	srdreg.scid  }
0x8b: {  	s0 =	sand.u32 $0x1, s1  }
0x8c: {  	s16 =	sshll.u32 s0, $0xA;
	s2 =	sadd.s32 s3, s2  }
0x8d: {  	s2 =	sadd.s32 s2, s16  }
0x8e: {  	[smem:$0x3FB7] =	sst s2  }
0x8f: {  	_ = 	snop  }
0x90: {  	(tm) =	ssettm $0x1  }
0x91: {  	s17 =	sld [smem:$0x3FFB];
	_ =	sdelay $0x3  }
0x92: {  	_ =	strace s17  }
0x93: {  	s2 =	sld [smem:$0x3FFC];
	_ =	sdelay $0x3  }
0x94: {  	_ =	strace s2  }
0x95: {  	s2 =	sld [smem:$0x3FFD];
	_ =	sdelay $0x3  }
0x96: {  	_ =	strace s2  }
0x97: {  	_ =	strace $0x8FFFFFFF  }
0x98: {  	s18 =	sld [smem:$0x3FDB];
	_ =	sdelay $0x1  }
0x99: {  	s19 =	simm.s32 $_scs_section_size  }
0x9a: {  	s4 =	simm.s32 $_size__tile_overlayer_lowered;
	s5 =	simm.s32 $_tile_overlayer_lowered  }
0x9b: {  	s22 =	simm.s32 $0x1BFF;
	s21 =	sshll.u32 s5, $0x1;
	s2 =	sadd.s32 s19, s18  }
0x9c: {  	s6 =	simm.s32 $0x0;
	s20 =	sshll.u32 s4, $0x1;
	s4 =	sadd.s32 s21, s2  }
0x9d: {  	[timem:s6], [sflag:s22] =	dma.local [hbm:s4], s20  }
0x9e: {  	_ =	swait.ge [sflag:s22], s20  }
0x9f: {  	s3 =	ssub.s32 $0x0, s20;
	[sflag:s22] =	ssyncset.done $0x0  }
0xa0: {  	[sflag:s22] =	ssyncadd.s32 s3;
	_ =	sdelay $0x1  }
0xa1: {  	s23 =	simm.s32 $0x1B8B  }
0xa2: {  	_ =	swait.ge [sflag:s23], $0x1  }
0xa3: {  	[sflag:s23] =	ssyncset.done $0x0  }
0xa4: {  	s25 =	simm.s32 $0x1B8E;
	s24 =	sld [smem:$0x3FFE];
	[sflag:s23] =	ssyncadd.s32 $0xFFFFFFFF  }
0xa5: {  	s26 =	simm.s32 $execute0_lowered;
	[smem:$0x3FD2] =	sst s25  }
0xa6: {  	s4 =	sshll.u32 s26, $0x1;
	_ =	strace $0x80000049;
	[dreg:$0x1] =	wrdreg $0xFFFFFFFF  }
0xa7: {  	s28 =	simm.s32 $_size_execute0_lowered;
	s2 =	sadd.s32 s2, s4;
	[dreg:$0x0] =	wrdreg $0x0  }
0xa8: {  	s4 =	sshll.u32 s28, $0x1;
	[dreg:$0x2] =	wrdreg s2  }
0xa9: {  	[dreg:$0x3] =	wrdreg s4  }
0xaa: {  	[dreg:$0x4] =	wrdreg $0xC0  }
0xab: {  	_ =	task [dreg:s6], $0x5FFFF  }
0xac: {  	[dreg:$0x1] =	wrdreg $0xFFFFFFFF  }
0xad: {  	[dreg:$0x0] =	wrdreg $0x60  }
0xae: {  	[dreg:$0x2] =	wrdreg s24  }
0xaf: {  	[dreg:$0x3] =	wrdreg $0x14E600  }
0xb0: {  	[dreg:$0x4] =	wrdreg $0xB2200  }
0xb1: {  	[dreg:$0x5] =	wrdreg $0x9  }
0xb2: {  	_ =	task.clear_ibuf [dreg:s6], $0x6FFFF;
	_ =	strace $0x90000049  }
0xb3: {  	s29 =	simm.s32 $0x9;
	_ =	strace $0x8000004B  }
0xb4: {  	_ =	swait.ge [sflag:s29], $0x1  }
0xb5: {  	[sflag:s29] =	ssyncadd.s32 $0xFFFFFFFF  }
0xb6: {  	_ =	strace $0x9000004B  }
0xb7: {  	_ =	sfence  }
0xb8: {  	s30 =	sld [smem:$0x0];
	_ =	sdelay $0x2  }
0xb9: {  	s31 =	sshll.u32 s1, $0xD;
	s1 =	sshrl.u32 s1, $0x2  }
0xba: {  	s3 =	sand.u32 $0x4000, s31;
	s1 =	sadd.s32 s1, s30  }
0xbb: {  	s0 =	sor.u32 s3, s0;
	s1 =	sshll.u32 s1, $0x11  }
0xbc: {  	s0 =	sor.u32 s1, s0  }
0xbd: {  	s0 =	sadd.s32 $0x8F2B, s0  }
0xbe: {  	[sflag:s0] =	ssyncadd.remote.s32 $0x1  }
0xbf: {  	_ =	sfence.sel $0xFFFF  }
0xc0: {  	[dreg:$0x0] =	wrdreg $0xFFFFFFFF;
	(pc) =	sbr.abs _section_cstart, $3  }
0xc1: {  	[dreg:$0x1] =	wrdreg $0xFFFFFFFF  }
0xc2: {  	_ =	task.clear_ibuf [dreg:s6], $0x2FFFF;
	_ =	strace $0x9FFFFFFF  }
0xc3: {  	(tm) =	ssettm $0x7FFFFFFF  }
tec
execute0_lowered:
.L_overlay_start_1:
0x0: {  	(tag) =	ssettag $0x1  }
0x1: {  	s5 =	rddreg [dreg:$0x0]  }
0x2: {  	s2 =	rddreg [dreg:$0x1]  }
0x3: {  	s3 =	rddreg [dreg:$0x2]  }
0x4: {  	s0 =	rddreg [dreg:$0x3]  }
0x5: {  	s1 =	stileid.u32;
	s4 =	simm.s32 $0x0;
	s6 =	srdreg.scid  }
0x6: {  	s17 =	simm.s32 $0x6400;
	s18 =	simm.s32 $0x8B10;
	s19 =	simm.s32 $0xC8  }
0x7: {  	s20 =	simm.s32 $0x1;
	s21 =	simm.s32 $0x64C8;
	s22 =	simm.s32 $0x3200  }
0x8: {  	s23 =	simm.s32 $0x2;
	s24 =	simm.s32 $0x8BD8;
	s25 =	simm.s32 $0x3  }
0x9: {  	s26 =	simm.s32 $0x4;
	s28 =	simm.s32 $0x0;
	s7 =	smul.u32 $0x9C40, s1  }
0xa: {  	[smem:$0x7FF] =	sst s4;
	s6 =	sand.u32 $0x1, s6;
	s12 =	smul.u32 $0x27100, s1  }
0xb: {  	s29 =	sshll.u32 s1, $0x6;
	s9 =	sshll.u32 s6, $0x4;
	s10 =	smul.u32 $0x9C400, s6  }
0xc: {  	_ =	strace $0x8000004A;
	s6 =	ssub.s32 $0x2, s6;
	s8 =	sshrl.u32 s7, $0x3  }
0xd: {  	s9 =	sor.u32 s1, s9;
	s11 =	sshrl.u32 s6, $0x1;
	s16 =	sadd.s32 s7, s2  }
0xe: {  	s30 =	sshrl.u32 s12, $0x2;
	s8 =	sadd.s32 s8, s5;
	s9 =	smul.u32 $0x4E2, s9  }
0xf: {  	s10 =	sadd.s32 s7, s10;
	s15 =	ssub.s32 s6, s11;
	s6 =	sor.u32 $0x1C05, s29  }
0x10: {  	s31 =	sadd.s32 s30, s3;
	s7 =	sadd.s32 s7, s3;
	s10 =	sshrl.u32 s10, $0x3  }
0x11: {  	s13 =	sadd.s32 s9, s5;
	s14 =	sadd.s32 s10, s5;
	s5 =	sadd.s32 $0x18400, s8  }
0x12: {  	s8 =	sadd.s32 $0x3200, s31;
	s9 =	sadd.s32 $0x6400, s31;
	s10 =	sadd.s32 $0x9600, s31  }
0x13: {  	s11 =	sadd.s32 $0x4800, s13;
	s12 =	sadd.s32 $0xE600, s13;
	s13 =	sadd.s32 $0x2BE00, s14  }
0x14: {  	v0 =	vimm.f32 $0.0e+00;
	s14 =	smax.u32 s15, $0x1;
	s15 =	sshrl.u32 s16, $0x3;
	s16 =	simm.s32 $0x5  }
.LBB2_1:
0x15: {  	[spmem:s15], [sflag:s6] =	dma.local [hbm:s5], $0x1388  }
0x16: {  	_ =	swait.ge [sflag:s16], $0x1388  }
0x17: {  	[sflag:s16] =	ssyncset.done $0x0  }
0x18: {  	s30 =	simm.s32 $0x100;
	s29 =	simm.s32 $0x0;
	[sflag:s16] =	ssyncadd.s32 $0xFFFFEC78  }
.LBB2_2:
0x19: {  	p0 =	sne.s32 s30, $0xC700;
	[tilespmem:s29+$0x30] =	vst v0;
	s31 =	smov.u32 s30;
	s30 =	sadd.s32 $0x100, s30  }
.Ltmp0:
0x1a: {  	[tilespmem:s29+$0x20] =	vst v0;
	(pc) =	sbr.rel @p0 .LBB2_2-.Ltmp0, $3  }
0x1b: {  	[tilespmem:s29+$0x0] =	vst v0  }
0x1c: {  	[tilespmem:s29+$0x10] =	vst v0;
	_ =	sdelay $0x1  }
0x1d: {  	s29 =	sshra.s32 s31, $0x2  }
0x1e: {  	[tilespmem:s29+$0x30] =	vst v0  }
0x1f: {  	[tilespmem:s29+$0x20] =	vst v0  }
0x20: {  	[tilespmem:s29+$0x0] =	vst v0  }
0x21: {  	[tilespmem:s29+$0x10] =	vst v0  }
0x22: {  	[spmem:s7] =	stream.linear.scatter [tilespmem:s4], [sflag:$0x5], $0x3200, $0x38;
	[tilespmem:$0x1EAA0] =	vst v63  }
0x23: {  	_ =	swait.ge [sflag:s16], $0x3200  }
0x24: {  	[sflag:s16] =	ssyncset.done $0x0  }
0x25: {  	[sflag:s16] =	ssyncadd.s32 $0xFFFFCE00  }
0x26: {  	[spmem:s8] =	stream.linear.scatter [tilespmem:s4], [sflag:$0x5], $0x3200, $0x38;
	[tilespmem:$0x1EAA0] =	vst v63  }
0x27: {  	_ =	swait.ge [sflag:s16], $0x3200  }
0x28: {  	[sflag:s16] =	ssyncset.done $0x0  }
0x29: {  	[sflag:s16] =	ssyncadd.s32 $0xFFFFCE00  }
0x2a: {  	[spmem:s9] =	stream.linear.scatter [tilespmem:s4], [sflag:$0x5], $0x3200, $0x38;
	[tilespmem:$0x1EAA0] =	vst v63  }
0x2b: {  	_ =	swait.ge [sflag:s16], $0x3200  }
0x2c: {  	[sflag:s16] =	ssyncset.done $0x0  }
0x2d: {  	[sflag:s16] =	ssyncadd.s32 $0xFFFFCE00  }
0x2e: {  	[spmem:s10] =	stream.linear.scatter [tilespmem:s4], [sflag:$0x5], $0x640, $0x38;
	[tilespmem:$0x1EAA0] =	vst v63  }
0x2f: {  	_ =	swait.ge [sflag:s16], $0x640  }
0x30: {  	[sflag:s16] =	ssyncset.done $0x0  }
0x31: {  	[sflag:s16] =	ssyncadd.s32 $0xFFFFF9C0  }
0x32: {  	[tilespmem:s17], [sflag:$0x5] =	stream.linear.gather [hbm4b:s11+s4], $0x2710, $0x38;
	[tilespmem:$0x1EAA0] =	vst v63  }
0x33: {  	_ =	swait.ge [sflag:s16], $0x2710  }
0x34: {  	[sflag:s16] =	ssyncset.done $0x0  }
0x35: {  	[sflag:s16] =	ssyncadd.s32 $0xFFFFD8F0  }
0x36: {  	[tilespmem:s18], [sflag:$0x5] =	stream.linear.gather [hbm4b:s12+s4], $0x2710, $0x38;
	[tilespmem:$0x1EAA0] =	vst v63  }
0x37: {  	_ =	swait.ge [sflag:s16], $0x2710  }
0x38: {  	[sflag:s16] =	ssyncset.done $0x0  }
0x39: {  	[sflag:s16] =	ssyncadd.s32 $0xFFFFD8F0  }
0x3a: {  	[bflag:$0x0] =	sbarrier.arrive $0xFFFF  }
0x3b: {  	[tilespmem:s4], [sflag:$0x1] =	stream.indirect.gather [spmem:s2], $0x40, s17, s19, $0xb8;
	[tilespmem:$0x1EAA0] =	vst v63  }
0x3c: {  	_ =	swait.ge [sflag:s20], $0x3200  }
0x3d: {  	[sflag:s20] =	ssyncset.done $0x0  }
0x3e: {  	[sflag:s20] =	ssyncadd.s32 $0xFFFFCE00  }
0x3f: {  	[spmem:s3] =	stream.indirect.scatter.add.f32 [tilespmem:s4], [sflag:$0x3], $0x40, s18, s19, $0xb8;
	[tilespmem:$0x1EAA0] =	vst v63  }
0x40: {  	_ = 	snop  }
0x41: {  	[tilespmem:s22], [sflag:$0x2] =	stream.indirect.gather [spmem:s2], $0x40, s21, s19, $0xb8;
	[tilespmem:$0x1EAA0] =	vst v63  }
0x42: {  	_ =	swait.ge [sflag:s23], $0x3200  }
0x43: {  	[sflag:s23] =	ssyncset.done $0x0  }
0x44: {  	[sflag:s23] =	ssyncadd.s32 $0xFFFFCE00  }
0x45: {  	[spmem:s3] =	stream.indirect.scatter.add.f32 [tilespmem:s22], [sflag:$0x4], $0x40, s24, s19, $0xb8;
	[tilespmem:$0x1EAA0] =	vst v63  }
0x46: {  	_ =	swait.ge [sflag:s25], $0x3200  }
0x47: {  	[sflag:s25] =	ssyncset.done $0x0  }
0x48: {  	s29 =	simm.s32 $0x6590;
	[sflag:s25] =	ssyncadd.s32 $0xFFFFCE00  }
0x49: {  	[tilespmem:s4], [sflag:$0x1] =	stream.indirect.gather [spmem:s2], $0x40, s29, s19, $0xb8;
	[tilespmem:$0x1EAA0] =	vst v63  }
0x4a: {  	_ =	swait.ge [sflag:s20], $0x3200  }
0x4b: {  	[sflag:s20] =	ssyncset.done $0x0  }
0x4c: {  	s29 =	simm.s32 $0x8CA0;
	[sflag:s20] =	ssyncadd.s32 $0xFFFFCE00  }
0x4d: {  	[spmem:s3] =	stream.indirect.scatter.add.f32 [tilespmem:s4], [sflag:$0x3], $0x40, s29, s19, $0xb8;
	[tilespmem:$0x1EAA0] =	vst v63  }
0x4e: {  	_ =	swait.ge [sflag:s26], $0x3200  }
0x4f: {  	[sflag:s26] =	ssyncset.done $0x0  }
0x50: {  	s29 =	simm.s32 $0x6658;
	[sflag:s26] =	ssyncadd.s32 $0xFFFFCE00  }
0x51: {  	[tilespmem:s22], [sflag:$0x2] =	stream.indirect.gather [spmem:s2], $0x40, s29, s19, $0xb8;
	[tilespmem:$0x1EAA0] =	vst v63  }
0x52: {  	_ =	swait.ge [sflag:s23], $0x3200  }
0x53: {  	[sflag:s23] =	ssyncset.done $0x0  }
0x54: {  	s30 =	simm.s32 $0x8D68;
	s29 =	simm.s32 $0xFFFF7040;
	[sflag:s23] =	ssyncadd.s32 $0xFFFFCE00  }
.LBB2_4:
0x55: {  	[spmem:s3] =	stream.indirect.scatter.add.f32 [tilespmem:s22], [sflag:$0x4], $0x40, s30, s19, $0xb8;
	[tilespmem:$0x1EAA0] =	vst v63  }
0x56: {  	s30 =	smov.u32 s29  }
0x57: {  	p0 =	sne.s32 s29, $0xFFFFF9C0;
	s29 =	sadd.s32 $0x640, s29;
	_ =	swait.ge [sflag:s25], $0x3200  }
0x58: {  	s30 =	sshra.s32 s30, $0x2;
	[sflag:s25] =	ssyncset.done $0x0  }
0x59: {  	s31 =	sadd.s32 $0x8B10, s30;
	[sflag:s25] =	ssyncadd.s32 $0xFFFFCE00  }
0x5a: {  	[tilespmem:s4], [sflag:$0x1] =	stream.indirect.gather [spmem:s2], $0x40, s31, s19, $0xb8;
	[tilespmem:$0x1EAA0] =	vst v63  }
0x5b: {  	_ =	swait.ge [sflag:s20], $0x3200  }
0x5c: {  	[sflag:s20] =	ssyncset.done $0x0  }
0x5d: {  	s31 =	sadd.s32 $0xB220, s30;
	[sflag:s20] =	ssyncadd.s32 $0xFFFFCE00  }
0x5e: {  	[spmem:s3] =	stream.indirect.scatter.add.f32 [tilespmem:s4], [sflag:$0x3], $0x40, s31, s19, $0xb8;
	[tilespmem:$0x1EAA0] =	vst v63  }
0x5f: {  	_ =	swait.ge [sflag:s26], $0x3200  }
0x60: {  	[sflag:s26] =	ssyncset.done $0x0  }
.Ltmp1:
0x61: {  	s31 =	sadd.s32 $0x8BD8, s30;
	[sflag:s26] =	ssyncadd.s32 $0xFFFFCE00;
	(pc) =	sbr.rel @p0 .LBB2_4-.Ltmp1, $4  }
0x62: {  	[tilespmem:s22], [sflag:$0x2] =	stream.indirect.gather [spmem:s2], $0x40, s31, s19, $0xb8;
	[tilespmem:$0x1EAA0] =	vst v63  }
0x63: {  	_ =	swait.ge [sflag:s23], $0x3200  }
0x64: {  	[sflag:s23] =	ssyncset.done $0x0  }
0x65: {  	s30 =	sadd.s32 $0xB2E8, s30;
	[sflag:s23] =	ssyncadd.s32 $0xFFFFCE00  }
0x66: {  	[spmem:s3] =	stream.indirect.scatter.add.f32 [tilespmem:s22], [sflag:$0x4], $0x40, s30, s19, $0xb8;
	[tilespmem:$0x1EAA0] =	vst v63  }
0x67: {  	_ =	swait.ge [sflag:s25], $0x3200  }
0x68: {  	[sflag:s25] =	ssyncset.done $0x0  }
0x69: {  	[sflag:s25] =	ssyncadd.s32 $0xFFFFCE00  }
0x6a: {  	_ =	swait.ge [sflag:s26], $0x3200  }
0x6b: {  	s28 =	sadd.s32 $0x1, s28;
	[sflag:s26] =	ssyncset.done $0x0  }
0x6c: {  	p0 =	sne.s32 s28, s14;
	[sflag:s26] =	ssyncadd.s32 $0xFFFFCE00  }
.Ltmp2:
0x6d: {  	s29 =	sshrl.u32 s7, $0x3;
	[bflag:$0x0] =	sbarrier.arrive $0xFFFF;
	(pc) =	sbr.rel @p0 .LBB2_1-.Ltmp2, $4  }
0x6e: {  	[hbm:s13], [sflag:s6] =	dma.local [spmem:s29], $0x1388  }
0x6f: {  	_ =	swait.ge [sflag:s16], $0x1388  }
0x70: {  	[sflag:s16] =	ssyncset.done $0x0  }
0x71: {  	[sflag:s16] =	ssyncadd.s32 $0xFFFFEC78  }
0x72: {  	_ =	sfence.sel $0x180000  }
0x73: {  	[bflag:$0x0] =	sbarrier.arrive $0xFFFF  }
0x74: {  	p0 =	sne.s32 s1, $0x0;
	_ =	strace $0x9000004A  }
0x75: {  	s0 =	sadd.s32 @!p0 $0x100000, s0;
	[bflag:$0x2] =	sbarrier.arrive $0xFFFF  }
0x76: {  	[sflag:s0] =	ssyncadd.tile.s32 @!p0 $0x1;
	_ =	shalt  }
.Lfunc_end2:
_tile_overlayer_lowered:
.L_overlay_start_2:
0x77: {  	(tag) =	ssettag $0x2  }
0x78: {  	s0 =	rddreg [dreg:$0x0];
	s2 =	stileid.u32  }
0x79: {  	s1 =	rddreg [dreg:$0x1];
	p0 =	sne.s32 s2, $0x0  }
0x7a: {  	s3 =	rddreg [dreg:$0x2];
	[bflag:$0x3] =	sbarrier.arrive $0xFFFF;
	s2 =	simm.s32 @!p0 $0x1C05  }
0x7b: {  	[timem:s3], [sflag:s2] =	dma.local @!p0 [hbm:s0], s1  }
0x7c: {  	s0 =	simm.s32 @!p0 $0x5  }
0x7d: {  	_ =	swait.ge @!p0 [sflag:s0], s1  }
0x7e: {  	s1 =	ssub.s32 @!p0 $0x0, s1;
	[sflag:s0] =	ssyncset.done @!p0 $0x0  }
0x7f: {  	[sflag:s0] =	ssyncadd.s32 @!p0 s1  }
0x80: {  	[bflag:$0x3] =	sbarrier.arrive $0xFFFF  }
0x81: {  	_ =	shalt  }

// kernel: kernel.20.cloned.1.call-start
scs
__scs_entry_jumppad:
0x0: {  	(pc) =	sbr.rel $0x88, $3  }
0x1: {  	(tag) =	ssettag $0x0;
	lr =	simm.s32 $0x1  }
0x2: {  	[smem:$0x3F90] =	sst lr;
	_ =	strace $0xD0000000  }
0x3: {  	_ = 	snop  }
0x4: {  	_ = 	snop  }
0x5: {  	_ = 	snop  }
0x6: {  	_ = 	snop  }
0x7: {  	_ = 	snop  }
__scs_overlays_trampoline_lowered:
0x8: {  	[smem:$0x3F9F] =	sst s0  }
0x9: {  	[smem:$0x3FA0] =	sst s1  }
0xa: {  	[smem:$0x3FA1] =	sst s2  }
0xb: {  	[smem:$0x3FA2] =	sst s3  }
0xc: {  	[smem:$0x3FA3] =	sst s4  }
0xd: {  	[smem:$0x3FA4] =	sst s5  }
0xe: {  	[smem:$0x3FA5] =	sst s6  }
0xf: {  	[smem:$0x3FA6] =	sst s7  }
0x10: {  	[smem:$0x3FA7] =	sst s8  }
0x11: {  	[smem:$0x3FA8] =	sst s9;
	s0 =	simm.s32 @!p0 $0x0  }
0x12: {  	s1 =	sld [smem:$0x3F8E];
	s0 =	simm.s32 @p0 $0x1  }
0x13: {  	[smem:$0x3FA9] =	sst s0;
	s0 =	simm.s32 @!p1 $0x0  }
0x14: {  	s2 =	sld [smem:$0x3F8D];
	s0 =	simm.s32 @p1 $0x1  }
0x15: {  	[smem:$0x3FAA] =	sst s0;
	s0 =	simm.s32 @!p2 $0x0  }
0x16: {  	s3 =	sld [smem:$0x3FDB];
	s0 =	simm.s32 @p2 $0x1  }
0x17: {  	s4 =	simm.s32 $0x1BF5;
	[smem:$0x3FAC] =	sst s0  }
0x18: {  	s0 =	sld [smem:$0x3F8F];
	_ =	swait.ge [sflag:s4], $0x0  }
0x19: {  	s7 =	sld [smem:$0x3F90]  }
0x1a: {  	s8 =	sadd.s32 $0xFFFFE003, lr  }
0x1b: {  	s9 =	sadd.s32 $0xFFFFFEF7, lr;
	s5 =	simm.s32 $0xFFFFFFFF;
	p2 =	slt.u32 s8, $0xFFFFF086  }
0x1c: {  	p1 =	slt.u32 s9, $0xF7A;
	s5 =	simm.s32 @!p2 $0x0  }
0x1d: {  	s5 =	simm.s32 @p1 $0x1;
	p0 =	seq.s32 s7, s2  }
0x1e: {  	s7 =	smul.u32 @!p0 $0xF7A, s2;
	p2 =	seq.s32 @!p0 s5, $0x0  }
0x1f: {  	s9 =	smul.u32 $0xF7A, s1;
	s8 =	simm.s32 @!p0 $0x1BF5;
	p2 =	por !p2, p0  }
0x20: {  	[sflag:s8] =	ssyncset.s32 @!p0 $0xFFFFF086;
	s6 =	sadd.s32 @!p0 s3, s7;
	s7 =	simm.s32 @!p0 $0x108  }
0x21: {  	s3 =	sadd.s32 s3, s9;
	s6 =	sadd.s32 @!p0 $0x88, s6;
	s7 =	simm.s32 @p2 $0x1082  }
0x22: {  	[simem:s7], [sflag:s8] =	dma.local @!p0 [hbm:s6], $0xF7A  }
0x23: {  	s9 =	sor.u32 $0xD0000000, s2;
	s6 =	simm.s32 $0x108;
	_ =	swait.ge @!p0 [sflag:s8], $0x0  }
0x24: {  	s3 =	sadd.s32 $0x88, s3;
	s6 =	simm.s32 @!p1 $0x1082;
	[sflag:s4] =	ssyncset.s32 $0xFFFFF086  }
0x25: {  	[simem:s6], [sflag:s4] =	dma.local [hbm:s3], $0xF7A  }
0x26: {  	[smem:$0x3F90] =	sst s1;
	(tag) =	ssettag s2;
	_ =	strace s9  }
0x27: {  	s1 =	sld [smem:$0x3FA0]  }
0x28: {  	s2 =	sld [smem:$0x3FA1]  }
0x29: {  	s4 =	sld [smem:$0x3FA3]  }
0x2a: {  	p0 =	seq.s32 s5, $0x0;
	s5 =	sld [smem:$0x3FA4]  }
0x2b: {  	s6 =	sld [smem:$0x3FA5]  }
0x2c: {  	s7 =	sld [smem:$0x3FA6]  }
0x2d: {  	s3 =	simm.s32 $0x108;
	s8 =	sld [smem:$0x3FA7]  }
0x2e: {  	s3 =	simm.s32 @!p0 $0x1082;
	s9 =	sld [smem:$0x3FA8]  }
0x2f: {  	lr =	sadd.s32 s0, s3;
	s0 =	sld [smem:$0x3F9F]  }
0x30: {  	s3 =	sld [smem:$0x3FA2]  }
0x31: {  	[smem:$0x3FAB] =	sst s10  }
0x32: {  	s10 =	sld [smem:$0x3FA9];
	_ =	sdelay $0x3  }
0x33: {  	p0 =	seq.s32 s10, $0x1;
	s10 =	sld [smem:$0x3FAB];
	_ =	sdelay $0x3  }
0x34: {  	[smem:$0x3FAB] =	sst s10  }
0x35: {  	s10 =	sld [smem:$0x3FAA];
	_ =	sdelay $0x3  }
0x36: {  	p1 =	seq.s32 s10, $0x1;
	s10 =	sld [smem:$0x3FAB];
	_ =	sdelay $0x3  }
0x37: {  	[smem:$0x3FAB] =	sst s10  }
0x38: {  	s10 =	sld [smem:$0x3FAC]  }
0x39: {  	_ = 	snop;
	(pc) =	sbr.ind lr, $3  }
0x3a: {  	_ = 	snop  }
0x3b: {  	_ = 	snop  }
0x3c: {  	p2 =	seq.s32 s10, $0x1;
	s10 =	sld [smem:$0x3FAB]  }
0x3d: {  	_ =	shalt  }
0x3e: {  	_ =	shalt  }
0x3f: {  	_ =	shalt  }
0x40: {  	_ =	shalt  }
0x41: {  	_ =	shalt  }
0x42: {  	_ =	shalt  }
0x43: {  	_ =	shalt  }
0x44: {  	_ =	shalt  }
0x45: {  	_ =	shalt  }
0x46: {  	_ =	shalt  }
0x47: {  	_ =	shalt  }
0x48: {  	_ =	shalt  }
0x49: {  	_ =	shalt  }
0x4a: {  	_ =	shalt  }
0x4b: {  	_ =	shalt  }
0x4c: {  	_ =	shalt  }
0x4d: {  	_ =	shalt  }
0x4e: {  	_ =	shalt  }
0x4f: {  	_ =	shalt  }
0x50: {  	_ =	shalt  }
0x51: {  	_ =	shalt  }
0x52: {  	_ =	shalt  }
0x53: {  	_ =	shalt  }
0x54: {  	_ =	shalt  }
0x55: {  	_ =	shalt  }
0x56: {  	_ =	shalt  }
0x57: {  	_ =	shalt  }
0x58: {  	_ =	shalt  }
0x59: {  	_ =	shalt  }
0x5a: {  	_ =	shalt  }
0x5b: {  	_ =	shalt  }
0x5c: {  	_ =	shalt  }
0x5d: {  	_ =	shalt  }
0x5e: {  	_ =	shalt  }
0x5f: {  	_ =	shalt  }
0x60: {  	_ =	shalt  }
0x61: {  	_ =	shalt  }
0x62: {  	_ =	shalt  }
0x63: {  	_ =	shalt  }
0x64: {  	_ =	shalt  }
0x65: {  	_ =	shalt  }
0x66: {  	_ =	shalt  }
0x67: {  	_ =	shalt  }
0x68: {  	_ =	shalt  }
0x69: {  	_ =	shalt  }
0x6a: {  	_ =	shalt  }
0x6b: {  	_ =	shalt  }
0x6c: {  	_ =	shalt  }
0x6d: {  	_ =	shalt  }
0x6e: {  	_ =	shalt  }
0x6f: {  	_ =	shalt  }
0x70: {  	_ =	shalt  }
0x71: {  	_ =	shalt  }
0x72: {  	_ =	shalt  }
0x73: {  	_ =	shalt  }
0x74: {  	_ =	shalt  }
0x75: {  	_ =	shalt  }
0x76: {  	_ =	shalt  }
0x77: {  	_ =	shalt  }
0x78: {  	_ =	shalt  }
0x79: {  	_ =	shalt  }
0x7a: {  	_ =	shalt  }
0x7b: {  	_ =	shalt  }
0x7c: {  	_ =	shalt  }
0x7d: {  	_ =	shalt  }
0x7e: {  	_ =	shalt  }
0x7f: {  	_ =	shalt  }
0x80: {  	_ =	shalt  }
0x81: {  	_ =	shalt  }
0x82: {  	_ =	shalt  }
0x83: {  	_ =	shalt  }
0x84: {  	_ =	shalt  }
0x85: {  	_ =	shalt  }
0x86: {  	_ =	shalt  }
0x87: {  	_ =	shalt  }
.Lfunc_end0:
.L_simem_size_0:
called_computation.2_lowered:
.L_overlay_start_0:
0x88: {  	s2 =	sld [smem:$0x3FD9]  }
0x89: {  	s3 =	sld [smem:$0x3FFE];
	_ =	sdelay $0x1  }
0x8a: {  	s1 =	srdreg.scid  }
0x8b: {  	s0 =	sand.u32 $0x1, s1  }
0x8c: {  	s16 =	sshll.u32 s0, $0xA;
	s2 =	sadd.s32 s3, s2  }
0x8d: {  	s2 =	sadd.s32 s2, s16  }
0x8e: {  	[smem:$0x3FB7] =	sst s2  }
0x8f: {  	_ = 	snop  }
0x90: {  	(tm) =	ssettm $0x1  }
0x91: {  	s17 =	sld [smem:$0x3FFB];
	_ =	sdelay $0x3  }
0x92: {  	_ =	strace s17  }
0x93: {  	s2 =	sld [smem:$0x3FFC];
	_ =	sdelay $0x3  }
0x94: {  	_ =	strace s2  }
0x95: {  	s2 =	sld [smem:$0x3FFD];
	_ =	sdelay $0x3  }
0x96: {  	_ =	strace s2  }
0x97: {  	_ =	strace $0x8FFFFFFF  }
0x98: {  	s18 =	sld [smem:$0x3FDB];
	_ =	sdelay $0x1  }
0x99: {  	s19 =	simm.s32 $_scs_section_size  }
0x9a: {  	s4 =	simm.s32 $_size__tile_overlayer_lowered;
	s5 =	simm.s32 $_tile_overlayer_lowered  }
0x9b: {  	s22 =	simm.s32 $0x1BFF;
	s21 =	sshll.u32 s5, $0x1;
	s2 =	sadd.s32 s19, s18  }
0x9c: {  	s6 =	simm.s32 $0x0;
	s20 =	sshll.u32 s4, $0x1;
	s4 =	sadd.s32 s21, s2  }
0x9d: {  	[timem:s6], [sflag:s22] =	dma.local [hbm:s4], s20  }
0x9e: {  	_ =	swait.ge [sflag:s22], s20  }
0x9f: {  	s3 =	ssub.s32 $0x0, s20;
	[sflag:s22] =	ssyncset.done $0x0  }
0xa0: {  	[sflag:s22] =	ssyncadd.s32 s3;
	_ =	sdelay $0x1  }
0xa1: {  	s23 =	simm.s32 $0x1B8B  }
0xa2: {  	_ =	swait.ge [sflag:s23], $0x1  }
0xa3: {  	[sflag:s23] =	ssyncset.done $0x0  }
0xa4: {  	s25 =	simm.s32 $0x1B8E;
	s24 =	sld [smem:$0x3FFE];
	[sflag:s23] =	ssyncadd.s32 $0xFFFFFFFF  }
0xa5: {  	s26 =	simm.s32 $execute0_lowered;
	[smem:$0x3FD2] =	sst s25  }
0xa6: {  	s4 =	sshll.u32 s26, $0x1;
	_ =	strace $0x8000004C;
	[dreg:$0x1] =	wrdreg $0xFFFFFFFF  }
0xa7: {  	s28 =	simm.s32 $_size_execute0_lowered;
	s2 =	sadd.s32 s2, s4;
	[dreg:$0x0] =	wrdreg $0x0  }
0xa8: {  	s4 =	sshll.u32 s28, $0x1;
	[dreg:$0x2] =	wrdreg s2  }
0xa9: {  	[dreg:$0x3] =	wrdreg s4  }
0xaa: {  	[dreg:$0x4] =	wrdreg $0xC0  }
0xab: {  	_ =	task [dreg:s6], $0x5FFFF  }
0xac: {  	[dreg:$0x1] =	wrdreg $0xFFFFFFFF  }
0xad: {  	[dreg:$0x0] =	wrdreg $0x60  }
0xae: {  	[dreg:$0x2] =	wrdreg s24  }
0xaf: {  	[dreg:$0x3] =	wrdreg $0x14E600  }
0xb0: {  	[dreg:$0x4] =	wrdreg $0xB2200  }
0xb1: {  	[dreg:$0x5] =	wrdreg $0x9  }
0xb2: {  	_ =	task.clear_ibuf [dreg:s6], $0x6FFFF;
	_ =	strace $0x9000004C  }
0xb3: {  	s29 =	simm.s32 $0x9;
	_ =	strace $0x8000004E  }
0xb4: {  	_ =	swait.ge [sflag:s29], $0x1  }
0xb5: {  	[sflag:s29] =	ssyncadd.s32 $0xFFFFFFFF  }
0xb6: {  	_ =	strace $0x9000004E  }
0xb7: {  	_ =	sfence  }
0xb8: {  	s30 =	sld [smem:$0x0];
	_ =	sdelay $0x2  }
0xb9: {  	s31 =	sshll.u32 s1, $0xD;
	s1 =	sshrl.u32 s1, $0x2  }
0xba: {  	s3 =	sand.u32 $0x4000, s31;
	s1 =	sadd.s32 s1, s30  }
0xbb: {  	s0 =	sor.u32 s3, s0;
	s1 =	sshll.u32 s1, $0x11  }
0xbc: {  	s0 =	sor.u32 s1, s0  }
0xbd: {  	s0 =	sadd.s32 $0x8F2B, s0  }
0xbe: {  	[sflag:s0] =	ssyncadd.remote.s32 $0x1  }
0xbf: {  	_ =	sfence.sel $0xFFFF  }
0xc0: {  	[dreg:$0x0] =	wrdreg $0xFFFFFFFF;
	(pc) =	sbr.abs _section_cstart, $3  }
0xc1: {  	[dreg:$0x1] =	wrdreg $0xFFFFFFFF  }
0xc2: {  	_ =	task.clear_ibuf [dreg:s6], $0x2FFFF;
	_ =	strace $0x9FFFFFFF  }
0xc3: {  	(tm) =	ssettm $0x7FFFFFFF  }
tec
execute0_lowered:
.L_overlay_start_1:
0x0: {  	(tag) =	ssettag $0x1  }
0x1: {  	s5 =	rddreg [dreg:$0x0]  }
0x2: {  	s2 =	rddreg [dreg:$0x1]  }
0x3: {  	s3 =	rddreg [dreg:$0x2]  }
0x4: {  	s0 =	rddreg [dreg:$0x3]  }
0x5: {  	s1 =	stileid.u32;
	s4 =	simm.s32 $0x0;
	s6 =	srdreg.scid  }
0x6: {  	s17 =	simm.s32 $0x6400;
	s18 =	simm.s32 $0x8B10;
	s19 =	simm.s32 $0xC8  }
0x7: {  	s20 =	simm.s32 $0x1;
	s21 =	simm.s32 $0x64C8;
	s22 =	simm.s32 $0x3200  }
0x8: {  	s23 =	simm.s32 $0x2;
	s24 =	simm.s32 $0x8BD8;
	s25 =	simm.s32 $0x3  }
0x9: {  	s26 =	simm.s32 $0x4;
	s28 =	simm.s32 $0x0;
	s7 =	smul.u32 $0x9C40, s1  }
0xa: {  	[smem:$0x7FF] =	sst s4;
	s6 =	sand.u32 $0x1, s6;
	s12 =	smul.u32 $0x27100, s1  }
0xb: {  	s29 =	sshll.u32 s1, $0x6;
	s9 =	sshll.u32 s6, $0x4;
	s10 =	smul.u32 $0x9C400, s6  }
0xc: {  	_ =	strace $0x8000004D;
	s6 =	ssub.s32 $0x2, s6;
	s8 =	sshrl.u32 s7, $0x3  }
0xd: {  	s9 =	sor.u32 s1, s9;
	s11 =	sshrl.u32 s6, $0x1;
	s16 =	sadd.s32 s7, s2  }
0xe: {  	s30 =	sshrl.u32 s12, $0x2;
	s8 =	sadd.s32 s8, s5;
	s9 =	smul.u32 $0x4E2, s9  }
0xf: {  	s10 =	sadd.s32 s7, s10;
	s15 =	ssub.s32 s6, s11;
	s6 =	sor.u32 $0x1C05, s29  }
0x10: {  	s31 =	sadd.s32 s30, s3;
	s7 =	sadd.s32 s7, s3;
	s10 =	sshrl.u32 s10, $0x3  }
0x11: {  	s13 =	sadd.s32 s9, s5;
	s14 =	sadd.s32 s10, s5;
	s5 =	sadd.s32 $0x3F600, s8  }
0x12: {  	s8 =	sadd.s32 $0x3200, s31;
	s9 =	sadd.s32 $0x6400, s31;
	s10 =	sadd.s32 $0x9600, s31  }
0x13: {  	s11 =	sadd.s32 $0x4800, s13;
	s12 =	sadd.s32 $0xE600, s13;
	s13 =	sadd.s32 $0x53000, s14  }
0x14: {  	v0 =	vimm.f32 $0.0e+00;
	s14 =	smax.u32 s15, $0x1;
	s15 =	sshrl.u32 s16, $0x3;
	s16 =	simm.s32 $0x5  }
.LBB2_1:
0x15: {  	[spmem:s15], [sflag:s6] =	dma.local [hbm:s5], $0x1388  }
0x16: {  	_ =	swait.ge [sflag:s16], $0x1388  }
0x17: {  	[sflag:s16] =	ssyncset.done $0x0  }
0x18: {  	s30 =	simm.s32 $0x100;
	s29 =	simm.s32 $0x0;
	[sflag:s16] =	ssyncadd.s32 $0xFFFFEC78  }
.LBB2_2:
0x19: {  	p0 =	sne.s32 s30, $0xC700;
	[tilespmem:s29+$0x30] =	vst v0;
	s31 =	smov.u32 s30;
	s30 =	sadd.s32 $0x100, s30  }
.Ltmp0:
0x1a: {  	[tilespmem:s29+$0x20] =	vst v0;
	(pc) =	sbr.rel @p0 .LBB2_2-.Ltmp0, $3  }
0x1b: {  	[tilespmem:s29+$0x0] =	vst v0  }
0x1c: {  	[tilespmem:s29+$0x10] =	vst v0;
	_ =	sdelay $0x1  }
0x1d: {  	s29 =	sshra.s32 s31, $0x2  }
0x1e: {  	[tilespmem:s29+$0x30] =	vst v0  }
0x1f: {  	[tilespmem:s29+$0x20] =	vst v0  }
0x20: {  	[tilespmem:s29+$0x0] =	vst v0  }
0x21: {  	[tilespmem:s29+$0x10] =	vst v0  }
0x22: {  	[spmem:s7] =	stream.linear.scatter [tilespmem:s4], [sflag:$0x5], $0x3200, $0x38;
	[tilespmem:$0x1EAA0] =	vst v63  }
0x23: {  	_ =	swait.ge [sflag:s16], $0x3200  }
0x24: {  	[sflag:s16] =	ssyncset.done $0x0  }
0x25: {  	[sflag:s16] =	ssyncadd.s32 $0xFFFFCE00  }
0x26: {  	[spmem:s8] =	stream.linear.scatter [tilespmem:s4], [sflag:$0x5], $0x3200, $0x38;
	[tilespmem:$0x1EAA0] =	vst v63  }
0x27: {  	_ =	swait.ge [sflag:s16], $0x3200  }
0x28: {  	[sflag:s16] =	ssyncset.done $0x0  }
0x29: {  	[sflag:s16] =	ssyncadd.s32 $0xFFFFCE00  }
0x2a: {  	[spmem:s9] =	stream.linear.scatter [tilespmem:s4], [sflag:$0x5], $0x3200, $0x38;
	[tilespmem:$0x1EAA0] =	vst v63  }
0x2b: {  	_ =	swait.ge [sflag:s16], $0x3200  }
0x2c: {  	[sflag:s16] =	ssyncset.done $0x0  }
0x2d: {  	[sflag:s16] =	ssyncadd.s32 $0xFFFFCE00  }
0x2e: {  	[spmem:s10] =	stream.linear.scatter [tilespmem:s4], [sflag:$0x5], $0x640, $0x38;
	[tilespmem:$0x1EAA0] =	vst v63  }
0x2f: {  	_ =	swait.ge [sflag:s16], $0x640  }
0x30: {  	[sflag:s16] =	ssyncset.done $0x0  }
0x31: {  	[sflag:s16] =	ssyncadd.s32 $0xFFFFF9C0  }
0x32: {  	[tilespmem:s17], [sflag:$0x5] =	stream.linear.gather [hbm4b:s11+s4], $0x2710, $0x38;
	[tilespmem:$0x1EAA0] =	vst v63  }
0x33: {  	_ =	swait.ge [sflag:s16], $0x2710  }
0x34: {  	[sflag:s16] =	ssyncset.done $0x0  }
0x35: {  	[sflag:s16] =	ssyncadd.s32 $0xFFFFD8F0  }
0x36: {  	[tilespmem:s18], [sflag:$0x5] =	stream.linear.gather [hbm4b:s12+s4], $0x2710, $0x38;
	[tilespmem:$0x1EAA0] =	vst v63  }
0x37: {  	_ =	swait.ge [sflag:s16], $0x2710  }
0x38: {  	[sflag:s16] =	ssyncset.done $0x0  }
0x39: {  	[sflag:s16] =	ssyncadd.s32 $0xFFFFD8F0  }
0x3a: {  	[bflag:$0x0] =	sbarrier.arrive $0xFFFF  }
0x3b: {  	[tilespmem:s4], [sflag:$0x1] =	stream.indirect.gather [spmem:s2], $0x40, s17, s19, $0xb8;
	[tilespmem:$0x1EAA0] =	vst v63  }
0x3c: {  	_ =	swait.ge [sflag:s20], $0x3200  }
0x3d: {  	[sflag:s20] =	ssyncset.done $0x0  }
0x3e: {  	[sflag:s20] =	ssyncadd.s32 $0xFFFFCE00  }
0x3f: {  	[spmem:s3] =	stream.indirect.scatter.add.f32 [tilespmem:s4], [sflag:$0x3], $0x40, s18, s19, $0xb8;
	[tilespmem:$0x1EAA0] =	vst v63  }
0x40: {  	_ = 	snop  }
0x41: {  	[tilespmem:s22], [sflag:$0x2] =	stream.indirect.gather [spmem:s2], $0x40, s21, s19, $0xb8;
	[tilespmem:$0x1EAA0] =	vst v63  }
0x42: {  	_ =	swait.ge [sflag:s23], $0x3200  }
0x43: {  	[sflag:s23] =	ssyncset.done $0x0  }
0x44: {  	[sflag:s23] =	ssyncadd.s32 $0xFFFFCE00  }
0x45: {  	[spmem:s3] =	stream.indirect.scatter.add.f32 [tilespmem:s22], [sflag:$0x4], $0x40, s24, s19, $0xb8;
	[tilespmem:$0x1EAA0] =	vst v63  }
0x46: {  	_ =	swait.ge [sflag:s25], $0x3200  }
0x47: {  	[sflag:s25] =	ssyncset.done $0x0  }
0x48: {  	s29 =	simm.s32 $0x6590;
	[sflag:s25] =	ssyncadd.s32 $0xFFFFCE00  }
0x49: {  	[tilespmem:s4], [sflag:$0x1] =	stream.indirect.gather [spmem:s2], $0x40, s29, s19, $0xb8;
	[tilespmem:$0x1EAA0] =	vst v63  }
0x4a: {  	_ =	swait.ge [sflag:s20], $0x3200  }
0x4b: {  	[sflag:s20] =	ssyncset.done $0x0  }
0x4c: {  	s29 =	simm.s32 $0x8CA0;
	[sflag:s20] =	ssyncadd.s32 $0xFFFFCE00  }
0x4d: {  	[spmem:s3] =	stream.indirect.scatter.add.f32 [tilespmem:s4], [sflag:$0x3], $0x40, s29, s19, $0xb8;
	[tilespmem:$0x1EAA0] =	vst v63  }
0x4e: {  	_ =	swait.ge [sflag:s26], $0x3200  }
0x4f: {  	[sflag:s26] =	ssyncset.done $0x0  }
0x50: {  	s29 =	simm.s32 $0x6658;
	[sflag:s26] =	ssyncadd.s32 $0xFFFFCE00  }
0x51: {  	[tilespmem:s22], [sflag:$0x2] =	stream.indirect.gather [spmem:s2], $0x40, s29, s19, $0xb8;
	[tilespmem:$0x1EAA0] =	vst v63  }
0x52: {  	_ =	swait.ge [sflag:s23], $0x3200  }
0x53: {  	[sflag:s23] =	ssyncset.done $0x0  }
0x54: {  	s30 =	simm.s32 $0x8D68;
	s29 =	simm.s32 $0xFFFF7040;
	[sflag:s23] =	ssyncadd.s32 $0xFFFFCE00  }
.LBB2_4:
0x55: {  	[spmem:s3] =	stream.indirect.scatter.add.f32 [tilespmem:s22], [sflag:$0x4], $0x40, s30, s19, $0xb8;
	[tilespmem:$0x1EAA0] =	vst v63  }
0x56: {  	s30 =	smov.u32 s29  }
0x57: {  	p0 =	sne.s32 s29, $0xFFFFF9C0;
	s29 =	sadd.s32 $0x640, s29;
	_ =	swait.ge [sflag:s25], $0x3200  }
0x58: {  	s30 =	sshra.s32 s30, $0x2;
	[sflag:s25] =	ssyncset.done $0x0  }
0x59: {  	s31 =	sadd.s32 $0x8B10, s30;
	[sflag:s25] =	ssyncadd.s32 $0xFFFFCE00  }
0x5a: {  	[tilespmem:s4], [sflag:$0x1] =	stream.indirect.gather [spmem:s2], $0x40, s31, s19, $0xb8;
	[tilespmem:$0x1EAA0] =	vst v63  }
0x5b: {  	_ =	swait.ge [sflag:s20], $0x3200  }
0x5c: {  	[sflag:s20] =	ssyncset.done $0x0  }
0x5d: {  	s31 =	sadd.s32 $0xB220, s30;
	[sflag:s20] =	ssyncadd.s32 $0xFFFFCE00  }
0x5e: {  	[spmem:s3] =	stream.indirect.scatter.add.f32 [tilespmem:s4], [sflag:$0x3], $0x40, s31, s19, $0xb8;
	[tilespmem:$0x1EAA0] =	vst v63  }
0x5f: {  	_ =	swait.ge [sflag:s26], $0x3200  }
0x60: {  	[sflag:s26] =	ssyncset.done $0x0  }
.Ltmp1:
0x61: {  	s31 =	sadd.s32 $0x8BD8, s30;
	[sflag:s26] =	ssyncadd.s32 $0xFFFFCE00;
	(pc) =	sbr.rel @p0 .LBB2_4-.Ltmp1, $4  }
0x62: {  	[tilespmem:s22], [sflag:$0x2] =	stream.indirect.gather [spmem:s2], $0x40, s31, s19, $0xb8;
	[tilespmem:$0x1EAA0] =	vst v63  }
0x63: {  	_ =	swait.ge [sflag:s23], $0x3200  }
0x64: {  	[sflag:s23] =	ssyncset.done $0x0  }
0x65: {  	s30 =	sadd.s32 $0xB2E8, s30;
	[sflag:s23] =	ssyncadd.s32 $0xFFFFCE00  }
0x66: {  	[spmem:s3] =	stream.indirect.scatter.add.f32 [tilespmem:s22], [sflag:$0x4], $0x40, s30, s19, $0xb8;
	[tilespmem:$0x1EAA0] =	vst v63  }
0x67: {  	_ =	swait.ge [sflag:s25], $0x3200  }
0x68: {  	[sflag:s25] =	ssyncset.done $0x0  }
0x69: {  	[sflag:s25] =	ssyncadd.s32 $0xFFFFCE00  }
0x6a: {  	_ =	swait.ge [sflag:s26], $0x3200  }
0x6b: {  	s28 =	sadd.s32 $0x1, s28;
	[sflag:s26] =	ssyncset.done $0x0  }
0x6c: {  	p0 =	sne.s32 s28, s14;
	[sflag:s26] =	ssyncadd.s32 $0xFFFFCE00  }
.Ltmp2:
0x6d: {  	s29 =	sshrl.u32 s7, $0x3;
	[bflag:$0x0] =	sbarrier.arrive $0xFFFF;
	(pc) =	sbr.rel @p0 .LBB2_1-.Ltmp2, $4  }
0x6e: {  	[hbm:s13], [sflag:s6] =	dma.local [spmem:s29], $0x1388  }
0x6f: {  	_ =	swait.ge [sflag:s16], $0x1388  }
0x70: {  	[sflag:s16] =	ssyncset.done $0x0  }
0x71: {  	[sflag:s16] =	ssyncadd.s32 $0xFFFFEC78  }
0x72: {  	_ =	sfence.sel $0x180000  }
0x73: {  	[bflag:$0x0] =	sbarrier.arrive $0xFFFF  }
0x74: {  	p0 =	sne.s32 s1, $0x0;
	_ =	strace $0x9000004D  }
0x75: {  	s0 =	sadd.s32 @!p0 $0x100000, s0;
	[bflag:$0x2] =	sbarrier.arrive $0xFFFF  }
0x76: {  	[sflag:s0] =	ssyncadd.tile.s32 @!p0 $0x1;
	_ =	shalt  }
.Lfunc_end2:
_tile_overlayer_lowered:
.L_overlay_start_2:
0x77: {  	(tag) =	ssettag $0x2  }
0x78: {  	s0 =	rddreg [dreg:$0x0];
	s2 =	stileid.u32  }
0x79: {  	s1 =	rddreg [dreg:$0x1];
	p0 =	sne.s32 s2, $0x0  }
0x7a: {  	s3 =	rddreg [dreg:$0x2];
	[bflag:$0x3] =	sbarrier.arrive $0xFFFF;
	s2 =	simm.s32 @!p0 $0x1C05  }
0x7b: {  	[timem:s3], [sflag:s2] =	dma.local @!p0 [hbm:s0], s1  }
0x7c: {  	s0 =	simm.s32 @!p0 $0x5  }
0x7d: {  	_ =	swait.ge @!p0 [sflag:s0], s1  }
0x7e: {  	s1 =	ssub.s32 @!p0 $0x0, s1;
	[sflag:s0] =	ssyncset.done @!p0 $0x0  }
0x7f: {  	[sflag:s0] =	ssyncadd.s32 @!p0 s1  }
0x80: {  	[bflag:$0x3] =	sbarrier.arrive $0xFFFF  }
0x81: {  	_ =	shalt  }

// kernel: kernel.23.cloned.1.call-start
scs
__scs_entry_jumppad:
0x0: {  	(pc) =	sbr.rel $0x88, $3  }
0x1: {  	(tag) =	ssettag $0x0;
	lr =	simm.s32 $0x1  }
0x2: {  	[smem:$0x3F90] =	sst lr;
	_ =	strace $0xD0000000  }
0x3: {  	_ = 	snop  }
0x4: {  	_ = 	snop  }
0x5: {  	_ = 	snop  }
0x6: {  	_ = 	snop  }
0x7: {  	_ = 	snop  }
__scs_overlays_trampoline_lowered:
0x8: {  	[smem:$0x3F9F] =	sst s0  }
0x9: {  	[smem:$0x3FA0] =	sst s1  }
0xa: {  	[smem:$0x3FA1] =	sst s2  }
0xb: {  	[smem:$0x3FA2] =	sst s3  }
0xc: {  	[smem:$0x3FA3] =	sst s4  }
0xd: {  	[smem:$0x3FA4] =	sst s5  }
0xe: {  	[smem:$0x3FA5] =	sst s6  }
0xf: {  	[smem:$0x3FA6] =	sst s7  }
0x10: {  	[smem:$0x3FA7] =	sst s8  }
0x11: {  	[smem:$0x3FA8] =	sst s9;
	s0 =	simm.s32 @!p0 $0x0  }
0x12: {  	s1 =	sld [smem:$0x3F8E];
	s0 =	simm.s32 @p0 $0x1  }
0x13: {  	[smem:$0x3FA9] =	sst s0;
	s0 =	simm.s32 @!p1 $0x0  }
0x14: {  	s2 =	sld [smem:$0x3F8D];
	s0 =	simm.s32 @p1 $0x1  }
0x15: {  	[smem:$0x3FAA] =	sst s0;
	s0 =	simm.s32 @!p2 $0x0  }
0x16: {  	s3 =	sld [smem:$0x3FDB];
	s0 =	simm.s32 @p2 $0x1  }
0x17: {  	s4 =	simm.s32 $0x1BF5;
	[smem:$0x3FAC] =	sst s0  }
0x18: {  	s0 =	sld [smem:$0x3F8F];
	_ =	swait.ge [sflag:s4], $0x0  }
0x19: {  	s7 =	sld [smem:$0x3F90]  }
0x1a: {  	s8 =	sadd.s32 $0xFFFFE003, lr  }
0x1b: {  	s9 =	sadd.s32 $0xFFFFFEF7, lr;
	s5 =	simm.s32 $0xFFFFFFFF;
	p2 =	slt.u32 s8, $0xFFFFF086  }
0x1c: {  	p1 =	slt.u32 s9, $0xF7A;
	s5 =	simm.s32 @!p2 $0x0  }
0x1d: {  	s5 =	simm.s32 @p1 $0x1;
	p0 =	seq.s32 s7, s2  }
0x1e: {  	s7 =	smul.u32 @!p0 $0xF7A, s2;
	p2 =	seq.s32 @!p0 s5, $0x0  }
0x1f: {  	s9 =	smul.u32 $0xF7A, s1;
	s8 =	simm.s32 @!p0 $0x1BF5;
	p2 =	por !p2, p0  }
0x20: {  	[sflag:s8] =	ssyncset.s32 @!p0 $0xFFFFF086;
	s6 =	sadd.s32 @!p0 s3, s7;
	s7 =	simm.s32 @!p0 $0x108  }
0x21: {  	s3 =	sadd.s32 s3, s9;
	s6 =	sadd.s32 @!p0 $0x88, s6;
	s7 =	simm.s32 @p2 $0x1082  }
0x22: {  	[simem:s7], [sflag:s8] =	dma.local @!p0 [hbm:s6], $0xF7A  }
0x23: {  	s9 =	sor.u32 $0xD0000000, s2;
	s6 =	simm.s32 $0x108;
	_ =	swait.ge @!p0 [sflag:s8], $0x0  }
0x24: {  	s3 =	sadd.s32 $0x88, s3;
	s6 =	simm.s32 @!p1 $0x1082;
	[sflag:s4] =	ssyncset.s32 $0xFFFFF086  }
0x25: {  	[simem:s6], [sflag:s4] =	dma.local [hbm:s3], $0xF7A  }
0x26: {  	[smem:$0x3F90] =	sst s1;
	(tag) =	ssettag s2;
	_ =	strace s9  }
0x27: {  	s1 =	sld [smem:$0x3FA0]  }
0x28: {  	s2 =	sld [smem:$0x3FA1]  }
0x29: {  	s4 =	sld [smem:$0x3FA3]  }
0x2a: {  	p0 =	seq.s32 s5, $0x0;
	s5 =	sld [smem:$0x3FA4]  }
0x2b: {  	s6 =	sld [smem:$0x3FA5]  }
0x2c: {  	s7 =	sld [smem:$0x3FA6]  }
0x2d: {  	s3 =	simm.s32 $0x108;
	s8 =	sld [smem:$0x3FA7]  }
0x2e: {  	s3 =	simm.s32 @!p0 $0x1082;
	s9 =	sld [smem:$0x3FA8]  }
0x2f: {  	lr =	sadd.s32 s0, s3;
	s0 =	sld [smem:$0x3F9F]  }
0x30: {  	s3 =	sld [smem:$0x3FA2]  }
0x31: {  	[smem:$0x3FAB] =	sst s10  }
0x32: {  	s10 =	sld [smem:$0x3FA9];
	_ =	sdelay $0x3  }
0x33: {  	p0 =	seq.s32 s10, $0x1;
	s10 =	sld [smem:$0x3FAB];
	_ =	sdelay $0x3  }
0x34: {  	[smem:$0x3FAB] =	sst s10  }
0x35: {  	s10 =	sld [smem:$0x3FAA];
	_ =	sdelay $0x3  }
0x36: {  	p1 =	seq.s32 s10, $0x1;
	s10 =	sld [smem:$0x3FAB];
	_ =	sdelay $0x3  }
0x37: {  	[smem:$0x3FAB] =	sst s10  }
0x38: {  	s10 =	sld [smem:$0x3FAC]  }
0x39: {  	_ = 	snop;
	(pc) =	sbr.ind lr, $3  }
0x3a: {  	_ = 	snop  }
0x3b: {  	_ = 	snop  }
0x3c: {  	p2 =	seq.s32 s10, $0x1;
	s10 =	sld [smem:$0x3FAB]  }
0x3d: {  	_ =	shalt  }
0x3e: {  	_ =	shalt  }
0x3f: {  	_ =	shalt  }
0x40: {  	_ =	shalt  }
0x41: {  	_ =	shalt  }
0x42: {  	_ =	shalt  }
0x43: {  	_ =	shalt  }
0x44: {  	_ =	shalt  }
0x45: {  	_ =	shalt  }
0x46: {  	_ =	shalt  }
0x47: {  	_ =	shalt  }
0x48: {  	_ =	shalt  }
0x49: {  	_ =	shalt  }
0x4a: {  	_ =	shalt  }
0x4b: {  	_ =	shalt  }
0x4c: {  	_ =	shalt  }
0x4d: {  	_ =	shalt  }
0x4e: {  	_ =	shalt  }
0x4f: {  	_ =	shalt  }
0x50: {  	_ =	shalt  }
0x51: {  	_ =	shalt  }
0x52: {  	_ =	shalt  }
0x53: {  	_ =	shalt  }
0x54: {  	_ =	shalt  }
0x55: {  	_ =	shalt  }
0x56: {  	_ =	shalt  }
0x57: {  	_ =	shalt  }
0x58: {  	_ =	shalt  }
0x59: {  	_ =	shalt  }
0x5a: {  	_ =	shalt  }
0x5b: {  	_ =	shalt  }
0x5c: {  	_ =	shalt  }
0x5d: {  	_ =	shalt  }
0x5e: {  	_ =	shalt  }
0x5f: {  	_ =	shalt  }
0x60: {  	_ =	shalt  }
0x61: {  	_ =	shalt  }
0x62: {  	_ =	shalt  }
0x63: {  	_ =	shalt  }
0x64: {  	_ =	shalt  }
0x65: {  	_ =	shalt  }
0x66: {  	_ =	shalt  }
0x67: {  	_ =	shalt  }
0x68: {  	_ =	shalt  }
0x69: {  	_ =	shalt  }
0x6a: {  	_ =	shalt  }
0x6b: {  	_ =	shalt  }
0x6c: {  	_ =	shalt  }
0x6d: {  	_ =	shalt  }
0x6e: {  	_ =	shalt  }
0x6f: {  	_ =	shalt  }
0x70: {  	_ =	shalt  }
0x71: {  	_ =	shalt  }
0x72: {  	_ =	shalt  }
0x73: {  	_ =	shalt  }
0x74: {  	_ =	shalt  }
0x75: {  	_ =	shalt  }
0x76: {  	_ =	shalt  }
0x77: {  	_ =	shalt  }
0x78: {  	_ =	shalt  }
0x79: {  	_ =	shalt  }
0x7a: {  	_ =	shalt  }
0x7b: {  	_ =	shalt  }
0x7c: {  	_ =	shalt  }
0x7d: {  	_ =	shalt  }
0x7e: {  	_ =	shalt  }
0x7f: {  	_ =	shalt  }
0x80: {  	_ =	shalt  }
0x81: {  	_ =	shalt  }
0x82: {  	_ =	shalt  }
0x83: {  	_ =	shalt  }
0x84: {  	_ =	shalt  }
0x85: {  	_ =	shalt  }
0x86: {  	_ =	shalt  }
0x87: {  	_ =	shalt  }
.Lfunc_end0:
.L_simem_size_0:
called_computation.3_lowered:
.L_overlay_start_0:
0x88: {  	s2 =	sld [smem:$0x3FD9]  }
0x89: {  	s3 =	sld [smem:$0x3FFE];
	_ =	sdelay $0x1  }
0x8a: {  	s1 =	srdreg.scid  }
0x8b: {  	s0 =	sand.u32 $0x1, s1  }
0x8c: {  	s16 =	sshll.u32 s0, $0xA;
	s2 =	sadd.s32 s3, s2  }
0x8d: {  	s2 =	sadd.s32 s2, s16  }
0x8e: {  	[smem:$0x3FB7] =	sst s2  }
0x8f: {  	_ = 	snop  }
0x90: {  	(tm) =	ssettm $0x1  }
0x91: {  	s17 =	sld [smem:$0x3FFB];
	_ =	sdelay $0x3  }
0x92: {  	_ =	strace s17  }
0x93: {  	s2 =	sld [smem:$0x3FFC];
	_ =	sdelay $0x3  }
0x94: {  	_ =	strace s2  }
0x95: {  	s2 =	sld [smem:$0x3FFD];
	_ =	sdelay $0x3  }
0x96: {  	_ =	strace s2  }
0x97: {  	_ =	strace $0x8FFFFFFF  }
0x98: {  	s18 =	sld [smem:$0x3FDB];
	_ =	sdelay $0x1  }
0x99: {  	s19 =	simm.s32 $_scs_section_size  }
0x9a: {  	s4 =	simm.s32 $_size__tile_overlayer_lowered;
	s5 =	simm.s32 $_tile_overlayer_lowered  }
0x9b: {  	s22 =	simm.s32 $0x1BFF;
	s21 =	sshll.u32 s5, $0x1;
	s2 =	sadd.s32 s19, s18  }
0x9c: {  	s6 =	simm.s32 $0x0;
	s20 =	sshll.u32 s4, $0x1;
	s4 =	sadd.s32 s21, s2  }
0x9d: {  	[timem:s6], [sflag:s22] =	dma.local [hbm:s4], s20  }
0x9e: {  	_ =	swait.ge [sflag:s22], s20  }
0x9f: {  	s3 =	ssub.s32 $0x0, s20;
	[sflag:s22] =	ssyncset.done $0x0  }
0xa0: {  	[sflag:s22] =	ssyncadd.s32 s3;
	_ =	sdelay $0x1  }
0xa1: {  	s23 =	simm.s32 $0x1B8B  }
0xa2: {  	_ =	swait.ge [sflag:s23], $0x1  }
0xa3: {  	[sflag:s23] =	ssyncset.done $0x0  }
0xa4: {  	s25 =	simm.s32 $0x1B8E;
	s24 =	sld [smem:$0x3FFE];
	[sflag:s23] =	ssyncadd.s32 $0xFFFFFFFF  }
0xa5: {  	s26 =	simm.s32 $execute0_lowered;
	[smem:$0x3FD2] =	sst s25  }
0xa6: {  	s4 =	sshll.u32 s26, $0x1;
	_ =	strace $0x8000004F;
	[dreg:$0x1] =	wrdreg $0xFFFFFFFF  }
0xa7: {  	s28 =	simm.s32 $_size_execute0_lowered;
	s2 =	sadd.s32 s2, s4;
	[dreg:$0x0] =	wrdreg $0x0  }
0xa8: {  	s4 =	sshll.u32 s28, $0x1;
	[dreg:$0x2] =	wrdreg s2  }
0xa9: {  	[dreg:$0x3] =	wrdreg s4  }
0xaa: {  	[dreg:$0x4] =	wrdreg $0xC0  }
0xab: {  	_ =	task [dreg:s6], $0x5FFFF  }
0xac: {  	[dreg:$0x1] =	wrdreg $0xFFFFFFFF  }
0xad: {  	[dreg:$0x0] =	wrdreg $0x60  }
0xae: {  	[dreg:$0x2] =	wrdreg s24  }
0xaf: {  	[dreg:$0x3] =	wrdreg $0x14E600  }
0xb0: {  	[dreg:$0x4] =	wrdreg $0xB2200  }
0xb1: {  	[dreg:$0x5] =	wrdreg $0x9  }
0xb2: {  	_ =	task.clear_ibuf [dreg:s6], $0x6FFFF;
	_ =	strace $0x9000004F  }
0xb3: {  	s29 =	simm.s32 $0x9;
	_ =	strace $0x80000051  }
0xb4: {  	_ =	swait.ge [sflag:s29], $0x1  }
0xb5: {  	[sflag:s29] =	ssyncadd.s32 $0xFFFFFFFF  }
0xb6: {  	_ =	strace $0x90000051  }
0xb7: {  	_ =	sfence  }
0xb8: {  	s30 =	sld [smem:$0x0];
	_ =	sdelay $0x2  }
0xb9: {  	s31 =	sshll.u32 s1, $0xD;
	s1 =	sshrl.u32 s1, $0x2  }
0xba: {  	s3 =	sand.u32 $0x4000, s31;
	s1 =	sadd.s32 s1, s30  }
0xbb: {  	s0 =	sor.u32 s3, s0;
	s1 =	sshll.u32 s1, $0x11  }
0xbc: {  	s0 =	sor.u32 s1, s0  }
0xbd: {  	s0 =	sadd.s32 $0x8F2B, s0  }
0xbe: {  	[sflag:s0] =	ssyncadd.remote.s32 $0x1  }
0xbf: {  	_ =	sfence.sel $0xFFFF  }
0xc0: {  	[dreg:$0x0] =	wrdreg $0xFFFFFFFF;
	(pc) =	sbr.abs _section_cstart, $3  }
0xc1: {  	[dreg:$0x1] =	wrdreg $0xFFFFFFFF  }
0xc2: {  	_ =	task.clear_ibuf [dreg:s6], $0x2FFFF;
	_ =	strace $0x9FFFFFFF  }
0xc3: {  	(tm) =	ssettm $0x7FFFFFFF  }
tec
execute0_lowered:
.L_overlay_start_1:
0x0: {  	(tag) =	ssettag $0x1  }
0x1: {  	s5 =	rddreg [dreg:$0x0]  }
0x2: {  	s2 =	rddreg [dreg:$0x1]  }
0x3: {  	s3 =	rddreg [dreg:$0x2]  }
0x4: {  	s0 =	rddreg [dreg:$0x3]  }
0x5: {  	s1 =	stileid.u32;
	s4 =	simm.s32 $0x0;
	s6 =	srdreg.scid  }
0x6: {  	s17 =	simm.s32 $0x6400;
	s18 =	simm.s32 $0x8B10;
	s19 =	simm.s32 $0xC8  }
0x7: {  	s20 =	simm.s32 $0x1;
	s21 =	simm.s32 $0x64C8;
	s22 =	simm.s32 $0x3200  }
0x8: {  	s23 =	simm.s32 $0x2;
	s24 =	simm.s32 $0x8BD8;
	s25 =	simm.s32 $0x3  }
0x9: {  	s26 =	simm.s32 $0x4;
	s28 =	simm.s32 $0x0;
	s7 =	smul.u32 $0x9C40, s1  }
0xa: {  	[smem:$0x7FF] =	sst s4;
	s6 =	sand.u32 $0x1, s6;
	s12 =	smul.u32 $0x27100, s1  }
0xb: {  	s29 =	sshll.u32 s1, $0x6;
	s9 =	sshll.u32 s6, $0x4;
	s10 =	smul.u32 $0x9C400, s6  }
0xc: {  	_ =	strace $0x80000050;
	s6 =	ssub.s32 $0x2, s6;
	s8 =	sshrl.u32 s7, $0x3  }
0xd: {  	s9 =	sor.u32 s1, s9;
	s11 =	sshrl.u32 s6, $0x1;
	s16 =	sadd.s32 s7, s2  }
0xe: {  	s30 =	sshrl.u32 s12, $0x2;
	s8 =	sadd.s32 s8, s5;
	s9 =	smul.u32 $0x4E2, s9  }
0xf: {  	s10 =	sadd.s32 s7, s10;
	s15 =	ssub.s32 s6, s11;
	s6 =	sor.u32 $0x1C05, s29  }
0x10: {  	s31 =	sadd.s32 s30, s3;
	s7 =	sadd.s32 s7, s3;
	s10 =	sshrl.u32 s10, $0x3  }
0x11: {  	s13 =	sadd.s32 s9, s5;
	s14 =	sadd.s32 s10, s5;
	s5 =	sadd.s32 $0x66800, s8  }
0x12: {  	s8 =	sadd.s32 $0x3200, s31;
	s9 =	sadd.s32 $0x6400, s31;
	s10 =	sadd.s32 $0x9600, s31  }
0x13: {  	s11 =	sadd.s32 $0x4800, s13;
	s12 =	sadd.s32 $0xE600, s13;
	s13 =	sadd.s32 $0x7A200, s14  }
0x14: {  	v0 =	vimm.f32 $0.0e+00;
	s14 =	smax.u32 s15, $0x1;
	s15 =	sshrl.u32 s16, $0x3;
	s16 =	simm.s32 $0x5  }
.LBB2_1:
0x15: {  	[spmem:s15], [sflag:s6] =	dma.local [hbm:s5], $0x1388  }
0x16: {  	_ =	swait.ge [sflag:s16], $0x1388  }
0x17: {  	[sflag:s16] =	ssyncset.done $0x0  }
0x18: {  	s30 =	simm.s32 $0x100;
	s29 =	simm.s32 $0x0;
	[sflag:s16] =	ssyncadd.s32 $0xFFFFEC78  }
.LBB2_2:
0x19: {  	p0 =	sne.s32 s30, $0xC700;
	[tilespmem:s29+$0x30] =	vst v0;
	s31 =	smov.u32 s30;
	s30 =	sadd.s32 $0x100, s30  }
.Ltmp0:
0x1a: {  	[tilespmem:s29+$0x20] =	vst v0;
	(pc) =	sbr.rel @p0 .LBB2_2-.Ltmp0, $3  }
0x1b: {  	[tilespmem:s29+$0x0] =	vst v0  }
0x1c: {  	[tilespmem:s29+$0x10] =	vst v0;
	_ =	sdelay $0x1  }
0x1d: {  	s29 =	sshra.s32 s31, $0x2  }
0x1e: {  	[tilespmem:s29+$0x30] =	vst v0  }
0x1f: {  	[tilespmem:s29+$0x20] =	vst v0  }
0x20: {  	[tilespmem:s29+$0x0] =	vst v0  }
0x21: {  	[tilespmem:s29+$0x10] =	vst v0  }
0x22: {  	[spmem:s7] =	stream.linear.scatter [tilespmem:s4], [sflag:$0x5], $0x3200, $0x38;
	[tilespmem:$0x1EAA0] =	vst v63  }
0x23: {  	_ =	swait.ge [sflag:s16], $0x3200  }
0x24: {  	[sflag:s16] =	ssyncset.done $0x0  }
0x25: {  	[sflag:s16] =	ssyncadd.s32 $0xFFFFCE00  }
0x26: {  	[spmem:s8] =	stream.linear.scatter [tilespmem:s4], [sflag:$0x5], $0x3200, $0x38;
	[tilespmem:$0x1EAA0] =	vst v63  }
0x27: {  	_ =	swait.ge [sflag:s16], $0x3200  }
0x28: {  	[sflag:s16] =	ssyncset.done $0x0  }
0x29: {  	[sflag:s16] =	ssyncadd.s32 $0xFFFFCE00  }
0x2a: {  	[spmem:s9] =	stream.linear.scatter [tilespmem:s4], [sflag:$0x5], $0x3200, $0x38;
	[tilespmem:$0x1EAA0] =	vst v63  }
0x2b: {  	_ =	swait.ge [sflag:s16], $0x3200  }
0x2c: {  	[sflag:s16] =	ssyncset.done $0x0  }
0x2d: {  	[sflag:s16] =	ssyncadd.s32 $0xFFFFCE00  }
0x2e: {  	[spmem:s10] =	stream.linear.scatter [tilespmem:s4], [sflag:$0x5], $0x640, $0x38;
	[tilespmem:$0x1EAA0] =	vst v63  }
0x2f: {  	_ =	swait.ge [sflag:s16], $0x640  }
0x30: {  	[sflag:s16] =	ssyncset.done $0x0  }
0x31: {  	[sflag:s16] =	ssyncadd.s32 $0xFFFFF9C0  }
0x32: {  	[tilespmem:s17], [sflag:$0x5] =	stream.linear.gather [hbm4b:s11+s4], $0x2710, $0x38;
	[tilespmem:$0x1EAA0] =	vst v63  }
0x33: {  	_ =	swait.ge [sflag:s16], $0x2710  }
0x34: {  	[sflag:s16] =	ssyncset.done $0x0  }
0x35: {  	[sflag:s16] =	ssyncadd.s32 $0xFFFFD8F0  }
0x36: {  	[tilespmem:s18], [sflag:$0x5] =	stream.linear.gather [hbm4b:s12+s4], $0x2710, $0x38;
	[tilespmem:$0x1EAA0] =	vst v63  }
0x37: {  	_ =	swait.ge [sflag:s16], $0x2710  }
0x38: {  	[sflag:s16] =	ssyncset.done $0x0  }
0x39: {  	[sflag:s16] =	ssyncadd.s32 $0xFFFFD8F0  }
0x3a: {  	[bflag:$0x0] =	sbarrier.arrive $0xFFFF  }
0x3b: {  	[tilespmem:s4], [sflag:$0x1] =	stream.indirect.gather [spmem:s2], $0x40, s17, s19, $0xb8;
	[tilespmem:$0x1EAA0] =	vst v63  }
0x3c: {  	_ =	swait.ge [sflag:s20], $0x3200  }
0x3d: {  	[sflag:s20] =	ssyncset.done $0x0  }
0x3e: {  	[sflag:s20] =	ssyncadd.s32 $0xFFFFCE00  }
0x3f: {  	[spmem:s3] =	stream.indirect.scatter.add.f32 [tilespmem:s4], [sflag:$0x3], $0x40, s18, s19, $0xb8;
	[tilespmem:$0x1EAA0] =	vst v63  }
0x40: {  	_ = 	snop  }
0x41: {  	[tilespmem:s22], [sflag:$0x2] =	stream.indirect.gather [spmem:s2], $0x40, s21, s19, $0xb8;
	[tilespmem:$0x1EAA0] =	vst v63  }
0x42: {  	_ =	swait.ge [sflag:s23], $0x3200  }
0x43: {  	[sflag:s23] =	ssyncset.done $0x0  }
0x44: {  	[sflag:s23] =	ssyncadd.s32 $0xFFFFCE00  }
0x45: {  	[spmem:s3] =	stream.indirect.scatter.add.f32 [tilespmem:s22], [sflag:$0x4], $0x40, s24, s19, $0xb8;
	[tilespmem:$0x1EAA0] =	vst v63  }
0x46: {  	_ =	swait.ge [sflag:s25], $0x3200  }
0x47: {  	[sflag:s25] =	ssyncset.done $0x0  }
0x48: {  	s29 =	simm.s32 $0x6590;
	[sflag:s25] =	ssyncadd.s32 $0xFFFFCE00  }
0x49: {  	[tilespmem:s4], [sflag:$0x1] =	stream.indirect.gather [spmem:s2], $0x40, s29, s19, $0xb8;
	[tilespmem:$0x1EAA0] =	vst v63  }
0x4a: {  	_ =	swait.ge [sflag:s20], $0x3200  }
0x4b: {  	[sflag:s20] =	ssyncset.done $0x0  }
0x4c: {  	s29 =	simm.s32 $0x8CA0;
	[sflag:s20] =	ssyncadd.s32 $0xFFFFCE00  }
0x4d: {  	[spmem:s3] =	stream.indirect.scatter.add.f32 [tilespmem:s4], [sflag:$0x3], $0x40, s29, s19, $0xb8;
	[tilespmem:$0x1EAA0] =	vst v63  }
0x4e: {  	_ =	swait.ge [sflag:s26], $0x3200  }
0x4f: {  	[sflag:s26] =	ssyncset.done $0x0  }
0x50: {  	s29 =	simm.s32 $0x6658;
	[sflag:s26] =	ssyncadd.s32 $0xFFFFCE00  }
0x51: {  	[tilespmem:s22], [sflag:$0x2] =	stream.indirect.gather [spmem:s2], $0x40, s29, s19, $0xb8;
	[tilespmem:$0x1EAA0] =	vst v63  }
0x52: {  	_ =	swait.ge [sflag:s23], $0x3200  }
0x53: {  	[sflag:s23] =	ssyncset.done $0x0  }
0x54: {  	s30 =	simm.s32 $0x8D68;
	s29 =	simm.s32 $0xFFFF7040;
	[sflag:s23] =	ssyncadd.s32 $0xFFFFCE00  }
.LBB2_4:
0x55: {  	[spmem:s3] =	stream.indirect.scatter.add.f32 [tilespmem:s22], [sflag:$0x4], $0x40, s30, s19, $0xb8;
	[tilespmem:$0x1EAA0] =	vst v63  }
0x56: {  	s30 =	smov.u32 s29  }
0x57: {  	p0 =	sne.s32 s29, $0xFFFFF9C0;
	s29 =	sadd.s32 $0x640, s29;
	_ =	swait.ge [sflag:s25], $0x3200  }
0x58: {  	s30 =	sshra.s32 s30, $0x2;
	[sflag:s25] =	ssyncset.done $0x0  }
0x59: {  	s31 =	sadd.s32 $0x8B10, s30;
	[sflag:s25] =	ssyncadd.s32 $0xFFFFCE00  }
0x5a: {  	[tilespmem:s4], [sflag:$0x1] =	stream.indirect.gather [spmem:s2], $0x40, s31, s19, $0xb8;
	[tilespmem:$0x1EAA0] =	vst v63  }
0x5b: {  	_ =	swait.ge [sflag:s20], $0x3200  }
0x5c: {  	[sflag:s20] =	ssyncset.done $0x0  }
0x5d: {  	s31 =	sadd.s32 $0xB220, s30;
	[sflag:s20] =	ssyncadd.s32 $0xFFFFCE00  }
0x5e: {  	[spmem:s3] =	stream.indirect.scatter.add.f32 [tilespmem:s4], [sflag:$0x3], $0x40, s31, s19, $0xb8;
	[tilespmem:$0x1EAA0] =	vst v63  }
0x5f: {  	_ =	swait.ge [sflag:s26], $0x3200  }
0x60: {  	[sflag:s26] =	ssyncset.done $0x0  }
.Ltmp1:
0x61: {  	s31 =	sadd.s32 $0x8BD8, s30;
	[sflag:s26] =	ssyncadd.s32 $0xFFFFCE00;
	(pc) =	sbr.rel @p0 .LBB2_4-.Ltmp1, $4  }
0x62: {  	[tilespmem:s22], [sflag:$0x2] =	stream.indirect.gather [spmem:s2], $0x40, s31, s19, $0xb8;
	[tilespmem:$0x1EAA0] =	vst v63  }
0x63: {  	_ =	swait.ge [sflag:s23], $0x3200  }
0x64: {  	[sflag:s23] =	ssyncset.done $0x0  }
0x65: {  	s30 =	sadd.s32 $0xB2E8, s30;
	[sflag:s23] =	ssyncadd.s32 $0xFFFFCE00  }
0x66: {  	[spmem:s3] =	stream.indirect.scatter.add.f32 [tilespmem:s22], [sflag:$0x4], $0x40, s30, s19, $0xb8;
	[tilespmem:$0x1EAA0] =	vst v63  }
0x67: {  	_ =	swait.ge [sflag:s25], $0x3200  }
0x68: {  	[sflag:s25] =	ssyncset.done $0x0  }
0x69: {  	[sflag:s25] =	ssyncadd.s32 $0xFFFFCE00  }
0x6a: {  	_ =	swait.ge [sflag:s26], $0x3200  }
0x6b: {  	s28 =	sadd.s32 $0x1, s28;
	[sflag:s26] =	ssyncset.done $0x0  }
0x6c: {  	p0 =	sne.s32 s28, s14;
	[sflag:s26] =	ssyncadd.s32 $0xFFFFCE00  }
.Ltmp2:
0x6d: {  	s29 =	sshrl.u32 s7, $0x3;
	[bflag:$0x0] =	sbarrier.arrive $0xFFFF;
	(pc) =	sbr.rel @p0 .LBB2_1-.Ltmp2, $4  }
0x6e: {  	[hbm:s13], [sflag:s6] =	dma.local [spmem:s29], $0x1388  }
0x6f: {  	_ =	swait.ge [sflag:s16], $0x1388  }
0x70: {  	[sflag:s16] =	ssyncset.done $0x0  }
0x71: {  	[sflag:s16] =	ssyncadd.s32 $0xFFFFEC78  }
0x72: {  	_ =	sfence.sel $0x180000  }
0x73: {  	[bflag:$0x0] =	sbarrier.arrive $0xFFFF  }
0x74: {  	p0 =	sne.s32 s1, $0x0;
	_ =	strace $0x90000050  }
0x75: {  	s0 =	sadd.s32 @!p0 $0x100000, s0;
	[bflag:$0x2] =	sbarrier.arrive $0xFFFF  }
0x76: {  	[sflag:s0] =	ssyncadd.tile.s32 @!p0 $0x1;
	_ =	shalt  }
.Lfunc_end2:
_tile_overlayer_lowered:
.L_overlay_start_2:
0x77: {  	(tag) =	ssettag $0x2  }
0x78: {  	s0 =	rddreg [dreg:$0x0];
	s2 =	stileid.u32  }
0x79: {  	s1 =	rddreg [dreg:$0x1];
	p0 =	sne.s32 s2, $0x0  }
0x7a: {  	s3 =	rddreg [dreg:$0x2];
	[bflag:$0x3] =	sbarrier.arrive $0xFFFF;
	s2 =	simm.s32 @!p0 $0x1C05  }
0x7b: {  	[timem:s3], [sflag:s2] =	dma.local @!p0 [hbm:s0], s1  }
0x7c: {  	s0 =	simm.s32 @!p0 $0x5  }
0x7d: {  	_ =	swait.ge @!p0 [sflag:s0], s1  }
0x7e: {  	s1 =	ssub.s32 @!p0 $0x0, s1;
	[sflag:s0] =	ssyncset.done @!p0 $0x0  }
0x7f: {  	[sflag:s0] =	ssyncadd.s32 @!p0 s1  }
0x80: {  	[bflag:$0x3] =	sbarrier.arrive $0xFFFF  }
0x81: {  	_ =	shalt  }

// kernel: kernel.26.cloned.1.call-start
scs
__scs_entry_jumppad:
0x0: {  	(pc) =	sbr.rel $0x88, $3  }
0x1: {  	(tag) =	ssettag $0x0;
	lr =	simm.s32 $0x1  }
0x2: {  	[smem:$0x3F90] =	sst lr;
	_ =	strace $0xD0000000  }
0x3: {  	_ = 	snop  }
0x4: {  	_ = 	snop  }
0x5: {  	_ = 	snop  }
0x6: {  	_ = 	snop  }
0x7: {  	_ = 	snop  }
__scs_overlays_trampoline_lowered:
0x8: {  	[smem:$0x3F9F] =	sst s0  }
0x9: {  	[smem:$0x3FA0] =	sst s1  }
0xa: {  	[smem:$0x3FA1] =	sst s2  }
0xb: {  	[smem:$0x3FA2] =	sst s3  }
0xc: {  	[smem:$0x3FA3] =	sst s4  }
0xd: {  	[smem:$0x3FA4] =	sst s5  }
0xe: {  	[smem:$0x3FA5] =	sst s6  }
0xf: {  	[smem:$0x3FA6] =	sst s7  }
0x10: {  	[smem:$0x3FA7] =	sst s8  }
0x11: {  	[smem:$0x3FA8] =	sst s9;
	s0 =	simm.s32 @!p0 $0x0  }
0x12: {  	s1 =	sld [smem:$0x3F8E];
	s0 =	simm.s32 @p0 $0x1  }
0x13: {  	[smem:$0x3FA9] =	sst s0;
	s0 =	simm.s32 @!p1 $0x0  }
0x14: {  	s2 =	sld [smem:$0x3F8D];
	s0 =	simm.s32 @p1 $0x1  }
0x15: {  	[smem:$0x3FAA] =	sst s0;
	s0 =	simm.s32 @!p2 $0x0  }
0x16: {  	s3 =	sld [smem:$0x3FDB];
	s0 =	simm.s32 @p2 $0x1  }
0x17: {  	s4 =	simm.s32 $0x1BF5;
	[smem:$0x3FAC] =	sst s0  }
0x18: {  	s0 =	sld [smem:$0x3F8F];
	_ =	swait.ge [sflag:s4], $0x0  }
0x19: {  	s7 =	sld [smem:$0x3F90]  }
0x1a: {  	s8 =	sadd.s32 $0xFFFFE003, lr  }
0x1b: {  	s9 =	sadd.s32 $0xFFFFFEF7, lr;
	s5 =	simm.s32 $0xFFFFFFFF;
	p2 =	slt.u32 s8, $0xFFFFF086  }
0x1c: {  	p1 =	slt.u32 s9, $0xF7A;
	s5 =	simm.s32 @!p2 $0x0  }
0x1d: {  	s5 =	simm.s32 @p1 $0x1;
	p0 =	seq.s32 s7, s2  }
0x1e: {  	s7 =	smul.u32 @!p0 $0xF7A, s2;
	p2 =	seq.s32 @!p0 s5, $0x0  }
0x1f: {  	s9 =	smul.u32 $0xF7A, s1;
	s8 =	simm.s32 @!p0 $0x1BF5;
	p2 =	por !p2, p0  }
0x20: {  	[sflag:s8] =	ssyncset.s32 @!p0 $0xFFFFF086;
	s6 =	sadd.s32 @!p0 s3, s7;
	s7 =	simm.s32 @!p0 $0x108  }
0x21: {  	s3 =	sadd.s32 s3, s9;
	s6 =	sadd.s32 @!p0 $0x88, s6;
	s7 =	simm.s32 @p2 $0x1082  }
0x22: {  	[simem:s7], [sflag:s8] =	dma.local @!p0 [hbm:s6], $0xF7A  }
0x23: {  	s9 =	sor.u32 $0xD0000000, s2;
	s6 =	simm.s32 $0x108;
	_ =	swait.ge @!p0 [sflag:s8], $0x0  }
0x24: {  	s3 =	sadd.s32 $0x88, s3;
	s6 =	simm.s32 @!p1 $0x1082;
	[sflag:s4] =	ssyncset.s32 $0xFFFFF086  }
0x25: {  	[simem:s6], [sflag:s4] =	dma.local [hbm:s3], $0xF7A  }
0x26: {  	[smem:$0x3F90] =	sst s1;
	(tag) =	ssettag s2;
	_ =	strace s9  }
0x27: {  	s1 =	sld [smem:$0x3FA0]  }
0x28: {  	s2 =	sld [smem:$0x3FA1]  }
0x29: {  	s4 =	sld [smem:$0x3FA3]  }
0x2a: {  	p0 =	seq.s32 s5, $0x0;
	s5 =	sld [smem:$0x3FA4]  }
0x2b: {  	s6 =	sld [smem:$0x3FA5]  }
0x2c: {  	s7 =	sld [smem:$0x3FA6]  }
0x2d: {  	s3 =	simm.s32 $0x108;
	s8 =	sld [smem:$0x3FA7]  }
0x2e: {  	s3 =	simm.s32 @!p0 $0x1082;
	s9 =	sld [smem:$0x3FA8]  }
0x2f: {  	lr =	sadd.s32 s0, s3;
	s0 =	sld [smem:$0x3F9F]  }
0x30: {  	s3 =	sld [smem:$0x3FA2]  }
0x31: {  	[smem:$0x3FAB] =	sst s10  }
0x32: {  	s10 =	sld [smem:$0x3FA9];
	_ =	sdelay $0x3  }
0x33: {  	p0 =	seq.s32 s10, $0x1;
	s10 =	sld [smem:$0x3FAB];
	_ =	sdelay $0x3  }
0x34: {  	[smem:$0x3FAB] =	sst s10  }
0x35: {  	s10 =	sld [smem:$0x3FAA];
	_ =	sdelay $0x3  }
0x36: {  	p1 =	seq.s32 s10, $0x1;
	s10 =	sld [smem:$0x3FAB];
	_ =	sdelay $0x3  }
0x37: {  	[smem:$0x3FAB] =	sst s10  }
0x38: {  	s10 =	sld [smem:$0x3FAC]  }
0x39: {  	_ = 	snop;
	(pc) =	sbr.ind lr, $3  }
0x3a: {  	_ = 	snop  }
0x3b: {  	_ = 	snop  }
0x3c: {  	p2 =	seq.s32 s10, $0x1;
	s10 =	sld [smem:$0x3FAB]  }
0x3d: {  	_ =	shalt  }
0x3e: {  	_ =	shalt  }
0x3f: {  	_ =	shalt  }
0x40: {  	_ =	shalt  }
0x41: {  	_ =	shalt  }
0x42: {  	_ =	shalt  }
0x43: {  	_ =	shalt  }
0x44: {  	_ =	shalt  }
0x45: {  	_ =	shalt  }
0x46: {  	_ =	shalt  }
0x47: {  	_ =	shalt  }
0x48: {  	_ =	shalt  }
0x49: {  	_ =	shalt  }
0x4a: {  	_ =	shalt  }
0x4b: {  	_ =	shalt  }
0x4c: {  	_ =	shalt  }
0x4d: {  	_ =	shalt  }
0x4e: {  	_ =	shalt  }
0x4f: {  	_ =	shalt  }
0x50: {  	_ =	shalt  }
0x51: {  	_ =	shalt  }
0x52: {  	_ =	shalt  }
0x53: {  	_ =	shalt  }
0x54: {  	_ =	shalt  }
0x55: {  	_ =	shalt  }
0x56: {  	_ =	shalt  }
0x57: {  	_ =	shalt  }
0x58: {  	_ =	shalt  }
0x59: {  	_ =	shalt  }
0x5a: {  	_ =	shalt  }
0x5b: {  	_ =	shalt  }
0x5c: {  	_ =	shalt  }
0x5d: {  	_ =	shalt  }
0x5e: {  	_ =	shalt  }
0x5f: {  	_ =	shalt  }
0x60: {  	_ =	shalt  }
0x61: {  	_ =	shalt  }
0x62: {  	_ =	shalt  }
0x63: {  	_ =	shalt  }
0x64: {  	_ =	shalt  }
0x65: {  	_ =	shalt  }
0x66: {  	_ =	shalt  }
0x67: {  	_ =	shalt  }
0x68: {  	_ =	shalt  }
0x69: {  	_ =	shalt  }
0x6a: {  	_ =	shalt  }
0x6b: {  	_ =	shalt  }
0x6c: {  	_ =	shalt  }
0x6d: {  	_ =	shalt  }
0x6e: {  	_ =	shalt  }
0x6f: {  	_ =	shalt  }
0x70: {  	_ =	shalt  }
0x71: {  	_ =	shalt  }
0x72: {  	_ =	shalt  }
0x73: {  	_ =	shalt  }
0x74: {  	_ =	shalt  }
0x75: {  	_ =	shalt  }
0x76: {  	_ =	shalt  }
0x77: {  	_ =	shalt  }
0x78: {  	_ =	shalt  }
0x79: {  	_ =	shalt  }
0x7a: {  	_ =	shalt  }
0x7b: {  	_ =	shalt  }
0x7c: {  	_ =	shalt  }
0x7d: {  	_ =	shalt  }
0x7e: {  	_ =	shalt  }
0x7f: {  	_ =	shalt  }
0x80: {  	_ =	shalt  }
0x81: {  	_ =	shalt  }
0x82: {  	_ =	shalt  }
0x83: {  	_ =	shalt  }
0x84: {  	_ =	shalt  }
0x85: {  	_ =	shalt  }
0x86: {  	_ =	shalt  }
0x87: {  	_ =	shalt  }
.Lfunc_end0:
.L_simem_size_0:
called_computation.4_lowered:
.L_overlay_start_0:
0x88: {  	s2 =	sld [smem:$0x3FD9]  }
0x89: {  	s3 =	sld [smem:$0x3FFE];
	_ =	sdelay $0x1  }
0x8a: {  	s1 =	srdreg.scid  }
0x8b: {  	s0 =	sand.u32 $0x1, s1  }
0x8c: {  	s16 =	sshll.u32 s0, $0xA;
	s2 =	sadd.s32 s3, s2  }
0x8d: {  	s2 =	sadd.s32 s2, s16  }
0x8e: {  	[smem:$0x3FB7] =	sst s2  }
0x8f: {  	_ = 	snop  }
0x90: {  	(tm) =	ssettm $0x1  }
0x91: {  	s17 =	sld [smem:$0x3FFB];
	_ =	sdelay $0x3  }
0x92: {  	_ =	strace s17  }
0x93: {  	s2 =	sld [smem:$0x3FFC];
	_ =	sdelay $0x3  }
0x94: {  	_ =	strace s2  }
0x95: {  	s2 =	sld [smem:$0x3FFD];
	_ =	sdelay $0x3  }
0x96: {  	_ =	strace s2  }
0x97: {  	_ =	strace $0x8FFFFFFF  }
0x98: {  	s18 =	sld [smem:$0x3FDB];
	_ =	sdelay $0x1  }
0x99: {  	s19 =	simm.s32 $_scs_section_size  }
0x9a: {  	s4 =	simm.s32 $_size__tile_overlayer_lowered;
	s5 =	simm.s32 $_tile_overlayer_lowered  }
0x9b: {  	s22 =	simm.s32 $0x1BFF;
	s21 =	sshll.u32 s5, $0x1;
	s2 =	sadd.s32 s19, s18  }
0x9c: {  	s6 =	simm.s32 $0x0;
	s20 =	sshll.u32 s4, $0x1;
	s4 =	sadd.s32 s21, s2  }
0x9d: {  	[timem:s6], [sflag:s22] =	dma.local [hbm:s4], s20  }
0x9e: {  	_ =	swait.ge [sflag:s22], s20  }
0x9f: {  	s3 =	ssub.s32 $0x0, s20;
	[sflag:s22] =	ssyncset.done $0x0  }
0xa0: {  	[sflag:s22] =	ssyncadd.s32 s3;
	_ =	sdelay $0x1  }
0xa1: {  	s23 =	simm.s32 $0x1B8B  }
0xa2: {  	_ =	swait.ge [sflag:s23], $0x1  }
0xa3: {  	[sflag:s23] =	ssyncset.done $0x0  }
0xa4: {  	s25 =	simm.s32 $0x1B8E;
	s24 =	sld [smem:$0x3FFE];
	[sflag:s23] =	ssyncadd.s32 $0xFFFFFFFF  }
0xa5: {  	s26 =	simm.s32 $execute0_lowered;
	[smem:$0x3FD2] =	sst s25  }
0xa6: {  	s4 =	sshll.u32 s26, $0x1;
	_ =	strace $0x80000052;
	[dreg:$0x1] =	wrdreg $0xFFFFFFFF  }
0xa7: {  	s28 =	simm.s32 $_size_execute0_lowered;
	s2 =	sadd.s32 s2, s4;
	[dreg:$0x0] =	wrdreg $0x0  }
0xa8: {  	s4 =	sshll.u32 s28, $0x1;
	[dreg:$0x2] =	wrdreg s2  }
0xa9: {  	[dreg:$0x3] =	wrdreg s4  }
0xaa: {  	[dreg:$0x4] =	wrdreg $0xC0  }
0xab: {  	_ =	task [dreg:s6], $0x5FFFF  }
0xac: {  	[dreg:$0x1] =	wrdreg $0xFFFFFFFF  }
0xad: {  	[dreg:$0x0] =	wrdreg $0x60  }
0xae: {  	[dreg:$0x2] =	wrdreg s24  }
0xaf: {  	[dreg:$0x3] =	wrdreg $0x14E600  }
0xb0: {  	[dreg:$0x4] =	wrdreg $0xB2200  }
0xb1: {  	[dreg:$0x5] =	wrdreg $0x9  }
0xb2: {  	_ =	task.clear_ibuf [dreg:s6], $0x6FFFF;
	_ =	strace $0x90000052  }
0xb3: {  	s29 =	simm.s32 $0x9;
	_ =	strace $0x80000054  }
0xb4: {  	_ =	swait.ge [sflag:s29], $0x1  }
0xb5: {  	[sflag:s29] =	ssyncadd.s32 $0xFFFFFFFF  }
0xb6: {  	_ =	strace $0x90000054  }
0xb7: {  	_ =	sfence  }
0xb8: {  	s30 =	sld [smem:$0x0];
	_ =	sdelay $0x2  }
0xb9: {  	s31 =	sshll.u32 s1, $0xD;
	s1 =	sshrl.u32 s1, $0x2  }
0xba: {  	s3 =	sand.u32 $0x4000, s31;
	s1 =	sadd.s32 s1, s30  }
0xbb: {  	s0 =	sor.u32 s3, s0;
	s1 =	sshll.u32 s1, $0x11  }
0xbc: {  	s0 =	sor.u32 s1, s0  }
0xbd: {  	s0 =	sadd.s32 $0x8F2B, s0  }
0xbe: {  	[sflag:s0] =	ssyncadd.remote.s32 $0x1  }
0xbf: {  	_ =	sfence.sel $0xFFFF  }
0xc0: {  	[dreg:$0x0] =	wrdreg $0xFFFFFFFF;
	(pc) =	sbr.abs _section_cstart, $3  }
0xc1: {  	[dreg:$0x1] =	wrdreg $0xFFFFFFFF  }
0xc2: {  	_ =	task.clear_ibuf [dreg:s6], $0x2FFFF;
	_ =	strace $0x9FFFFFFF  }
0xc3: {  	(tm) =	ssettm $0x7FFFFFFF  }
tec
execute0_lowered:
.L_overlay_start_1:
0x0: {  	(tag) =	ssettag $0x1  }
0x1: {  	s5 =	rddreg [dreg:$0x0]  }
0x2: {  	s2 =	rddreg [dreg:$0x1]  }
0x3: {  	s3 =	rddreg [dreg:$0x2]  }
0x4: {  	s0 =	rddreg [dreg:$0x3]  }
0x5: {  	s1 =	stileid.u32;
	s4 =	simm.s32 $0x0;
	s6 =	srdreg.scid  }
0x6: {  	s17 =	simm.s32 $0x6400;
	s18 =	simm.s32 $0x8B10;
	s19 =	simm.s32 $0xC8  }
0x7: {  	s20 =	simm.s32 $0x1;
	s21 =	simm.s32 $0x64C8;
	s22 =	simm.s32 $0x3200  }
0x8: {  	s23 =	simm.s32 $0x2;
	s24 =	simm.s32 $0x8BD8;
	s25 =	simm.s32 $0x3  }
0x9: {  	s26 =	simm.s32 $0x4;
	s28 =	simm.s32 $0x0;
	s7 =	smul.u32 $0x9C40, s1  }
0xa: {  	[smem:$0x7FF] =	sst s4;
	s6 =	sand.u32 $0x1, s6;
	s12 =	smul.u32 $0x27100, s1  }
0xb: {  	s29 =	sshll.u32 s1, $0x6;
	s9 =	sshll.u32 s6, $0x4;
	s10 =	smul.u32 $0x9C400, s6  }
0xc: {  	_ =	strace $0x80000053;
	s6 =	ssub.s32 $0x2, s6;
	s8 =	sshrl.u32 s7, $0x3  }
0xd: {  	s9 =	sor.u32 s1, s9;
	s11 =	sshrl.u32 s6, $0x1;
	s16 =	sadd.s32 s7, s2  }
0xe: {  	s30 =	sshrl.u32 s12, $0x2;
	s8 =	sadd.s32 s8, s5;
	s9 =	smul.u32 $0x4E2, s9  }
0xf: {  	s10 =	sadd.s32 s7, s10;
	s15 =	ssub.s32 s6, s11;
	s6 =	sor.u32 $0x1C05, s29  }
0x10: {  	s31 =	sadd.s32 s30, s3;
	s7 =	sadd.s32 s7, s3;
	s10 =	sshrl.u32 s10, $0x3  }
0x11: {  	s13 =	sadd.s32 s9, s5;
	s14 =	sadd.s32 s10, s5;
	s5 =	sadd.s32 $0x66800, s8  }
0x12: {  	s8 =	sadd.s32 $0x3200, s31;
	s9 =	sadd.s32 $0x6400, s31;
	s10 =	sadd.s32 $0x9600, s31  }
0x13: {  	s11 =	sadd.s32 $0x4800, s13;
	s12 =	sadd.s32 $0xE600, s13;
	s13 =	sadd.s32 $0x7A200, s14  }
0x14: {  	v0 =	vimm.f32 $0.0e+00;
	s14 =	smax.u32 s15, $0x1;
	s15 =	sshrl.u32 s16, $0x3;
	s16 =	simm.s32 $0x5  }
.LBB2_1:
0x15: {  	[spmem:s15], [sflag:s6] =	dma.local [hbm:s5], $0x1388  }
0x16: {  	_ =	swait.ge [sflag:s16], $0x1388  }
0x17: {  	[sflag:s16] =	ssyncset.done $0x0  }
0x18: {  	s30 =	simm.s32 $0x100;
	s29 =	simm.s32 $0x0;
	[sflag:s16] =	ssyncadd.s32 $0xFFFFEC78  }
.LBB2_2:
0x19: {  	p0 =	sne.s32 s30, $0xC700;
	[tilespmem:s29+$0x30] =	vst v0;
	s31 =	smov.u32 s30;
	s30 =	sadd.s32 $0x100, s30  }
.Ltmp0:
0x1a: {  	[tilespmem:s29+$0x20] =	vst v0;
	(pc) =	sbr.rel @p0 .LBB2_2-.Ltmp0, $3  }
0x1b: {  	[tilespmem:s29+$0x0] =	vst v0  }
0x1c: {  	[tilespmem:s29+$0x10] =	vst v0;
	_ =	sdelay $0x1  }
0x1d: {  	s29 =	sshra.s32 s31, $0x2  }
0x1e: {  	[tilespmem:s29+$0x30] =	vst v0  }
0x1f: {  	[tilespmem:s29+$0x20] =	vst v0  }
0x20: {  	[tilespmem:s29+$0x0] =	vst v0  }
0x21: {  	[tilespmem:s29+$0x10] =	vst v0  }
0x22: {  	[spmem:s7] =	stream.linear.scatter [tilespmem:s4], [sflag:$0x5], $0x3200, $0x38;
	[tilespmem:$0x1EAA0] =	vst v63  }
0x23: {  	_ =	swait.ge [sflag:s16], $0x3200  }
0x24: {  	[sflag:s16] =	ssyncset.done $0x0  }
0x25: {  	[sflag:s16] =	ssyncadd.s32 $0xFFFFCE00  }
0x26: {  	[spmem:s8] =	stream.linear.scatter [tilespmem:s4], [sflag:$0x5], $0x3200, $0x38;
	[tilespmem:$0x1EAA0] =	vst v63  }
0x27: {  	_ =	swait.ge [sflag:s16], $0x3200  }
0x28: {  	[sflag:s16] =	ssyncset.done $0x0  }
0x29: {  	[sflag:s16] =	ssyncadd.s32 $0xFFFFCE00  }
0x2a: {  	[spmem:s9] =	stream.linear.scatter [tilespmem:s4], [sflag:$0x5], $0x3200, $0x38;
	[tilespmem:$0x1EAA0] =	vst v63  }
0x2b: {  	_ =	swait.ge [sflag:s16], $0x3200  }
0x2c: {  	[sflag:s16] =	ssyncset.done $0x0  }
0x2d: {  	[sflag:s16] =	ssyncadd.s32 $0xFFFFCE00  }
0x2e: {  	[spmem:s10] =	stream.linear.scatter [tilespmem:s4], [sflag:$0x5], $0x640, $0x38;
	[tilespmem:$0x1EAA0] =	vst v63  }
0x2f: {  	_ =	swait.ge [sflag:s16], $0x640  }
0x30: {  	[sflag:s16] =	ssyncset.done $0x0  }
0x31: {  	[sflag:s16] =	ssyncadd.s32 $0xFFFFF9C0  }
0x32: {  	[tilespmem:s17], [sflag:$0x5] =	stream.linear.gather [hbm4b:s11+s4], $0x2710, $0x38;
	[tilespmem:$0x1EAA0] =	vst v63  }
0x33: {  	_ =	swait.ge [sflag:s16], $0x2710  }
0x34: {  	[sflag:s16] =	ssyncset.done $0x0  }
0x35: {  	[sflag:s16] =	ssyncadd.s32 $0xFFFFD8F0  }
0x36: {  	[tilespmem:s18], [sflag:$0x5] =	stream.linear.gather [hbm4b:s12+s4], $0x2710, $0x38;
	[tilespmem:$0x1EAA0] =	vst v63  }
0x37: {  	_ =	swait.ge [sflag:s16], $0x2710  }
0x38: {  	[sflag:s16] =	ssyncset.done $0x0  }
0x39: {  	[sflag:s16] =	ssyncadd.s32 $0xFFFFD8F0  }
0x3a: {  	[bflag:$0x0] =	sbarrier.arrive $0xFFFF  }
0x3b: {  	[tilespmem:s4], [sflag:$0x1] =	stream.indirect.gather [spmem:s2], $0x40, s17, s19, $0xb8;
	[tilespmem:$0x1EAA0] =	vst v63  }
0x3c: {  	_ =	swait.ge [sflag:s20], $0x3200  }
0x3d: {  	[sflag:s20] =	ssyncset.done $0x0  }
0x3e: {  	[sflag:s20] =	ssyncadd.s32 $0xFFFFCE00  }
0x3f: {  	[spmem:s3] =	stream.indirect.scatter.add.f32 [tilespmem:s4], [sflag:$0x3], $0x40, s18, s19, $0xb8;
	[tilespmem:$0x1EAA0] =	vst v63  }
0x40: {  	_ = 	snop  }
0x41: {  	[tilespmem:s22], [sflag:$0x2] =	stream.indirect.gather [spmem:s2], $0x40, s21, s19, $0xb8;
	[tilespmem:$0x1EAA0] =	vst v63  }
0x42: {  	_ =	swait.ge [sflag:s23], $0x3200  }
0x43: {  	[sflag:s23] =	ssyncset.done $0x0  }
0x44: {  	[sflag:s23] =	ssyncadd.s32 $0xFFFFCE00  }
0x45: {  	[spmem:s3] =	stream.indirect.scatter.add.f32 [tilespmem:s22], [sflag:$0x4], $0x40, s24, s19, $0xb8;
	[tilespmem:$0x1EAA0] =	vst v63  }
0x46: {  	_ =	swait.ge [sflag:s25], $0x3200  }
0x47: {  	[sflag:s25] =	ssyncset.done $0x0  }
0x48: {  	s29 =	simm.s32 $0x6590;
	[sflag:s25] =	ssyncadd.s32 $0xFFFFCE00  }
0x49: {  	[tilespmem:s4], [sflag:$0x1] =	stream.indirect.gather [spmem:s2], $0x40, s29, s19, $0xb8;
	[tilespmem:$0x1EAA0] =	vst v63  }
0x4a: {  	_ =	swait.ge [sflag:s20], $0x3200  }
0x4b: {  	[sflag:s20] =	ssyncset.done $0x0  }
0x4c: {  	s29 =	simm.s32 $0x8CA0;
	[sflag:s20] =	ssyncadd.s32 $0xFFFFCE00  }
0x4d: {  	[spmem:s3] =	stream.indirect.scatter.add.f32 [tilespmem:s4], [sflag:$0x3], $0x40, s29, s19, $0xb8;
	[tilespmem:$0x1EAA0] =	vst v63  }
0x4e: {  	_ =	swait.ge [sflag:s26], $0x3200  }
0x4f: {  	[sflag:s26] =	ssyncset.done $0x0  }
0x50: {  	s29 =	simm.s32 $0x6658;
	[sflag:s26] =	ssyncadd.s32 $0xFFFFCE00  }
0x51: {  	[tilespmem:s22], [sflag:$0x2] =	stream.indirect.gather [spmem:s2], $0x40, s29, s19, $0xb8;
	[tilespmem:$0x1EAA0] =	vst v63  }
0x52: {  	_ =	swait.ge [sflag:s23], $0x3200  }
0x53: {  	[sflag:s23] =	ssyncset.done $0x0  }
0x54: {  	s30 =	simm.s32 $0x8D68;
	s29 =	simm.s32 $0xFFFF7040;
	[sflag:s23] =	ssyncadd.s32 $0xFFFFCE00  }
.LBB2_4:
0x55: {  	[spmem:s3] =	stream.indirect.scatter.add.f32 [tilespmem:s22], [sflag:$0x4], $0x40, s30, s19, $0xb8;
	[tilespmem:$0x1EAA0] =	vst v63  }
0x56: {  	s30 =	smov.u32 s29  }
0x57: {  	p0 =	sne.s32 s29, $0xFFFFF9C0;
	s29 =	sadd.s32 $0x640, s29;
	_ =	swait.ge [sflag:s25], $0x3200  }
0x58: {  	s30 =	sshra.s32 s30, $0x2;
	[sflag:s25] =	ssyncset.done $0x0  }
0x59: {  	s31 =	sadd.s32 $0x8B10, s30;
	[sflag:s25] =	ssyncadd.s32 $0xFFFFCE00  }
0x5a: {  	[tilespmem:s4], [sflag:$0x1] =	stream.indirect.gather [spmem:s2], $0x40, s31, s19, $0xb8;
	[tilespmem:$0x1EAA0] =	vst v63  }
0x5b: {  	_ =	swait.ge [sflag:s20], $0x3200  }
0x5c: {  	[sflag:s20] =	ssyncset.done $0x0  }
0x5d: {  	s31 =	sadd.s32 $0xB220, s30;
	[sflag:s20] =	ssyncadd.s32 $0xFFFFCE00  }
0x5e: {  	[spmem:s3] =	stream.indirect.scatter.add.f32 [tilespmem:s4], [sflag:$0x3], $0x40, s31, s19, $0xb8;
	[tilespmem:$0x1EAA0] =	vst v63  }
0x5f: {  	_ =	swait.ge [sflag:s26], $0x3200  }
0x60: {  	[sflag:s26] =	ssyncset.done $0x0  }
.Ltmp1:
0x61: {  	s31 =	sadd.s32 $0x8BD8, s30;
	[sflag:s26] =	ssyncadd.s32 $0xFFFFCE00;
	(pc) =	sbr.rel @p0 .LBB2_4-.Ltmp1, $4  }
0x62: {  	[tilespmem:s22], [sflag:$0x2] =	stream.indirect.gather [spmem:s2], $0x40, s31, s19, $0xb8;
	[tilespmem:$0x1EAA0] =	vst v63  }
0x63: {  	_ =	swait.ge [sflag:s23], $0x3200  }
0x64: {  	[sflag:s23] =	ssyncset.done $0x0  }
0x65: {  	s30 =	sadd.s32 $0xB2E8, s30;
	[sflag:s23] =	ssyncadd.s32 $0xFFFFCE00  }
0x66: {  	[spmem:s3] =	stream.indirect.scatter.add.f32 [tilespmem:s22], [sflag:$0x4], $0x40, s30, s19, $0xb8;
	[tilespmem:$0x1EAA0] =	vst v63  }
0x67: {  	_ =	swait.ge [sflag:s25], $0x3200  }
0x68: {  	[sflag:s25] =	ssyncset.done $0x0  }
0x69: {  	[sflag:s25] =	ssyncadd.s32 $0xFFFFCE00  }
0x6a: {  	_ =	swait.ge [sflag:s26], $0x3200  }
0x6b: {  	s28 =	sadd.s32 $0x1, s28;
	[sflag:s26] =	ssyncset.done $0x0  }
0x6c: {  	p0 =	sne.s32 s28, s14;
	[sflag:s26] =	ssyncadd.s32 $0xFFFFCE00  }
.Ltmp2:
0x6d: {  	s29 =	sshrl.u32 s7, $0x3;
	[bflag:$0x0] =	sbarrier.arrive $0xFFFF;
	(pc) =	sbr.rel @p0 .LBB2_1-.Ltmp2, $4  }
0x6e: {  	[hbm:s13], [sflag:s6] =	dma.local [spmem:s29], $0x1388  }
0x6f: {  	_ =	swait.ge [sflag:s16], $0x1388  }
0x70: {  	[sflag:s16] =	ssyncset.done $0x0  }
0x71: {  	[sflag:s16] =	ssyncadd.s32 $0xFFFFEC78  }
0x72: {  	_ =	sfence.sel $0x180000  }
0x73: {  	[bflag:$0x0] =	sbarrier.arrive $0xFFFF  }
0x74: {  	p0 =	sne.s32 s1, $0x0;
	_ =	strace $0x90000053  }
0x75: {  	s0 =	sadd.s32 @!p0 $0x100000, s0;
	[bflag:$0x2] =	sbarrier.arrive $0xFFFF  }
0x76: {  	[sflag:s0] =	ssyncadd.tile.s32 @!p0 $0x1;
	_ =	shalt  }
.Lfunc_end2:
_tile_overlayer_lowered:
.L_overlay_start_2:
0x77: {  	(tag) =	ssettag $0x2  }
0x78: {  	s0 =	rddreg [dreg:$0x0];
	s2 =	stileid.u32  }
0x79: {  	s1 =	rddreg [dreg:$0x1];
	p0 =	sne.s32 s2, $0x0  }
0x7a: {  	s3 =	rddreg [dreg:$0x2];
	[bflag:$0x3] =	sbarrier.arrive $0xFFFF;
	s2 =	simm.s32 @!p0 $0x1C05  }
0x7b: {  	[timem:s3], [sflag:s2] =	dma.local @!p0 [hbm:s0], s1  }
0x7c: {  	s0 =	simm.s32 @!p0 $0x5  }
0x7d: {  	_ =	swait.ge @!p0 [sflag:s0], s1  }
0x7e: {  	s1 =	ssub.s32 @!p0 $0x0, s1;
	[sflag:s0] =	ssyncset.done @!p0 $0x0  }
0x7f: {  	[sflag:s0] =	ssyncadd.s32 @!p0 s1  }
0x80: {  	[bflag:$0x3] =	sbarrier.arrive $0xFFFF  }
0x81: {  	_ =	shalt  }

</sc_bundles>
